<compile_context>
chip_gen: v7x
topology: tpu7x:2x2x1
jax: 0.10.2.dev20260603
libtpu: 0.0.44.dev20260713+nightly
codegen_flags: <defaults>
</compile_context>

<pallas_src>
import dataclasses
import functools

import numpy as np
import jax
import jax.numpy as jnp
from jax import lax
from jax.experimental import pallas as pl
from jax.experimental.pallas import tpu as pltpu
from jax.experimental.pallas import tpu_sc as plsc

_N = 10000
_E = 320000
_D = 128
_C = 64

_NC = 2
_NS = 16
_NW = _NC * _NS
_B = 128
_NB = 80
_EPAD = _NW * _NB * _B
_R = 10112
_RZ = _R // _NS

def _mesh():
    return plsc.VectorSubcoreMesh(core_axis_name="c", subcore_axis_name="s")


_CNB = 16
_NCH = _NB // _CNB



def _make_agg():
    _H = _B // 2
    out_type = jax.ShapeDtypeStruct((_NC, _R, _D), jnp.float32)
    scratch = [
        pltpu.VMEM((_CNB, _B), jnp.int32),
        pltpu.VMEM((2 * _CNB, _H), jnp.int32),
        pltpu.VMEM((_B, _D // 2), jnp.int32),
        pltpu.VMEM((_B, _D // 2), jnp.int32),
        pltpu.VMEM((_H, _D), jnp.float32),
        pltpu.VMEM((_H, _D), jnp.float32),
        pltpu.VMEM_SHARED((_R, _D), jnp.float32),
        pltpu.SemaphoreType.DMA,
        pltpu.SemaphoreType.DMA,
        pltpu.SemaphoreType.DMA,
        pltpu.SemaphoreType.DMA,
    ]

    def body(h_hbm, src_hbm, dsth_hbm, z_hbm, out_hbm,
             src_c, dst_c, b0, b1, f0, f1, acc_sh, gs0, gs1, ss0, ss1):
        c = lax.axis_index("c")
        s = lax.axis_index("s")
        w = s * _NC + c

        pltpu.sync_copy(z_hbm.at[pl.ds(s * _RZ, _RZ)],
                        acc_sh.at[pl.ds(s * _RZ, _RZ)])
        plsc.subcore_barrier()

        def gather(idx, buf, sem):
            pltpu.async_copy(h_hbm.at[idx], buf, sem)

        def gwait(buf, sem):
            pltpu.make_async_copy(h_hbm.at[src_c.at[0]], buf, sem).wait()

        stages = (f0, f1)
        ssems = (ss0, ss1)

        def scat(half, idx):
            pltpu.async_copy(stages[half], acc_sh.at[idx], ssems[half],
                             add=True)

        def swait(half):
            pltpu.make_async_copy(stages[half], acc_sh.at[dst_c.at[0]],
                                  ssems[half]).wait()

        def convert(bbuf, half):
            stage = stages[half]

            @plsc.parallel_loop(0, _H, unroll=2)
            def _(r):
                for k in range(_D // 32):
                    pair = plsc.bitcast(
                        bbuf[half * _H + r, pl.ds(16 * k, 16)], jnp.bfloat16)
                    lo, hi = plsc.unpack(
                        pair, format=plsc.PackFormat.INTERLEAVED,
                        preferred_element_type=jnp.float32)
                    stage[r, pl.ds(16 * k, 16)] = lo
                    stage[r, pl.ds(_D // 2 + 16 * k, 16)] = hi

        def do_batch(bbuf, gsem, first, idx0, idx1, nxt):
            gwait(bbuf, gsem)

            @pl.when(jnp.logical_not(first))
            def _():
                swait(0)

            convert(bbuf, 0)
            scat(0, idx0)

            @pl.when(jnp.logical_not(first))
            def _():
                swait(1)

            convert(bbuf, 1)
            nxt()
            scat(1, idx1)

        @pl.loop(0, _NCH)
        def _(ch):
            base = w * _NB + ch * _CNB
            pltpu.sync_copy(src_hbm.at[pl.ds(base, _CNB)], src_c)
            pltpu.sync_copy(dsth_hbm.at[pl.ds(2 * base, 2 * _CNB)], dst_c)
            gather(src_c.at[0], b0, gs0)
            gather(src_c.at[1], b1, gs1)

            @pl.loop(0, _CNB, step=2)
            def _(j):
                first = (ch == 0) & (j == 0)

                def nxt0():
                    @pl.when(j + 2 < _CNB)
                    def _():
                        gather(src_c.at[j + 2], b0, gs0)

                def nxt1():
                    @pl.when(j + 3 < _CNB)
                    def _():
                        gather(src_c.at[j + 3], b1, gs1)

                do_batch(b0, gs0, first, dst_c.at[2 * j],
                         dst_c.at[2 * j + 1], nxt0)
                do_batch(b1, gs1, first & False, dst_c.at[2 * j + 2],
                         dst_c.at[2 * j + 3], nxt1)

        swait(0)
        swait(1)
        plsc.subcore_barrier()
        pltpu.sync_copy(acc_sh.at[pl.ds(s * _RZ, _RZ)],
                        out_hbm.at[c, pl.ds(s * _RZ, _RZ)])

    return pl.kernel(body, out_type=out_type, mesh=_mesh(),
                     scratch_types=scratch, compiler_params=_sc_params())


def _sc_params():
    cp = pltpu.CompilerParams()
    fields = pltpu.CompilerParams.__dataclass_fields__
    if "needs_layout_passes" in fields:
        cp = dataclasses.replace(cp, needs_layout_passes=False)
    if "use_tc_tiling_on_sc" in fields:
        cp = dataclasses.replace(cp, use_tc_tiling_on_sc=False)
    return cp


def _make_cnt():
    out_type = jax.ShapeDtypeStruct((_NC, _R, _D), jnp.float32)
    scratch = [
        pltpu.VMEM((_CNB, _B), jnp.int32),
        pltpu.VMEM((_B, _D), jnp.float32),
        pltpu.VMEM_SHARED((_R, _D), jnp.float32),
        pltpu.SemaphoreType.DMA,
        pltpu.SemaphoreType.DMA,
    ]

    def body(dst_hbm, z_hbm, ones_hbm, out_hbm,
             dst_c, ones_v, acc_sh, ss0, ss1):
        c = lax.axis_index("c")
        s = lax.axis_index("s")
        w = s * _NC + c

        pltpu.sync_copy(z_hbm.at[pl.ds(s * _RZ, _RZ)],
                        acc_sh.at[pl.ds(s * _RZ, _RZ)])
        pltpu.sync_copy(ones_hbm, ones_v)
        plsc.subcore_barrier()

        def scat(idx, sem):
            pltpu.async_copy(ones_v, acc_sh.at[idx], sem, add=True)

        def swait(idx, sem):
            pltpu.make_async_copy(ones_v, acc_sh.at[idx], sem).wait()

        @pl.loop(0, _NCH)
        def _(ch):
            base = w * _NB + ch * _CNB
            pltpu.sync_copy(dst_hbm.at[pl.ds(base, _CNB)], dst_c)
            scat(dst_c.at[0], ss0)
            scat(dst_c.at[1], ss1)

            @pl.loop(2, _CNB, step=2)
            def _(j):
                swait(dst_c.at[j], ss0)
                scat(dst_c.at[j], ss0)
                swait(dst_c.at[j + 1], ss1)
                scat(dst_c.at[j + 1], ss1)

            swait(dst_c.at[_CNB - 2], ss0)
            swait(dst_c.at[_CNB - 1], ss1)

        plsc.subcore_barrier()
        pltpu.sync_copy(acc_sh.at[pl.ds(s * _RZ, _RZ)],
                        out_hbm.at[c, pl.ds(s * _RZ, _RZ)])

    return pl.kernel(body, out_type=out_type, mesh=_mesh(),
                     scratch_types=scratch, compiler_params=_sc_params())


_built = {}


def _agg(*args):
    if "agg" not in _built:
        _built["agg"] = _make_agg()
    return _built["agg"](*args)


def _cnt(*args):
    if "cnt" not in _built:
        _built["cnt"] = _make_cnt()
    return _built["cnt"](*args)

_BLK = 1000


def _pack_rows(hv):
    ua = lax.bitcast_convert_type(hv[:, :_D // 2], jnp.uint32)
    ub = lax.bitcast_convert_type(hv[:, _D // 2:], jnp.uint32)
    ra = ua + jnp.uint32(0x7FFF) + ((ua >> 16) & jnp.uint32(1))
    rb = ub + jnp.uint32(0x7FFF) + ((ub >> 16) & jnp.uint32(1))
    w = (ra >> 16) | (rb & jnp.uint32(0xFFFF0000))
    return lax.bitcast_convert_type(w, jnp.int32)


def _relu_proj(x, wt, b):
    def body(x_ref, w_ref, b_ref, o_ref, t_ref):
        h = jnp.maximum(
            jnp.dot(x_ref[...], w_ref[...],
                    preferred_element_type=jnp.float32) + b_ref[...], 0.0)
        o_ref[...] = h
        t_ref[...] = _pack_rows(h)

    return pl.pallas_call(
        body,
        grid=(_N // _BLK,),
        in_specs=[
            pl.BlockSpec((_BLK, _D), lambda i: (i, 0)),
            pl.BlockSpec((_D, _D), lambda i: (0, 0)),
            pl.BlockSpec((1, _D), lambda i: (0, 0)),
        ],
        out_specs=[pl.BlockSpec((_BLK, _D), lambda i: (i, 0)),
                   pl.BlockSpec((_BLK, _D // 2), lambda i: (i, 0))],
        out_shape=[jax.ShapeDtypeStruct((_N, _D), jnp.float32),
                   jax.ShapeDtypeStruct((_N, _D // 2), jnp.int32)],
    )(x, wt, b)


def _step(h, aggp, degp, wlt, blv, wrt, g, bt, pack=True):
    def body(h_ref, a_ref, d_ref, wl_ref, bl_ref, wr_ref, g_ref, bt_ref,
             o_ref, *t_ref):
        hv = h_ref[...]
        aggs = a_ref[0] + a_ref[1]
        degl = d_ref[0] + d_ref[1]
        deg = jnp.sum(degl, axis=1, keepdims=True) * (1.0 / _D)
        agg = aggs / jnp.maximum(deg, 1.0)
        h2 = (jnp.dot(agg, wl_ref[...], preferred_element_type=jnp.float32)
              + jnp.dot(hv, wr_ref[...], preferred_element_type=jnp.float32)
              + bl_ref[...])
        mu = jnp.mean(h2, axis=1, keepdims=True)
        dev = h2 - mu
        var = jnp.mean(dev * dev, axis=1, keepdims=True)
        hn = g_ref[...] * dev * lax.rsqrt(var + 1e-5) + bt_ref[...]
        hnew = jnp.maximum(hn, 0.0) + hv
        o_ref[...] = hnew
        if pack:
            t_ref[0][...] = _pack_rows(hnew)

    out_specs = [pl.BlockSpec((_BLK, _D), lambda i: (i, 0))]
    out_shape = [jax.ShapeDtypeStruct((_N, _D), jnp.float32)]
    if pack:
        out_specs.append(pl.BlockSpec((_BLK, _D // 2), lambda i: (i, 0)))
        out_shape.append(jax.ShapeDtypeStruct((_N, _D // 2), jnp.int32))
    return pl.pallas_call(
        body,
        grid=(_N // _BLK,),
        in_specs=[
            pl.BlockSpec((_BLK, _D), lambda i: (i, 0)),
            pl.BlockSpec((_NC, _BLK, _D), lambda i: (0, i, 0)),
            pl.BlockSpec((_NC, _BLK, _D), lambda i: (0, i, 0)),
            pl.BlockSpec((_D, _D), lambda i: (0, 0)),
            pl.BlockSpec((1, _D), lambda i: (0, 0)),
            pl.BlockSpec((_D, _D), lambda i: (0, 0)),
            pl.BlockSpec((1, _D), lambda i: (0, 0)),
            pl.BlockSpec((1, _D), lambda i: (0, 0)),
        ],
        out_specs=out_specs,
        out_shape=out_shape,
    )(h, aggp, degp, wlt, blv, wrt, g, bt)


def _outproj3(h0, h1, h2, w0, w1, w2, b):
    def body(h0_ref, h1_ref, h2_ref, w0_ref, w1_ref, w2_ref, b_ref, o_ref):
        o_ref[...] = (
            b_ref[...]
            + jnp.dot(h0_ref[...], w0_ref[...],
                      preferred_element_type=jnp.float32)
            + jnp.dot(h1_ref[...], w1_ref[...],
                      preferred_element_type=jnp.float32)
            + jnp.dot(h2_ref[...], w2_ref[...],
                      preferred_element_type=jnp.float32))

    hspec = pl.BlockSpec((_BLK, _D), lambda i: (i, 0))
    wspec = pl.BlockSpec((_D, _C), lambda i: (0, 0))
    return pl.pallas_call(
        body,
        grid=(_N // _BLK,),
        in_specs=[hspec, hspec, hspec, wspec, wspec, wspec,
                  pl.BlockSpec((1, _C), lambda i: (0, 0))],
        out_specs=pl.BlockSpec((_BLK, _C), lambda i: (i, 0)),
        out_shape=jax.ShapeDtypeStruct((_N, _C), jnp.float32),
    )(h0, h1, h2, w0, w1, w2, b)


def _outproj_final(part, h3, w3):
    def body(p_ref, h_ref, w_ref, o_ref):
        o_ref[...] = p_ref[...] + jnp.dot(
            h_ref[...], w_ref[...], preferred_element_type=jnp.float32)

    return pl.pallas_call(
        body,
        grid=(_N // _BLK,),
        in_specs=[
            pl.BlockSpec((_BLK, _C), lambda i: (i, 0)),
            pl.BlockSpec((_BLK, _D), lambda i: (i, 0)),
            pl.BlockSpec((_D, _C), lambda i: (0, 0)),
        ],
        out_specs=pl.BlockSpec((_BLK, _C), lambda i: (i, 0)),
        out_shape=jax.ShapeDtypeStruct((_N, _C), jnp.float32),
    )(part, h3, w3)


_PAD_I = np.arange(_EPAD - _E, dtype=np.int32)
_PAD_SRC = _PAD_I % _N
_PAD_DST = (_N + _PAD_I % (_R - _N)).astype(np.int32)


def kernel(x, edge_index, W_in, b_in, Wl, bl, Wr, gamma, beta, W_out, b_out):
    src = edge_index[0]
    dst = edge_index[1]
    src2d = jnp.concatenate([src, _PAD_SRC]).reshape(_NW * _NB, _B)
    dst2d = jnp.concatenate([dst, _PAD_DST]).reshape(_NW * _NB, _B)
    dst2dh = dst2d.reshape(_NW * _NB * 2, _B // 2)
    z = jnp.zeros((_R, _D), jnp.float32)

    h0, t0 = _relu_proj(x, W_in.T, b_in.reshape(1, _D))
    degp = _cnt(dst2d, z, jnp.ones((_B, _D), jnp.float32))
    agg0 = _agg(t0, src2d, dst2dh, z)
    h1, t1 = _step(h0, agg0, degp, Wl[0].T, bl[0].reshape(1, _D), Wr[0].T,
                   gamma[0].reshape(1, _D), beta[0].reshape(1, _D))
    agg1 = _agg(t1, src2d, dst2dh, z)
    h2, t2 = _step(h1, agg1, degp, Wl[1].T, bl[1].reshape(1, _D), Wr[1].T,
                   gamma[1].reshape(1, _D), beta[1].reshape(1, _D))
    agg2 = _agg(t2, src2d, dst2dh, z)
    wo = W_out.T
    part = _outproj3(h0, h1, h2, wo[:_D], wo[_D:2 * _D], wo[2 * _D:3 * _D],
                     b_out.reshape(1, _C))
    h3, = _step(h2, agg2, degp, Wl[2].T, bl[2].reshape(1, _D), Wr[2].T,
                gamma[2].reshape(1, _D), beta[2].reshape(1, _D), pack=False)
    out = _outproj_final(part, h3, wo[3 * _D:])
    return out

# --- scband reference (transcript-rebuilt; emitter-appended) ---
"""Pipeline reference for scband-gccn-9474697855273 (READ-ONLY COPY).

The authoritative reference and input builder live on the scoring server;
editing this copy changes nothing except your own understanding.
"""

import jax, jax.numpy as jnp
import numpy as np

NUM_NODES = 10000
NUM_EDGES = 320000
INPUT_DIM = 128
HIDDEN = 128
LAYERS = 3
CLASSES = 64


def setup_inputs(seed: int = 0) -> dict:
    key = jax.random.key(seed)
    ks = jax.random.split(key, 10)
    rng = np.random.default_rng(0)
    x = jax.random.normal(ks[0], (NUM_NODES, INPUT_DIM), dtype=jnp.float32)
    edge_index = jnp.asarray(rng.integers(0, NUM_NODES, size=(2, NUM_EDGES)), dtype=jnp.int32)
    W_in = jax.random.normal(ks[1], (HIDDEN, INPUT_DIM), dtype=jnp.float32) * 0.05
    b_in = jnp.zeros((HIDDEN,), dtype=jnp.float32)
    Wl = jax.random.normal(ks[2], (LAYERS, HIDDEN, HIDDEN), dtype=jnp.float32) * 0.05
    bl = jnp.zeros((LAYERS, HIDDEN), dtype=jnp.float32)
    Wr = jax.random.normal(ks[3], (LAYERS, HIDDEN, HIDDEN), dtype=jnp.float32) * 0.05
    gamma = jnp.ones((LAYERS, HIDDEN), dtype=jnp.float32)
    beta = jnp.zeros((LAYERS, HIDDEN), dtype=jnp.float32)
    W_out = jax.random.normal(ks[4], (CLASSES, (LAYERS + 1) * HIDDEN), dtype=jnp.float32) * 0.05
    b_out = jnp.zeros((CLASSES,), dtype=jnp.float32)
    return {
        "x": x,
        "edge_index": edge_index,
        "W_in": W_in,
        "b_in": b_in,
        "Wl": Wl,
        "bl": bl,
        "Wr": Wr,
        "gamma": gamma,
        "beta": beta,
        "W_out": W_out,
        "b_out": b_out,
    }


def _layer_norm(h, g, b, eps=1e-5):
    mu = jnp.mean(h, axis=-1, keepdims=True)
    var = jnp.mean((h - mu) ** 2, axis=-1, keepdims=True)
    return g * (h - mu) / jnp.sqrt(var + eps) + b


def reference(x, edge_index, W_in, b_in, Wl, bl, Wr, gamma, beta, W_out, b_out):
    # GCCN forward (eval mode: dropout is identity). x plays the role of the
    # torch.randn node features generated inside the torch forward.
    n = x.shape[0]
    src = edge_index[0]
    dst = edge_index[1]
    h = jax.nn.relu(x @ W_in.T + b_in)
    xs = [h]
    for i in range(LAYERS):
        h_in = h
        # SAGEConv with mean aggregation and root_weight=True
        msg = h[src]
        agg_sum = jax.ops.segment_sum(msg, dst, num_segments=n)
        deg = jax.ops.segment_sum(jnp.ones((src.shape[0],), dtype=h.dtype), dst, num_segments=n)
        agg = agg_sum / jnp.clip(deg, 1.0)[:, None]
        h2 = agg @ Wl[i].T + bl[i] + h @ Wr[i].T
        h2 = _layer_norm(h2, gamma[i], beta[i])
        h = jax.nn.relu(h2) + h_in
        xs.append(h)
    out = jnp.concatenate(xs, axis=1) @ W_out.T + b_out
    return out

if __name__ == "__main__":
    import jax
    _d = setup_inputs()
    print(jax.jit(kernel)(*tuple(_d.values())))

</pallas_src>

<mosaic_0001>
#map = affine_map<(d0, d1) -> (0, 0)>
#map1 = affine_map<(d0, d1) -> (0, 0, 0)>
module attributes {stable_mosaic.version = 14 : i64} {
  func.func @body(%arg0: i32, %arg1: i32, %arg2: memref<2560x128xi32, #tpu.memory_space<hbm>>, %arg3: memref<10112x128xf32, #tpu.memory_space<hbm>>, %arg4: memref<128x128xf32, #tpu.memory_space<hbm>>, %arg5: memref<2x10112x128xf32, #tpu.memory_space<hbm>>, %arg6: memref<16x128xi32, #tpu.memory_space<vmem>>, %arg7: memref<128x128xf32, #tpu.memory_space<vmem>>, %arg8: memref<10112x128xf32, #tpu.memory_space<vmem_shared>>, %arg9: memref<!tpu.dma_semaphore, #tpu.memory_space<semaphore_mem>>, %arg10: memref<!tpu.dma_semaphore, #tpu.memory_space<semaphore_mem>>) attributes {dimension_semantics = [#tpu.dimension_semantics<core_parallel>, #tpu.dimension_semantics<subcore_parallel>], iteration_bounds = array<i64: 2, 16>, scalar_prefetch = 0 : i64, scratch_operands = 5 : i64, tpu.core_type = #tpu.core_type<sc_vector_subcore>, window_params = [{transform_indices = #map}, {transform_indices = #map}, {transform_indices = #map}, {transform_indices = #map1}]} {
    %mul3A = arith.constant 2 : i32
    %mul3A_0 = arith.muli %arg1, %mul3A : i32
    %add3A = arith.addi %mul3A_0, %arg0 : i32
    %mul3A_1 = arith.constant 632 : i32
    %mul3A_2 = arith.muli %arg1, %mul3A_1 : i32
    %mul3A_3 = arith.constant 632 : i32
    %mul3A_4 = arith.muli %arg1, %mul3A_3 : i32
    "tpu.region"() ({
      %run_scoped3A = tpu.sem_alloc : memref<!tpu.dma_semaphore, #tpu.memory_space<semaphore_mem>>
      %dma_start3A = arith.constant 0 : i32
      %dma_start3A_14 = tpu.memref_slice %arg8[%mul3A_4, %dma_start3A] : memref<10112x128xf32, #tpu.memory_space<vmem_shared>> -> memref<632x128xf32, #tpu.memory_space<vmem_shared>>
      %dma_start3A_15 = arith.constant 0 : i32
      %dma_start3A_16 = tpu.memref_slice %arg3[%mul3A_2, %dma_start3A_15] : memref<10112x128xf32, #tpu.memory_space<hbm>> -> memref<632x128xf32, #tpu.memory_space<hbm>>
      tpu.enqueue_dma source(%dma_start3A_16 : memref<632x128xf32, #tpu.memory_space<hbm>>) target(%dma_start3A_14 : memref<632x128xf32, #tpu.memory_space<vmem_shared>>) target_semaphore(%run_scoped3A : memref<!tpu.dma_semaphore, #tpu.memory_space<semaphore_mem>>)
      %dma_wait3A = arith.constant 0 : i32
      %dma_wait3A_17 = tpu.memref_slice %arg8[%mul3A_4, %dma_wait3A] : memref<10112x128xf32, #tpu.memory_space<vmem_shared>> -> memref<632x128xf32, #tpu.memory_space<vmem_shared>>
      %dma_wait3A_18 = arith.constant 0 : i32
      %dma_wait3A_19 = tpu.memref_slice %arg3[%mul3A_2, %dma_wait3A_18] : memref<10112x128xf32, #tpu.memory_space<hbm>> -> memref<632x128xf32, #tpu.memory_space<hbm>>
      tpu.wait_dma2 semaphore(%run_scoped3A : memref<!tpu.dma_semaphore, #tpu.memory_space<semaphore_mem>>) src(%dma_wait3A_19 : memref<632x128xf32, #tpu.memory_space<hbm>>) dst(%dma_wait3A_17 : memref<632x128xf32, #tpu.memory_space<vmem_shared>>)
      tpu.yield
    }) : () -> ()
    "tpu.region"() ({
      %run_scoped3A = tpu.sem_alloc : memref<!tpu.dma_semaphore, #tpu.memory_space<semaphore_mem>>
      tpu.enqueue_dma source(%arg4 : memref<128x128xf32, #tpu.memory_space<hbm>>) target(%arg7 : memref<128x128xf32, #tpu.memory_space<vmem>>) target_semaphore(%run_scoped3A : memref<!tpu.dma_semaphore, #tpu.memory_space<semaphore_mem>>)
      tpu.wait_dma2 semaphore(%run_scoped3A : memref<!tpu.dma_semaphore, #tpu.memory_space<semaphore_mem>>) src(%arg4 : memref<128x128xf32, #tpu.memory_space<hbm>>) dst(%arg7 : memref<128x128xf32, #tpu.memory_space<vmem>>)
      tpu.yield
    }) : () -> ()
    %barrier3A = arith.constant 0 : index
    tpu.barrier barrier_id(%barrier3A)
    %scan3A = arith.constant 0 : i32
    %scan3A_5 = arith.constant 5 : i32
    %scan3A_6 = arith.addi %scan3A, %scan3A_5 : i32
    %scan3A_7 = arith.constant 1 : i32
    scf.for %scan3A_14 = %scan3A to %scan3A_6 step %scan3A_7  : i32 {
      %mul3A_15 = arith.constant 1 : i32
      %mul3A_16 = arith.muli %scan3A_14, %mul3A_15 : i32
      %add3A_17 = arith.constant 0 : i32
      %add3A_18 = arith.addi %add3A_17, %mul3A_16 : i32
      %mul3A_19 = arith.constant 80 : i32
      %mul3A_20 = arith.muli %add3A, %mul3A_19 : i32
      %mul3A_21 = arith.constant 16 : i32
      %mul3A_22 = arith.muli %add3A_18, %mul3A_21 : i32
      %add3A_23 = arith.addi %mul3A_20, %mul3A_22 : i32
      "tpu.region"() ({
        %run_scoped3A = tpu.sem_alloc : memref<!tpu.dma_semaphore, #tpu.memory_space<semaphore_mem>>
        %dma_start3A_55 = arith.constant 0 : i32
        %dma_start3A_56 = tpu.memref_slice %arg2[%add3A_23, %dma_start3A_55] : memref<2560x128xi32, #tpu.memory_space<hbm>> -> memref<16x128xi32, #tpu.memory_space<hbm>>
        %dma_start3A_57 = arith.constant 0 : i32
        %dma_start3A_58 = tpu.memref_slice %arg2[%add3A_23, %dma_start3A_57] : memref<2560x128xi32, #tpu.memory_space<hbm>> -> memref<16x128xi32, #tpu.memory_space<hbm>>
        tpu.enqueue_dma source(%dma_start3A_58 : memref<16x128xi32, #tpu.memory_space<hbm>>) target(%arg6 : memref<16x128xi32, #tpu.memory_space<vmem>>) target_semaphore(%run_scoped3A : memref<!tpu.dma_semaphore, #tpu.memory_space<semaphore_mem>>)
        %dma_wait3A_59 = arith.constant 0 : i32
        %dma_wait3A_60 = tpu.memref_slice %arg2[%add3A_23, %dma_wait3A_59] : memref<2560x128xi32, #tpu.memory_space<hbm>> -> memref<16x128xi32, #tpu.memory_space<hbm>>
        %dma_wait3A_61 = arith.constant 0 : i32
        %dma_wait3A_62 = tpu.memref_slice %arg2[%add3A_23, %dma_wait3A_61] : memref<2560x128xi32, #tpu.memory_space<hbm>> -> memref<16x128xi32, #tpu.memory_space<hbm>>
        tpu.wait_dma2 semaphore(%run_scoped3A : memref<!tpu.dma_semaphore, #tpu.memory_space<semaphore_mem>>) src(%dma_wait3A_62 : memref<16x128xi32, #tpu.memory_space<hbm>>) dst(%arg6 : memref<16x128xi32, #tpu.memory_space<vmem>>)
        tpu.yield
      }) : () -> ()
      %dma_start3A = arith.constant 0 : i32
      %dma_start3A_24 = arith.constant 0 : i32
      %dma_start3A_25 = tpu.memref_slice %arg6[%dma_start3A, %dma_start3A_24] : memref<16x128xi32, #tpu.memory_space<vmem>> -> memref<1x128xi32, #tpu.memory_space<vmem>>
      %dma_start3A_26 = tpu.memref_squeeze %dma_start3A_25 : memref<1x128xi32, #tpu.memory_space<vmem>> -> memref<128xi32, #tpu.memory_space<vmem>>
      %dma_start3A_27 = arith.constant 0 : i32
      %dma_start3A_28 = arith.constant 0 : i32
      %dma_start3A_29 = tpu.memref_slice %arg8[%dma_start3A_27, %dma_start3A_28] : memref<10112x128xf32, #tpu.memory_space<vmem_shared>> -> memref<10112x128xf32, #tpu.memory_space<vmem_shared>>
      tpu.enqueue_indirect_dma source(%arg7 : memref<128x128xf32, #tpu.memory_space<vmem>>) target(%dma_start3A_29 : memref<10112x128xf32, #tpu.memory_space<vmem_shared>>) offsets(%dma_start3A_26 : memref<128xi32, #tpu.memory_space<vmem>>) semaphore(%arg9 : memref<!tpu.dma_semaphore, #tpu.memory_space<semaphore_mem>>) {add = true}
      %dma_start3A_30 = arith.constant 1 : i32
      %dma_start3A_31 = arith.constant 0 : i32
      %dma_start3A_32 = tpu.memref_slice %arg6[%dma_start3A_30, %dma_start3A_31] : memref<16x128xi32, #tpu.memory_space<vmem>> -> memref<1x128xi32, #tpu.memory_space<vmem>>
      %dma_start3A_33 = tpu.memref_squeeze %dma_start3A_32 : memref<1x128xi32, #tpu.memory_space<vmem>> -> memref<128xi32, #tpu.memory_space<vmem>>
      %dma_start3A_34 = arith.constant 0 : i32
      %dma_start3A_35 = arith.constant 0 : i32
      %dma_start3A_36 = tpu.memref_slice %arg8[%dma_start3A_34, %dma_start3A_35] : memref<10112x128xf32, #tpu.memory_space<vmem_shared>> -> memref<10112x128xf32, #tpu.memory_space<vmem_shared>>
      tpu.enqueue_indirect_dma source(%arg7 : memref<128x128xf32, #tpu.memory_space<vmem>>) target(%dma_start3A_36 : memref<10112x128xf32, #tpu.memory_space<vmem_shared>>) offsets(%dma_start3A_33 : memref<128xi32, #tpu.memory_space<vmem>>) semaphore(%arg10 : memref<!tpu.dma_semaphore, #tpu.memory_space<semaphore_mem>>) {add = true}
      %scan3A_37 = arith.constant 0 : i32
      %scan3A_38 = arith.constant 7 : i32
      %scan3A_39 = arith.addi %scan3A_37, %scan3A_38 : i32
      %scan3A_40 = arith.constant 1 : i32
      scf.for %scan3A_55 = %scan3A_37 to %scan3A_39 step %scan3A_40  : i32 {
        %mul3A_56 = arith.constant 2 : i32
        %mul3A_57 = arith.muli %scan3A_55, %mul3A_56 : i32
        %add3A_58 = arith.constant 2 : i32
        %add3A_59 = arith.addi %add3A_58, %mul3A_57 : i32
        %dma_wait3A_60 = arith.constant 0 : i32
        %dma_wait3A_61 = tpu.memref_slice %arg6[%add3A_59, %dma_wait3A_60] : memref<16x128xi32, #tpu.memory_space<vmem>> -> memref<1x128xi32, #tpu.memory_space<vmem>>
        %dma_wait3A_62 = tpu.memref_squeeze %dma_wait3A_61 : memref<1x128xi32, #tpu.memory_space<vmem>> -> memref<128xi32, #tpu.memory_space<vmem>>
        %dma_wait3A_63 = arith.constant 0 : i32
        %dma_wait3A_64 = arith.constant 0 : i32
        %dma_wait3A_65 = tpu.memref_slice %arg8[%dma_wait3A_63, %dma_wait3A_64] : memref<10112x128xf32, #tpu.memory_space<vmem_shared>> -> memref<10112x128xf32, #tpu.memory_space<vmem_shared>>
        tpu.wait_indirect_dma semaphore(%arg9 : memref<!tpu.dma_semaphore, #tpu.memory_space<semaphore_mem>>) src(%arg7 : memref<128x128xf32, #tpu.memory_space<vmem>>) dst(%dma_wait3A_65 : memref<10112x128xf32, #tpu.memory_space<vmem_shared>>)
        %dma_start3A_66 = arith.constant 0 : i32
        %dma_start3A_67 = tpu.memref_slice %arg6[%add3A_59, %dma_start3A_66] : memref<16x128xi32, #tpu.memory_space<vmem>> -> memref<1x128xi32, #tpu.memory_space<vmem>>
        %dma_start3A_68 = tpu.memref_squeeze %dma_start3A_67 : memref<1x128xi32, #tpu.memory_space<vmem>> -> memref<128xi32, #tpu.memory_space<vmem>>
        %dma_start3A_69 = arith.constant 0 : i32
        %dma_start3A_70 = arith.constant 0 : i32
        %dma_start3A_71 = tpu.memref_slice %arg8[%dma_start3A_69, %dma_start3A_70] : memref<10112x128xf32, #tpu.memory_space<vmem_shared>> -> memref<10112x128xf32, #tpu.memory_space<vmem_shared>>
        tpu.enqueue_indirect_dma source(%arg7 : memref<128x128xf32, #tpu.memory_space<vmem>>) target(%dma_start3A_71 : memref<10112x128xf32, #tpu.memory_space<vmem_shared>>) offsets(%dma_start3A_68 : memref<128xi32, #tpu.memory_space<vmem>>) semaphore(%arg9 : memref<!tpu.dma_semaphore, #tpu.memory_space<semaphore_mem>>) {add = true}
        %add3A_72 = arith.constant 1 : i32
        %add3A_73 = arith.addi %add3A_59, %add3A_72 : i32
        %dma_wait3A_74 = arith.constant 0 : i32
        %dma_wait3A_75 = tpu.memref_slice %arg6[%add3A_73, %dma_wait3A_74] : memref<16x128xi32, #tpu.memory_space<vmem>> -> memref<1x128xi32, #tpu.memory_space<vmem>>
        %dma_wait3A_76 = tpu.memref_squeeze %dma_wait3A_75 : memref<1x128xi32, #tpu.memory_space<vmem>> -> memref<128xi32, #tpu.memory_space<vmem>>
        %dma_wait3A_77 = arith.constant 0 : i32
        %dma_wait3A_78 = arith.constant 0 : i32
        %dma_wait3A_79 = tpu.memref_slice %arg8[%dma_wait3A_77, %dma_wait3A_78] : memref<10112x128xf32, #tpu.memory_space<vmem_shared>> -> memref<10112x128xf32, #tpu.memory_space<vmem_shared>>
        tpu.wait_indirect_dma semaphore(%arg10 : memref<!tpu.dma_semaphore, #tpu.memory_space<semaphore_mem>>) src(%arg7 : memref<128x128xf32, #tpu.memory_space<vmem>>) dst(%dma_wait3A_79 : memref<10112x128xf32, #tpu.memory_space<vmem_shared>>)
        %add3A_80 = arith.constant 1 : i32
        %add3A_81 = arith.addi %add3A_59, %add3A_80 : i32
        %dma_start3A_82 = arith.constant 0 : i32
        %dma_start3A_83 = tpu.memref_slice %arg6[%add3A_81, %dma_start3A_82] : memref<16x128xi32, #tpu.memory_space<vmem>> -> memref<1x128xi32, #tpu.memory_space<vmem>>
        %dma_start3A_84 = tpu.memref_squeeze %dma_start3A_83 : memref<1x128xi32, #tpu.memory_space<vmem>> -> memref<128xi32, #tpu.memory_space<vmem>>
        %dma_start3A_85 = arith.constant 0 : i32
        %dma_start3A_86 = arith.constant 0 : i32
        %dma_start3A_87 = tpu.memref_slice %arg8[%dma_start3A_85, %dma_start3A_86] : memref<10112x128xf32, #tpu.memory_space<vmem_shared>> -> memref<10112x128xf32, #tpu.memory_space<vmem_shared>>
        tpu.enqueue_indirect_dma source(%arg7 : memref<128x128xf32, #tpu.memory_space<vmem>>) target(%dma_start3A_87 : memref<10112x128xf32, #tpu.memory_space<vmem_shared>>) offsets(%dma_start3A_84 : memref<128xi32, #tpu.memory_space<vmem>>) semaphore(%arg10 : memref<!tpu.dma_semaphore, #tpu.memory_space<semaphore_mem>>) {add = true}
      }
      %scan3A_41 = arith.constant 7 : i32
      %dma_wait3A = arith.constant 14 : i32
      %dma_wait3A_42 = arith.constant 0 : i32
      %dma_wait3A_43 = tpu.memref_slice %arg6[%dma_wait3A, %dma_wait3A_42] : memref<16x128xi32, #tpu.memory_space<vmem>> -> memref<1x128xi32, #tpu.memory_space<vmem>>
      %dma_wait3A_44 = tpu.memref_squeeze %dma_wait3A_43 : memref<1x128xi32, #tpu.memory_space<vmem>> -> memref<128xi32, #tpu.memory_space<vmem>>
      %dma_wait3A_45 = arith.constant 0 : i32
      %dma_wait3A_46 = arith.constant 0 : i32
      %dma_wait3A_47 = tpu.memref_slice %arg8[%dma_wait3A_45, %dma_wait3A_46] : memref<10112x128xf32, #tpu.memory_space<vmem_shared>> -> memref<10112x128xf32, #tpu.memory_space<vmem_shared>>
      tpu.wait_indirect_dma semaphore(%arg9 : memref<!tpu.dma_semaphore, #tpu.memory_space<semaphore_mem>>) src(%arg7 : memref<128x128xf32, #tpu.memory_space<vmem>>) dst(%dma_wait3A_47 : memref<10112x128xf32, #tpu.memory_space<vmem_shared>>)
      %dma_wait3A_48 = arith.constant 15 : i32
      %dma_wait3A_49 = arith.constant 0 : i32
      %dma_wait3A_50 = tpu.memref_slice %arg6[%dma_wait3A_48, %dma_wait3A_49] : memref<16x128xi32, #tpu.memory_space<vmem>> -> memref<1x128xi32, #tpu.memory_space<vmem>>
      %dma_wait3A_51 = tpu.memref_squeeze %dma_wait3A_50 : memref<1x128xi32, #tpu.memory_space<vmem>> -> memref<128xi32, #tpu.memory_space<vmem>>
      %dma_wait3A_52 = arith.constant 0 : i32
      %dma_wait3A_53 = arith.constant 0 : i32
      %dma_wait3A_54 = tpu.memref_slice %arg8[%dma_wait3A_52, %dma_wait3A_53] : memref<10112x128xf32, #tpu.memory_space<vmem_shared>> -> memref<10112x128xf32, #tpu.memory_space<vmem_shared>>
      tpu.wait_indirect_dma semaphore(%arg10 : memref<!tpu.dma_semaphore, #tpu.memory_space<semaphore_mem>>) src(%arg7 : memref<128x128xf32, #tpu.memory_space<vmem>>) dst(%dma_wait3A_54 : memref<10112x128xf32, #tpu.memory_space<vmem_shared>>)
    }
    %scan3A_8 = arith.constant 5 : i32
    %barrier3A_9 = arith.constant 0 : index
    tpu.barrier barrier_id(%barrier3A_9)
    %mul3A_10 = arith.constant 632 : i32
    %mul3A_11 = arith.muli %arg1, %mul3A_10 : i32
    %mul3A_12 = arith.constant 632 : i32
    %mul3A_13 = arith.muli %arg1, %mul3A_12 : i32
    "tpu.region"() ({
      %run_scoped3A = tpu.sem_alloc : memref<!tpu.dma_semaphore, #tpu.memory_space<semaphore_mem>>
      %dma_start3A = arith.constant 0 : i32
      %dma_start3A_14 = tpu.memref_slice %arg5[%arg0, %mul3A_13, %dma_start3A] : memref<2x10112x128xf32, #tpu.memory_space<hbm>> -> memref<1x632x128xf32, #tpu.memory_space<hbm>>
      %dma_start3A_15 = tpu.memref_squeeze %dma_start3A_14 : memref<1x632x128xf32, #tpu.memory_space<hbm>> -> memref<632x128xf32, #tpu.memory_space<hbm>>
      %dma_start3A_16 = arith.constant 0 : i32
      %dma_start3A_17 = tpu.memref_slice %arg8[%mul3A_11, %dma_start3A_16] : memref<10112x128xf32, #tpu.memory_space<vmem_shared>> -> memref<632x128xf32, #tpu.memory_space<vmem_shared>>
      tpu.enqueue_dma source(%dma_start3A_17 : memref<632x128xf32, #tpu.memory_space<vmem_shared>>) target(%dma_start3A_15 : memref<632x128xf32, #tpu.memory_space<hbm>>) target_semaphore(%run_scoped3A : memref<!tpu.dma_semaphore, #tpu.memory_space<semaphore_mem>>)
      %dma_wait3A = arith.constant 0 : i32
      %dma_wait3A_18 = tpu.memref_slice %arg5[%arg0, %mul3A_13, %dma_wait3A] : memref<2x10112x128xf32, #tpu.memory_space<hbm>> -> memref<1x632x128xf32, #tpu.memory_space<hbm>>
      %dma_wait3A_19 = tpu.memref_squeeze %dma_wait3A_18 : memref<1x632x128xf32, #tpu.memory_space<hbm>> -> memref<632x128xf32, #tpu.memory_space<hbm>>
      %dma_wait3A_20 = arith.constant 0 : i32
      %dma_wait3A_21 = tpu.memref_slice %arg8[%mul3A_11, %dma_wait3A_20] : memref<10112x128xf32, #tpu.memory_space<vmem_shared>> -> memref<632x128xf32, #tpu.memory_space<vmem_shared>>
      tpu.wait_dma2 semaphore(%run_scoped3A : memref<!tpu.dma_semaphore, #tpu.memory_space<semaphore_mem>>) src(%dma_wait3A_21 : memref<632x128xf32, #tpu.memory_space<vmem_shared>>) dst(%dma_wait3A_19 : memref<632x128xf32, #tpu.memory_space<hbm>>)
      tpu.yield
    }) : () -> ()
    return
  }
}

#map = affine_map<(d0, d1) -> (0, 0)>
#map1 = affine_map<(d0, d1) -> (0, 0, 0)>
module attributes {stable_mosaic.version = 14 : i64} {
  func.func @body(%arg0: i32, %arg1: i32, %arg2: memref<10000x64xi32, #tpu.memory_space<hbm>>, %arg3: memref<2560x128xi32, #tpu.memory_space<hbm>>, %arg4: memref<5120x64xi32, #tpu.memory_space<hbm>>, %arg5: memref<10112x128xf32, #tpu.memory_space<hbm>>, %arg6: memref<2x10112x128xf32, #tpu.memory_space<hbm>>, %arg7: memref<16x128xi32, #tpu.memory_space<vmem>>, %arg8: memref<32x64xi32, #tpu.memory_space<vmem>>, %arg9: memref<128x64xi32, #tpu.memory_space<vmem>>, %arg10: memref<128x64xi32, #tpu.memory_space<vmem>>, %arg11: memref<64x128xf32, #tpu.memory_space<vmem>>, %arg12: memref<64x128xf32, #tpu.memory_space<vmem>>, %arg13: memref<10112x128xf32, #tpu.memory_space<vmem_shared>>, %arg14: memref<!tpu.dma_semaphore, #tpu.memory_space<semaphore_mem>>, %arg15: memref<!tpu.dma_semaphore, #tpu.memory_space<semaphore_mem>>, %arg16: memref<!tpu.dma_semaphore, #tpu.memory_space<semaphore_mem>>, %arg17: memref<!tpu.dma_semaphore, #tpu.memory_space<semaphore_mem>>) attributes {dimension_semantics = [#tpu.dimension_semantics<core_parallel>, #tpu.dimension_semantics<subcore_parallel>], iteration_bounds = array<i64: 2, 16>, scalar_prefetch = 0 : i64, scratch_operands = 11 : i64, tpu.core_type = #tpu.core_type<sc_vector_subcore>, window_params = [{transform_indices = #map}, {transform_indices = #map}, {transform_indices = #map}, {transform_indices = #map}, {transform_indices = #map1}]} {
    %mul3A = arith.constant 2 : i32
    %mul3A_0 = arith.muli %arg1, %mul3A : i32
    %add3A = arith.addi %mul3A_0, %arg0 : i32
    %mul3A_1 = arith.constant 632 : i32
    %mul3A_2 = arith.muli %arg1, %mul3A_1 : i32
    %mul3A_3 = arith.constant 632 : i32
    %mul3A_4 = arith.muli %arg1, %mul3A_3 : i32
    "tpu.region"() ({
      %run_scoped3A = tpu.sem_alloc : memref<!tpu.dma_semaphore, #tpu.memory_space<semaphore_mem>>
      %dma_start3A = arith.constant 0 : i32
      %dma_start3A_27 = tpu.memref_slice %arg13[%mul3A_4, %dma_start3A] : memref<10112x128xf32, #tpu.memory_space<vmem_shared>> -> memref<632x128xf32, #tpu.memory_space<vmem_shared>>
      %dma_start3A_28 = arith.constant 0 : i32
      %dma_start3A_29 = tpu.memref_slice %arg5[%mul3A_2, %dma_start3A_28] : memref<10112x128xf32, #tpu.memory_space<hbm>> -> memref<632x128xf32, #tpu.memory_space<hbm>>
      tpu.enqueue_dma source(%dma_start3A_29 : memref<632x128xf32, #tpu.memory_space<hbm>>) target(%dma_start3A_27 : memref<632x128xf32, #tpu.memory_space<vmem_shared>>) target_semaphore(%run_scoped3A : memref<!tpu.dma_semaphore, #tpu.memory_space<semaphore_mem>>)
      %dma_wait3A_30 = arith.constant 0 : i32
      %dma_wait3A_31 = tpu.memref_slice %arg13[%mul3A_4, %dma_wait3A_30] : memref<10112x128xf32, #tpu.memory_space<vmem_shared>> -> memref<632x128xf32, #tpu.memory_space<vmem_shared>>
      %dma_wait3A_32 = arith.constant 0 : i32
      %dma_wait3A_33 = tpu.memref_slice %arg5[%mul3A_2, %dma_wait3A_32] : memref<10112x128xf32, #tpu.memory_space<hbm>> -> memref<632x128xf32, #tpu.memory_space<hbm>>
      tpu.wait_dma2 semaphore(%run_scoped3A : memref<!tpu.dma_semaphore, #tpu.memory_space<semaphore_mem>>) src(%dma_wait3A_33 : memref<632x128xf32, #tpu.memory_space<hbm>>) dst(%dma_wait3A_31 : memref<632x128xf32, #tpu.memory_space<vmem_shared>>)
      tpu.yield
    }) : () -> ()
    %barrier3A = arith.constant 0 : index
    tpu.barrier barrier_id(%barrier3A)
    %scan3A = arith.constant 0 : i32
    %scan3A_5 = arith.constant 5 : i32
    %scan3A_6 = arith.addi %scan3A, %scan3A_5 : i32
    %scan3A_7 = arith.constant 1 : i32
    scf.for %scan3A_27 = %scan3A to %scan3A_6 step %scan3A_7  : i32 {
      %mul3A_28 = arith.constant 1 : i32
      %mul3A_29 = arith.muli %scan3A_27, %mul3A_28 : i32
      %add3A_30 = arith.constant 0 : i32
      %add3A_31 = arith.addi %add3A_30, %mul3A_29 : i32
      %mul3A_32 = arith.constant 80 : i32
      %mul3A_33 = arith.muli %add3A, %mul3A_32 : i32
      %mul3A_34 = arith.constant 16 : i32
      %mul3A_35 = arith.muli %add3A_31, %mul3A_34 : i32
      %add3A_36 = arith.addi %mul3A_33, %mul3A_35 : i32
      "tpu.region"() ({
        %run_scoped3A = tpu.sem_alloc : memref<!tpu.dma_semaphore, #tpu.memory_space<semaphore_mem>>
        %dma_start3A_57 = arith.constant 0 : i32
        %dma_start3A_58 = tpu.memref_slice %arg3[%add3A_36, %dma_start3A_57] : memref<2560x128xi32, #tpu.memory_space<hbm>> -> memref<16x128xi32, #tpu.memory_space<hbm>>
        %dma_start3A_59 = arith.constant 0 : i32
        %dma_start3A_60 = tpu.memref_slice %arg3[%add3A_36, %dma_start3A_59] : memref<2560x128xi32, #tpu.memory_space<hbm>> -> memref<16x128xi32, #tpu.memory_space<hbm>>
        tpu.enqueue_dma source(%dma_start3A_60 : memref<16x128xi32, #tpu.memory_space<hbm>>) target(%arg7 : memref<16x128xi32, #tpu.memory_space<vmem>>) target_semaphore(%run_scoped3A : memref<!tpu.dma_semaphore, #tpu.memory_space<semaphore_mem>>)
        %dma_wait3A_61 = arith.constant 0 : i32
        %dma_wait3A_62 = tpu.memref_slice %arg3[%add3A_36, %dma_wait3A_61] : memref<2560x128xi32, #tpu.memory_space<hbm>> -> memref<16x128xi32, #tpu.memory_space<hbm>>
        %dma_wait3A_63 = arith.constant 0 : i32
        %dma_wait3A_64 = tpu.memref_slice %arg3[%add3A_36, %dma_wait3A_63] : memref<2560x128xi32, #tpu.memory_space<hbm>> -> memref<16x128xi32, #tpu.memory_space<hbm>>
        tpu.wait_dma2 semaphore(%run_scoped3A : memref<!tpu.dma_semaphore, #tpu.memory_space<semaphore_mem>>) src(%dma_wait3A_64 : memref<16x128xi32, #tpu.memory_space<hbm>>) dst(%arg7 : memref<16x128xi32, #tpu.memory_space<vmem>>)
        tpu.yield
      }) : () -> ()
      %mul3A_37 = arith.constant 2 : i32
      %mul3A_38 = arith.muli %mul3A_37, %add3A_36 : i32
      "tpu.region"() ({
        %run_scoped3A = tpu.sem_alloc : memref<!tpu.dma_semaphore, #tpu.memory_space<semaphore_mem>>
        %dma_start3A_57 = arith.constant 0 : i32
        %dma_start3A_58 = tpu.memref_slice %arg4[%mul3A_38, %dma_start3A_57] : memref<5120x64xi32, #tpu.memory_space<hbm>> -> memref<32x64xi32, #tpu.memory_space<hbm>>
        %dma_start3A_59 = arith.constant 0 : i32
        %dma_start3A_60 = tpu.memref_slice %arg4[%mul3A_38, %dma_start3A_59] : memref<5120x64xi32, #tpu.memory_space<hbm>> -> memref<32x64xi32, #tpu.memory_space<hbm>>
        tpu.enqueue_dma source(%dma_start3A_60 : memref<32x64xi32, #tpu.memory_space<hbm>>) target(%arg8 : memref<32x64xi32, #tpu.memory_space<vmem>>) target_semaphore(%run_scoped3A : memref<!tpu.dma_semaphore, #tpu.memory_space<semaphore_mem>>)
        %dma_wait3A_61 = arith.constant 0 : i32
        %dma_wait3A_62 = tpu.memref_slice %arg4[%mul3A_38, %dma_wait3A_61] : memref<5120x64xi32, #tpu.memory_space<hbm>> -> memref<32x64xi32, #tpu.memory_space<hbm>>
        %dma_wait3A_63 = arith.constant 0 : i32
        %dma_wait3A_64 = tpu.memref_slice %arg4[%mul3A_38, %dma_wait3A_63] : memref<5120x64xi32, #tpu.memory_space<hbm>> -> memref<32x64xi32, #tpu.memory_space<hbm>>
        tpu.wait_dma2 semaphore(%run_scoped3A : memref<!tpu.dma_semaphore, #tpu.memory_space<semaphore_mem>>) src(%dma_wait3A_64 : memref<32x64xi32, #tpu.memory_space<hbm>>) dst(%arg8 : memref<32x64xi32, #tpu.memory_space<vmem>>)
        tpu.yield
      }) : () -> ()
      %dma_start3A = arith.constant 0 : i32
      %dma_start3A_39 = arith.constant 0 : i32
      %dma_start3A_40 = tpu.memref_slice %arg7[%dma_start3A, %dma_start3A_39] : memref<16x128xi32, #tpu.memory_space<vmem>> -> memref<1x128xi32, #tpu.memory_space<vmem>>
      %dma_start3A_41 = tpu.memref_squeeze %dma_start3A_40 : memref<1x128xi32, #tpu.memory_space<vmem>> -> memref<128xi32, #tpu.memory_space<vmem>>
      %dma_start3A_42 = arith.constant 0 : i32
      %dma_start3A_43 = arith.constant 0 : i32
      %dma_start3A_44 = tpu.memref_slice %arg2[%dma_start3A_42, %dma_start3A_43] : memref<10000x64xi32, #tpu.memory_space<hbm>> -> memref<10000x64xi32, #tpu.memory_space<hbm>>
      tpu.enqueue_indirect_dma source(%dma_start3A_44 : memref<10000x64xi32, #tpu.memory_space<hbm>>) target(%arg9 : memref<128x64xi32, #tpu.memory_space<vmem>>) offsets(%dma_start3A_41 : memref<128xi32, #tpu.memory_space<vmem>>) semaphore(%arg14 : memref<!tpu.dma_semaphore, #tpu.memory_space<semaphore_mem>>)
      %dma_start3A_45 = arith.constant 1 : i32
      %dma_start3A_46 = arith.constant 0 : i32
      %dma_start3A_47 = tpu.memref_slice %arg7[%dma_start3A_45, %dma_start3A_46] : memref<16x128xi32, #tpu.memory_space<vmem>> -> memref<1x128xi32, #tpu.memory_space<vmem>>
      %dma_start3A_48 = tpu.memref_squeeze %dma_start3A_47 : memref<1x128xi32, #tpu.memory_space<vmem>> -> memref<128xi32, #tpu.memory_space<vmem>>
      %dma_start3A_49 = arith.constant 0 : i32
      %dma_start3A_50 = arith.constant 0 : i32
      %dma_start3A_51 = tpu.memref_slice %arg2[%dma_start3A_49, %dma_start3A_50] : memref<10000x64xi32, #tpu.memory_space<hbm>> -> memref<10000x64xi32, #tpu.memory_space<hbm>>
      tpu.enqueue_indirect_dma source(%dma_start3A_51 : memref<10000x64xi32, #tpu.memory_space<hbm>>) target(%arg10 : memref<128x64xi32, #tpu.memory_space<vmem>>) offsets(%dma_start3A_48 : memref<128xi32, #tpu.memory_space<vmem>>) semaphore(%arg15 : memref<!tpu.dma_semaphore, #tpu.memory_space<semaphore_mem>>)
      %scan3A_52 = arith.constant 0 : i32
      %scan3A_53 = arith.constant 8 : i32
      %scan3A_54 = arith.addi %scan3A_52, %scan3A_53 : i32
      %scan3A_55 = arith.constant 1 : i32
      scf.for %scan3A_57 = %scan3A_52 to %scan3A_54 step %scan3A_55  : i32 {
        %mul3A_58 = arith.constant 2 : i32
        %mul3A_59 = arith.muli %scan3A_57, %mul3A_58 : i32
        %add3A_60 = arith.constant 0 : i32
        %add3A_61 = arith.addi %add3A_60, %mul3A_59 : i32
        %eq3A = arith.constant 0 : i32
        %eq3A_62 = arith.cmpi eq, %add3A_31, %eq3A : i32
        %eq3A_63 = arith.constant 0 : i32
        %eq3A_64 = arith.cmpi eq, %add3A_61, %eq3A_63 : i32
        %and3A = arith.andi %eq3A_62, %eq3A_64 : i1
        %mul3A_65 = arith.constant 2 : i32
        %mul3A_66 = arith.muli %mul3A_65, %add3A_61 : i32
        %mul3A_67 = arith.constant 2 : i32
        %mul3A_68 = arith.muli %mul3A_67, %add3A_61 : i32
        %add3A_69 = arith.constant 1 : i32
        %add3A_70 = arith.addi %mul3A_68, %add3A_69 : i32
        %dma_wait3A_71 = arith.constant 0 : i32
        %dma_wait3A_72 = arith.constant 0 : i32
        %dma_wait3A_73 = tpu.memref_slice %arg7[%dma_wait3A_71, %dma_wait3A_72] : memref<16x128xi32, #tpu.memory_space<vmem>> -> memref<1x128xi32, #tpu.memory_space<vmem>>
        %dma_wait3A_74 = tpu.memref_squeeze %dma_wait3A_73 : memref<1x128xi32, #tpu.memory_space<vmem>> -> memref<128xi32, #tpu.memory_space<vmem>>
        %dma_wait3A_75 = arith.constant 0 : i32
        %dma_wait3A_76 = arith.constant 0 : i32
        %dma_wait3A_77 = tpu.memref_slice %arg2[%dma_wait3A_75, %dma_wait3A_76] : memref<10000x64xi32, #tpu.memory_space<hbm>> -> memref<10000x64xi32, #tpu.memory_space<hbm>>
        tpu.wait_indirect_dma semaphore(%arg14 : memref<!tpu.dma_semaphore, #tpu.memory_space<semaphore_mem>>) src(%dma_wait3A_77 : memref<10000x64xi32, #tpu.memory_space<hbm>>) dst(%arg9 : memref<128x64xi32, #tpu.memory_space<vmem>>)
        %not3A = arith.constant true
        %not3A_78 = arith.xori %and3A, %not3A : i1
        %convert_element_type3A = arith.extui %not3A_78 : i1 to i32
        %cond3A = arith.constant 0 : i32
        %cond3A_79 = arith.cmpi ne, %convert_element_type3A, %cond3A : i32
        scf.if %cond3A_79 {
          %dma_wait3A_160 = arith.constant 0 : i32
          %dma_wait3A_161 = arith.constant 0 : i32
          %dma_wait3A_162 = tpu.memref_slice %arg8[%dma_wait3A_160, %dma_wait3A_161] : memref<32x64xi32, #tpu.memory_space<vmem>> -> memref<1x64xi32, #tpu.memory_space<vmem>>
          %dma_wait3A_163 = tpu.memref_squeeze %dma_wait3A_162 : memref<1x64xi32, #tpu.memory_space<vmem>> -> memref<64xi32, #tpu.memory_space<vmem>>
          %dma_wait3A_164 = arith.constant 0 : i32
          %dma_wait3A_165 = arith.constant 0 : i32
          %dma_wait3A_166 = tpu.memref_slice %arg13[%dma_wait3A_164, %dma_wait3A_165] : memref<10112x128xf32, #tpu.memory_space<vmem_shared>> -> memref<10112x128xf32, #tpu.memory_space<vmem_shared>>
          tpu.wait_indirect_dma semaphore(%arg16 : memref<!tpu.dma_semaphore, #tpu.memory_space<semaphore_mem>>) src(%arg11 : memref<64x128xf32, #tpu.memory_space<vmem>>) dst(%dma_wait3A_166 : memref<10112x128xf32, #tpu.memory_space<vmem_shared>>)
        } else {
        }
        %parallel_loop3A = arith.constant 0 : i32
        %parallel_loop3A_80 = arith.constant 64 : i32
        %parallel_loop3A_81 = arith.constant 1 : i32
        scf.for %parallel_loop3A_160 = %parallel_loop3A to %parallel_loop3A_80 step %parallel_loop3A_81  : i32 {
          %parallel_loop3A_161 = arith.constant 0 : i32
          %parallel_loop3A_162 = arith.addi %parallel_loop3A_161, %parallel_loop3A_160 : i32
          %parallel_loop3A_163 = arith.index_cast %parallel_loop3A_162 : i32 to index
          %parallel_loop3A_164 = arith.constant 0 : index
          %parallel_loop3A_165 = tpu.vector_load %arg9[%parallel_loop3A_163, %parallel_loop3A_164] {strides = array<i32>} : memref<128x64xi32, #tpu.memory_space<vmem>>, vector<16xi32>,
          %parallel_loop3A_166 = vector.bitcast %parallel_loop3A_165 : vector<16xi32> to vector<32xbf16>
          %parallel_loop3A_167 = tpu.unpack_subelements %parallel_loop3A_166, 0 {pack_format = #tpu.pack_format<interleaved>} : vector<32xbf16> -> vector<16xf32>
          %parallel_loop3A_168 = tpu.unpack_subelements %parallel_loop3A_166, 1 {pack_format = #tpu.pack_format<interleaved>} : vector<32xbf16> -> vector<16xf32>
          %parallel_loop3A_169 = arith.index_cast %parallel_loop3A_160 : i32 to index
          %parallel_loop3A_170 = arith.constant 0 : index
          %parallel_loop3A_171 = tpu.vector_load %arg11[%parallel_loop3A_169, %parallel_loop3A_170] {strides = array<i32>} : memref<64x128xf32, #tpu.memory_space<vmem>>, vector<16xf32>,
          tpu.vector_store %arg11[%parallel_loop3A_169, %parallel_loop3A_170], %parallel_loop3A_167 {strides = array<i32>} : memref<64x128xf32, #tpu.memory_space<vmem>>, vector<16xf32>,
          %parallel_loop3A_172 = arith.index_cast %parallel_loop3A_160 : i32 to index
          %parallel_loop3A_173 = arith.constant 64 : index
          %parallel_loop3A_174 = tpu.vector_load %arg11[%parallel_loop3A_172, %parallel_loop3A_173] {strides = array<i32>} : memref<64x128xf32, #tpu.memory_space<vmem>>, vector<16xf32>,
          tpu.vector_store %arg11[%parallel_loop3A_172, %parallel_loop3A_173], %parallel_loop3A_168 {strides = array<i32>} : memref<64x128xf32, #tpu.memory_space<vmem>>, vector<16xf32>,
          %parallel_loop3A_175 = arith.constant 0 : i32
          %parallel_loop3A_176 = arith.addi %parallel_loop3A_175, %parallel_loop3A_160 : i32
          %parallel_loop3A_177 = arith.index_cast %parallel_loop3A_176 : i32 to index
          %parallel_loop3A_178 = arith.constant 16 : index
          %parallel_loop3A_179 = tpu.vector_load %arg9[%parallel_loop3A_177, %parallel_loop3A_178] {strides = array<i32>} : memref<128x64xi32, #tpu.memory_space<vmem>>, vector<16xi32>,
          %parallel_loop3A_180 = vector.bitcast %parallel_loop3A_179 : vector<16xi32> to vector<32xbf16>
          %parallel_loop3A_181 = tpu.unpack_subelements %parallel_loop3A_180, 0 {pack_format = #tpu.pack_format<interleaved>} : vector<32xbf16> -> vector<16xf32>
          %parallel_loop3A_182 = tpu.unpack_subelements %parallel_loop3A_180, 1 {pack_format = #tpu.pack_format<interleaved>} : vector<32xbf16> -> vector<16xf32>
          %parallel_loop3A_183 = arith.index_cast %parallel_loop3A_160 : i32 to index
          %parallel_loop3A_184 = arith.constant 16 : index
          %parallel_loop3A_185 = tpu.vector_load %arg11[%parallel_loop3A_183, %parallel_loop3A_184] {strides = array<i32>} : memref<64x128xf32, #tpu.memory_space<vmem>>, vector<16xf32>,
          tpu.vector_store %arg11[%parallel_loop3A_183, %parallel_loop3A_184], %parallel_loop3A_181 {strides = array<i32>} : memref<64x128xf32, #tpu.memory_space<vmem>>, vector<16xf32>,
          %parallel_loop3A_186 = arith.index_cast %parallel_loop3A_160 : i32 to index
          %parallel_loop3A_187 = arith.constant 80 : index
          %parallel_loop3A_188 = tpu.vector_load %arg11[%parallel_loop3A_186, %parallel_loop3A_187] {strides = array<i32>} : memref<64x128xf32, #tpu.memory_space<vmem>>, vector<16xf32>,
          tpu.vector_store %arg11[%parallel_loop3A_186, %parallel_loop3A_187], %parallel_loop3A_182 {strides = array<i32>} : memref<64x128xf32, #tpu.memory_space<vmem>>, vector<16xf32>,
          %parallel_loop3A_189 = arith.constant 0 : i32
          %parallel_loop3A_190 = arith.addi %parallel_loop3A_189, %parallel_loop3A_160 : i32
          %parallel_loop3A_191 = arith.index_cast %parallel_loop3A_190 : i32 to index
          %parallel_loop3A_192 = arith.constant 32 : index
          %parallel_loop3A_193 = tpu.vector_load %arg9[%parallel_loop3A_191, %parallel_loop3A_192] {strides = array<i32>} : memref<128x64xi32, #tpu.memory_space<vmem>>, vector<16xi32>,
          %parallel_loop3A_194 = vector.bitcast %parallel_loop3A_193 : vector<16xi32> to vector<32xbf16>
          %parallel_loop3A_195 = tpu.unpack_subelements %parallel_loop3A_194, 0 {pack_format = #tpu.pack_format<interleaved>} : vector<32xbf16> -> vector<16xf32>
          %parallel_loop3A_196 = tpu.unpack_subelements %parallel_loop3A_194, 1 {pack_format = #tpu.pack_format<interleaved>} : vector<32xbf16> -> vector<16xf32>
          %parallel_loop3A_197 = arith.index_cast %parallel_loop3A_160 : i32 to index
          %parallel_loop3A_198 = arith.constant 32 : index
          %parallel_loop3A_199 = tpu.vector_load %arg11[%parallel_loop3A_197, %parallel_loop3A_198] {strides = array<i32>} : memref<64x128xf32, #tpu.memory_space<vmem>>, vector<16xf32>,
          tpu.vector_store %arg11[%parallel_loop3A_197, %parallel_loop3A_198], %parallel_loop3A_195 {strides = array<i32>} : memref<64x128xf32, #tpu.memory_space<vmem>>, vector<16xf32>,
          %parallel_loop3A_200 = arith.index_cast %parallel_loop3A_160 : i32 to index
          %parallel_loop3A_201 = arith.constant 96 : index
          %parallel_loop3A_202 = tpu.vector_load %arg11[%parallel_loop3A_200, %parallel_loop3A_201] {strides = array<i32>} : memref<64x128xf32, #tpu.memory_space<vmem>>, vector<16xf32>,
          tpu.vector_store %arg11[%parallel_loop3A_200, %parallel_loop3A_201], %parallel_loop3A_196 {strides = array<i32>} : memref<64x128xf32, #tpu.memory_space<vmem>>, vector<16xf32>,
          %parallel_loop3A_203 = arith.constant 0 : i32
          %parallel_loop3A_204 = arith.addi %parallel_loop3A_203, %parallel_loop3A_160 : i32
          %parallel_loop3A_205 = arith.index_cast %parallel_loop3A_204 : i32 to index
          %parallel_loop3A_206 = arith.constant 48 : index
          %parallel_loop3A_207 = tpu.vector_load %arg9[%parallel_loop3A_205, %parallel_loop3A_206] {strides = array<i32>} : memref<128x64xi32, #tpu.memory_space<vmem>>, vector<16xi32>,
          %parallel_loop3A_208 = vector.bitcast %parallel_loop3A_207 : vector<16xi32> to vector<32xbf16>
          %parallel_loop3A_209 = tpu.unpack_subelements %parallel_loop3A_208, 0 {pack_format = #tpu.pack_format<interleaved>} : vector<32xbf16> -> vector<16xf32>
          %parallel_loop3A_210 = tpu.unpack_subelements %parallel_loop3A_208, 1 {pack_format = #tpu.pack_format<interleaved>} : vector<32xbf16> -> vector<16xf32>
          %parallel_loop3A_211 = arith.index_cast %parallel_loop3A_160 : i32 to index
          %parallel_loop3A_212 = arith.constant 48 : index
          %parallel_loop3A_213 = tpu.vector_load %arg11[%parallel_loop3A_211, %parallel_loop3A_212] {strides = array<i32>} : memref<64x128xf32, #tpu.memory_space<vmem>>, vector<16xf32>,
          tpu.vector_store %arg11[%parallel_loop3A_211, %parallel_loop3A_212], %parallel_loop3A_209 {strides = array<i32>} : memref<64x128xf32, #tpu.memory_space<vmem>>, vector<16xf32>,
          %parallel_loop3A_214 = arith.index_cast %parallel_loop3A_160 : i32 to index
          %parallel_loop3A_215 = arith.constant 112 : index
          %parallel_loop3A_216 = tpu.vector_load %arg11[%parallel_loop3A_214, %parallel_loop3A_215] {strides = array<i32>} : memref<64x128xf32, #tpu.memory_space<vmem>>, vector<16xf32>,
          tpu.vector_store %arg11[%parallel_loop3A_214, %parallel_loop3A_215], %parallel_loop3A_210 {strides = array<i32>} : memref<64x128xf32, #tpu.memory_space<vmem>>, vector<16xf32>,
        } {sc.loop_unroll_factor = 2 : i64, sc.parallel_access}
        %dma_start3A_82 = arith.constant 0 : i32
        %dma_start3A_83 = tpu.memref_slice %arg8[%mul3A_66, %dma_start3A_82] : memref<32x64xi32, #tpu.memory_space<vmem>> -> memref<1x64xi32, #tpu.memory_space<vmem>>
        %dma_start3A_84 = tpu.memref_squeeze %dma_start3A_83 : memref<1x64xi32, #tpu.memory_space<vmem>> -> memref<64xi32, #tpu.memory_space<vmem>>
        %dma_start3A_85 = arith.constant 0 : i32
        %dma_start3A_86 = arith.constant 0 : i32
        %dma_start3A_87 = tpu.memref_slice %arg13[%dma_start3A_85, %dma_start3A_86] : memref<10112x128xf32, #tpu.memory_space<vmem_shared>> -> memref<10112x128xf32, #tpu.memory_space<vmem_shared>>
        tpu.enqueue_indirect_dma source(%arg11 : memref<64x128xf32, #tpu.memory_space<vmem>>) target(%dma_start3A_87 : memref<10112x128xf32, #tpu.memory_space<vmem_shared>>) offsets(%dma_start3A_84 : memref<64xi32, #tpu.memory_space<vmem>>) semaphore(%arg16 : memref<!tpu.dma_semaphore, #tpu.memory_space<semaphore_mem>>) {add = true}
        %not3A_88 = arith.constant true
        %not3A_89 = arith.xori %and3A, %not3A_88 : i1
        %convert_element_type3A_90 = arith.extui %not3A_89 : i1 to i32
        %cond3A_91 = arith.constant 0 : i32
        %cond3A_92 = arith.cmpi ne, %convert_element_type3A_90, %cond3A_91 : i32
        scf.if %cond3A_92 {
          %dma_wait3A_160 = arith.constant 0 : i32
          %dma_wait3A_161 = arith.constant 0 : i32
          %dma_wait3A_162 = tpu.memref_slice %arg8[%dma_wait3A_160, %dma_wait3A_161] : memref<32x64xi32, #tpu.memory_space<vmem>> -> memref<1x64xi32, #tpu.memory_space<vmem>>
          %dma_wait3A_163 = tpu.memref_squeeze %dma_wait3A_162 : memref<1x64xi32, #tpu.memory_space<vmem>> -> memref<64xi32, #tpu.memory_space<vmem>>
          %dma_wait3A_164 = arith.constant 0 : i32
          %dma_wait3A_165 = arith.constant 0 : i32
          %dma_wait3A_166 = tpu.memref_slice %arg13[%dma_wait3A_164, %dma_wait3A_165] : memref<10112x128xf32, #tpu.memory_space<vmem_shared>> -> memref<10112x128xf32, #tpu.memory_space<vmem_shared>>
          tpu.wait_indirect_dma semaphore(%arg17 : memref<!tpu.dma_semaphore, #tpu.memory_space<semaphore_mem>>) src(%arg12 : memref<64x128xf32, #tpu.memory_space<vmem>>) dst(%dma_wait3A_166 : memref<10112x128xf32, #tpu.memory_space<vmem_shared>>)
        } else {
        }
        %parallel_loop3A_93 = arith.constant 0 : i32
        %parallel_loop3A_94 = arith.constant 64 : i32
        %parallel_loop3A_95 = arith.constant 1 : i32
        scf.for %parallel_loop3A_160 = %parallel_loop3A_93 to %parallel_loop3A_94 step %parallel_loop3A_95  : i32 {
          %parallel_loop3A_161 = arith.constant 64 : i32
          %parallel_loop3A_162 = arith.addi %parallel_loop3A_161, %parallel_loop3A_160 : i32
          %parallel_loop3A_163 = arith.index_cast %parallel_loop3A_162 : i32 to index
          %parallel_loop3A_164 = arith.constant 0 : index
          %parallel_loop3A_165 = tpu.vector_load %arg9[%parallel_loop3A_163, %parallel_loop3A_164] {strides = array<i32>} : memref<128x64xi32, #tpu.memory_space<vmem>>, vector<16xi32>,
          %parallel_loop3A_166 = vector.bitcast %parallel_loop3A_165 : vector<16xi32> to vector<32xbf16>
          %parallel_loop3A_167 = tpu.unpack_subelements %parallel_loop3A_166, 0 {pack_format = #tpu.pack_format<interleaved>} : vector<32xbf16> -> vector<16xf32>
          %parallel_loop3A_168 = tpu.unpack_subelements %parallel_loop3A_166, 1 {pack_format = #tpu.pack_format<interleaved>} : vector<32xbf16> -> vector<16xf32>
          %parallel_loop3A_169 = arith.index_cast %parallel_loop3A_160 : i32 to index
          %parallel_loop3A_170 = arith.constant 0 : index
          %parallel_loop3A_171 = tpu.vector_load %arg12[%parallel_loop3A_169, %parallel_loop3A_170] {strides = array<i32>} : memref<64x128xf32, #tpu.memory_space<vmem>>, vector<16xf32>,
          tpu.vector_store %arg12[%parallel_loop3A_169, %parallel_loop3A_170], %parallel_loop3A_167 {strides = array<i32>} : memref<64x128xf32, #tpu.memory_space<vmem>>, vector<16xf32>,
          %parallel_loop3A_172 = arith.index_cast %parallel_loop3A_160 : i32 to index
          %parallel_loop3A_173 = arith.constant 64 : index
          %parallel_loop3A_174 = tpu.vector_load %arg12[%parallel_loop3A_172, %parallel_loop3A_173] {strides = array<i32>} : memref<64x128xf32, #tpu.memory_space<vmem>>, vector<16xf32>,
          tpu.vector_store %arg12[%parallel_loop3A_172, %parallel_loop3A_173], %parallel_loop3A_168 {strides = array<i32>} : memref<64x128xf32, #tpu.memory_space<vmem>>, vector<16xf32>,
          %parallel_loop3A_175 = arith.constant 64 : i32
          %parallel_loop3A_176 = arith.addi %parallel_loop3A_175, %parallel_loop3A_160 : i32
          %parallel_loop3A_177 = arith.index_cast %parallel_loop3A_176 : i32 to index
          %parallel_loop3A_178 = arith.constant 16 : index
          %parallel_loop3A_179 = tpu.vector_load %arg9[%parallel_loop3A_177, %parallel_loop3A_178] {strides = array<i32>} : memref<128x64xi32, #tpu.memory_space<vmem>>, vector<16xi32>,
          %parallel_loop3A_180 = vector.bitcast %parallel_loop3A_179 : vector<16xi32> to vector<32xbf16>
          %parallel_loop3A_181 = tpu.unpack_subelements %parallel_loop3A_180, 0 {pack_format = #tpu.pack_format<interleaved>} : vector<32xbf16> -> vector<16xf32>
          %parallel_loop3A_182 = tpu.unpack_subelements %parallel_loop3A_180, 1 {pack_format = #tpu.pack_format<interleaved>} : vector<32xbf16> -> vector<16xf32>
          %parallel_loop3A_183 = arith.index_cast %parallel_loop3A_160 : i32 to index
          %parallel_loop3A_184 = arith.constant 16 : index
          %parallel_loop3A_185 = tpu.vector_load %arg12[%parallel_loop3A_183, %parallel_loop3A_184] {strides = array<i32>} : memref<64x128xf32, #tpu.memory_space<vmem>>, vector<16xf32>,
          tpu.vector_store %arg12[%parallel_loop3A_183, %parallel_loop3A_184], %parallel_loop3A_181 {strides = array<i32>} : memref<64x128xf32, #tpu.memory_space<vmem>>, vector<16xf32>,
          %parallel_loop3A_186 = arith.index_cast %parallel_loop3A_160 : i32 to index
          %parallel_loop3A_187 = arith.constant 80 : index
          %parallel_loop3A_188 = tpu.vector_load %arg12[%parallel_loop3A_186, %parallel_loop3A_187] {strides = array<i32>} : memref<64x128xf32, #tpu.memory_space<vmem>>, vector<16xf32>,
          tpu.vector_store %arg12[%parallel_loop3A_186, %parallel_loop3A_187], %parallel_loop3A_182 {strides = array<i32>} : memref<64x128xf32, #tpu.memory_space<vmem>>, vector<16xf32>,
          %parallel_loop3A_189 = arith.constant 64 : i32
          %parallel_loop3A_190 = arith.addi %parallel_loop3A_189, %parallel_loop3A_160 : i32
          %parallel_loop3A_191 = arith.index_cast %parallel_loop3A_190 : i32 to index
          %parallel_loop3A_192 = arith.constant 32 : index
          %parallel_loop3A_193 = tpu.vector_load %arg9[%parallel_loop3A_191, %parallel_loop3A_192] {strides = array<i32>} : memref<128x64xi32, #tpu.memory_space<vmem>>, vector<16xi32>,
          %parallel_loop3A_194 = vector.bitcast %parallel_loop3A_193 : vector<16xi32> to vector<32xbf16>
          %parallel_loop3A_195 = tpu.unpack_subelements %parallel_loop3A_194, 0 {pack_format = #tpu.pack_format<interleaved>} : vector<32xbf16> -> vector<16xf32>
          %parallel_loop3A_196 = tpu.unpack_subelements %parallel_loop3A_194, 1 {pack_format = #tpu.pack_format<interleaved>} : vector<32xbf16> -> vector<16xf32>
          %parallel_loop3A_197 = arith.index_cast %parallel_loop3A_160 : i32 to index
          %parallel_loop3A_198 = arith.constant 32 : index
          %parallel_loop3A_199 = tpu.vector_load %arg12[%parallel_loop3A_197, %parallel_loop3A_198] {strides = array<i32>} : memref<64x128xf32, #tpu.memory_space<vmem>>, vector<16xf32>,
          tpu.vector_store %arg12[%parallel_loop3A_197, %parallel_loop3A_198], %parallel_loop3A_195 {strides = array<i32>} : memref<64x128xf32, #tpu.memory_space<vmem>>, vector<16xf32>,
          %parallel_loop3A_200 = arith.index_cast %parallel_loop3A_160 : i32 to index
          %parallel_loop3A_201 = arith.constant 96 : index
          %parallel_loop3A_202 = tpu.vector_load %arg12[%parallel_loop3A_200, %parallel_loop3A_201] {strides = array<i32>} : memref<64x128xf32, #tpu.memory_space<vmem>>, vector<16xf32>,
          tpu.vector_store %arg12[%parallel_loop3A_200, %parallel_loop3A_201], %parallel_loop3A_196 {strides = array<i32>} : memref<64x128xf32, #tpu.memory_space<vmem>>, vector<16xf32>,
          %parallel_loop3A_203 = arith.constant 64 : i32
          %parallel_loop3A_204 = arith.addi %parallel_loop3A_203, %parallel_loop3A_160 : i32
          %parallel_loop3A_205 = arith.index_cast %parallel_loop3A_204 : i32 to index
          %parallel_loop3A_206 = arith.constant 48 : index
          %parallel_loop3A_207 = tpu.vector_load %arg9[%parallel_loop3A_205, %parallel_loop3A_206] {strides = array<i32>} : memref<128x64xi32, #tpu.memory_space<vmem>>, vector<16xi32>,
          %parallel_loop3A_208 = vector.bitcast %parallel_loop3A_207 : vector<16xi32> to vector<32xbf16>
          %parallel_loop3A_209 = tpu.unpack_subelements %parallel_loop3A_208, 0 {pack_format = #tpu.pack_format<interleaved>} : vector<32xbf16> -> vector<16xf32>
          %parallel_loop3A_210 = tpu.unpack_subelements %parallel_loop3A_208, 1 {pack_format = #tpu.pack_format<interleaved>} : vector<32xbf16> -> vector<16xf32>
          %parallel_loop3A_211 = arith.index_cast %parallel_loop3A_160 : i32 to index
          %parallel_loop3A_212 = arith.constant 48 : index
          %parallel_loop3A_213 = tpu.vector_load %arg12[%parallel_loop3A_211, %parallel_loop3A_212] {strides = array<i32>} : memref<64x128xf32, #tpu.memory_space<vmem>>, vector<16xf32>,
          tpu.vector_store %arg12[%parallel_loop3A_211, %parallel_loop3A_212], %parallel_loop3A_209 {strides = array<i32>} : memref<64x128xf32, #tpu.memory_space<vmem>>, vector<16xf32>,
          %parallel_loop3A_214 = arith.index_cast %parallel_loop3A_160 : i32 to index
          %parallel_loop3A_215 = arith.constant 112 : index
          %parallel_loop3A_216 = tpu.vector_load %arg12[%parallel_loop3A_214, %parallel_loop3A_215] {strides = array<i32>} : memref<64x128xf32, #tpu.memory_space<vmem>>, vector<16xf32>,
          tpu.vector_store %arg12[%parallel_loop3A_214, %parallel_loop3A_215], %parallel_loop3A_210 {strides = array<i32>} : memref<64x128xf32, #tpu.memory_space<vmem>>, vector<16xf32>,
        } {sc.loop_unroll_factor = 2 : i64, sc.parallel_access}
        %add3A_96 = arith.constant 2 : i32
        %add3A_97 = arith.addi %add3A_61, %add3A_96 : i32
        %lt3A = arith.constant 16 : i32
        %lt3A_98 = arith.cmpi slt, %add3A_97, %lt3A : i32
        %convert_element_type3A_99 = arith.extui %lt3A_98 : i1 to i32
        %cond3A_100 = arith.constant 0 : i32
        %cond3A_101 = arith.cmpi ne, %convert_element_type3A_99, %cond3A_100 : i32
        scf.if %cond3A_101 {
          %add3A_160 = arith.constant 2 : i32
          %add3A_161 = arith.addi %add3A_61, %add3A_160 : i32
          %dma_start3A_162 = arith.constant 0 : i32
          %dma_start3A_163 = tpu.memref_slice %arg7[%add3A_161, %dma_start3A_162] : memref<16x128xi32, #tpu.memory_space<vmem>> -> memref<1x128xi32, #tpu.memory_space<vmem>>
          %dma_start3A_164 = tpu.memref_squeeze %dma_start3A_163 : memref<1x128xi32, #tpu.memory_space<vmem>> -> memref<128xi32, #tpu.memory_space<vmem>>
          %dma_start3A_165 = arith.constant 0 : i32
          %dma_start3A_166 = arith.constant 0 : i32
          %dma_start3A_167 = tpu.memref_slice %arg2[%dma_start3A_165, %dma_start3A_166] : memref<10000x64xi32, #tpu.memory_space<hbm>> -> memref<10000x64xi32, #tpu.memory_space<hbm>>
          tpu.enqueue_indirect_dma source(%dma_start3A_167 : memref<10000x64xi32, #tpu.memory_space<hbm>>) target(%arg9 : memref<128x64xi32, #tpu.memory_space<vmem>>) offsets(%dma_start3A_164 : memref<128xi32, #tpu.memory_space<vmem>>) semaphore(%arg14 : memref<!tpu.dma_semaphore, #tpu.memory_space<semaphore_mem>>)
        } else {
        }
        %dma_start3A_102 = arith.constant 0 : i32
        %dma_start3A_103 = tpu.memref_slice %arg8[%add3A_70, %dma_start3A_102] : memref<32x64xi32, #tpu.memory_space<vmem>> -> memref<1x64xi32, #tpu.memory_space<vmem>>
        %dma_start3A_104 = tpu.memref_squeeze %dma_start3A_103 : memref<1x64xi32, #tpu.memory_space<vmem>> -> memref<64xi32, #tpu.memory_space<vmem>>
        %dma_start3A_105 = arith.constant 0 : i32
        %dma_start3A_106 = arith.constant 0 : i32
        %dma_start3A_107 = tpu.memref_slice %arg13[%dma_start3A_105, %dma_start3A_106] : memref<10112x128xf32, #tpu.memory_space<vmem_shared>> -> memref<10112x128xf32, #tpu.memory_space<vmem_shared>>
        tpu.enqueue_indirect_dma source(%arg12 : memref<64x128xf32, #tpu.memory_space<vmem>>) target(%dma_start3A_107 : memref<10112x128xf32, #tpu.memory_space<vmem_shared>>) offsets(%dma_start3A_104 : memref<64xi32, #tpu.memory_space<vmem>>) semaphore(%arg17 : memref<!tpu.dma_semaphore, #tpu.memory_space<semaphore_mem>>) {add = true}
        %and3A_108 = arith.constant false
        %and3A_109 = arith.andi %and3A, %and3A_108 : i1
        %mul3A_110 = arith.constant 2 : i32
        %mul3A_111 = arith.muli %mul3A_110, %add3A_61 : i32
        %add3A_112 = arith.constant 2 : i32
        %add3A_113 = arith.addi %mul3A_111, %add3A_112 : i32
        %mul3A_114 = arith.constant 2 : i32
        %mul3A_115 = arith.muli %mul3A_114, %add3A_61 : i32
        %add3A_116 = arith.constant 3 : i32
        %add3A_117 = arith.addi %mul3A_115, %add3A_116 : i32
        %dma_wait3A_118 = arith.constant 0 : i32
        %dma_wait3A_119 = arith.constant 0 : i32
        %dma_wait3A_120 = tpu.memref_slice %arg7[%dma_wait3A_118, %dma_wait3A_119] : memref<16x128xi32, #tpu.memory_space<vmem>> -> memref<1x128xi32, #tpu.memory_space<vmem>>
        %dma_wait3A_121 = tpu.memref_squeeze %dma_wait3A_120 : memref<1x128xi32, #tpu.memory_space<vmem>> -> memref<128xi32, #tpu.memory_space<vmem>>
        %dma_wait3A_122 = arith.constant 0 : i32
        %dma_wait3A_123 = arith.constant 0 : i32
        %dma_wait3A_124 = tpu.memref_slice %arg2[%dma_wait3A_122, %dma_wait3A_123] : memref<10000x64xi32, #tpu.memory_space<hbm>> -> memref<10000x64xi32, #tpu.memory_space<hbm>>
        tpu.wait_indirect_dma semaphore(%arg15 : memref<!tpu.dma_semaphore, #tpu.memory_space<semaphore_mem>>) src(%dma_wait3A_124 : memref<10000x64xi32, #tpu.memory_space<hbm>>) dst(%arg10 : memref<128x64xi32, #tpu.memory_space<vmem>>)
        %not3A_125 = arith.constant true
        %not3A_126 = arith.xori %and3A_109, %not3A_125 : i1
        %convert_element_type3A_127 = arith.extui %not3A_126 : i1 to i32
        %cond3A_128 = arith.constant 0 : i32
        %cond3A_129 = arith.cmpi ne, %convert_element_type3A_127, %cond3A_128 : i32
        scf.if %cond3A_129 {
          %dma_wait3A_160 = arith.constant 0 : i32
          %dma_wait3A_161 = arith.constant 0 : i32
          %dma_wait3A_162 = tpu.memref_slice %arg8[%dma_wait3A_160, %dma_wait3A_161] : memref<32x64xi32, #tpu.memory_space<vmem>> -> memref<1x64xi32, #tpu.memory_space<vmem>>
          %dma_wait3A_163 = tpu.memref_squeeze %dma_wait3A_162 : memref<1x64xi32, #tpu.memory_space<vmem>> -> memref<64xi32, #tpu.memory_space<vmem>>
          %dma_wait3A_164 = arith.constant 0 : i32
          %dma_wait3A_165 = arith.constant 0 : i32
          %dma_wait3A_166 = tpu.memref_slice %arg13[%dma_wait3A_164, %dma_wait3A_165] : memref<10112x128xf32, #tpu.memory_space<vmem_shared>> -> memref<10112x128xf32, #tpu.memory_space<vmem_shared>>
          tpu.wait_indirect_dma semaphore(%arg16 : memref<!tpu.dma_semaphore, #tpu.memory_space<semaphore_mem>>) src(%arg11 : memref<64x128xf32, #tpu.memory_space<vmem>>) dst(%dma_wait3A_166 : memref<10112x128xf32, #tpu.memory_space<vmem_shared>>)
        } else {
        }
        %parallel_loop3A_130 = arith.constant 0 : i32
        %parallel_loop3A_131 = arith.constant 64 : i32
        %parallel_loop3A_132 = arith.constant 1 : i32
        scf.for %parallel_loop3A_160 = %parallel_loop3A_130 to %parallel_loop3A_131 step %parallel_loop3A_132  : i32 {
          %parallel_loop3A_161 = arith.constant 0 : i32
          %parallel_loop3A_162 = arith.addi %parallel_loop3A_161, %parallel_loop3A_160 : i32
          %parallel_loop3A_163 = arith.index_cast %parallel_loop3A_162 : i32 to index
          %parallel_loop3A_164 = arith.constant 0 : index
          %parallel_loop3A_165 = tpu.vector_load %arg10[%parallel_loop3A_163, %parallel_loop3A_164] {strides = array<i32>} : memref<128x64xi32, #tpu.memory_space<vmem>>, vector<16xi32>,
          %parallel_loop3A_166 = vector.bitcast %parallel_loop3A_165 : vector<16xi32> to vector<32xbf16>
          %parallel_loop3A_167 = tpu.unpack_subelements %parallel_loop3A_166, 0 {pack_format = #tpu.pack_format<interleaved>} : vector<32xbf16> -> vector<16xf32>
          %parallel_loop3A_168 = tpu.unpack_subelements %parallel_loop3A_166, 1 {pack_format = #tpu.pack_format<interleaved>} : vector<32xbf16> -> vector<16xf32>
          %parallel_loop3A_169 = arith.index_cast %parallel_loop3A_160 : i32 to index
          %parallel_loop3A_170 = arith.constant 0 : index
          %parallel_loop3A_171 = tpu.vector_load %arg11[%parallel_loop3A_169, %parallel_loop3A_170] {strides = array<i32>} : memref<64x128xf32, #tpu.memory_space<vmem>>, vector<16xf32>,
          tpu.vector_store %arg11[%parallel_loop3A_169, %parallel_loop3A_170], %parallel_loop3A_167 {strides = array<i32>} : memref<64x128xf32, #tpu.memory_space<vmem>>, vector<16xf32>,
          %parallel_loop3A_172 = arith.index_cast %parallel_loop3A_160 : i32 to index
          %parallel_loop3A_173 = arith.constant 64 : index
          %parallel_loop3A_174 = tpu.vector_load %arg11[%parallel_loop3A_172, %parallel_loop3A_173] {strides = array<i32>} : memref<64x128xf32, #tpu.memory_space<vmem>>, vector<16xf32>,
          tpu.vector_store %arg11[%parallel_loop3A_172, %parallel_loop3A_173], %parallel_loop3A_168 {strides = array<i32>} : memref<64x128xf32, #tpu.memory_space<vmem>>, vector<16xf32>,
          %parallel_loop3A_175 = arith.constant 0 : i32
          %parallel_loop3A_176 = arith.addi %parallel_loop3A_175, %parallel_loop3A_160 : i32
          %parallel_loop3A_177 = arith.index_cast %parallel_loop3A_176 : i32 to index
          %parallel_loop3A_178 = arith.constant 16 : index
          %parallel_loop3A_179 = tpu.vector_load %arg10[%parallel_loop3A_177, %parallel_loop3A_178] {strides = array<i32>} : memref<128x64xi32, #tpu.memory_space<vmem>>, vector<16xi32>,
          %parallel_loop3A_180 = vector.bitcast %parallel_loop3A_179 : vector<16xi32> to vector<32xbf16>
          %parallel_loop3A_181 = tpu.unpack_subelements %parallel_loop3A_180, 0 {pack_format = #tpu.pack_format<interleaved>} : vector<32xbf16> -> vector<16xf32>
          %parallel_loop3A_182 = tpu.unpack_subelements %parallel_loop3A_180, 1 {pack_format = #tpu.pack_format<interleaved>} : vector<32xbf16> -> vector<16xf32>
          %parallel_loop3A_183 = arith.index_cast %parallel_loop3A_160 : i32 to index
          %parallel_loop3A_184 = arith.constant 16 : index
          %parallel_loop3A_185 = tpu.vector_load %arg11[%parallel_loop3A_183, %parallel_loop3A_184] {strides = array<i32>} : memref<64x128xf32, #tpu.memory_space<vmem>>, vector<16xf32>,
          tpu.vector_store %arg11[%parallel_loop3A_183, %parallel_loop3A_184], %parallel_loop3A_181 {strides = array<i32>} : memref<64x128xf32, #tpu.memory_space<vmem>>, vector<16xf32>,
          %parallel_loop3A_186 = arith.index_cast %parallel_loop3A_160 : i32 to index
          %parallel_loop3A_187 = arith.constant 80 : index
          %parallel_loop3A_188 = tpu.vector_load %arg11[%parallel_loop3A_186, %parallel_loop3A_187] {strides = array<i32>} : memref<64x128xf32, #tpu.memory_space<vmem>>, vector<16xf32>,
          tpu.vector_store %arg11[%parallel_loop3A_186, %parallel_loop3A_187], %parallel_loop3A_182 {strides = array<i32>} : memref<64x128xf32, #tpu.memory_space<vmem>>, vector<16xf32>,
          %parallel_loop3A_189 = arith.constant 0 : i32
          %parallel_loop3A_190 = arith.addi %parallel_loop3A_189, %parallel_loop3A_160 : i32
          %parallel_loop3A_191 = arith.index_cast %parallel_loop3A_190 : i32 to index
          %parallel_loop3A_192 = arith.constant 32 : index
          %parallel_loop3A_193 = tpu.vector_load %arg10[%parallel_loop3A_191, %parallel_loop3A_192] {strides = array<i32>} : memref<128x64xi32, #tpu.memory_space<vmem>>, vector<16xi32>,
          %parallel_loop3A_194 = vector.bitcast %parallel_loop3A_193 : vector<16xi32> to vector<32xbf16>
          %parallel_loop3A_195 = tpu.unpack_subelements %parallel_loop3A_194, 0 {pack_format = #tpu.pack_format<interleaved>} : vector<32xbf16> -> vector<16xf32>
          %parallel_loop3A_196 = tpu.unpack_subelements %parallel_loop3A_194, 1 {pack_format = #tpu.pack_format<interleaved>} : vector<32xbf16> -> vector<16xf32>
          %parallel_loop3A_197 = arith.index_cast %parallel_loop3A_160 : i32 to index
          %parallel_loop3A_198 = arith.constant 32 : index
          %parallel_loop3A_199 = tpu.vector_load %arg11[%parallel_loop3A_197, %parallel_loop3A_198] {strides = array<i32>} : memref<64x128xf32, #tpu.memory_space<vmem>>, vector<16xf32>,
          tpu.vector_store %arg11[%parallel_loop3A_197, %parallel_loop3A_198], %parallel_loop3A_195 {strides = array<i32>} : memref<64x128xf32, #tpu.memory_space<vmem>>, vector<16xf32>,
          %parallel_loop3A_200 = arith.index_cast %parallel_loop3A_160 : i32 to index
          %parallel_loop3A_201 = arith.constant 96 : index
          %parallel_loop3A_202 = tpu.vector_load %arg11[%parallel_loop3A_200, %parallel_loop3A_201] {strides = array<i32>} : memref<64x128xf32, #tpu.memory_space<vmem>>, vector<16xf32>,
          tpu.vector_store %arg11[%parallel_loop3A_200, %parallel_loop3A_201], %parallel_loop3A_196 {strides = array<i32>} : memref<64x128xf32, #tpu.memory_space<vmem>>, vector<16xf32>,
          %parallel_loop3A_203 = arith.constant 0 : i32
          %parallel_loop3A_204 = arith.addi %parallel_loop3A_203, %parallel_loop3A_160 : i32
          %parallel_loop3A_205 = arith.index_cast %parallel_loop3A_204 : i32 to index
          %parallel_loop3A_206 = arith.constant 48 : index
          %parallel_loop3A_207 = tpu.vector_load %arg10[%parallel_loop3A_205, %parallel_loop3A_206] {strides = array<i32>} : memref<128x64xi32, #tpu.memory_space<vmem>>, vector<16xi32>,
          %parallel_loop3A_208 = vector.bitcast %parallel_loop3A_207 : vector<16xi32> to vector<32xbf16>
          %parallel_loop3A_209 = tpu.unpack_subelements %parallel_loop3A_208, 0 {pack_format = #tpu.pack_format<interleaved>} : vector<32xbf16> -> vector<16xf32>
          %parallel_loop3A_210 = tpu.unpack_subelements %parallel_loop3A_208, 1 {pack_format = #tpu.pack_format<interleaved>} : vector<32xbf16> -> vector<16xf32>
          %parallel_loop3A_211 = arith.index_cast %parallel_loop3A_160 : i32 to index
          %parallel_loop3A_212 = arith.constant 48 : index
          %parallel_loop3A_213 = tpu.vector_load %arg11[%parallel_loop3A_211, %parallel_loop3A_212] {strides = array<i32>} : memref<64x128xf32, #tpu.memory_space<vmem>>, vector<16xf32>,
          tpu.vector_store %arg11[%parallel_loop3A_211, %parallel_loop3A_212], %parallel_loop3A_209 {strides = array<i32>} : memref<64x128xf32, #tpu.memory_space<vmem>>, vector<16xf32>,
          %parallel_loop3A_214 = arith.index_cast %parallel_loop3A_160 : i32 to index
          %parallel_loop3A_215 = arith.constant 112 : index
          %parallel_loop3A_216 = tpu.vector_load %arg11[%parallel_loop3A_214, %parallel_loop3A_215] {strides = array<i32>} : memref<64x128xf32, #tpu.memory_space<vmem>>, vector<16xf32>,
          tpu.vector_store %arg11[%parallel_loop3A_214, %parallel_loop3A_215], %parallel_loop3A_210 {strides = array<i32>} : memref<64x128xf32, #tpu.memory_space<vmem>>, vector<16xf32>,
        } {sc.loop_unroll_factor = 2 : i64, sc.parallel_access}
        %dma_start3A_133 = arith.constant 0 : i32
        %dma_start3A_134 = tpu.memref_slice %arg8[%add3A_113, %dma_start3A_133] : memref<32x64xi32, #tpu.memory_space<vmem>> -> memref<1x64xi32, #tpu.memory_space<vmem>>
        %dma_start3A_135 = tpu.memref_squeeze %dma_start3A_134 : memref<1x64xi32, #tpu.memory_space<vmem>> -> memref<64xi32, #tpu.memory_space<vmem>>
        %dma_start3A_136 = arith.constant 0 : i32
        %dma_start3A_137 = arith.constant 0 : i32
        %dma_start3A_138 = tpu.memref_slice %arg13[%dma_start3A_136, %dma_start3A_137] : memref<10112x128xf32, #tpu.memory_space<vmem_shared>> -> memref<10112x128xf32, #tpu.memory_space<vmem_shared>>
        tpu.enqueue_indirect_dma source(%arg11 : memref<64x128xf32, #tpu.memory_space<vmem>>) target(%dma_start3A_138 : memref<10112x128xf32, #tpu.memory_space<vmem_shared>>) offsets(%dma_start3A_135 : memref<64xi32, #tpu.memory_space<vmem>>) semaphore(%arg16 : memref<!tpu.dma_semaphore, #tpu.memory_space<semaphore_mem>>) {add = true}
        %not3A_139 = arith.constant true
        %not3A_140 = arith.xori %and3A_109, %not3A_139 : i1
        %convert_element_type3A_141 = arith.extui %not3A_140 : i1 to i32
        %cond3A_142 = arith.constant 0 : i32
        %cond3A_143 = arith.cmpi ne, %convert_element_type3A_141, %cond3A_142 : i32
        scf.if %cond3A_143 {
          %dma_wait3A_160 = arith.constant 0 : i32
          %dma_wait3A_161 = arith.constant 0 : i32
          %dma_wait3A_162 = tpu.memref_slice %arg8[%dma_wait3A_160, %dma_wait3A_161] : memref<32x64xi32, #tpu.memory_space<vmem>> -> memref<1x64xi32, #tpu.memory_space<vmem>>
          %dma_wait3A_163 = tpu.memref_squeeze %dma_wait3A_162 : memref<1x64xi32, #tpu.memory_space<vmem>> -> memref<64xi32, #tpu.memory_space<vmem>>
          %dma_wait3A_164 = arith.constant 0 : i32
          %dma_wait3A_165 = arith.constant 0 : i32
          %dma_wait3A_166 = tpu.memref_slice %arg13[%dma_wait3A_164, %dma_wait3A_165] : memref<10112x128xf32, #tpu.memory_space<vmem_shared>> -> memref<10112x128xf32, #tpu.memory_space<vmem_shared>>
          tpu.wait_indirect_dma semaphore(%arg17 : memref<!tpu.dma_semaphore, #tpu.memory_space<semaphore_mem>>) src(%arg12 : memref<64x128xf32, #tpu.memory_space<vmem>>) dst(%dma_wait3A_166 : memref<10112x128xf32, #tpu.memory_space<vmem_shared>>)
        } else {
        }
        %parallel_loop3A_144 = arith.constant 0 : i32
        %parallel_loop3A_145 = arith.constant 64 : i32
        %parallel_loop3A_146 = arith.constant 1 : i32
        scf.for %parallel_loop3A_160 = %parallel_loop3A_144 to %parallel_loop3A_145 step %parallel_loop3A_146  : i32 {
          %parallel_loop3A_161 = arith.constant 64 : i32
          %parallel_loop3A_162 = arith.addi %parallel_loop3A_161, %parallel_loop3A_160 : i32
          %parallel_loop3A_163 = arith.index_cast %parallel_loop3A_162 : i32 to index
          %parallel_loop3A_164 = arith.constant 0 : index
          %parallel_loop3A_165 = tpu.vector_load %arg10[%parallel_loop3A_163, %parallel_loop3A_164] {strides = array<i32>} : memref<128x64xi32, #tpu.memory_space<vmem>>, vector<16xi32>,
          %parallel_loop3A_166 = vector.bitcast %parallel_loop3A_165 : vector<16xi32> to vector<32xbf16>
          %parallel_loop3A_167 = tpu.unpack_subelements %parallel_loop3A_166, 0 {pack_format = #tpu.pack_format<interleaved>} : vector<32xbf16> -> vector<16xf32>
          %parallel_loop3A_168 = tpu.unpack_subelements %parallel_loop3A_166, 1 {pack_format = #tpu.pack_format<interleaved>} : vector<32xbf16> -> vector<16xf32>
          %parallel_loop3A_169 = arith.index_cast %parallel_loop3A_160 : i32 to index
          %parallel_loop3A_170 = arith.constant 0 : index
          %parallel_loop3A_171 = tpu.vector_load %arg12[%parallel_loop3A_169, %parallel_loop3A_170] {strides = array<i32>} : memref<64x128xf32, #tpu.memory_space<vmem>>, vector<16xf32>,
          tpu.vector_store %arg12[%parallel_loop3A_169, %parallel_loop3A_170], %parallel_loop3A_167 {strides = array<i32>} : memref<64x128xf32, #tpu.memory_space<vmem>>, vector<16xf32>,
          %parallel_loop3A_172 = arith.index_cast %parallel_loop3A_160 : i32 to index
          %parallel_loop3A_173 = arith.constant 64 : index
          %parallel_loop3A_174 = tpu.vector_load %arg12[%parallel_loop3A_172, %parallel_loop3A_173] {strides = array<i32>} : memref<64x128xf32, #tpu.memory_space<vmem>>, vector<16xf32>,
          tpu.vector_store %arg12[%parallel_loop3A_172, %parallel_loop3A_173], %parallel_loop3A_168 {strides = array<i32>} : memref<64x128xf32, #tpu.memory_space<vmem>>, vector<16xf32>,
          %parallel_loop3A_175 = arith.constant 64 : i32
          %parallel_loop3A_176 = arith.addi %parallel_loop3A_175, %parallel_loop3A_160 : i32
          %parallel_loop3A_177 = arith.index_cast %parallel_loop3A_176 : i32 to index
          %parallel_loop3A_178 = arith.constant 16 : index
          %parallel_loop3A_179 = tpu.vector_load %arg10[%parallel_loop3A_177, %parallel_loop3A_178] {strides = array<i32>} : memref<128x64xi32, #tpu.memory_space<vmem>>, vector<16xi32>,
          %parallel_loop3A_180 = vector.bitcast %parallel_loop3A_179 : vector<16xi32> to vector<32xbf16>
          %parallel_loop3A_181 = tpu.unpack_subelements %parallel_loop3A_180, 0 {pack_format = #tpu.pack_format<interleaved>} : vector<32xbf16> -> vector<16xf32>
          %parallel_loop3A_182 = tpu.unpack_subelements %parallel_loop3A_180, 1 {pack_format = #tpu.pack_format<interleaved>} : vector<32xbf16> -> vector<16xf32>
          %parallel_loop3A_183 = arith.index_cast %parallel_loop3A_160 : i32 to index
          %parallel_loop3A_184 = arith.constant 16 : index
          %parallel_loop3A_185 = tpu.vector_load %arg12[%parallel_loop3A_183, %parallel_loop3A_184] {strides = array<i32>} : memref<64x128xf32, #tpu.memory_space<vmem>>, vector<16xf32>,
          tpu.vector_store %arg12[%parallel_loop3A_183, %parallel_loop3A_184], %parallel_loop3A_181 {strides = array<i32>} : memref<64x128xf32, #tpu.memory_space<vmem>>, vector<16xf32>,
          %parallel_loop3A_186 = arith.index_cast %parallel_loop3A_160 : i32 to index
          %parallel_loop3A_187 = arith.constant 80 : index
          %parallel_loop3A_188 = tpu.vector_load %arg12[%parallel_loop3A_186, %parallel_loop3A_187] {strides = array<i32>} : memref<64x128xf32, #tpu.memory_space<vmem>>, vector<16xf32>,
          tpu.vector_store %arg12[%parallel_loop3A_186, %parallel_loop3A_187], %parallel_loop3A_182 {strides = array<i32>} : memref<64x128xf32, #tpu.memory_space<vmem>>, vector<16xf32>,
          %parallel_loop3A_189 = arith.constant 64 : i32
          %parallel_loop3A_190 = arith.addi %parallel_loop3A_189, %parallel_loop3A_160 : i32
          %parallel_loop3A_191 = arith.index_cast %parallel_loop3A_190 : i32 to index
          %parallel_loop3A_192 = arith.constant 32 : index
          %parallel_loop3A_193 = tpu.vector_load %arg10[%parallel_loop3A_191, %parallel_loop3A_192] {strides = array<i32>} : memref<128x64xi32, #tpu.memory_space<vmem>>, vector<16xi32>,
          %parallel_loop3A_194 = vector.bitcast %parallel_loop3A_193 : vector<16xi32> to vector<32xbf16>
          %parallel_loop3A_195 = tpu.unpack_subelements %parallel_loop3A_194, 0 {pack_format = #tpu.pack_format<interleaved>} : vector<32xbf16> -> vector<16xf32>
          %parallel_loop3A_196 = tpu.unpack_subelements %parallel_loop3A_194, 1 {pack_format = #tpu.pack_format<interleaved>} : vector<32xbf16> -> vector<16xf32>
          %parallel_loop3A_197 = arith.index_cast %parallel_loop3A_160 : i32 to index
          %parallel_loop3A_198 = arith.constant 32 : index
          %parallel_loop3A_199 = tpu.vector_load %arg12[%parallel_loop3A_197, %parallel_loop3A_198] {strides = array<i32>} : memref<64x128xf32, #tpu.memory_space<vmem>>, vector<16xf32>,
          tpu.vector_store %arg12[%parallel_loop3A_197, %parallel_loop3A_198], %parallel_loop3A_195 {strides = array<i32>} : memref<64x128xf32, #tpu.memory_space<vmem>>, vector<16xf32>,
          %parallel_loop3A_200 = arith.index_cast %parallel_loop3A_160 : i32 to index
          %parallel_loop3A_201 = arith.constant 96 : index
          %parallel_loop3A_202 = tpu.vector_load %arg12[%parallel_loop3A_200, %parallel_loop3A_201] {strides = array<i32>} : memref<64x128xf32, #tpu.memory_space<vmem>>, vector<16xf32>,
          tpu.vector_store %arg12[%parallel_loop3A_200, %parallel_loop3A_201], %parallel_loop3A_196 {strides = array<i32>} : memref<64x128xf32, #tpu.memory_space<vmem>>, vector<16xf32>,
          %parallel_loop3A_203 = arith.constant 64 : i32
          %parallel_loop3A_204 = arith.addi %parallel_loop3A_203, %parallel_loop3A_160 : i32
          %parallel_loop3A_205 = arith.index_cast %parallel_loop3A_204 : i32 to index
          %parallel_loop3A_206 = arith.constant 48 : index
          %parallel_loop3A_207 = tpu.vector_load %arg10[%parallel_loop3A_205, %parallel_loop3A_206] {strides = array<i32>} : memref<128x64xi32, #tpu.memory_space<vmem>>, vector<16xi32>,
          %parallel_loop3A_208 = vector.bitcast %parallel_loop3A_207 : vector<16xi32> to vector<32xbf16>
          %parallel_loop3A_209 = tpu.unpack_subelements %parallel_loop3A_208, 0 {pack_format = #tpu.pack_format<interleaved>} : vector<32xbf16> -> vector<16xf32>
          %parallel_loop3A_210 = tpu.unpack_subelements %parallel_loop3A_208, 1 {pack_format = #tpu.pack_format<interleaved>} : vector<32xbf16> -> vector<16xf32>
          %parallel_loop3A_211 = arith.index_cast %parallel_loop3A_160 : i32 to index
          %parallel_loop3A_212 = arith.constant 48 : index
          %parallel_loop3A_213 = tpu.vector_load %arg12[%parallel_loop3A_211, %parallel_loop3A_212] {strides = array<i32>} : memref<64x128xf32, #tpu.memory_space<vmem>>, vector<16xf32>,
          tpu.vector_store %arg12[%parallel_loop3A_211, %parallel_loop3A_212], %parallel_loop3A_209 {strides = array<i32>} : memref<64x128xf32, #tpu.memory_space<vmem>>, vector<16xf32>,
          %parallel_loop3A_214 = arith.index_cast %parallel_loop3A_160 : i32 to index
          %parallel_loop3A_215 = arith.constant 112 : index
          %parallel_loop3A_216 = tpu.vector_load %arg12[%parallel_loop3A_214, %parallel_loop3A_215] {strides = array<i32>} : memref<64x128xf32, #tpu.memory_space<vmem>>, vector<16xf32>,
          tpu.vector_store %arg12[%parallel_loop3A_214, %parallel_loop3A_215], %parallel_loop3A_210 {strides = array<i32>} : memref<64x128xf32, #tpu.memory_space<vmem>>, vector<16xf32>,
        } {sc.loop_unroll_factor = 2 : i64, sc.parallel_access}
        %add3A_147 = arith.constant 3 : i32
        %add3A_148 = arith.addi %add3A_61, %add3A_147 : i32
        %lt3A_149 = arith.constant 16 : i32
        %lt3A_150 = arith.cmpi slt, %add3A_148, %lt3A_149 : i32
        %convert_element_type3A_151 = arith.extui %lt3A_150 : i1 to i32
        %cond3A_152 = arith.constant 0 : i32
        %cond3A_153 = arith.cmpi ne, %convert_element_type3A_151, %cond3A_152 : i32
        scf.if %cond3A_153 {
          %add3A_160 = arith.constant 3 : i32
          %add3A_161 = arith.addi %add3A_61, %add3A_160 : i32
          %dma_start3A_162 = arith.constant 0 : i32
          %dma_start3A_163 = tpu.memref_slice %arg7[%add3A_161, %dma_start3A_162] : memref<16x128xi32, #tpu.memory_space<vmem>> -> memref<1x128xi32, #tpu.memory_space<vmem>>
          %dma_start3A_164 = tpu.memref_squeeze %dma_start3A_163 : memref<1x128xi32, #tpu.memory_space<vmem>> -> memref<128xi32, #tpu.memory_space<vmem>>
          %dma_start3A_165 = arith.constant 0 : i32
          %dma_start3A_166 = arith.constant 0 : i32
          %dma_start3A_167 = tpu.memref_slice %arg2[%dma_start3A_165, %dma_start3A_166] : memref<10000x64xi32, #tpu.memory_space<hbm>> -> memref<10000x64xi32, #tpu.memory_space<hbm>>
          tpu.enqueue_indirect_dma source(%dma_start3A_167 : memref<10000x64xi32, #tpu.memory_space<hbm>>) target(%arg10 : memref<128x64xi32, #tpu.memory_space<vmem>>) offsets(%dma_start3A_164 : memref<128xi32, #tpu.memory_space<vmem>>) semaphore(%arg15 : memref<!tpu.dma_semaphore, #tpu.memory_space<semaphore_mem>>)
        } else {
        }
        %dma_start3A_154 = arith.constant 0 : i32
        %dma_start3A_155 = tpu.memref_slice %arg8[%add3A_117, %dma_start3A_154] : memref<32x64xi32, #tpu.memory_space<vmem>> -> memref<1x64xi32, #tpu.memory_space<vmem>>
        %dma_start3A_156 = tpu.memref_squeeze %dma_start3A_155 : memref<1x64xi32, #tpu.memory_space<vmem>> -> memref<64xi32, #tpu.memory_space<vmem>>
        %dma_start3A_157 = arith.constant 0 : i32
        %dma_start3A_158 = arith.constant 0 : i32
        %dma_start3A_159 = tpu.memref_slice %arg13[%dma_start3A_157, %dma_start3A_158] : memref<10112x128xf32, #tpu.memory_space<vmem_shared>> -> memref<10112x128xf32, #tpu.memory_space<vmem_shared>>
        tpu.enqueue_indirect_dma source(%arg12 : memref<64x128xf32, #tpu.memory_space<vmem>>) target(%dma_start3A_159 : memref<10112x128xf32, #tpu.memory_space<vmem_shared>>) offsets(%dma_start3A_156 : memref<64xi32, #tpu.memory_space<vmem>>) semaphore(%arg17 : memref<!tpu.dma_semaphore, #tpu.memory_space<semaphore_mem>>) {add = true}
      }
      %scan3A_56 = arith.constant 8 : i32
    }
    %scan3A_8 = arith.constant 5 : i32
    %dma_wait3A = arith.constant 0 : i32
    %dma_wait3A_9 = arith.constant 0 : i32
    %dma_wait3A_10 = tpu.memref_slice %arg8[%dma_wait3A, %dma_wait3A_9] : memref<32x64xi32, #tpu.memory_space<vmem>> -> memref<1x64xi32, #tpu.memory_space<vmem>>
    %dma_wait3A_11 = tpu.memref_squeeze %dma_wait3A_10 : memref<1x64xi32, #tpu.memory_space<vmem>> -> memref<64xi32, #tpu.memory_space<vmem>>
    %dma_wait3A_12 = arith.constant 0 : i32
    %dma_wait3A_13 = arith.constant 0 : i32
    %dma_wait3A_14 = tpu.memref_slice %arg13[%dma_wait3A_12, %dma_wait3A_13] : memref<10112x128xf32, #tpu.memory_space<vmem_shared>> -> memref<10112x128xf32, #tpu.memory_space<vmem_shared>>
    tpu.wait_indirect_dma semaphore(%arg16 : memref<!tpu.dma_semaphore, #tpu.memory_space<semaphore_mem>>) src(%arg11 : memref<64x128xf32, #tpu.memory_space<vmem>>) dst(%dma_wait3A_14 : memref<10112x128xf32, #tpu.memory_space<vmem_shared>>)
    %dma_wait3A_15 = arith.constant 0 : i32
    %dma_wait3A_16 = arith.constant 0 : i32
    %dma_wait3A_17 = tpu.memref_slice %arg8[%dma_wait3A_15, %dma_wait3A_16] : memref<32x64xi32, #tpu.memory_space<vmem>> -> memref<1x64xi32, #tpu.memory_space<vmem>>
    %dma_wait3A_18 = tpu.memref_squeeze %dma_wait3A_17 : memref<1x64xi32, #tpu.memory_space<vmem>> -> memref<64xi32, #tpu.memory_space<vmem>>
    %dma_wait3A_19 = arith.constant 0 : i32
    %dma_wait3A_20 = arith.constant 0 : i32
    %dma_wait3A_21 = tpu.memref_slice %arg13[%dma_wait3A_19, %dma_wait3A_20] : memref<10112x128xf32, #tpu.memory_space<vmem_shared>> -> memref<10112x128xf32, #tpu.memory_space<vmem_shared>>
    tpu.wait_indirect_dma semaphore(%arg17 : memref<!tpu.dma_semaphore, #tpu.memory_space<semaphore_mem>>) src(%arg12 : memref<64x128xf32, #tpu.memory_space<vmem>>) dst(%dma_wait3A_21 : memref<10112x128xf32, #tpu.memory_space<vmem_shared>>)
    %barrier3A_22 = arith.constant 0 : index
    tpu.barrier barrier_id(%barrier3A_22)
    %mul3A_23 = arith.constant 632 : i32
    %mul3A_24 = arith.muli %arg1, %mul3A_23 : i32
    %mul3A_25 = arith.constant 632 : i32
    %mul3A_26 = arith.muli %arg1, %mul3A_25 : i32
    "tpu.region"() ({
      %run_scoped3A = tpu.sem_alloc : memref<!tpu.dma_semaphore, #tpu.memory_space<semaphore_mem>>
      %dma_start3A = arith.constant 0 : i32
      %dma_start3A_27 = tpu.memref_slice %arg6[%arg0, %mul3A_26, %dma_start3A] : memref<2x10112x128xf32, #tpu.memory_space<hbm>> -> memref<1x632x128xf32, #tpu.memory_space<hbm>>
      %dma_start3A_28 = tpu.memref_squeeze %dma_start3A_27 : memref<1x632x128xf32, #tpu.memory_space<hbm>> -> memref<632x128xf32, #tpu.memory_space<hbm>>
      %dma_start3A_29 = arith.constant 0 : i32
      %dma_start3A_30 = tpu.memref_slice %arg13[%mul3A_24, %dma_start3A_29] : memref<10112x128xf32, #tpu.memory_space<vmem_shared>> -> memref<632x128xf32, #tpu.memory_space<vmem_shared>>
      tpu.enqueue_dma source(%dma_start3A_30 : memref<632x128xf32, #tpu.memory_space<vmem_shared>>) target(%dma_start3A_28 : memref<632x128xf32, #tpu.memory_space<hbm>>) target_semaphore(%run_scoped3A : memref<!tpu.dma_semaphore, #tpu.memory_space<semaphore_mem>>)
      %dma_wait3A_31 = arith.constant 0 : i32
      %dma_wait3A_32 = tpu.memref_slice %arg6[%arg0, %mul3A_26, %dma_wait3A_31] : memref<2x10112x128xf32, #tpu.memory_space<hbm>> -> memref<1x632x128xf32, #tpu.memory_space<hbm>>
      %dma_wait3A_33 = tpu.memref_squeeze %dma_wait3A_32 : memref<1x632x128xf32, #tpu.memory_space<hbm>> -> memref<632x128xf32, #tpu.memory_space<hbm>>
      %dma_wait3A_34 = arith.constant 0 : i32
      %dma_wait3A_35 = tpu.memref_slice %arg13[%mul3A_24, %dma_wait3A_34] : memref<10112x128xf32, #tpu.memory_space<vmem_shared>> -> memref<632x128xf32, #tpu.memory_space<vmem_shared>>
      tpu.wait_dma2 semaphore(%run_scoped3A : memref<!tpu.dma_semaphore, #tpu.memory_space<semaphore_mem>>) src(%dma_wait3A_35 : memref<632x128xf32, #tpu.memory_space<vmem_shared>>) dst(%dma_wait3A_33 : memref<632x128xf32, #tpu.memory_space<hbm>>)
      tpu.yield
    }) : () -> ()
    return
  }
}

#map = affine_map<(d0, d1) -> (0, 0)>
#map1 = affine_map<(d0, d1) -> (0, 0, 0)>
module attributes {stable_mosaic.version = 14 : i64} {
  func.func @body(%arg0: i32, %arg1: i32, %arg2: memref<10000x64xi32, #tpu.memory_space<hbm>>, %arg3: memref<2560x128xi32, #tpu.memory_space<hbm>>, %arg4: memref<5120x64xi32, #tpu.memory_space<hbm>>, %arg5: memref<10112x128xf32, #tpu.memory_space<hbm>>, %arg6: memref<2x10112x128xf32, #tpu.memory_space<hbm>>, %arg7: memref<16x128xi32, #tpu.memory_space<vmem>>, %arg8: memref<32x64xi32, #tpu.memory_space<vmem>>, %arg9: memref<128x64xi32, #tpu.memory_space<vmem>>, %arg10: memref<128x64xi32, #tpu.memory_space<vmem>>, %arg11: memref<64x128xf32, #tpu.memory_space<vmem>>, %arg12: memref<64x128xf32, #tpu.memory_space<vmem>>, %arg13: memref<10112x128xf32, #tpu.memory_space<vmem_shared>>, %arg14: memref<!tpu.dma_semaphore, #tpu.memory_space<semaphore_mem>>, %arg15: memref<!tpu.dma_semaphore, #tpu.memory_space<semaphore_mem>>, %arg16: memref<!tpu.dma_semaphore, #tpu.memory_space<semaphore_mem>>, %arg17: memref<!tpu.dma_semaphore, #tpu.memory_space<semaphore_mem>>) attributes {dimension_semantics = [#tpu.dimension_semantics<core_parallel>, #tpu.dimension_semantics<subcore_parallel>], iteration_bounds = array<i64: 2, 16>, scalar_prefetch = 0 : i64, scratch_operands = 11 : i64, tpu.core_type = #tpu.core_type<sc_vector_subcore>, window_params = [{transform_indices = #map}, {transform_indices = #map}, {transform_indices = #map}, {transform_indices = #map}, {transform_indices = #map1}]} {
    %mul3A = arith.constant 2 : i32
    %mul3A_0 = arith.muli %arg1, %mul3A : i32
    %add3A = arith.addi %mul3A_0, %arg0 : i32
    %mul3A_1 = arith.constant 632 : i32
    %mul3A_2 = arith.muli %arg1, %mul3A_1 : i32
    %mul3A_3 = arith.constant 632 : i32
    %mul3A_4 = arith.muli %arg1, %mul3A_3 : i32
    "tpu.region"() ({
      %run_scoped3A = tpu.sem_alloc : memref<!tpu.dma_semaphore, #tpu.memory_space<semaphore_mem>>
      %dma_start3A = arith.constant 0 : i32
      %dma_start3A_27 = tpu.memref_slice %arg13[%mul3A_4, %dma_start3A] : memref<10112x128xf32, #tpu.memory_space<vmem_shared>> -> memref<632x128xf32, #tpu.memory_space<vmem_shared>>
      %dma_start3A_28 = arith.constant 0 : i32
      %dma_start3A_29 = tpu.memref_slice %arg5[%mul3A_2, %dma_start3A_28] : memref<10112x128xf32, #tpu.memory_space<hbm>> -> memref<632x128xf32, #tpu.memory_space<hbm>>
      tpu.enqueue_dma source(%dma_start3A_29 : memref<632x128xf32, #tpu.memory_space<hbm>>) target(%dma_start3A_27 : memref<632x128xf32, #tpu.memory_space<vmem_shared>>) target_semaphore(%run_scoped3A : memref<!tpu.dma_semaphore, #tpu.memory_space<semaphore_mem>>)
      %dma_wait3A_30 = arith.constant 0 : i32
      %dma_wait3A_31 = tpu.memref_slice %arg13[%mul3A_4, %dma_wait3A_30] : memref<10112x128xf32, #tpu.memory_space<vmem_shared>> -> memref<632x128xf32, #tpu.memory_space<vmem_shared>>
      %dma_wait3A_32 = arith.constant 0 : i32
      %dma_wait3A_33 = tpu.memref_slice %arg5[%mul3A_2, %dma_wait3A_32] : memref<10112x128xf32, #tpu.memory_space<hbm>> -> memref<632x128xf32, #tpu.memory_space<hbm>>
      tpu.wait_dma2 semaphore(%run_scoped3A : memref<!tpu.dma_semaphore, #tpu.memory_space<semaphore_mem>>) src(%dma_wait3A_33 : memref<632x128xf32, #tpu.memory_space<hbm>>) dst(%dma_wait3A_31 : memref<632x128xf32, #tpu.memory_space<vmem_shared>>)
      tpu.yield
    }) : () -> ()
    %barrier3A = arith.constant 0 : index
    tpu.barrier barrier_id(%barrier3A)
    %scan3A = arith.constant 0 : i32
    %scan3A_5 = arith.constant 5 : i32
    %scan3A_6 = arith.addi %scan3A, %scan3A_5 : i32
    %scan3A_7 = arith.constant 1 : i32
    scf.for %scan3A_27 = %scan3A to %scan3A_6 step %scan3A_7  : i32 {
      %mul3A_28 = arith.constant 1 : i32
      %mul3A_29 = arith.muli %scan3A_27, %mul3A_28 : i32
      %add3A_30 = arith.constant 0 : i32
      %add3A_31 = arith.addi %add3A_30, %mul3A_29 : i32
      %mul3A_32 = arith.constant 80 : i32
      %mul3A_33 = arith.muli %add3A, %mul3A_32 : i32
      %mul3A_34 = arith.constant 16 : i32
      %mul3A_35 = arith.muli %add3A_31, %mul3A_34 : i32
      %add3A_36 = arith.addi %mul3A_33, %mul3A_35 : i32
      "tpu.region"() ({
        %run_scoped3A = tpu.sem_alloc : memref<!tpu.dma_semaphore, #tpu.memory_space<semaphore_mem>>
        %dma_start3A_57 = arith.constant 0 : i32
        %dma_start3A_58 = tpu.memref_slice %arg3[%add3A_36, %dma_start3A_57] : memref<2560x128xi32, #tpu.memory_space<hbm>> -> memref<16x128xi32, #tpu.memory_space<hbm>>
        %dma_start3A_59 = arith.constant 0 : i32
        %dma_start3A_60 = tpu.memref_slice %arg3[%add3A_36, %dma_start3A_59] : memref<2560x128xi32, #tpu.memory_space<hbm>> -> memref<16x128xi32, #tpu.memory_space<hbm>>
        tpu.enqueue_dma source(%dma_start3A_60 : memref<16x128xi32, #tpu.memory_space<hbm>>) target(%arg7 : memref<16x128xi32, #tpu.memory_space<vmem>>) target_semaphore(%run_scoped3A : memref<!tpu.dma_semaphore, #tpu.memory_space<semaphore_mem>>)
        %dma_wait3A_61 = arith.constant 0 : i32
        %dma_wait3A_62 = tpu.memref_slice %arg3[%add3A_36, %dma_wait3A_61] : memref<2560x128xi32, #tpu.memory_space<hbm>> -> memref<16x128xi32, #tpu.memory_space<hbm>>
        %dma_wait3A_63 = arith.constant 0 : i32
        %dma_wait3A_64 = tpu.memref_slice %arg3[%add3A_36, %dma_wait3A_63] : memref<2560x128xi32, #tpu.memory_space<hbm>> -> memref<16x128xi32, #tpu.memory_space<hbm>>
        tpu.wait_dma2 semaphore(%run_scoped3A : memref<!tpu.dma_semaphore, #tpu.memory_space<semaphore_mem>>) src(%dma_wait3A_64 : memref<16x128xi32, #tpu.memory_space<hbm>>) dst(%arg7 : memref<16x128xi32, #tpu.memory_space<vmem>>)
        tpu.yield
      }) : () -> ()
      %mul3A_37 = arith.constant 2 : i32
      %mul3A_38 = arith.muli %mul3A_37, %add3A_36 : i32
      "tpu.region"() ({
        %run_scoped3A = tpu.sem_alloc : memref<!tpu.dma_semaphore, #tpu.memory_space<semaphore_mem>>
        %dma_start3A_57 = arith.constant 0 : i32
        %dma_start3A_58 = tpu.memref_slice %arg4[%mul3A_38, %dma_start3A_57] : memref<5120x64xi32, #tpu.memory_space<hbm>> -> memref<32x64xi32, #tpu.memory_space<hbm>>
        %dma_start3A_59 = arith.constant 0 : i32
        %dma_start3A_60 = tpu.memref_slice %arg4[%mul3A_38, %dma_start3A_59] : memref<5120x64xi32, #tpu.memory_space<hbm>> -> memref<32x64xi32, #tpu.memory_space<hbm>>
        tpu.enqueue_dma source(%dma_start3A_60 : memref<32x64xi32, #tpu.memory_space<hbm>>) target(%arg8 : memref<32x64xi32, #tpu.memory_space<vmem>>) target_semaphore(%run_scoped3A : memref<!tpu.dma_semaphore, #tpu.memory_space<semaphore_mem>>)
        %dma_wait3A_61 = arith.constant 0 : i32
        %dma_wait3A_62 = tpu.memref_slice %arg4[%mul3A_38, %dma_wait3A_61] : memref<5120x64xi32, #tpu.memory_space<hbm>> -> memref<32x64xi32, #tpu.memory_space<hbm>>
        %dma_wait3A_63 = arith.constant 0 : i32
        %dma_wait3A_64 = tpu.memref_slice %arg4[%mul3A_38, %dma_wait3A_63] : memref<5120x64xi32, #tpu.memory_space<hbm>> -> memref<32x64xi32, #tpu.memory_space<hbm>>
        tpu.wait_dma2 semaphore(%run_scoped3A : memref<!tpu.dma_semaphore, #tpu.memory_space<semaphore_mem>>) src(%dma_wait3A_64 : memref<32x64xi32, #tpu.memory_space<hbm>>) dst(%arg8 : memref<32x64xi32, #tpu.memory_space<vmem>>)
        tpu.yield
      }) : () -> ()
      %dma_start3A = arith.constant 0 : i32
      %dma_start3A_39 = arith.constant 0 : i32
      %dma_start3A_40 = tpu.memref_slice %arg7[%dma_start3A, %dma_start3A_39] : memref<16x128xi32, #tpu.memory_space<vmem>> -> memref<1x128xi32, #tpu.memory_space<vmem>>
      %dma_start3A_41 = tpu.memref_squeeze %dma_start3A_40 : memref<1x128xi32, #tpu.memory_space<vmem>> -> memref<128xi32, #tpu.memory_space<vmem>>
      %dma_start3A_42 = arith.constant 0 : i32
      %dma_start3A_43 = arith.constant 0 : i32
      %dma_start3A_44 = tpu.memref_slice %arg2[%dma_start3A_42, %dma_start3A_43] : memref<10000x64xi32, #tpu.memory_space<hbm>> -> memref<10000x64xi32, #tpu.memory_space<hbm>>
      tpu.enqueue_indirect_dma source(%dma_start3A_44 : memref<10000x64xi32, #tpu.memory_space<hbm>>) target(%arg9 : memref<128x64xi32, #tpu.memory_space<vmem>>) offsets(%dma_start3A_41 : memref<128xi32, #tpu.memory_space<vmem>>) semaphore(%arg14 : memref<!tpu.dma_semaphore, #tpu.memory_space<semaphore_mem>>)
      %dma_start3A_45 = arith.constant 1 : i32
      %dma_start3A_46 = arith.constant 0 : i32
      %dma_start3A_47 = tpu.memref_slice %arg7[%dma_start3A_45, %dma_start3A_46] : memref<16x128xi32, #tpu.memory_space<vmem>> -> memref<1x128xi32, #tpu.memory_space<vmem>>
      %dma_start3A_48 = tpu.memref_squeeze %dma_start3A_47 : memref<1x128xi32, #tpu.memory_space<vmem>> -> memref<128xi32, #tpu.memory_space<vmem>>
      %dma_start3A_49 = arith.constant 0 : i32
      %dma_start3A_50 = arith.constant 0 : i32
      %dma_start3A_51 = tpu.memref_slice %arg2[%dma_start3A_49, %dma_start3A_50] : memref<10000x64xi32, #tpu.memory_space<hbm>> -> memref<10000x64xi32, #tpu.memory_space<hbm>>
      tpu.enqueue_indirect_dma source(%dma_start3A_51 : memref<10000x64xi32, #tpu.memory_space<hbm>>) target(%arg10 : memref<128x64xi32, #tpu.memory_space<vmem>>) offsets(%dma_start3A_48 : memref<128xi32, #tpu.memory_space<vmem>>) semaphore(%arg15 : memref<!tpu.dma_semaphore, #tpu.memory_space<semaphore_mem>>)
      %scan3A_52 = arith.constant 0 : i32
      %scan3A_53 = arith.constant 8 : i32
      %scan3A_54 = arith.addi %scan3A_52, %scan3A_53 : i32
      %scan3A_55 = arith.constant 1 : i32
      scf.for %scan3A_57 = %scan3A_52 to %scan3A_54 step %scan3A_55  : i32 {
        %mul3A_58 = arith.constant 2 : i32
        %mul3A_59 = arith.muli %scan3A_57, %mul3A_58 : i32
        %add3A_60 = arith.constant 0 : i32
        %add3A_61 = arith.addi %add3A_60, %mul3A_59 : i32
        %eq3A = arith.constant 0 : i32
        %eq3A_62 = arith.cmpi eq, %add3A_31, %eq3A : i32
        %eq3A_63 = arith.constant 0 : i32
        %eq3A_64 = arith.cmpi eq, %add3A_61, %eq3A_63 : i32
        %and3A = arith.andi %eq3A_62, %eq3A_64 : i1
        %mul3A_65 = arith.constant 2 : i32
        %mul3A_66 = arith.muli %mul3A_65, %add3A_61 : i32
        %mul3A_67 = arith.constant 2 : i32
        %mul3A_68 = arith.muli %mul3A_67, %add3A_61 : i32
        %add3A_69 = arith.constant 1 : i32
        %add3A_70 = arith.addi %mul3A_68, %add3A_69 : i32
        %dma_wait3A_71 = arith.constant 0 : i32
        %dma_wait3A_72 = arith.constant 0 : i32
        %dma_wait3A_73 = tpu.memref_slice %arg7[%dma_wait3A_71, %dma_wait3A_72] : memref<16x128xi32, #tpu.memory_space<vmem>> -> memref<1x128xi32, #tpu.memory_space<vmem>>
        %dma_wait3A_74 = tpu.memref_squeeze %dma_wait3A_73 : memref<1x128xi32, #tpu.memory_space<vmem>> -> memref<128xi32, #tpu.memory_space<vmem>>
        %dma_wait3A_75 = arith.constant 0 : i32
        %dma_wait3A_76 = arith.constant 0 : i32
        %dma_wait3A_77 = tpu.memref_slice %arg2[%dma_wait3A_75, %dma_wait3A_76] : memref<10000x64xi32, #tpu.memory_space<hbm>> -> memref<10000x64xi32, #tpu.memory_space<hbm>>
        tpu.wait_indirect_dma semaphore(%arg14 : memref<!tpu.dma_semaphore, #tpu.memory_space<semaphore_mem>>) src(%dma_wait3A_77 : memref<10000x64xi32, #tpu.memory_space<hbm>>) dst(%arg9 : memref<128x64xi32, #tpu.memory_space<vmem>>)
        %not3A = arith.constant true
        %not3A_78 = arith.xori %and3A, %not3A : i1
        %convert_element_type3A = arith.extui %not3A_78 : i1 to i32
        %cond3A = arith.constant 0 : i32
        %cond3A_79 = arith.cmpi ne, %convert_element_type3A, %cond3A : i32
        scf.if %cond3A_79 {
          %dma_wait3A_160 = arith.constant 0 : i32
          %dma_wait3A_161 = arith.constant 0 : i32
          %dma_wait3A_162 = tpu.memref_slice %arg8[%dma_wait3A_160, %dma_wait3A_161] : memref<32x64xi32, #tpu.memory_space<vmem>> -> memref<1x64xi32, #tpu.memory_space<vmem>>
          %dma_wait3A_163 = tpu.memref_squeeze %dma_wait3A_162 : memref<1x64xi32, #tpu.memory_space<vmem>> -> memref<64xi32, #tpu.memory_space<vmem>>
          %dma_wait3A_164 = arith.constant 0 : i32
          %dma_wait3A_165 = arith.constant 0 : i32
          %dma_wait3A_166 = tpu.memref_slice %arg13[%dma_wait3A_164, %dma_wait3A_165] : memref<10112x128xf32, #tpu.memory_space<vmem_shared>> -> memref<10112x128xf32, #tpu.memory_space<vmem_shared>>
          tpu.wait_indirect_dma semaphore(%arg16 : memref<!tpu.dma_semaphore, #tpu.memory_space<semaphore_mem>>) src(%arg11 : memref<64x128xf32, #tpu.memory_space<vmem>>) dst(%dma_wait3A_166 : memref<10112x128xf32, #tpu.memory_space<vmem_shared>>)
        } else {
        }
        %parallel_loop3A = arith.constant 0 : i32
        %parallel_loop3A_80 = arith.constant 64 : i32
        %parallel_loop3A_81 = arith.constant 1 : i32
        scf.for %parallel_loop3A_160 = %parallel_loop3A to %parallel_loop3A_80 step %parallel_loop3A_81  : i32 {
          %parallel_loop3A_161 = arith.constant 0 : i32
          %parallel_loop3A_162 = arith.addi %parallel_loop3A_161, %parallel_loop3A_160 : i32
          %parallel_loop3A_163 = arith.index_cast %parallel_loop3A_162 : i32 to index
          %parallel_loop3A_164 = arith.constant 0 : index
          %parallel_loop3A_165 = tpu.vector_load %arg9[%parallel_loop3A_163, %parallel_loop3A_164] {strides = array<i32>} : memref<128x64xi32, #tpu.memory_space<vmem>>, vector<16xi32>,
          %parallel_loop3A_166 = vector.bitcast %parallel_loop3A_165 : vector<16xi32> to vector<32xbf16>
          %parallel_loop3A_167 = tpu.unpack_subelements %parallel_loop3A_166, 0 {pack_format = #tpu.pack_format<interleaved>} : vector<32xbf16> -> vector<16xf32>
          %parallel_loop3A_168 = tpu.unpack_subelements %parallel_loop3A_166, 1 {pack_format = #tpu.pack_format<interleaved>} : vector<32xbf16> -> vector<16xf32>
          %parallel_loop3A_169 = arith.index_cast %parallel_loop3A_160 : i32 to index
          %parallel_loop3A_170 = arith.constant 0 : index
          %parallel_loop3A_171 = tpu.vector_load %arg11[%parallel_loop3A_169, %parallel_loop3A_170] {strides = array<i32>} : memref<64x128xf32, #tpu.memory_space<vmem>>, vector<16xf32>,
          tpu.vector_store %arg11[%parallel_loop3A_169, %parallel_loop3A_170], %parallel_loop3A_167 {strides = array<i32>} : memref<64x128xf32, #tpu.memory_space<vmem>>, vector<16xf32>,
          %parallel_loop3A_172 = arith.index_cast %parallel_loop3A_160 : i32 to index
          %parallel_loop3A_173 = arith.constant 64 : index
          %parallel_loop3A_174 = tpu.vector_load %arg11[%parallel_loop3A_172, %parallel_loop3A_173] {strides = array<i32>} : memref<64x128xf32, #tpu.memory_space<vmem>>, vector<16xf32>,
          tpu.vector_store %arg11[%parallel_loop3A_172, %parallel_loop3A_173], %parallel_loop3A_168 {strides = array<i32>} : memref<64x128xf32, #tpu.memory_space<vmem>>, vector<16xf32>,
          %parallel_loop3A_175 = arith.constant 0 : i32
          %parallel_loop3A_176 = arith.addi %parallel_loop3A_175, %parallel_loop3A_160 : i32
          %parallel_loop3A_177 = arith.index_cast %parallel_loop3A_176 : i32 to index
          %parallel_loop3A_178 = arith.constant 16 : index
          %parallel_loop3A_179 = tpu.vector_load %arg9[%parallel_loop3A_177, %parallel_loop3A_178] {strides = array<i32>} : memref<128x64xi32, #tpu.memory_space<vmem>>, vector<16xi32>,
          %parallel_loop3A_180 = vector.bitcast %parallel_loop3A_179 : vector<16xi32> to vector<32xbf16>
          %parallel_loop3A_181 = tpu.unpack_subelements %parallel_loop3A_180, 0 {pack_format = #tpu.pack_format<interleaved>} : vector<32xbf16> -> vector<16xf32>
          %parallel_loop3A_182 = tpu.unpack_subelements %parallel_loop3A_180, 1 {pack_format = #tpu.pack_format<interleaved>} : vector<32xbf16> -> vector<16xf32>
          %parallel_loop3A_183 = arith.index_cast %parallel_loop3A_160 : i32 to index
          %parallel_loop3A_184 = arith.constant 16 : index
          %parallel_loop3A_185 = tpu.vector_load %arg11[%parallel_loop3A_183, %parallel_loop3A_184] {strides = array<i32>} : memref<64x128xf32, #tpu.memory_space<vmem>>, vector<16xf32>,
          tpu.vector_store %arg11[%parallel_loop3A_183, %parallel_loop3A_184], %parallel_loop3A_181 {strides = array<i32>} : memref<64x128xf32, #tpu.memory_space<vmem>>, vector<16xf32>,
          %parallel_loop3A_186 = arith.index_cast %parallel_loop3A_160 : i32 to index
          %parallel_loop3A_187 = arith.constant 80 : index
          %parallel_loop3A_188 = tpu.vector_load %arg11[%parallel_loop3A_186, %parallel_loop3A_187] {strides = array<i32>} : memref<64x128xf32, #tpu.memory_space<vmem>>, vector<16xf32>,
          tpu.vector_store %arg11[%parallel_loop3A_186, %parallel_loop3A_187], %parallel_loop3A_182 {strides = array<i32>} : memref<64x128xf32, #tpu.memory_space<vmem>>, vector<16xf32>,
          %parallel_loop3A_189 = arith.constant 0 : i32
          %parallel_loop3A_190 = arith.addi %parallel_loop3A_189, %parallel_loop3A_160 : i32
          %parallel_loop3A_191 = arith.index_cast %parallel_loop3A_190 : i32 to index
          %parallel_loop3A_192 = arith.constant 32 : index
          %parallel_loop3A_193 = tpu.vector_load %arg9[%parallel_loop3A_191, %parallel_loop3A_192] {strides = array<i32>} : memref<128x64xi32, #tpu.memory_space<vmem>>, vector<16xi32>,
          %parallel_loop3A_194 = vector.bitcast %parallel_loop3A_193 : vector<16xi32> to vector<32xbf16>
          %parallel_loop3A_195 = tpu.unpack_subelements %parallel_loop3A_194, 0 {pack_format = #tpu.pack_format<interleaved>} : vector<32xbf16> -> vector<16xf32>
          %parallel_loop3A_196 = tpu.unpack_subelements %parallel_loop3A_194, 1 {pack_format = #tpu.pack_format<interleaved>} : vector<32xbf16> -> vector<16xf32>
          %parallel_loop3A_197 = arith.index_cast %parallel_loop3A_160 : i32 to index
          %parallel_loop3A_198 = arith.constant 32 : index
          %parallel_loop3A_199 = tpu.vector_load %arg11[%parallel_loop3A_197, %parallel_loop3A_198] {strides = array<i32>} : memref<64x128xf32, #tpu.memory_space<vmem>>, vector<16xf32>,
          tpu.vector_store %arg11[%parallel_loop3A_197, %parallel_loop3A_198], %parallel_loop3A_195 {strides = array<i32>} : memref<64x128xf32, #tpu.memory_space<vmem>>, vector<16xf32>,
          %parallel_loop3A_200 = arith.index_cast %parallel_loop3A_160 : i32 to index
          %parallel_loop3A_201 = arith.constant 96 : index
          %parallel_loop3A_202 = tpu.vector_load %arg11[%parallel_loop3A_200, %parallel_loop3A_201] {strides = array<i32>} : memref<64x128xf32, #tpu.memory_space<vmem>>, vector<16xf32>,
          tpu.vector_store %arg11[%parallel_loop3A_200, %parallel_loop3A_201], %parallel_loop3A_196 {strides = array<i32>} : memref<64x128xf32, #tpu.memory_space<vmem>>, vector<16xf32>,
          %parallel_loop3A_203 = arith.constant 0 : i32
          %parallel_loop3A_204 = arith.addi %parallel_loop3A_203, %parallel_loop3A_160 : i32
          %parallel_loop3A_205 = arith.index_cast %parallel_loop3A_204 : i32 to index
          %parallel_loop3A_206 = arith.constant 48 : index
          %parallel_loop3A_207 = tpu.vector_load %arg9[%parallel_loop3A_205, %parallel_loop3A_206] {strides = array<i32>} : memref<128x64xi32, #tpu.memory_space<vmem>>, vector<16xi32>,
          %parallel_loop3A_208 = vector.bitcast %parallel_loop3A_207 : vector<16xi32> to vector<32xbf16>
          %parallel_loop3A_209 = tpu.unpack_subelements %parallel_loop3A_208, 0 {pack_format = #tpu.pack_format<interleaved>} : vector<32xbf16> -> vector<16xf32>
          %parallel_loop3A_210 = tpu.unpack_subelements %parallel_loop3A_208, 1 {pack_format = #tpu.pack_format<interleaved>} : vector<32xbf16> -> vector<16xf32>
          %parallel_loop3A_211 = arith.index_cast %parallel_loop3A_160 : i32 to index
          %parallel_loop3A_212 = arith.constant 48 : index
          %parallel_loop3A_213 = tpu.vector_load %arg11[%parallel_loop3A_211, %parallel_loop3A_212] {strides = array<i32>} : memref<64x128xf32, #tpu.memory_space<vmem>>, vector<16xf32>,
          tpu.vector_store %arg11[%parallel_loop3A_211, %parallel_loop3A_212], %parallel_loop3A_209 {strides = array<i32>} : memref<64x128xf32, #tpu.memory_space<vmem>>, vector<16xf32>,
          %parallel_loop3A_214 = arith.index_cast %parallel_loop3A_160 : i32 to index
          %parallel_loop3A_215 = arith.constant 112 : index
          %parallel_loop3A_216 = tpu.vector_load %arg11[%parallel_loop3A_214, %parallel_loop3A_215] {strides = array<i32>} : memref<64x128xf32, #tpu.memory_space<vmem>>, vector<16xf32>,
          tpu.vector_store %arg11[%parallel_loop3A_214, %parallel_loop3A_215], %parallel_loop3A_210 {strides = array<i32>} : memref<64x128xf32, #tpu.memory_space<vmem>>, vector<16xf32>,
        } {sc.loop_unroll_factor = 2 : i64, sc.parallel_access}
        %dma_start3A_82 = arith.constant 0 : i32
        %dma_start3A_83 = tpu.memref_slice %arg8[%mul3A_66, %dma_start3A_82] : memref<32x64xi32, #tpu.memory_space<vmem>> -> memref<1x64xi32, #tpu.memory_space<vmem>>
        %dma_start3A_84 = tpu.memref_squeeze %dma_start3A_83 : memref<1x64xi32, #tpu.memory_space<vmem>> -> memref<64xi32, #tpu.memory_space<vmem>>
        %dma_start3A_85 = arith.constant 0 : i32
        %dma_start3A_86 = arith.constant 0 : i32
        %dma_start3A_87 = tpu.memref_slice %arg13[%dma_start3A_85, %dma_start3A_86] : memref<10112x128xf32, #tpu.memory_space<vmem_shared>> -> memref<10112x128xf32, #tpu.memory_space<vmem_shared>>
        tpu.enqueue_indirect_dma source(%arg11 : memref<64x128xf32, #tpu.memory_space<vmem>>) target(%dma_start3A_87 : memref<10112x128xf32, #tpu.memory_space<vmem_shared>>) offsets(%dma_start3A_84 : memref<64xi32, #tpu.memory_space<vmem>>) semaphore(%arg16 : memref<!tpu.dma_semaphore, #tpu.memory_space<semaphore_mem>>) {add = true}
        %not3A_88 = arith.constant true
        %not3A_89 = arith.xori %and3A, %not3A_88 : i1
        %convert_element_type3A_90 = arith.extui %not3A_89 : i1 to i32
        %cond3A_91 = arith.constant 0 : i32
        %cond3A_92 = arith.cmpi ne, %convert_element_type3A_90, %cond3A_91 : i32
        scf.if %cond3A_92 {
          %dma_wait3A_160 = arith.constant 0 : i32
          %dma_wait3A_161 = arith.constant 0 : i32
          %dma_wait3A_162 = tpu.memref_slice %arg8[%dma_wait3A_160, %dma_wait3A_161] : memref<32x64xi32, #tpu.memory_space<vmem>> -> memref<1x64xi32, #tpu.memory_space<vmem>>
          %dma_wait3A_163 = tpu.memref_squeeze %dma_wait3A_162 : memref<1x64xi32, #tpu.memory_space<vmem>> -> memref<64xi32, #tpu.memory_space<vmem>>
          %dma_wait3A_164 = arith.constant 0 : i32
          %dma_wait3A_165 = arith.constant 0 : i32
          %dma_wait3A_166 = tpu.memref_slice %arg13[%dma_wait3A_164, %dma_wait3A_165] : memref<10112x128xf32, #tpu.memory_space<vmem_shared>> -> memref<10112x128xf32, #tpu.memory_space<vmem_shared>>
          tpu.wait_indirect_dma semaphore(%arg17 : memref<!tpu.dma_semaphore, #tpu.memory_space<semaphore_mem>>) src(%arg12 : memref<64x128xf32, #tpu.memory_space<vmem>>) dst(%dma_wait3A_166 : memref<10112x128xf32, #tpu.memory_space<vmem_shared>>)
        } else {
        }
        %parallel_loop3A_93 = arith.constant 0 : i32
        %parallel_loop3A_94 = arith.constant 64 : i32
        %parallel_loop3A_95 = arith.constant 1 : i32
        scf.for %parallel_loop3A_160 = %parallel_loop3A_93 to %parallel_loop3A_94 step %parallel_loop3A_95  : i32 {
          %parallel_loop3A_161 = arith.constant 64 : i32
          %parallel_loop3A_162 = arith.addi %parallel_loop3A_161, %parallel_loop3A_160 : i32
          %parallel_loop3A_163 = arith.index_cast %parallel_loop3A_162 : i32 to index
          %parallel_loop3A_164 = arith.constant 0 : index
          %parallel_loop3A_165 = tpu.vector_load %arg9[%parallel_loop3A_163, %parallel_loop3A_164] {strides = array<i32>} : memref<128x64xi32, #tpu.memory_space<vmem>>, vector<16xi32>,
          %parallel_loop3A_166 = vector.bitcast %parallel_loop3A_165 : vector<16xi32> to vector<32xbf16>
          %parallel_loop3A_167 = tpu.unpack_subelements %parallel_loop3A_166, 0 {pack_format = #tpu.pack_format<interleaved>} : vector<32xbf16> -> vector<16xf32>
          %parallel_loop3A_168 = tpu.unpack_subelements %parallel_loop3A_166, 1 {pack_format = #tpu.pack_format<interleaved>} : vector<32xbf16> -> vector<16xf32>
          %parallel_loop3A_169 = arith.index_cast %parallel_loop3A_160 : i32 to index
          %parallel_loop3A_170 = arith.constant 0 : index
          %parallel_loop3A_171 = tpu.vector_load %arg12[%parallel_loop3A_169, %parallel_loop3A_170] {strides = array<i32>} : memref<64x128xf32, #tpu.memory_space<vmem>>, vector<16xf32>,
          tpu.vector_store %arg12[%parallel_loop3A_169, %parallel_loop3A_170], %parallel_loop3A_167 {strides = array<i32>} : memref<64x128xf32, #tpu.memory_space<vmem>>, vector<16xf32>,
          %parallel_loop3A_172 = arith.index_cast %parallel_loop3A_160 : i32 to index
          %parallel_loop3A_173 = arith.constant 64 : index
          %parallel_loop3A_174 = tpu.vector_load %arg12[%parallel_loop3A_172, %parallel_loop3A_173] {strides = array<i32>} : memref<64x128xf32, #tpu.memory_space<vmem>>, vector<16xf32>,
          tpu.vector_store %arg12[%parallel_loop3A_172, %parallel_loop3A_173], %parallel_loop3A_168 {strides = array<i32>} : memref<64x128xf32, #tpu.memory_space<vmem>>, vector<16xf32>,
          %parallel_loop3A_175 = arith.constant 64 : i32
          %parallel_loop3A_176 = arith.addi %parallel_loop3A_175, %parallel_loop3A_160 : i32
          %parallel_loop3A_177 = arith.index_cast %parallel_loop3A_176 : i32 to index
          %parallel_loop3A_178 = arith.constant 16 : index
          %parallel_loop3A_179 = tpu.vector_load %arg9[%parallel_loop3A_177, %parallel_loop3A_178] {strides = array<i32>} : memref<128x64xi32, #tpu.memory_space<vmem>>, vector<16xi32>,
          %parallel_loop3A_180 = vector.bitcast %parallel_loop3A_179 : vector<16xi32> to vector<32xbf16>
          %parallel_loop3A_181 = tpu.unpack_subelements %parallel_loop3A_180, 0 {pack_format = #tpu.pack_format<interleaved>} : vector<32xbf16> -> vector<16xf32>
          %parallel_loop3A_182 = tpu.unpack_subelements %parallel_loop3A_180, 1 {pack_format = #tpu.pack_format<interleaved>} : vector<32xbf16> -> vector<16xf32>
          %parallel_loop3A_183 = arith.index_cast %parallel_loop3A_160 : i32 to index
          %parallel_loop3A_184 = arith.constant 16 : index
          %parallel_loop3A_185 = tpu.vector_load %arg12[%parallel_loop3A_183, %parallel_loop3A_184] {strides = array<i32>} : memref<64x128xf32, #tpu.memory_space<vmem>>, vector<16xf32>,
          tpu.vector_store %arg12[%parallel_loop3A_183, %parallel_loop3A_184], %parallel_loop3A_181 {strides = array<i32>} : memref<64x128xf32, #tpu.memory_space<vmem>>, vector<16xf32>,
          %parallel_loop3A_186 = arith.index_cast %parallel_loop3A_160 : i32 to index
          %parallel_loop3A_187 = arith.constant 80 : index
          %parallel_loop3A_188 = tpu.vector_load %arg12[%parallel_loop3A_186, %parallel_loop3A_187] {strides = array<i32>} : memref<64x128xf32, #tpu.memory_space<vmem>>, vector<16xf32>,
          tpu.vector_store %arg12[%parallel_loop3A_186, %parallel_loop3A_187], %parallel_loop3A_182 {strides = array<i32>} : memref<64x128xf32, #tpu.memory_space<vmem>>, vector<16xf32>,
          %parallel_loop3A_189 = arith.constant 64 : i32
          %parallel_loop3A_190 = arith.addi %parallel_loop3A_189, %parallel_loop3A_160 : i32
          %parallel_loop3A_191 = arith.index_cast %parallel_loop3A_190 : i32 to index
          %parallel_loop3A_192 = arith.constant 32 : index
          %parallel_loop3A_193 = tpu.vector_load %arg9[%parallel_loop3A_191, %parallel_loop3A_192] {strides = array<i32>} : memref<128x64xi32, #tpu.memory_space<vmem>>, vector<16xi32>,
          %parallel_loop3A_194 = vector.bitcast %parallel_loop3A_193 : vector<16xi32> to vector<32xbf16>
          %parallel_loop3A_195 = tpu.unpack_subelements %parallel_loop3A_194, 0 {pack_format = #tpu.pack_format<interleaved>} : vector<32xbf16> -> vector<16xf32>
          %parallel_loop3A_196 = tpu.unpack_subelements %parallel_loop3A_194, 1 {pack_format = #tpu.pack_format<interleaved>} : vector<32xbf16> -> vector<16xf32>
          %parallel_loop3A_197 = arith.index_cast %parallel_loop3A_160 : i32 to index
          %parallel_loop3A_198 = arith.constant 32 : index
          %parallel_loop3A_199 = tpu.vector_load %arg12[%parallel_loop3A_197, %parallel_loop3A_198] {strides = array<i32>} : memref<64x128xf32, #tpu.memory_space<vmem>>, vector<16xf32>,
          tpu.vector_store %arg12[%parallel_loop3A_197, %parallel_loop3A_198], %parallel_loop3A_195 {strides = array<i32>} : memref<64x128xf32, #tpu.memory_space<vmem>>, vector<16xf32>,
          %parallel_loop3A_200 = arith.index_cast %parallel_loop3A_160 : i32 to index
          %parallel_loop3A_201 = arith.constant 96 : index
          %parallel_loop3A_202 = tpu.vector_load %arg12[%parallel_loop3A_200, %parallel_loop3A_201] {strides = array<i32>} : memref<64x128xf32, #tpu.memory_space<vmem>>, vector<16xf32>,
          tpu.vector_store %arg12[%parallel_loop3A_200, %parallel_loop3A_201], %parallel_loop3A_196 {strides = array<i32>} : memref<64x128xf32, #tpu.memory_space<vmem>>, vector<16xf32>,
          %parallel_loop3A_203 = arith.constant 64 : i32
          %parallel_loop3A_204 = arith.addi %parallel_loop3A_203, %parallel_loop3A_160 : i32
          %parallel_loop3A_205 = arith.index_cast %parallel_loop3A_204 : i32 to index
          %parallel_loop3A_206 = arith.constant 48 : index
          %parallel_loop3A_207 = tpu.vector_load %arg9[%parallel_loop3A_205, %parallel_loop3A_206] {strides = array<i32>} : memref<128x64xi32, #tpu.memory_space<vmem>>, vector<16xi32>,
          %parallel_loop3A_208 = vector.bitcast %parallel_loop3A_207 : vector<16xi32> to vector<32xbf16>
          %parallel_loop3A_209 = tpu.unpack_subelements %parallel_loop3A_208, 0 {pack_format = #tpu.pack_format<interleaved>} : vector<32xbf16> -> vector<16xf32>
          %parallel_loop3A_210 = tpu.unpack_subelements %parallel_loop3A_208, 1 {pack_format = #tpu.pack_format<interleaved>} : vector<32xbf16> -> vector<16xf32>
          %parallel_loop3A_211 = arith.index_cast %parallel_loop3A_160 : i32 to index
          %parallel_loop3A_212 = arith.constant 48 : index
          %parallel_loop3A_213 = tpu.vector_load %arg12[%parallel_loop3A_211, %parallel_loop3A_212] {strides = array<i32>} : memref<64x128xf32, #tpu.memory_space<vmem>>, vector<16xf32>,
          tpu.vector_store %arg12[%parallel_loop3A_211, %parallel_loop3A_212], %parallel_loop3A_209 {strides = array<i32>} : memref<64x128xf32, #tpu.memory_space<vmem>>, vector<16xf32>,
          %parallel_loop3A_214 = arith.index_cast %parallel_loop3A_160 : i32 to index
          %parallel_loop3A_215 = arith.constant 112 : index
          %parallel_loop3A_216 = tpu.vector_load %arg12[%parallel_loop3A_214, %parallel_loop3A_215] {strides = array<i32>} : memref<64x128xf32, #tpu.memory_space<vmem>>, vector<16xf32>,
          tpu.vector_store %arg12[%parallel_loop3A_214, %parallel_loop3A_215], %parallel_loop3A_210 {strides = array<i32>} : memref<64x128xf32, #tpu.memory_space<vmem>>, vector<16xf32>,
        } {sc.loop_unroll_factor = 2 : i64, sc.parallel_access}
        %add3A_96 = arith.constant 2 : i32
        %add3A_97 = arith.addi %add3A_61, %add3A_96 : i32
        %lt3A = arith.constant 16 : i32
        %lt3A_98 = arith.cmpi slt, %add3A_97, %lt3A : i32
        %convert_element_type3A_99 = arith.extui %lt3A_98 : i1 to i32
        %cond3A_100 = arith.constant 0 : i32
        %cond3A_101 = arith.cmpi ne, %convert_element_type3A_99, %cond3A_100 : i32
        scf.if %cond3A_101 {
          %add3A_160 = arith.constant 2 : i32
          %add3A_161 = arith.addi %add3A_61, %add3A_160 : i32
          %dma_start3A_162 = arith.constant 0 : i32
          %dma_start3A_163 = tpu.memref_slice %arg7[%add3A_161, %dma_start3A_162] : memref<16x128xi32, #tpu.memory_space<vmem>> -> memref<1x128xi32, #tpu.memory_space<vmem>>
          %dma_start3A_164 = tpu.memref_squeeze %dma_start3A_163 : memref<1x128xi32, #tpu.memory_space<vmem>> -> memref<128xi32, #tpu.memory_space<vmem>>
          %dma_start3A_165 = arith.constant 0 : i32
          %dma_start3A_166 = arith.constant 0 : i32
          %dma_start3A_167 = tpu.memref_slice %arg2[%dma_start3A_165, %dma_start3A_166] : memref<10000x64xi32, #tpu.memory_space<hbm>> -> memref<10000x64xi32, #tpu.memory_space<hbm>>
          tpu.enqueue_indirect_dma source(%dma_start3A_167 : memref<10000x64xi32, #tpu.memory_space<hbm>>) target(%arg9 : memref<128x64xi32, #tpu.memory_space<vmem>>) offsets(%dma_start3A_164 : memref<128xi32, #tpu.memory_space<vmem>>) semaphore(%arg14 : memref<!tpu.dma_semaphore, #tpu.memory_space<semaphore_mem>>)
        } else {
        }
        %dma_start3A_102 = arith.constant 0 : i32
        %dma_start3A_103 = tpu.memref_slice %arg8[%add3A_70, %dma_start3A_102] : memref<32x64xi32, #tpu.memory_space<vmem>> -> memref<1x64xi32, #tpu.memory_space<vmem>>
        %dma_start3A_104 = tpu.memref_squeeze %dma_start3A_103 : memref<1x64xi32, #tpu.memory_space<vmem>> -> memref<64xi32, #tpu.memory_space<vmem>>
        %dma_start3A_105 = arith.constant 0 : i32
        %dma_start3A_106 = arith.constant 0 : i32
        %dma_start3A_107 = tpu.memref_slice %arg13[%dma_start3A_105, %dma_start3A_106] : memref<10112x128xf32, #tpu.memory_space<vmem_shared>> -> memref<10112x128xf32, #tpu.memory_space<vmem_shared>>
        tpu.enqueue_indirect_dma source(%arg12 : memref<64x128xf32, #tpu.memory_space<vmem>>) target(%dma_start3A_107 : memref<10112x128xf32, #tpu.memory_space<vmem_shared>>) offsets(%dma_start3A_104 : memref<64xi32, #tpu.memory_space<vmem>>) semaphore(%arg17 : memref<!tpu.dma_semaphore, #tpu.memory_space<semaphore_mem>>) {add = true}
        %and3A_108 = arith.constant false
        %and3A_109 = arith.andi %and3A, %and3A_108 : i1
        %mul3A_110 = arith.constant 2 : i32
        %mul3A_111 = arith.muli %mul3A_110, %add3A_61 : i32
        %add3A_112 = arith.constant 2 : i32
        %add3A_113 = arith.addi %mul3A_111, %add3A_112 : i32
        %mul3A_114 = arith.constant 2 : i32
        %mul3A_115 = arith.muli %mul3A_114, %add3A_61 : i32
        %add3A_116 = arith.constant 3 : i32
        %add3A_117 = arith.addi %mul3A_115, %add3A_116 : i32
        %dma_wait3A_118 = arith.constant 0 : i32
        %dma_wait3A_119 = arith.constant 0 : i32
        %dma_wait3A_120 = tpu.memref_slice %arg7[%dma_wait3A_118, %dma_wait3A_119] : memref<16x128xi32, #tpu.memory_space<vmem>> -> memref<1x128xi32, #tpu.memory_space<vmem>>
        %dma_wait3A_121 = tpu.memref_squeeze %dma_wait3A_120 : memref<1x128xi32, #tpu.memory_space<vmem>> -> memref<128xi32, #tpu.memory_space<vmem>>
        %dma_wait3A_122 = arith.constant 0 : i32
        %dma_wait3A_123 = arith.constant 0 : i32
        %dma_wait3A_124 = tpu.memref_slice %arg2[%dma_wait3A_122, %dma_wait3A_123] : memref<10000x64xi32, #tpu.memory_space<hbm>> -> memref<10000x64xi32, #tpu.memory_space<hbm>>
        tpu.wait_indirect_dma semaphore(%arg15 : memref<!tpu.dma_semaphore, #tpu.memory_space<semaphore_mem>>) src(%dma_wait3A_124 : memref<10000x64xi32, #tpu.memory_space<hbm>>) dst(%arg10 : memref<128x64xi32, #tpu.memory_space<vmem>>)
        %not3A_125 = arith.constant true
        %not3A_126 = arith.xori %and3A_109, %not3A_125 : i1
        %convert_element_type3A_127 = arith.extui %not3A_126 : i1 to i32
        %cond3A_128 = arith.constant 0 : i32
        %cond3A_129 = arith.cmpi ne, %convert_element_type3A_127, %cond3A_128 : i32
        scf.if %cond3A_129 {
          %dma_wait3A_160 = arith.constant 0 : i32
          %dma_wait3A_161 = arith.constant 0 : i32
          %dma_wait3A_162 = tpu.memref_slice %arg8[%dma_wait3A_160, %dma_wait3A_161] : memref<32x64xi32, #tpu.memory_space<vmem>> -> memref<1x64xi32, #tpu.memory_space<vmem>>
          %dma_wait3A_163 = tpu.memref_squeeze %dma_wait3A_162 : memref<1x64xi32, #tpu.memory_space<vmem>> -> memref<64xi32, #tpu.memory_space<vmem>>
          %dma_wait3A_164 = arith.constant 0 : i32
          %dma_wait3A_165 = arith.constant 0 : i32
          %dma_wait3A_166 = tpu.memref_slice %arg13[%dma_wait3A_164, %dma_wait3A_165] : memref<10112x128xf32, #tpu.memory_space<vmem_shared>> -> memref<10112x128xf32, #tpu.memory_space<vmem_shared>>
          tpu.wait_indirect_dma semaphore(%arg16 : memref<!tpu.dma_semaphore, #tpu.memory_space<semaphore_mem>>) src(%arg11 : memref<64x128xf32, #tpu.memory_space<vmem>>) dst(%dma_wait3A_166 : memref<10112x128xf32, #tpu.memory_space<vmem_shared>>)
        } else {
        }
        %parallel_loop3A_130 = arith.constant 0 : i32
        %parallel_loop3A_131 = arith.constant 64 : i32
        %parallel_loop3A_132 = arith.constant 1 : i32
        scf.for %parallel_loop3A_160 = %parallel_loop3A_130 to %parallel_loop3A_131 step %parallel_loop3A_132  : i32 {
          %parallel_loop3A_161 = arith.constant 0 : i32
          %parallel_loop3A_162 = arith.addi %parallel_loop3A_161, %parallel_loop3A_160 : i32
          %parallel_loop3A_163 = arith.index_cast %parallel_loop3A_162 : i32 to index
          %parallel_loop3A_164 = arith.constant 0 : index
          %parallel_loop3A_165 = tpu.vector_load %arg10[%parallel_loop3A_163, %parallel_loop3A_164] {strides = array<i32>} : memref<128x64xi32, #tpu.memory_space<vmem>>, vector<16xi32>,
          %parallel_loop3A_166 = vector.bitcast %parallel_loop3A_165 : vector<16xi32> to vector<32xbf16>
          %parallel_loop3A_167 = tpu.unpack_subelements %parallel_loop3A_166, 0 {pack_format = #tpu.pack_format<interleaved>} : vector<32xbf16> -> vector<16xf32>
          %parallel_loop3A_168 = tpu.unpack_subelements %parallel_loop3A_166, 1 {pack_format = #tpu.pack_format<interleaved>} : vector<32xbf16> -> vector<16xf32>
          %parallel_loop3A_169 = arith.index_cast %parallel_loop3A_160 : i32 to index
          %parallel_loop3A_170 = arith.constant 0 : index
          %parallel_loop3A_171 = tpu.vector_load %arg11[%parallel_loop3A_169, %parallel_loop3A_170] {strides = array<i32>} : memref<64x128xf32, #tpu.memory_space<vmem>>, vector<16xf32>,
          tpu.vector_store %arg11[%parallel_loop3A_169, %parallel_loop3A_170], %parallel_loop3A_167 {strides = array<i32>} : memref<64x128xf32, #tpu.memory_space<vmem>>, vector<16xf32>,
          %parallel_loop3A_172 = arith.index_cast %parallel_loop3A_160 : i32 to index
          %parallel_loop3A_173 = arith.constant 64 : index
          %parallel_loop3A_174 = tpu.vector_load %arg11[%parallel_loop3A_172, %parallel_loop3A_173] {strides = array<i32>} : memref<64x128xf32, #tpu.memory_space<vmem>>, vector<16xf32>,
          tpu.vector_store %arg11[%parallel_loop3A_172, %parallel_loop3A_173], %parallel_loop3A_168 {strides = array<i32>} : memref<64x128xf32, #tpu.memory_space<vmem>>, vector<16xf32>,
          %parallel_loop3A_175 = arith.constant 0 : i32
          %parallel_loop3A_176 = arith.addi %parallel_loop3A_175, %parallel_loop3A_160 : i32
          %parallel_loop3A_177 = arith.index_cast %parallel_loop3A_176 : i32 to index
          %parallel_loop3A_178 = arith.constant 16 : index
          %parallel_loop3A_179 = tpu.vector_load %arg10[%parallel_loop3A_177, %parallel_loop3A_178] {strides = array<i32>} : memref<128x64xi32, #tpu.memory_space<vmem>>, vector<16xi32>,
          %parallel_loop3A_180 = vector.bitcast %parallel_loop3A_179 : vector<16xi32> to vector<32xbf16>
          %parallel_loop3A_181 = tpu.unpack_subelements %parallel_loop3A_180, 0 {pack_format = #tpu.pack_format<interleaved>} : vector<32xbf16> -> vector<16xf32>
          %parallel_loop3A_182 = tpu.unpack_subelements %parallel_loop3A_180, 1 {pack_format = #tpu.pack_format<interleaved>} : vector<32xbf16> -> vector<16xf32>
          %parallel_loop3A_183 = arith.index_cast %parallel_loop3A_160 : i32 to index
          %parallel_loop3A_184 = arith.constant 16 : index
          %parallel_loop3A_185 = tpu.vector_load %arg11[%parallel_loop3A_183, %parallel_loop3A_184] {strides = array<i32>} : memref<64x128xf32, #tpu.memory_space<vmem>>, vector<16xf32>,
          tpu.vector_store %arg11[%parallel_loop3A_183, %parallel_loop3A_184], %parallel_loop3A_181 {strides = array<i32>} : memref<64x128xf32, #tpu.memory_space<vmem>>, vector<16xf32>,
          %parallel_loop3A_186 = arith.index_cast %parallel_loop3A_160 : i32 to index
          %parallel_loop3A_187 = arith.constant 80 : index
          %parallel_loop3A_188 = tpu.vector_load %arg11[%parallel_loop3A_186, %parallel_loop3A_187] {strides = array<i32>} : memref<64x128xf32, #tpu.memory_space<vmem>>, vector<16xf32>,
          tpu.vector_store %arg11[%parallel_loop3A_186, %parallel_loop3A_187], %parallel_loop3A_182 {strides = array<i32>} : memref<64x128xf32, #tpu.memory_space<vmem>>, vector<16xf32>,
          %parallel_loop3A_189 = arith.constant 0 : i32
          %parallel_loop3A_190 = arith.addi %parallel_loop3A_189, %parallel_loop3A_160 : i32
          %parallel_loop3A_191 = arith.index_cast %parallel_loop3A_190 : i32 to index
          %parallel_loop3A_192 = arith.constant 32 : index
          %parallel_loop3A_193 = tpu.vector_load %arg10[%parallel_loop3A_191, %parallel_loop3A_192] {strides = array<i32>} : memref<128x64xi32, #tpu.memory_space<vmem>>, vector<16xi32>,
          %parallel_loop3A_194 = vector.bitcast %parallel_loop3A_193 : vector<16xi32> to vector<32xbf16>
          %parallel_loop3A_195 = tpu.unpack_subelements %parallel_loop3A_194, 0 {pack_format = #tpu.pack_format<interleaved>} : vector<32xbf16> -> vector<16xf32>
          %parallel_loop3A_196 = tpu.unpack_subelements %parallel_loop3A_194, 1 {pack_format = #tpu.pack_format<interleaved>} : vector<32xbf16> -> vector<16xf32>
          %parallel_loop3A_197 = arith.index_cast %parallel_loop3A_160 : i32 to index
          %parallel_loop3A_198 = arith.constant 32 : index
          %parallel_loop3A_199 = tpu.vector_load %arg11[%parallel_loop3A_197, %parallel_loop3A_198] {strides = array<i32>} : memref<64x128xf32, #tpu.memory_space<vmem>>, vector<16xf32>,
          tpu.vector_store %arg11[%parallel_loop3A_197, %parallel_loop3A_198], %parallel_loop3A_195 {strides = array<i32>} : memref<64x128xf32, #tpu.memory_space<vmem>>, vector<16xf32>,
          %parallel_loop3A_200 = arith.index_cast %parallel_loop3A_160 : i32 to index
          %parallel_loop3A_201 = arith.constant 96 : index
          %parallel_loop3A_202 = tpu.vector_load %arg11[%parallel_loop3A_200, %parallel_loop3A_201] {strides = array<i32>} : memref<64x128xf32, #tpu.memory_space<vmem>>, vector<16xf32>,
          tpu.vector_store %arg11[%parallel_loop3A_200, %parallel_loop3A_201], %parallel_loop3A_196 {strides = array<i32>} : memref<64x128xf32, #tpu.memory_space<vmem>>, vector<16xf32>,
          %parallel_loop3A_203 = arith.constant 0 : i32
          %parallel_loop3A_204 = arith.addi %parallel_loop3A_203, %parallel_loop3A_160 : i32
          %parallel_loop3A_205 = arith.index_cast %parallel_loop3A_204 : i32 to index
          %parallel_loop3A_206 = arith.constant 48 : index
          %parallel_loop3A_207 = tpu.vector_load %arg10[%parallel_loop3A_205, %parallel_loop3A_206] {strides = array<i32>} : memref<128x64xi32, #tpu.memory_space<vmem>>, vector<16xi32>,
          %parallel_loop3A_208 = vector.bitcast %parallel_loop3A_207 : vector<16xi32> to vector<32xbf16>
          %parallel_loop3A_209 = tpu.unpack_subelements %parallel_loop3A_208, 0 {pack_format = #tpu.pack_format<interleaved>} : vector<32xbf16> -> vector<16xf32>
          %parallel_loop3A_210 = tpu.unpack_subelements %parallel_loop3A_208, 1 {pack_format = #tpu.pack_format<interleaved>} : vector<32xbf16> -> vector<16xf32>
          %parallel_loop3A_211 = arith.index_cast %parallel_loop3A_160 : i32 to index
          %parallel_loop3A_212 = arith.constant 48 : index
          %parallel_loop3A_213 = tpu.vector_load %arg11[%parallel_loop3A_211, %parallel_loop3A_212] {strides = array<i32>} : memref<64x128xf32, #tpu.memory_space<vmem>>, vector<16xf32>,
          tpu.vector_store %arg11[%parallel_loop3A_211, %parallel_loop3A_212], %parallel_loop3A_209 {strides = array<i32>} : memref<64x128xf32, #tpu.memory_space<vmem>>, vector<16xf32>,
          %parallel_loop3A_214 = arith.index_cast %parallel_loop3A_160 : i32 to index
          %parallel_loop3A_215 = arith.constant 112 : index
          %parallel_loop3A_216 = tpu.vector_load %arg11[%parallel_loop3A_214, %parallel_loop3A_215] {strides = array<i32>} : memref<64x128xf32, #tpu.memory_space<vmem>>, vector<16xf32>,
          tpu.vector_store %arg11[%parallel_loop3A_214, %parallel_loop3A_215], %parallel_loop3A_210 {strides = array<i32>} : memref<64x128xf32, #tpu.memory_space<vmem>>, vector<16xf32>,
        } {sc.loop_unroll_factor = 2 : i64, sc.parallel_access}
        %dma_start3A_133 = arith.constant 0 : i32
        %dma_start3A_134 = tpu.memref_slice %arg8[%add3A_113, %dma_start3A_133] : memref<32x64xi32, #tpu.memory_space<vmem>> -> memref<1x64xi32, #tpu.memory_space<vmem>>
        %dma_start3A_135 = tpu.memref_squeeze %dma_start3A_134 : memref<1x64xi32, #tpu.memory_space<vmem>> -> memref<64xi32, #tpu.memory_space<vmem>>
        %dma_start3A_136 = arith.constant 0 : i32
        %dma_start3A_137 = arith.constant 0 : i32
        %dma_start3A_138 = tpu.memref_slice %arg13[%dma_start3A_136, %dma_start3A_137] : memref<10112x128xf32, #tpu.memory_space<vmem_shared>> -> memref<10112x128xf32, #tpu.memory_space<vmem_shared>>
        tpu.enqueue_indirect_dma source(%arg11 : memref<64x128xf32, #tpu.memory_space<vmem>>) target(%dma_start3A_138 : memref<10112x128xf32, #tpu.memory_space<vmem_shared>>) offsets(%dma_start3A_135 : memref<64xi32, #tpu.memory_space<vmem>>) semaphore(%arg16 : memref<!tpu.dma_semaphore, #tpu.memory_space<semaphore_mem>>) {add = true}
        %not3A_139 = arith.constant true
        %not3A_140 = arith.xori %and3A_109, %not3A_139 : i1
        %convert_element_type3A_141 = arith.extui %not3A_140 : i1 to i32
        %cond3A_142 = arith.constant 0 : i32
        %cond3A_143 = arith.cmpi ne, %convert_element_type3A_141, %cond3A_142 : i32
        scf.if %cond3A_143 {
          %dma_wait3A_160 = arith.constant 0 : i32
          %dma_wait3A_161 = arith.constant 0 : i32
          %dma_wait3A_162 = tpu.memref_slice %arg8[%dma_wait3A_160, %dma_wait3A_161] : memref<32x64xi32, #tpu.memory_space<vmem>> -> memref<1x64xi32, #tpu.memory_space<vmem>>
          %dma_wait3A_163 = tpu.memref_squeeze %dma_wait3A_162 : memref<1x64xi32, #tpu.memory_space<vmem>> -> memref<64xi32, #tpu.memory_space<vmem>>
          %dma_wait3A_164 = arith.constant 0 : i32
          %dma_wait3A_165 = arith.constant 0 : i32
          %dma_wait3A_166 = tpu.memref_slice %arg13[%dma_wait3A_164, %dma_wait3A_165] : memref<10112x128xf32, #tpu.memory_space<vmem_shared>> -> memref<10112x128xf32, #tpu.memory_space<vmem_shared>>
          tpu.wait_indirect_dma semaphore(%arg17 : memref<!tpu.dma_semaphore, #tpu.memory_space<semaphore_mem>>) src(%arg12 : memref<64x128xf32, #tpu.memory_space<vmem>>) dst(%dma_wait3A_166 : memref<10112x128xf32, #tpu.memory_space<vmem_shared>>)
        } else {
        }
        %parallel_loop3A_144 = arith.constant 0 : i32
        %parallel_loop3A_145 = arith.constant 64 : i32
        %parallel_loop3A_146 = arith.constant 1 : i32
        scf.for %parallel_loop3A_160 = %parallel_loop3A_144 to %parallel_loop3A_145 step %parallel_loop3A_146  : i32 {
          %parallel_loop3A_161 = arith.constant 64 : i32
          %parallel_loop3A_162 = arith.addi %parallel_loop3A_161, %parallel_loop3A_160 : i32
          %parallel_loop3A_163 = arith.index_cast %parallel_loop3A_162 : i32 to index
          %parallel_loop3A_164 = arith.constant 0 : index
          %parallel_loop3A_165 = tpu.vector_load %arg10[%parallel_loop3A_163, %parallel_loop3A_164] {strides = array<i32>} : memref<128x64xi32, #tpu.memory_space<vmem>>, vector<16xi32>,
          %parallel_loop3A_166 = vector.bitcast %parallel_loop3A_165 : vector<16xi32> to vector<32xbf16>
          %parallel_loop3A_167 = tpu.unpack_subelements %parallel_loop3A_166, 0 {pack_format = #tpu.pack_format<interleaved>} : vector<32xbf16> -> vector<16xf32>
          %parallel_loop3A_168 = tpu.unpack_subelements %parallel_loop3A_166, 1 {pack_format = #tpu.pack_format<interleaved>} : vector<32xbf16> -> vector<16xf32>
          %parallel_loop3A_169 = arith.index_cast %parallel_loop3A_160 : i32 to index
          %parallel_loop3A_170 = arith.constant 0 : index
          %parallel_loop3A_171 = tpu.vector_load %arg12[%parallel_loop3A_169, %parallel_loop3A_170] {strides = array<i32>} : memref<64x128xf32, #tpu.memory_space<vmem>>, vector<16xf32>,
          tpu.vector_store %arg12[%parallel_loop3A_169, %parallel_loop3A_170], %parallel_loop3A_167 {strides = array<i32>} : memref<64x128xf32, #tpu.memory_space<vmem>>, vector<16xf32>,
          %parallel_loop3A_172 = arith.index_cast %parallel_loop3A_160 : i32 to index
          %parallel_loop3A_173 = arith.constant 64 : index
          %parallel_loop3A_174 = tpu.vector_load %arg12[%parallel_loop3A_172, %parallel_loop3A_173] {strides = array<i32>} : memref<64x128xf32, #tpu.memory_space<vmem>>, vector<16xf32>,
          tpu.vector_store %arg12[%parallel_loop3A_172, %parallel_loop3A_173], %parallel_loop3A_168 {strides = array<i32>} : memref<64x128xf32, #tpu.memory_space<vmem>>, vector<16xf32>,
          %parallel_loop3A_175 = arith.constant 64 : i32
          %parallel_loop3A_176 = arith.addi %parallel_loop3A_175, %parallel_loop3A_160 : i32
          %parallel_loop3A_177 = arith.index_cast %parallel_loop3A_176 : i32 to index
          %parallel_loop3A_178 = arith.constant 16 : index
          %parallel_loop3A_179 = tpu.vector_load %arg10[%parallel_loop3A_177, %parallel_loop3A_178] {strides = array<i32>} : memref<128x64xi32, #tpu.memory_space<vmem>>, vector<16xi32>,
          %parallel_loop3A_180 = vector.bitcast %parallel_loop3A_179 : vector<16xi32> to vector<32xbf16>
          %parallel_loop3A_181 = tpu.unpack_subelements %parallel_loop3A_180, 0 {pack_format = #tpu.pack_format<interleaved>} : vector<32xbf16> -> vector<16xf32>
          %parallel_loop3A_182 = tpu.unpack_subelements %parallel_loop3A_180, 1 {pack_format = #tpu.pack_format<interleaved>} : vector<32xbf16> -> vector<16xf32>
          %parallel_loop3A_183 = arith.index_cast %parallel_loop3A_160 : i32 to index
          %parallel_loop3A_184 = arith.constant 16 : index
          %parallel_loop3A_185 = tpu.vector_load %arg12[%parallel_loop3A_183, %parallel_loop3A_184] {strides = array<i32>} : memref<64x128xf32, #tpu.memory_space<vmem>>, vector<16xf32>,
          tpu.vector_store %arg12[%parallel_loop3A_183, %parallel_loop3A_184], %parallel_loop3A_181 {strides = array<i32>} : memref<64x128xf32, #tpu.memory_space<vmem>>, vector<16xf32>,
          %parallel_loop3A_186 = arith.index_cast %parallel_loop3A_160 : i32 to index
          %parallel_loop3A_187 = arith.constant 80 : index
          %parallel_loop3A_188 = tpu.vector_load %arg12[%parallel_loop3A_186, %parallel_loop3A_187] {strides = array<i32>} : memref<64x128xf32, #tpu.memory_space<vmem>>, vector<16xf32>,
          tpu.vector_store %arg12[%parallel_loop3A_186, %parallel_loop3A_187], %parallel_loop3A_182 {strides = array<i32>} : memref<64x128xf32, #tpu.memory_space<vmem>>, vector<16xf32>,
          %parallel_loop3A_189 = arith.constant 64 : i32
          %parallel_loop3A_190 = arith.addi %parallel_loop3A_189, %parallel_loop3A_160 : i32
          %parallel_loop3A_191 = arith.index_cast %parallel_loop3A_190 : i32 to index
          %parallel_loop3A_192 = arith.constant 32 : index
          %parallel_loop3A_193 = tpu.vector_load %arg10[%parallel_loop3A_191, %parallel_loop3A_192] {strides = array<i32>} : memref<128x64xi32, #tpu.memory_space<vmem>>, vector<16xi32>,
          %parallel_loop3A_194 = vector.bitcast %parallel_loop3A_193 : vector<16xi32> to vector<32xbf16>
          %parallel_loop3A_195 = tpu.unpack_subelements %parallel_loop3A_194, 0 {pack_format = #tpu.pack_format<interleaved>} : vector<32xbf16> -> vector<16xf32>
          %parallel_loop3A_196 = tpu.unpack_subelements %parallel_loop3A_194, 1 {pack_format = #tpu.pack_format<interleaved>} : vector<32xbf16> -> vector<16xf32>
          %parallel_loop3A_197 = arith.index_cast %parallel_loop3A_160 : i32 to index
          %parallel_loop3A_198 = arith.constant 32 : index
          %parallel_loop3A_199 = tpu.vector_load %arg12[%parallel_loop3A_197, %parallel_loop3A_198] {strides = array<i32>} : memref<64x128xf32, #tpu.memory_space<vmem>>, vector<16xf32>,
          tpu.vector_store %arg12[%parallel_loop3A_197, %parallel_loop3A_198], %parallel_loop3A_195 {strides = array<i32>} : memref<64x128xf32, #tpu.memory_space<vmem>>, vector<16xf32>,
          %parallel_loop3A_200 = arith.index_cast %parallel_loop3A_160 : i32 to index
          %parallel_loop3A_201 = arith.constant 96 : index
          %parallel_loop3A_202 = tpu.vector_load %arg12[%parallel_loop3A_200, %parallel_loop3A_201] {strides = array<i32>} : memref<64x128xf32, #tpu.memory_space<vmem>>, vector<16xf32>,
          tpu.vector_store %arg12[%parallel_loop3A_200, %parallel_loop3A_201], %parallel_loop3A_196 {strides = array<i32>} : memref<64x128xf32, #tpu.memory_space<vmem>>, vector<16xf32>,
          %parallel_loop3A_203 = arith.constant 64 : i32
          %parallel_loop3A_204 = arith.addi %parallel_loop3A_203, %parallel_loop3A_160 : i32
          %parallel_loop3A_205 = arith.index_cast %parallel_loop3A_204 : i32 to index
          %parallel_loop3A_206 = arith.constant 48 : index
          %parallel_loop3A_207 = tpu.vector_load %arg10[%parallel_loop3A_205, %parallel_loop3A_206] {strides = array<i32>} : memref<128x64xi32, #tpu.memory_space<vmem>>, vector<16xi32>,
          %parallel_loop3A_208 = vector.bitcast %parallel_loop3A_207 : vector<16xi32> to vector<32xbf16>
          %parallel_loop3A_209 = tpu.unpack_subelements %parallel_loop3A_208, 0 {pack_format = #tpu.pack_format<interleaved>} : vector<32xbf16> -> vector<16xf32>
          %parallel_loop3A_210 = tpu.unpack_subelements %parallel_loop3A_208, 1 {pack_format = #tpu.pack_format<interleaved>} : vector<32xbf16> -> vector<16xf32>
          %parallel_loop3A_211 = arith.index_cast %parallel_loop3A_160 : i32 to index
          %parallel_loop3A_212 = arith.constant 48 : index
          %parallel_loop3A_213 = tpu.vector_load %arg12[%parallel_loop3A_211, %parallel_loop3A_212] {strides = array<i32>} : memref<64x128xf32, #tpu.memory_space<vmem>>, vector<16xf32>,
          tpu.vector_store %arg12[%parallel_loop3A_211, %parallel_loop3A_212], %parallel_loop3A_209 {strides = array<i32>} : memref<64x128xf32, #tpu.memory_space<vmem>>, vector<16xf32>,
          %parallel_loop3A_214 = arith.index_cast %parallel_loop3A_160 : i32 to index
          %parallel_loop3A_215 = arith.constant 112 : index
          %parallel_loop3A_216 = tpu.vector_load %arg12[%parallel_loop3A_214, %parallel_loop3A_215] {strides = array<i32>} : memref<64x128xf32, #tpu.memory_space<vmem>>, vector<16xf32>,
          tpu.vector_store %arg12[%parallel_loop3A_214, %parallel_loop3A_215], %parallel_loop3A_210 {strides = array<i32>} : memref<64x128xf32, #tpu.memory_space<vmem>>, vector<16xf32>,
        } {sc.loop_unroll_factor = 2 : i64, sc.parallel_access}
        %add3A_147 = arith.constant 3 : i32
        %add3A_148 = arith.addi %add3A_61, %add3A_147 : i32
        %lt3A_149 = arith.constant 16 : i32
        %lt3A_150 = arith.cmpi slt, %add3A_148, %lt3A_149 : i32
        %convert_element_type3A_151 = arith.extui %lt3A_150 : i1 to i32
        %cond3A_152 = arith.constant 0 : i32
        %cond3A_153 = arith.cmpi ne, %convert_element_type3A_151, %cond3A_152 : i32
        scf.if %cond3A_153 {
          %add3A_160 = arith.constant 3 : i32
          %add3A_161 = arith.addi %add3A_61, %add3A_160 : i32
          %dma_start3A_162 = arith.constant 0 : i32
          %dma_start3A_163 = tpu.memref_slice %arg7[%add3A_161, %dma_start3A_162] : memref<16x128xi32, #tpu.memory_space<vmem>> -> memref<1x128xi32, #tpu.memory_space<vmem>>
          %dma_start3A_164 = tpu.memref_squeeze %dma_start3A_163 : memref<1x128xi32, #tpu.memory_space<vmem>> -> memref<128xi32, #tpu.memory_space<vmem>>
          %dma_start3A_165 = arith.constant 0 : i32
          %dma_start3A_166 = arith.constant 0 : i32
          %dma_start3A_167 = tpu.memref_slice %arg2[%dma_start3A_165, %dma_start3A_166] : memref<10000x64xi32, #tpu.memory_space<hbm>> -> memref<10000x64xi32, #tpu.memory_space<hbm>>
          tpu.enqueue_indirect_dma source(%dma_start3A_167 : memref<10000x64xi32, #tpu.memory_space<hbm>>) target(%arg10 : memref<128x64xi32, #tpu.memory_space<vmem>>) offsets(%dma_start3A_164 : memref<128xi32, #tpu.memory_space<vmem>>) semaphore(%arg15 : memref<!tpu.dma_semaphore, #tpu.memory_space<semaphore_mem>>)
        } else {
        }
        %dma_start3A_154 = arith.constant 0 : i32
        %dma_start3A_155 = tpu.memref_slice %arg8[%add3A_117, %dma_start3A_154] : memref<32x64xi32, #tpu.memory_space<vmem>> -> memref<1x64xi32, #tpu.memory_space<vmem>>
        %dma_start3A_156 = tpu.memref_squeeze %dma_start3A_155 : memref<1x64xi32, #tpu.memory_space<vmem>> -> memref<64xi32, #tpu.memory_space<vmem>>
        %dma_start3A_157 = arith.constant 0 : i32
        %dma_start3A_158 = arith.constant 0 : i32
        %dma_start3A_159 = tpu.memref_slice %arg13[%dma_start3A_157, %dma_start3A_158] : memref<10112x128xf32, #tpu.memory_space<vmem_shared>> -> memref<10112x128xf32, #tpu.memory_space<vmem_shared>>
        tpu.enqueue_indirect_dma source(%arg12 : memref<64x128xf32, #tpu.memory_space<vmem>>) target(%dma_start3A_159 : memref<10112x128xf32, #tpu.memory_space<vmem_shared>>) offsets(%dma_start3A_156 : memref<64xi32, #tpu.memory_space<vmem>>) semaphore(%arg17 : memref<!tpu.dma_semaphore, #tpu.memory_space<semaphore_mem>>) {add = true}
      }
      %scan3A_56 = arith.constant 8 : i32
    }
    %scan3A_8 = arith.constant 5 : i32
    %dma_wait3A = arith.constant 0 : i32
    %dma_wait3A_9 = arith.constant 0 : i32
    %dma_wait3A_10 = tpu.memref_slice %arg8[%dma_wait3A, %dma_wait3A_9] : memref<32x64xi32, #tpu.memory_space<vmem>> -> memref<1x64xi32, #tpu.memory_space<vmem>>
    %dma_wait3A_11 = tpu.memref_squeeze %dma_wait3A_10 : memref<1x64xi32, #tpu.memory_space<vmem>> -> memref<64xi32, #tpu.memory_space<vmem>>
    %dma_wait3A_12 = arith.constant 0 : i32
    %dma_wait3A_13 = arith.constant 0 : i32
    %dma_wait3A_14 = tpu.memref_slice %arg13[%dma_wait3A_12, %dma_wait3A_13] : memref<10112x128xf32, #tpu.memory_space<vmem_shared>> -> memref<10112x128xf32, #tpu.memory_space<vmem_shared>>
    tpu.wait_indirect_dma semaphore(%arg16 : memref<!tpu.dma_semaphore, #tpu.memory_space<semaphore_mem>>) src(%arg11 : memref<64x128xf32, #tpu.memory_space<vmem>>) dst(%dma_wait3A_14 : memref<10112x128xf32, #tpu.memory_space<vmem_shared>>)
    %dma_wait3A_15 = arith.constant 0 : i32
    %dma_wait3A_16 = arith.constant 0 : i32
    %dma_wait3A_17 = tpu.memref_slice %arg8[%dma_wait3A_15, %dma_wait3A_16] : memref<32x64xi32, #tpu.memory_space<vmem>> -> memref<1x64xi32, #tpu.memory_space<vmem>>
    %dma_wait3A_18 = tpu.memref_squeeze %dma_wait3A_17 : memref<1x64xi32, #tpu.memory_space<vmem>> -> memref<64xi32, #tpu.memory_space<vmem>>
    %dma_wait3A_19 = arith.constant 0 : i32
    %dma_wait3A_20 = arith.constant 0 : i32
    %dma_wait3A_21 = tpu.memref_slice %arg13[%dma_wait3A_19, %dma_wait3A_20] : memref<10112x128xf32, #tpu.memory_space<vmem_shared>> -> memref<10112x128xf32, #tpu.memory_space<vmem_shared>>
    tpu.wait_indirect_dma semaphore(%arg17 : memref<!tpu.dma_semaphore, #tpu.memory_space<semaphore_mem>>) src(%arg12 : memref<64x128xf32, #tpu.memory_space<vmem>>) dst(%dma_wait3A_21 : memref<10112x128xf32, #tpu.memory_space<vmem_shared>>)
    %barrier3A_22 = arith.constant 0 : index
    tpu.barrier barrier_id(%barrier3A_22)
    %mul3A_23 = arith.constant 632 : i32
    %mul3A_24 = arith.muli %arg1, %mul3A_23 : i32
    %mul3A_25 = arith.constant 632 : i32
    %mul3A_26 = arith.muli %arg1, %mul3A_25 : i32
    "tpu.region"() ({
      %run_scoped3A = tpu.sem_alloc : memref<!tpu.dma_semaphore, #tpu.memory_space<semaphore_mem>>
      %dma_start3A = arith.constant 0 : i32
      %dma_start3A_27 = tpu.memref_slice %arg6[%arg0, %mul3A_26, %dma_start3A] : memref<2x10112x128xf32, #tpu.memory_space<hbm>> -> memref<1x632x128xf32, #tpu.memory_space<hbm>>
      %dma_start3A_28 = tpu.memref_squeeze %dma_start3A_27 : memref<1x632x128xf32, #tpu.memory_space<hbm>> -> memref<632x128xf32, #tpu.memory_space<hbm>>
      %dma_start3A_29 = arith.constant 0 : i32
      %dma_start3A_30 = tpu.memref_slice %arg13[%mul3A_24, %dma_start3A_29] : memref<10112x128xf32, #tpu.memory_space<vmem_shared>> -> memref<632x128xf32, #tpu.memory_space<vmem_shared>>
      tpu.enqueue_dma source(%dma_start3A_30 : memref<632x128xf32, #tpu.memory_space<vmem_shared>>) target(%dma_start3A_28 : memref<632x128xf32, #tpu.memory_space<hbm>>) target_semaphore(%run_scoped3A : memref<!tpu.dma_semaphore, #tpu.memory_space<semaphore_mem>>)
      %dma_wait3A_31 = arith.constant 0 : i32
      %dma_wait3A_32 = tpu.memref_slice %arg6[%arg0, %mul3A_26, %dma_wait3A_31] : memref<2x10112x128xf32, #tpu.memory_space<hbm>> -> memref<1x632x128xf32, #tpu.memory_space<hbm>>
      %dma_wait3A_33 = tpu.memref_squeeze %dma_wait3A_32 : memref<1x632x128xf32, #tpu.memory_space<hbm>> -> memref<632x128xf32, #tpu.memory_space<hbm>>
      %dma_wait3A_34 = arith.constant 0 : i32
      %dma_wait3A_35 = tpu.memref_slice %arg13[%mul3A_24, %dma_wait3A_34] : memref<10112x128xf32, #tpu.memory_space<vmem_shared>> -> memref<632x128xf32, #tpu.memory_space<vmem_shared>>
      tpu.wait_dma2 semaphore(%run_scoped3A : memref<!tpu.dma_semaphore, #tpu.memory_space<semaphore_mem>>) src(%dma_wait3A_35 : memref<632x128xf32, #tpu.memory_space<vmem_shared>>) dst(%dma_wait3A_33 : memref<632x128xf32, #tpu.memory_space<hbm>>)
      tpu.yield
    }) : () -> ()
    return
  }
}

#map = affine_map<(d0, d1) -> (0, 0)>
#map1 = affine_map<(d0, d1) -> (0, 0, 0)>
module attributes {stable_mosaic.version = 14 : i64} {
  func.func @body(%arg0: i32, %arg1: i32, %arg2: memref<10000x64xi32, #tpu.memory_space<hbm>>, %arg3: memref<2560x128xi32, #tpu.memory_space<hbm>>, %arg4: memref<5120x64xi32, #tpu.memory_space<hbm>>, %arg5: memref<10112x128xf32, #tpu.memory_space<hbm>>, %arg6: memref<2x10112x128xf32, #tpu.memory_space<hbm>>, %arg7: memref<16x128xi32, #tpu.memory_space<vmem>>, %arg8: memref<32x64xi32, #tpu.memory_space<vmem>>, %arg9: memref<128x64xi32, #tpu.memory_space<vmem>>, %arg10: memref<128x64xi32, #tpu.memory_space<vmem>>, %arg11: memref<64x128xf32, #tpu.memory_space<vmem>>, %arg12: memref<64x128xf32, #tpu.memory_space<vmem>>, %arg13: memref<10112x128xf32, #tpu.memory_space<vmem_shared>>, %arg14: memref<!tpu.dma_semaphore, #tpu.memory_space<semaphore_mem>>, %arg15: memref<!tpu.dma_semaphore, #tpu.memory_space<semaphore_mem>>, %arg16: memref<!tpu.dma_semaphore, #tpu.memory_space<semaphore_mem>>, %arg17: memref<!tpu.dma_semaphore, #tpu.memory_space<semaphore_mem>>) attributes {dimension_semantics = [#tpu.dimension_semantics<core_parallel>, #tpu.dimension_semantics<subcore_parallel>], iteration_bounds = array<i64: 2, 16>, scalar_prefetch = 0 : i64, scratch_operands = 11 : i64, tpu.core_type = #tpu.core_type<sc_vector_subcore>, window_params = [{transform_indices = #map}, {transform_indices = #map}, {transform_indices = #map}, {transform_indices = #map}, {transform_indices = #map1}]} {
    %mul3A = arith.constant 2 : i32
    %mul3A_0 = arith.muli %arg1, %mul3A : i32
    %add3A = arith.addi %mul3A_0, %arg0 : i32
    %mul3A_1 = arith.constant 632 : i32
    %mul3A_2 = arith.muli %arg1, %mul3A_1 : i32
    %mul3A_3 = arith.constant 632 : i32
    %mul3A_4 = arith.muli %arg1, %mul3A_3 : i32
    "tpu.region"() ({
      %run_scoped3A = tpu.sem_alloc : memref<!tpu.dma_semaphore, #tpu.memory_space<semaphore_mem>>
      %dma_start3A = arith.constant 0 : i32
      %dma_start3A_27 = tpu.memref_slice %arg13[%mul3A_4, %dma_start3A] : memref<10112x128xf32, #tpu.memory_space<vmem_shared>> -> memref<632x128xf32, #tpu.memory_space<vmem_shared>>
      %dma_start3A_28 = arith.constant 0 : i32
      %dma_start3A_29 = tpu.memref_slice %arg5[%mul3A_2, %dma_start3A_28] : memref<10112x128xf32, #tpu.memory_space<hbm>> -> memref<632x128xf32, #tpu.memory_space<hbm>>
      tpu.enqueue_dma source(%dma_start3A_29 : memref<632x128xf32, #tpu.memory_space<hbm>>) target(%dma_start3A_27 : memref<632x128xf32, #tpu.memory_space<vmem_shared>>) target_semaphore(%run_scoped3A : memref<!tpu.dma_semaphore, #tpu.memory_space<semaphore_mem>>)
      %dma_wait3A_30 = arith.constant 0 : i32
      %dma_wait3A_31 = tpu.memref_slice %arg13[%mul3A_4, %dma_wait3A_30] : memref<10112x128xf32, #tpu.memory_space<vmem_shared>> -> memref<632x128xf32, #tpu.memory_space<vmem_shared>>
      %dma_wait3A_32 = arith.constant 0 : i32
      %dma_wait3A_33 = tpu.memref_slice %arg5[%mul3A_2, %dma_wait3A_32] : memref<10112x128xf32, #tpu.memory_space<hbm>> -> memref<632x128xf32, #tpu.memory_space<hbm>>
      tpu.wait_dma2 semaphore(%run_scoped3A : memref<!tpu.dma_semaphore, #tpu.memory_space<semaphore_mem>>) src(%dma_wait3A_33 : memref<632x128xf32, #tpu.memory_space<hbm>>) dst(%dma_wait3A_31 : memref<632x128xf32, #tpu.memory_space<vmem_shared>>)
      tpu.yield
    }) : () -> ()
    %barrier3A = arith.constant 0 : index
    tpu.barrier barrier_id(%barrier3A)
    %scan3A = arith.constant 0 : i32
    %scan3A_5 = arith.constant 5 : i32
    %scan3A_6 = arith.addi %scan3A, %scan3A_5 : i32
    %scan3A_7 = arith.constant 1 : i32
    scf.for %scan3A_27 = %scan3A to %scan3A_6 step %scan3A_7  : i32 {
      %mul3A_28 = arith.constant 1 : i32
      %mul3A_29 = arith.muli %scan3A_27, %mul3A_28 : i32
      %add3A_30 = arith.constant 0 : i32
      %add3A_31 = arith.addi %add3A_30, %mul3A_29 : i32
      %mul3A_32 = arith.constant 80 : i32
      %mul3A_33 = arith.muli %add3A, %mul3A_32 : i32
      %mul3A_34 = arith.constant 16 : i32
      %mul3A_35 = arith.muli %add3A_31, %mul3A_34 : i32
      %add3A_36 = arith.addi %mul3A_33, %mul3A_35 : i32
      "tpu.region"() ({
        %run_scoped3A = tpu.sem_alloc : memref<!tpu.dma_semaphore, #tpu.memory_space<semaphore_mem>>
        %dma_start3A_57 = arith.constant 0 : i32
        %dma_start3A_58 = tpu.memref_slice %arg3[%add3A_36, %dma_start3A_57] : memref<2560x128xi32, #tpu.memory_space<hbm>> -> memref<16x128xi32, #tpu.memory_space<hbm>>
        %dma_start3A_59 = arith.constant 0 : i32
        %dma_start3A_60 = tpu.memref_slice %arg3[%add3A_36, %dma_start3A_59] : memref<2560x128xi32, #tpu.memory_space<hbm>> -> memref<16x128xi32, #tpu.memory_space<hbm>>
        tpu.enqueue_dma source(%dma_start3A_60 : memref<16x128xi32, #tpu.memory_space<hbm>>) target(%arg7 : memref<16x128xi32, #tpu.memory_space<vmem>>) target_semaphore(%run_scoped3A : memref<!tpu.dma_semaphore, #tpu.memory_space<semaphore_mem>>)
        %dma_wait3A_61 = arith.constant 0 : i32
        %dma_wait3A_62 = tpu.memref_slice %arg3[%add3A_36, %dma_wait3A_61] : memref<2560x128xi32, #tpu.memory_space<hbm>> -> memref<16x128xi32, #tpu.memory_space<hbm>>
        %dma_wait3A_63 = arith.constant 0 : i32
        %dma_wait3A_64 = tpu.memref_slice %arg3[%add3A_36, %dma_wait3A_63] : memref<2560x128xi32, #tpu.memory_space<hbm>> -> memref<16x128xi32, #tpu.memory_space<hbm>>
        tpu.wait_dma2 semaphore(%run_scoped3A : memref<!tpu.dma_semaphore, #tpu.memory_space<semaphore_mem>>) src(%dma_wait3A_64 : memref<16x128xi32, #tpu.memory_space<hbm>>) dst(%arg7 : memref<16x128xi32, #tpu.memory_space<vmem>>)
        tpu.yield
      }) : () -> ()
      %mul3A_37 = arith.constant 2 : i32
      %mul3A_38 = arith.muli %mul3A_37, %add3A_36 : i32
      "tpu.region"() ({
        %run_scoped3A = tpu.sem_alloc : memref<!tpu.dma_semaphore, #tpu.memory_space<semaphore_mem>>
        %dma_start3A_57 = arith.constant 0 : i32
        %dma_start3A_58 = tpu.memref_slice %arg4[%mul3A_38, %dma_start3A_57] : memref<5120x64xi32, #tpu.memory_space<hbm>> -> memref<32x64xi32, #tpu.memory_space<hbm>>
        %dma_start3A_59 = arith.constant 0 : i32
        %dma_start3A_60 = tpu.memref_slice %arg4[%mul3A_38, %dma_start3A_59] : memref<5120x64xi32, #tpu.memory_space<hbm>> -> memref<32x64xi32, #tpu.memory_space<hbm>>
        tpu.enqueue_dma source(%dma_start3A_60 : memref<32x64xi32, #tpu.memory_space<hbm>>) target(%arg8 : memref<32x64xi32, #tpu.memory_space<vmem>>) target_semaphore(%run_scoped3A : memref<!tpu.dma_semaphore, #tpu.memory_space<semaphore_mem>>)
        %dma_wait3A_61 = arith.constant 0 : i32
        %dma_wait3A_62 = tpu.memref_slice %arg4[%mul3A_38, %dma_wait3A_61] : memref<5120x64xi32, #tpu.memory_space<hbm>> -> memref<32x64xi32, #tpu.memory_space<hbm>>
        %dma_wait3A_63 = arith.constant 0 : i32
        %dma_wait3A_64 = tpu.memref_slice %arg4[%mul3A_38, %dma_wait3A_63] : memref<5120x64xi32, #tpu.memory_space<hbm>> -> memref<32x64xi32, #tpu.memory_space<hbm>>
        tpu.wait_dma2 semaphore(%run_scoped3A : memref<!tpu.dma_semaphore, #tpu.memory_space<semaphore_mem>>) src(%dma_wait3A_64 : memref<32x64xi32, #tpu.memory_space<hbm>>) dst(%arg8 : memref<32x64xi32, #tpu.memory_space<vmem>>)
        tpu.yield
      }) : () -> ()
      %dma_start3A = arith.constant 0 : i32
      %dma_start3A_39 = arith.constant 0 : i32
      %dma_start3A_40 = tpu.memref_slice %arg7[%dma_start3A, %dma_start3A_39] : memref<16x128xi32, #tpu.memory_space<vmem>> -> memref<1x128xi32, #tpu.memory_space<vmem>>
      %dma_start3A_41 = tpu.memref_squeeze %dma_start3A_40 : memref<1x128xi32, #tpu.memory_space<vmem>> -> memref<128xi32, #tpu.memory_space<vmem>>
      %dma_start3A_42 = arith.constant 0 : i32
      %dma_start3A_43 = arith.constant 0 : i32
      %dma_start3A_44 = tpu.memref_slice %arg2[%dma_start3A_42, %dma_start3A_43] : memref<10000x64xi32, #tpu.memory_space<hbm>> -> memref<10000x64xi32, #tpu.memory_space<hbm>>
      tpu.enqueue_indirect_dma source(%dma_start3A_44 : memref<10000x64xi32, #tpu.memory_space<hbm>>) target(%arg9 : memref<128x64xi32, #tpu.memory_space<vmem>>) offsets(%dma_start3A_41 : memref<128xi32, #tpu.memory_space<vmem>>) semaphore(%arg14 : memref<!tpu.dma_semaphore, #tpu.memory_space<semaphore_mem>>)
      %dma_start3A_45 = arith.constant 1 : i32
      %dma_start3A_46 = arith.constant 0 : i32
      %dma_start3A_47 = tpu.memref_slice %arg7[%dma_start3A_45, %dma_start3A_46] : memref<16x128xi32, #tpu.memory_space<vmem>> -> memref<1x128xi32, #tpu.memory_space<vmem>>
      %dma_start3A_48 = tpu.memref_squeeze %dma_start3A_47 : memref<1x128xi32, #tpu.memory_space<vmem>> -> memref<128xi32, #tpu.memory_space<vmem>>
      %dma_start3A_49 = arith.constant 0 : i32
      %dma_start3A_50 = arith.constant 0 : i32
      %dma_start3A_51 = tpu.memref_slice %arg2[%dma_start3A_49, %dma_start3A_50] : memref<10000x64xi32, #tpu.memory_space<hbm>> -> memref<10000x64xi32, #tpu.memory_space<hbm>>
      tpu.enqueue_indirect_dma source(%dma_start3A_51 : memref<10000x64xi32, #tpu.memory_space<hbm>>) target(%arg10 : memref<128x64xi32, #tpu.memory_space<vmem>>) offsets(%dma_start3A_48 : memref<128xi32, #tpu.memory_space<vmem>>) semaphore(%arg15 : memref<!tpu.dma_semaphore, #tpu.memory_space<semaphore_mem>>)
      %scan3A_52 = arith.constant 0 : i32
      %scan3A_53 = arith.constant 8 : i32
      %scan3A_54 = arith.addi %scan3A_52, %scan3A_53 : i32
      %scan3A_55 = arith.constant 1 : i32
      scf.for %scan3A_57 = %scan3A_52 to %scan3A_54 step %scan3A_55  : i32 {
        %mul3A_58 = arith.constant 2 : i32
        %mul3A_59 = arith.muli %scan3A_57, %mul3A_58 : i32
        %add3A_60 = arith.constant 0 : i32
        %add3A_61 = arith.addi %add3A_60, %mul3A_59 : i32
        %eq3A = arith.constant 0 : i32
        %eq3A_62 = arith.cmpi eq, %add3A_31, %eq3A : i32
        %eq3A_63 = arith.constant 0 : i32
        %eq3A_64 = arith.cmpi eq, %add3A_61, %eq3A_63 : i32
        %and3A = arith.andi %eq3A_62, %eq3A_64 : i1
        %mul3A_65 = arith.constant 2 : i32
        %mul3A_66 = arith.muli %mul3A_65, %add3A_61 : i32
        %mul3A_67 = arith.constant 2 : i32
        %mul3A_68 = arith.muli %mul3A_67, %add3A_61 : i32
        %add3A_69 = arith.constant 1 : i32
        %add3A_70 = arith.addi %mul3A_68, %add3A_69 : i32
        %dma_wait3A_71 = arith.constant 0 : i32
        %dma_wait3A_72 = arith.constant 0 : i32
        %dma_wait3A_73 = tpu.memref_slice %arg7[%dma_wait3A_71, %dma_wait3A_72] : memref<16x128xi32, #tpu.memory_space<vmem>> -> memref<1x128xi32, #tpu.memory_space<vmem>>
        %dma_wait3A_74 = tpu.memref_squeeze %dma_wait3A_73 : memref<1x128xi32, #tpu.memory_space<vmem>> -> memref<128xi32, #tpu.memory_space<vmem>>
        %dma_wait3A_75 = arith.constant 0 : i32
        %dma_wait3A_76 = arith.constant 0 : i32
        %dma_wait3A_77 = tpu.memref_slice %arg2[%dma_wait3A_75, %dma_wait3A_76] : memref<10000x64xi32, #tpu.memory_space<hbm>> -> memref<10000x64xi32, #tpu.memory_space<hbm>>
        tpu.wait_indirect_dma semaphore(%arg14 : memref<!tpu.dma_semaphore, #tpu.memory_space<semaphore_mem>>) src(%dma_wait3A_77 : memref<10000x64xi32, #tpu.memory_space<hbm>>) dst(%arg9 : memref<128x64xi32, #tpu.memory_space<vmem>>)
        %not3A = arith.constant true
        %not3A_78 = arith.xori %and3A, %not3A : i1
        %convert_element_type3A = arith.extui %not3A_78 : i1 to i32
        %cond3A = arith.constant 0 : i32
        %cond3A_79 = arith.cmpi ne, %convert_element_type3A, %cond3A : i32
        scf.if %cond3A_79 {
          %dma_wait3A_160 = arith.constant 0 : i32
          %dma_wait3A_161 = arith.constant 0 : i32
          %dma_wait3A_162 = tpu.memref_slice %arg8[%dma_wait3A_160, %dma_wait3A_161] : memref<32x64xi32, #tpu.memory_space<vmem>> -> memref<1x64xi32, #tpu.memory_space<vmem>>
          %dma_wait3A_163 = tpu.memref_squeeze %dma_wait3A_162 : memref<1x64xi32, #tpu.memory_space<vmem>> -> memref<64xi32, #tpu.memory_space<vmem>>
          %dma_wait3A_164 = arith.constant 0 : i32
          %dma_wait3A_165 = arith.constant 0 : i32
          %dma_wait3A_166 = tpu.memref_slice %arg13[%dma_wait3A_164, %dma_wait3A_165] : memref<10112x128xf32, #tpu.memory_space<vmem_shared>> -> memref<10112x128xf32, #tpu.memory_space<vmem_shared>>
          tpu.wait_indirect_dma semaphore(%arg16 : memref<!tpu.dma_semaphore, #tpu.memory_space<semaphore_mem>>) src(%arg11 : memref<64x128xf32, #tpu.memory_space<vmem>>) dst(%dma_wait3A_166 : memref<10112x128xf32, #tpu.memory_space<vmem_shared>>)
        } else {
        }
        %parallel_loop3A = arith.constant 0 : i32
        %parallel_loop3A_80 = arith.constant 64 : i32
        %parallel_loop3A_81 = arith.constant 1 : i32
        scf.for %parallel_loop3A_160 = %parallel_loop3A to %parallel_loop3A_80 step %parallel_loop3A_81  : i32 {
          %parallel_loop3A_161 = arith.constant 0 : i32
          %parallel_loop3A_162 = arith.addi %parallel_loop3A_161, %parallel_loop3A_160 : i32
          %parallel_loop3A_163 = arith.index_cast %parallel_loop3A_162 : i32 to index
          %parallel_loop3A_164 = arith.constant 0 : index
          %parallel_loop3A_165 = tpu.vector_load %arg9[%parallel_loop3A_163, %parallel_loop3A_164] {strides = array<i32>} : memref<128x64xi32, #tpu.memory_space<vmem>>, vector<16xi32>,
          %parallel_loop3A_166 = vector.bitcast %parallel_loop3A_165 : vector<16xi32> to vector<32xbf16>
          %parallel_loop3A_167 = tpu.unpack_subelements %parallel_loop3A_166, 0 {pack_format = #tpu.pack_format<interleaved>} : vector<32xbf16> -> vector<16xf32>
          %parallel_loop3A_168 = tpu.unpack_subelements %parallel_loop3A_166, 1 {pack_format = #tpu.pack_format<interleaved>} : vector<32xbf16> -> vector<16xf32>
          %parallel_loop3A_169 = arith.index_cast %parallel_loop3A_160 : i32 to index
          %parallel_loop3A_170 = arith.constant 0 : index
          %parallel_loop3A_171 = tpu.vector_load %arg11[%parallel_loop3A_169, %parallel_loop3A_170] {strides = array<i32>} : memref<64x128xf32, #tpu.memory_space<vmem>>, vector<16xf32>,
          tpu.vector_store %arg11[%parallel_loop3A_169, %parallel_loop3A_170], %parallel_loop3A_167 {strides = array<i32>} : memref<64x128xf32, #tpu.memory_space<vmem>>, vector<16xf32>,
          %parallel_loop3A_172 = arith.index_cast %parallel_loop3A_160 : i32 to index
          %parallel_loop3A_173 = arith.constant 64 : index
          %parallel_loop3A_174 = tpu.vector_load %arg11[%parallel_loop3A_172, %parallel_loop3A_173] {strides = array<i32>} : memref<64x128xf32, #tpu.memory_space<vmem>>, vector<16xf32>,
          tpu.vector_store %arg11[%parallel_loop3A_172, %parallel_loop3A_173], %parallel_loop3A_168 {strides = array<i32>} : memref<64x128xf32, #tpu.memory_space<vmem>>, vector<16xf32>,
          %parallel_loop3A_175 = arith.constant 0 : i32
          %parallel_loop3A_176 = arith.addi %parallel_loop3A_175, %parallel_loop3A_160 : i32
          %parallel_loop3A_177 = arith.index_cast %parallel_loop3A_176 : i32 to index
          %parallel_loop3A_178 = arith.constant 16 : index
          %parallel_loop3A_179 = tpu.vector_load %arg9[%parallel_loop3A_177, %parallel_loop3A_178] {strides = array<i32>} : memref<128x64xi32, #tpu.memory_space<vmem>>, vector<16xi32>,
          %parallel_loop3A_180 = vector.bitcast %parallel_loop3A_179 : vector<16xi32> to vector<32xbf16>
          %parallel_loop3A_181 = tpu.unpack_subelements %parallel_loop3A_180, 0 {pack_format = #tpu.pack_format<interleaved>} : vector<32xbf16> -> vector<16xf32>
          %parallel_loop3A_182 = tpu.unpack_subelements %parallel_loop3A_180, 1 {pack_format = #tpu.pack_format<interleaved>} : vector<32xbf16> -> vector<16xf32>
          %parallel_loop3A_183 = arith.index_cast %parallel_loop3A_160 : i32 to index
          %parallel_loop3A_184 = arith.constant 16 : index
          %parallel_loop3A_185 = tpu.vector_load %arg11[%parallel_loop3A_183, %parallel_loop3A_184] {strides = array<i32>} : memref<64x128xf32, #tpu.memory_space<vmem>>, vector<16xf32>,
          tpu.vector_store %arg11[%parallel_loop3A_183, %parallel_loop3A_184], %parallel_loop3A_181 {strides = array<i32>} : memref<64x128xf32, #tpu.memory_space<vmem>>, vector<16xf32>,
          %parallel_loop3A_186 = arith.index_cast %parallel_loop3A_160 : i32 to index
          %parallel_loop3A_187 = arith.constant 80 : index
          %parallel_loop3A_188 = tpu.vector_load %arg11[%parallel_loop3A_186, %parallel_loop3A_187] {strides = array<i32>} : memref<64x128xf32, #tpu.memory_space<vmem>>, vector<16xf32>,
          tpu.vector_store %arg11[%parallel_loop3A_186, %parallel_loop3A_187], %parallel_loop3A_182 {strides = array<i32>} : memref<64x128xf32, #tpu.memory_space<vmem>>, vector<16xf32>,
          %parallel_loop3A_189 = arith.constant 0 : i32
          %parallel_loop3A_190 = arith.addi %parallel_loop3A_189, %parallel_loop3A_160 : i32
          %parallel_loop3A_191 = arith.index_cast %parallel_loop3A_190 : i32 to index
          %parallel_loop3A_192 = arith.constant 32 : index
          %parallel_loop3A_193 = tpu.vector_load %arg9[%parallel_loop3A_191, %parallel_loop3A_192] {strides = array<i32>} : memref<128x64xi32, #tpu.memory_space<vmem>>, vector<16xi32>,
          %parallel_loop3A_194 = vector.bitcast %parallel_loop3A_193 : vector<16xi32> to vector<32xbf16>
          %parallel_loop3A_195 = tpu.unpack_subelements %parallel_loop3A_194, 0 {pack_format = #tpu.pack_format<interleaved>} : vector<32xbf16> -> vector<16xf32>
          %parallel_loop3A_196 = tpu.unpack_subelements %parallel_loop3A_194, 1 {pack_format = #tpu.pack_format<interleaved>} : vector<32xbf16> -> vector<16xf32>
          %parallel_loop3A_197 = arith.index_cast %parallel_loop3A_160 : i32 to index
          %parallel_loop3A_198 = arith.constant 32 : index
          %parallel_loop3A_199 = tpu.vector_load %arg11[%parallel_loop3A_197, %parallel_loop3A_198] {strides = array<i32>} : memref<64x128xf32, #tpu.memory_space<vmem>>, vector<16xf32>,
          tpu.vector_store %arg11[%parallel_loop3A_197, %parallel_loop3A_198], %parallel_loop3A_195 {strides = array<i32>} : memref<64x128xf32, #tpu.memory_space<vmem>>, vector<16xf32>,
          %parallel_loop3A_200 = arith.index_cast %parallel_loop3A_160 : i32 to index
          %parallel_loop3A_201 = arith.constant 96 : index
          %parallel_loop3A_202 = tpu.vector_load %arg11[%parallel_loop3A_200, %parallel_loop3A_201] {strides = array<i32>} : memref<64x128xf32, #tpu.memory_space<vmem>>, vector<16xf32>,
          tpu.vector_store %arg11[%parallel_loop3A_200, %parallel_loop3A_201], %parallel_loop3A_196 {strides = array<i32>} : memref<64x128xf32, #tpu.memory_space<vmem>>, vector<16xf32>,
          %parallel_loop3A_203 = arith.constant 0 : i32
          %parallel_loop3A_204 = arith.addi %parallel_loop3A_203, %parallel_loop3A_160 : i32
          %parallel_loop3A_205 = arith.index_cast %parallel_loop3A_204 : i32 to index
          %parallel_loop3A_206 = arith.constant 48 : index
          %parallel_loop3A_207 = tpu.vector_load %arg9[%parallel_loop3A_205, %parallel_loop3A_206] {strides = array<i32>} : memref<128x64xi32, #tpu.memory_space<vmem>>, vector<16xi32>,
          %parallel_loop3A_208 = vector.bitcast %parallel_loop3A_207 : vector<16xi32> to vector<32xbf16>
          %parallel_loop3A_209 = tpu.unpack_subelements %parallel_loop3A_208, 0 {pack_format = #tpu.pack_format<interleaved>} : vector<32xbf16> -> vector<16xf32>
          %parallel_loop3A_210 = tpu.unpack_subelements %parallel_loop3A_208, 1 {pack_format = #tpu.pack_format<interleaved>} : vector<32xbf16> -> vector<16xf32>
          %parallel_loop3A_211 = arith.index_cast %parallel_loop3A_160 : i32 to index
          %parallel_loop3A_212 = arith.constant 48 : index
          %parallel_loop3A_213 = tpu.vector_load %arg11[%parallel_loop3A_211, %parallel_loop3A_212] {strides = array<i32>} : memref<64x128xf32, #tpu.memory_space<vmem>>, vector<16xf32>,
          tpu.vector_store %arg11[%parallel_loop3A_211, %parallel_loop3A_212], %parallel_loop3A_209 {strides = array<i32>} : memref<64x128xf32, #tpu.memory_space<vmem>>, vector<16xf32>,
          %parallel_loop3A_214 = arith.index_cast %parallel_loop3A_160 : i32 to index
          %parallel_loop3A_215 = arith.constant 112 : index
          %parallel_loop3A_216 = tpu.vector_load %arg11[%parallel_loop3A_214, %parallel_loop3A_215] {strides = array<i32>} : memref<64x128xf32, #tpu.memory_space<vmem>>, vector<16xf32>,
          tpu.vector_store %arg11[%parallel_loop3A_214, %parallel_loop3A_215], %parallel_loop3A_210 {strides = array<i32>} : memref<64x128xf32, #tpu.memory_space<vmem>>, vector<16xf32>,
        } {sc.loop_unroll_factor = 2 : i64, sc.parallel_access}
        %dma_start3A_82 = arith.constant 0 : i32
        %dma_start3A_83 = tpu.memref_slice %arg8[%mul3A_66, %dma_start3A_82] : memref<32x64xi32, #tpu.memory_space<vmem>> -> memref<1x64xi32, #tpu.memory_space<vmem>>
        %dma_start3A_84 = tpu.memref_squeeze %dma_start3A_83 : memref<1x64xi32, #tpu.memory_space<vmem>> -> memref<64xi32, #tpu.memory_space<vmem>>
        %dma_start3A_85 = arith.constant 0 : i32
        %dma_start3A_86 = arith.constant 0 : i32
        %dma_start3A_87 = tpu.memref_slice %arg13[%dma_start3A_85, %dma_start3A_86] : memref<10112x128xf32, #tpu.memory_space<vmem_shared>> -> memref<10112x128xf32, #tpu.memory_space<vmem_shared>>
        tpu.enqueue_indirect_dma source(%arg11 : memref<64x128xf32, #tpu.memory_space<vmem>>) target(%dma_start3A_87 : memref<10112x128xf32, #tpu.memory_space<vmem_shared>>) offsets(%dma_start3A_84 : memref<64xi32, #tpu.memory_space<vmem>>) semaphore(%arg16 : memref<!tpu.dma_semaphore, #tpu.memory_space<semaphore_mem>>) {add = true}
        %not3A_88 = arith.constant true
        %not3A_89 = arith.xori %and3A, %not3A_88 : i1
        %convert_element_type3A_90 = arith.extui %not3A_89 : i1 to i32
        %cond3A_91 = arith.constant 0 : i32
        %cond3A_92 = arith.cmpi ne, %convert_element_type3A_90, %cond3A_91 : i32
        scf.if %cond3A_92 {
          %dma_wait3A_160 = arith.constant 0 : i32
          %dma_wait3A_161 = arith.constant 0 : i32
          %dma_wait3A_162 = tpu.memref_slice %arg8[%dma_wait3A_160, %dma_wait3A_161] : memref<32x64xi32, #tpu.memory_space<vmem>> -> memref<1x64xi32, #tpu.memory_space<vmem>>
          %dma_wait3A_163 = tpu.memref_squeeze %dma_wait3A_162 : memref<1x64xi32, #tpu.memory_space<vmem>> -> memref<64xi32, #tpu.memory_space<vmem>>
          %dma_wait3A_164 = arith.constant 0 : i32
          %dma_wait3A_165 = arith.constant 0 : i32
          %dma_wait3A_166 = tpu.memref_slice %arg13[%dma_wait3A_164, %dma_wait3A_165] : memref<10112x128xf32, #tpu.memory_space<vmem_shared>> -> memref<10112x128xf32, #tpu.memory_space<vmem_shared>>
          tpu.wait_indirect_dma semaphore(%arg17 : memref<!tpu.dma_semaphore, #tpu.memory_space<semaphore_mem>>) src(%arg12 : memref<64x128xf32, #tpu.memory_space<vmem>>) dst(%dma_wait3A_166 : memref<10112x128xf32, #tpu.memory_space<vmem_shared>>)
        } else {
        }
        %parallel_loop3A_93 = arith.constant 0 : i32
        %parallel_loop3A_94 = arith.constant 64 : i32
        %parallel_loop3A_95 = arith.constant 1 : i32
        scf.for %parallel_loop3A_160 = %parallel_loop3A_93 to %parallel_loop3A_94 step %parallel_loop3A_95  : i32 {
          %parallel_loop3A_161 = arith.constant 64 : i32
          %parallel_loop3A_162 = arith.addi %parallel_loop3A_161, %parallel_loop3A_160 : i32
          %parallel_loop3A_163 = arith.index_cast %parallel_loop3A_162 : i32 to index
          %parallel_loop3A_164 = arith.constant 0 : index
          %parallel_loop3A_165 = tpu.vector_load %arg9[%parallel_loop3A_163, %parallel_loop3A_164] {strides = array<i32>} : memref<128x64xi32, #tpu.memory_space<vmem>>, vector<16xi32>,
          %parallel_loop3A_166 = vector.bitcast %parallel_loop3A_165 : vector<16xi32> to vector<32xbf16>
          %parallel_loop3A_167 = tpu.unpack_subelements %parallel_loop3A_166, 0 {pack_format = #tpu.pack_format<interleaved>} : vector<32xbf16> -> vector<16xf32>
          %parallel_loop3A_168 = tpu.unpack_subelements %parallel_loop3A_166, 1 {pack_format = #tpu.pack_format<interleaved>} : vector<32xbf16> -> vector<16xf32>
          %parallel_loop3A_169 = arith.index_cast %parallel_loop3A_160 : i32 to index
          %parallel_loop3A_170 = arith.constant 0 : index
          %parallel_loop3A_171 = tpu.vector_load %arg12[%parallel_loop3A_169, %parallel_loop3A_170] {strides = array<i32>} : memref<64x128xf32, #tpu.memory_space<vmem>>, vector<16xf32>,
          tpu.vector_store %arg12[%parallel_loop3A_169, %parallel_loop3A_170], %parallel_loop3A_167 {strides = array<i32>} : memref<64x128xf32, #tpu.memory_space<vmem>>, vector<16xf32>,
          %parallel_loop3A_172 = arith.index_cast %parallel_loop3A_160 : i32 to index
          %parallel_loop3A_173 = arith.constant 64 : index
          %parallel_loop3A_174 = tpu.vector_load %arg12[%parallel_loop3A_172, %parallel_loop3A_173] {strides = array<i32>} : memref<64x128xf32, #tpu.memory_space<vmem>>, vector<16xf32>,
          tpu.vector_store %arg12[%parallel_loop3A_172, %parallel_loop3A_173], %parallel_loop3A_168 {strides = array<i32>} : memref<64x128xf32, #tpu.memory_space<vmem>>, vector<16xf32>,
          %parallel_loop3A_175 = arith.constant 64 : i32
          %parallel_loop3A_176 = arith.addi %parallel_loop3A_175, %parallel_loop3A_160 : i32
          %parallel_loop3A_177 = arith.index_cast %parallel_loop3A_176 : i32 to index
          %parallel_loop3A_178 = arith.constant 16 : index
          %parallel_loop3A_179 = tpu.vector_load %arg9[%parallel_loop3A_177, %parallel_loop3A_178] {strides = array<i32>} : memref<128x64xi32, #tpu.memory_space<vmem>>, vector<16xi32>,
          %parallel_loop3A_180 = vector.bitcast %parallel_loop3A_179 : vector<16xi32> to vector<32xbf16>
          %parallel_loop3A_181 = tpu.unpack_subelements %parallel_loop3A_180, 0 {pack_format = #tpu.pack_format<interleaved>} : vector<32xbf16> -> vector<16xf32>
          %parallel_loop3A_182 = tpu.unpack_subelements %parallel_loop3A_180, 1 {pack_format = #tpu.pack_format<interleaved>} : vector<32xbf16> -> vector<16xf32>
          %parallel_loop3A_183 = arith.index_cast %parallel_loop3A_160 : i32 to index
          %parallel_loop3A_184 = arith.constant 16 : index
          %parallel_loop3A_185 = tpu.vector_load %arg12[%parallel_loop3A_183, %parallel_loop3A_184] {strides = array<i32>} : memref<64x128xf32, #tpu.memory_space<vmem>>, vector<16xf32>,
          tpu.vector_store %arg12[%parallel_loop3A_183, %parallel_loop3A_184], %parallel_loop3A_181 {strides = array<i32>} : memref<64x128xf32, #tpu.memory_space<vmem>>, vector<16xf32>,
          %parallel_loop3A_186 = arith.index_cast %parallel_loop3A_160 : i32 to index
          %parallel_loop3A_187 = arith.constant 80 : index
          %parallel_loop3A_188 = tpu.vector_load %arg12[%parallel_loop3A_186, %parallel_loop3A_187] {strides = array<i32>} : memref<64x128xf32, #tpu.memory_space<vmem>>, vector<16xf32>,
          tpu.vector_store %arg12[%parallel_loop3A_186, %parallel_loop3A_187], %parallel_loop3A_182 {strides = array<i32>} : memref<64x128xf32, #tpu.memory_space<vmem>>, vector<16xf32>,
          %parallel_loop3A_189 = arith.constant 64 : i32
          %parallel_loop3A_190 = arith.addi %parallel_loop3A_189, %parallel_loop3A_160 : i32
          %parallel_loop3A_191 = arith.index_cast %parallel_loop3A_190 : i32 to index
          %parallel_loop3A_192 = arith.constant 32 : index
          %parallel_loop3A_193 = tpu.vector_load %arg9[%parallel_loop3A_191, %parallel_loop3A_192] {strides = array<i32>} : memref<128x64xi32, #tpu.memory_space<vmem>>, vector<16xi32>,
          %parallel_loop3A_194 = vector.bitcast %parallel_loop3A_193 : vector<16xi32> to vector<32xbf16>
          %parallel_loop3A_195 = tpu.unpack_subelements %parallel_loop3A_194, 0 {pack_format = #tpu.pack_format<interleaved>} : vector<32xbf16> -> vector<16xf32>
          %parallel_loop3A_196 = tpu.unpack_subelements %parallel_loop3A_194, 1 {pack_format = #tpu.pack_format<interleaved>} : vector<32xbf16> -> vector<16xf32>
          %parallel_loop3A_197 = arith.index_cast %parallel_loop3A_160 : i32 to index
          %parallel_loop3A_198 = arith.constant 32 : index
          %parallel_loop3A_199 = tpu.vector_load %arg12[%parallel_loop3A_197, %parallel_loop3A_198] {strides = array<i32>} : memref<64x128xf32, #tpu.memory_space<vmem>>, vector<16xf32>,
          tpu.vector_store %arg12[%parallel_loop3A_197, %parallel_loop3A_198], %parallel_loop3A_195 {strides = array<i32>} : memref<64x128xf32, #tpu.memory_space<vmem>>, vector<16xf32>,
          %parallel_loop3A_200 = arith.index_cast %parallel_loop3A_160 : i32 to index
          %parallel_loop3A_201 = arith.constant 96 : index
          %parallel_loop3A_202 = tpu.vector_load %arg12[%parallel_loop3A_200, %parallel_loop3A_201] {strides = array<i32>} : memref<64x128xf32, #tpu.memory_space<vmem>>, vector<16xf32>,
          tpu.vector_store %arg12[%parallel_loop3A_200, %parallel_loop3A_201], %parallel_loop3A_196 {strides = array<i32>} : memref<64x128xf32, #tpu.memory_space<vmem>>, vector<16xf32>,
          %parallel_loop3A_203 = arith.constant 64 : i32
          %parallel_loop3A_204 = arith.addi %parallel_loop3A_203, %parallel_loop3A_160 : i32
          %parallel_loop3A_205 = arith.index_cast %parallel_loop3A_204 : i32 to index
          %parallel_loop3A_206 = arith.constant 48 : index
          %parallel_loop3A_207 = tpu.vector_load %arg9[%parallel_loop3A_205, %parallel_loop3A_206] {strides = array<i32>} : memref<128x64xi32, #tpu.memory_space<vmem>>, vector<16xi32>,
          %parallel_loop3A_208 = vector.bitcast %parallel_loop3A_207 : vector<16xi32> to vector<32xbf16>
          %parallel_loop3A_209 = tpu.unpack_subelements %parallel_loop3A_208, 0 {pack_format = #tpu.pack_format<interleaved>} : vector<32xbf16> -> vector<16xf32>
          %parallel_loop3A_210 = tpu.unpack_subelements %parallel_loop3A_208, 1 {pack_format = #tpu.pack_format<interleaved>} : vector<32xbf16> -> vector<16xf32>
          %parallel_loop3A_211 = arith.index_cast %parallel_loop3A_160 : i32 to index
          %parallel_loop3A_212 = arith.constant 48 : index
          %parallel_loop3A_213 = tpu.vector_load %arg12[%parallel_loop3A_211, %parallel_loop3A_212] {strides = array<i32>} : memref<64x128xf32, #tpu.memory_space<vmem>>, vector<16xf32>,
          tpu.vector_store %arg12[%parallel_loop3A_211, %parallel_loop3A_212], %parallel_loop3A_209 {strides = array<i32>} : memref<64x128xf32, #tpu.memory_space<vmem>>, vector<16xf32>,
          %parallel_loop3A_214 = arith.index_cast %parallel_loop3A_160 : i32 to index
          %parallel_loop3A_215 = arith.constant 112 : index
          %parallel_loop3A_216 = tpu.vector_load %arg12[%parallel_loop3A_214, %parallel_loop3A_215] {strides = array<i32>} : memref<64x128xf32, #tpu.memory_space<vmem>>, vector<16xf32>,
          tpu.vector_store %arg12[%parallel_loop3A_214, %parallel_loop3A_215], %parallel_loop3A_210 {strides = array<i32>} : memref<64x128xf32, #tpu.memory_space<vmem>>, vector<16xf32>,
        } {sc.loop_unroll_factor = 2 : i64, sc.parallel_access}
        %add3A_96 = arith.constant 2 : i32
        %add3A_97 = arith.addi %add3A_61, %add3A_96 : i32
        %lt3A = arith.constant 16 : i32
        %lt3A_98 = arith.cmpi slt, %add3A_97, %lt3A : i32
        %convert_element_type3A_99 = arith.extui %lt3A_98 : i1 to i32
        %cond3A_100 = arith.constant 0 : i32
        %cond3A_101 = arith.cmpi ne, %convert_element_type3A_99, %cond3A_100 : i32
        scf.if %cond3A_101 {
          %add3A_160 = arith.constant 2 : i32
          %add3A_161 = arith.addi %add3A_61, %add3A_160 : i32
          %dma_start3A_162 = arith.constant 0 : i32
          %dma_start3A_163 = tpu.memref_slice %arg7[%add3A_161, %dma_start3A_162] : memref<16x128xi32, #tpu.memory_space<vmem>> -> memref<1x128xi32, #tpu.memory_space<vmem>>
          %dma_start3A_164 = tpu.memref_squeeze %dma_start3A_163 : memref<1x128xi32, #tpu.memory_space<vmem>> -> memref<128xi32, #tpu.memory_space<vmem>>
          %dma_start3A_165 = arith.constant 0 : i32
          %dma_start3A_166 = arith.constant 0 : i32
          %dma_start3A_167 = tpu.memref_slice %arg2[%dma_start3A_165, %dma_start3A_166] : memref<10000x64xi32, #tpu.memory_space<hbm>> -> memref<10000x64xi32, #tpu.memory_space<hbm>>
          tpu.enqueue_indirect_dma source(%dma_start3A_167 : memref<10000x64xi32, #tpu.memory_space<hbm>>) target(%arg9 : memref<128x64xi32, #tpu.memory_space<vmem>>) offsets(%dma_start3A_164 : memref<128xi32, #tpu.memory_space<vmem>>) semaphore(%arg14 : memref<!tpu.dma_semaphore, #tpu.memory_space<semaphore_mem>>)
        } else {
        }
        %dma_start3A_102 = arith.constant 0 : i32
        %dma_start3A_103 = tpu.memref_slice %arg8[%add3A_70, %dma_start3A_102] : memref<32x64xi32, #tpu.memory_space<vmem>> -> memref<1x64xi32, #tpu.memory_space<vmem>>
        %dma_start3A_104 = tpu.memref_squeeze %dma_start3A_103 : memref<1x64xi32, #tpu.memory_space<vmem>> -> memref<64xi32, #tpu.memory_space<vmem>>
        %dma_start3A_105 = arith.constant 0 : i32
        %dma_start3A_106 = arith.constant 0 : i32
        %dma_start3A_107 = tpu.memref_slice %arg13[%dma_start3A_105, %dma_start3A_106] : memref<10112x128xf32, #tpu.memory_space<vmem_shared>> -> memref<10112x128xf32, #tpu.memory_space<vmem_shared>>
        tpu.enqueue_indirect_dma source(%arg12 : memref<64x128xf32, #tpu.memory_space<vmem>>) target(%dma_start3A_107 : memref<10112x128xf32, #tpu.memory_space<vmem_shared>>) offsets(%dma_start3A_104 : memref<64xi32, #tpu.memory_space<vmem>>) semaphore(%arg17 : memref<!tpu.dma_semaphore, #tpu.memory_space<semaphore_mem>>) {add = true}
        %and3A_108 = arith.constant false
        %and3A_109 = arith.andi %and3A, %and3A_108 : i1
        %mul3A_110 = arith.constant 2 : i32
        %mul3A_111 = arith.muli %mul3A_110, %add3A_61 : i32
        %add3A_112 = arith.constant 2 : i32
        %add3A_113 = arith.addi %mul3A_111, %add3A_112 : i32
        %mul3A_114 = arith.constant 2 : i32
        %mul3A_115 = arith.muli %mul3A_114, %add3A_61 : i32
        %add3A_116 = arith.constant 3 : i32
        %add3A_117 = arith.addi %mul3A_115, %add3A_116 : i32
        %dma_wait3A_118 = arith.constant 0 : i32
        %dma_wait3A_119 = arith.constant 0 : i32
        %dma_wait3A_120 = tpu.memref_slice %arg7[%dma_wait3A_118, %dma_wait3A_119] : memref<16x128xi32, #tpu.memory_space<vmem>> -> memref<1x128xi32, #tpu.memory_space<vmem>>
        %dma_wait3A_121 = tpu.memref_squeeze %dma_wait3A_120 : memref<1x128xi32, #tpu.memory_space<vmem>> -> memref<128xi32, #tpu.memory_space<vmem>>
        %dma_wait3A_122 = arith.constant 0 : i32
        %dma_wait3A_123 = arith.constant 0 : i32
        %dma_wait3A_124 = tpu.memref_slice %arg2[%dma_wait3A_122, %dma_wait3A_123] : memref<10000x64xi32, #tpu.memory_space<hbm>> -> memref<10000x64xi32, #tpu.memory_space<hbm>>
        tpu.wait_indirect_dma semaphore(%arg15 : memref<!tpu.dma_semaphore, #tpu.memory_space<semaphore_mem>>) src(%dma_wait3A_124 : memref<10000x64xi32, #tpu.memory_space<hbm>>) dst(%arg10 : memref<128x64xi32, #tpu.memory_space<vmem>>)
        %not3A_125 = arith.constant true
        %not3A_126 = arith.xori %and3A_109, %not3A_125 : i1
        %convert_element_type3A_127 = arith.extui %not3A_126 : i1 to i32
        %cond3A_128 = arith.constant 0 : i32
        %cond3A_129 = arith.cmpi ne, %convert_element_type3A_127, %cond3A_128 : i32
        scf.if %cond3A_129 {
          %dma_wait3A_160 = arith.constant 0 : i32
          %dma_wait3A_161 = arith.constant 0 : i32
          %dma_wait3A_162 = tpu.memref_slice %arg8[%dma_wait3A_160, %dma_wait3A_161] : memref<32x64xi32, #tpu.memory_space<vmem>> -> memref<1x64xi32, #tpu.memory_space<vmem>>
          %dma_wait3A_163 = tpu.memref_squeeze %dma_wait3A_162 : memref<1x64xi32, #tpu.memory_space<vmem>> -> memref<64xi32, #tpu.memory_space<vmem>>
          %dma_wait3A_164 = arith.constant 0 : i32
          %dma_wait3A_165 = arith.constant 0 : i32
          %dma_wait3A_166 = tpu.memref_slice %arg13[%dma_wait3A_164, %dma_wait3A_165] : memref<10112x128xf32, #tpu.memory_space<vmem_shared>> -> memref<10112x128xf32, #tpu.memory_space<vmem_shared>>
          tpu.wait_indirect_dma semaphore(%arg16 : memref<!tpu.dma_semaphore, #tpu.memory_space<semaphore_mem>>) src(%arg11 : memref<64x128xf32, #tpu.memory_space<vmem>>) dst(%dma_wait3A_166 : memref<10112x128xf32, #tpu.memory_space<vmem_shared>>)
        } else {
        }
        %parallel_loop3A_130 = arith.constant 0 : i32
        %parallel_loop3A_131 = arith.constant 64 : i32
        %parallel_loop3A_132 = arith.constant 1 : i32
        scf.for %parallel_loop3A_160 = %parallel_loop3A_130 to %parallel_loop3A_131 step %parallel_loop3A_132  : i32 {
          %parallel_loop3A_161 = arith.constant 0 : i32
          %parallel_loop3A_162 = arith.addi %parallel_loop3A_161, %parallel_loop3A_160 : i32
          %parallel_loop3A_163 = arith.index_cast %parallel_loop3A_162 : i32 to index
          %parallel_loop3A_164 = arith.constant 0 : index
          %parallel_loop3A_165 = tpu.vector_load %arg10[%parallel_loop3A_163, %parallel_loop3A_164] {strides = array<i32>} : memref<128x64xi32, #tpu.memory_space<vmem>>, vector<16xi32>,
          %parallel_loop3A_166 = vector.bitcast %parallel_loop3A_165 : vector<16xi32> to vector<32xbf16>
          %parallel_loop3A_167 = tpu.unpack_subelements %parallel_loop3A_166, 0 {pack_format = #tpu.pack_format<interleaved>} : vector<32xbf16> -> vector<16xf32>
          %parallel_loop3A_168 = tpu.unpack_subelements %parallel_loop3A_166, 1 {pack_format = #tpu.pack_format<interleaved>} : vector<32xbf16> -> vector<16xf32>
          %parallel_loop3A_169 = arith.index_cast %parallel_loop3A_160 : i32 to index
          %parallel_loop3A_170 = arith.constant 0 : index
          %parallel_loop3A_171 = tpu.vector_load %arg11[%parallel_loop3A_169, %parallel_loop3A_170] {strides = array<i32>} : memref<64x128xf32, #tpu.memory_space<vmem>>, vector<16xf32>,
          tpu.vector_store %arg11[%parallel_loop3A_169, %parallel_loop3A_170], %parallel_loop3A_167 {strides = array<i32>} : memref<64x128xf32, #tpu.memory_space<vmem>>, vector<16xf32>,
          %parallel_loop3A_172 = arith.index_cast %parallel_loop3A_160 : i32 to index
          %parallel_loop3A_173 = arith.constant 64 : index
          %parallel_loop3A_174 = tpu.vector_load %arg11[%parallel_loop3A_172, %parallel_loop3A_173] {strides = array<i32>} : memref<64x128xf32, #tpu.memory_space<vmem>>, vector<16xf32>,
          tpu.vector_store %arg11[%parallel_loop3A_172, %parallel_loop3A_173], %parallel_loop3A_168 {strides = array<i32>} : memref<64x128xf32, #tpu.memory_space<vmem>>, vector<16xf32>,
          %parallel_loop3A_175 = arith.constant 0 : i32
          %parallel_loop3A_176 = arith.addi %parallel_loop3A_175, %parallel_loop3A_160 : i32
          %parallel_loop3A_177 = arith.index_cast %parallel_loop3A_176 : i32 to index
          %parallel_loop3A_178 = arith.constant 16 : index
          %parallel_loop3A_179 = tpu.vector_load %arg10[%parallel_loop3A_177, %parallel_loop3A_178] {strides = array<i32>} : memref<128x64xi32, #tpu.memory_space<vmem>>, vector<16xi32>,
          %parallel_loop3A_180 = vector.bitcast %parallel_loop3A_179 : vector<16xi32> to vector<32xbf16>
          %parallel_loop3A_181 = tpu.unpack_subelements %parallel_loop3A_180, 0 {pack_format = #tpu.pack_format<interleaved>} : vector<32xbf16> -> vector<16xf32>
          %parallel_loop3A_182 = tpu.unpack_subelements %parallel_loop3A_180, 1 {pack_format = #tpu.pack_format<interleaved>} : vector<32xbf16> -> vector<16xf32>
          %parallel_loop3A_183 = arith.index_cast %parallel_loop3A_160 : i32 to index
          %parallel_loop3A_184 = arith.constant 16 : index
          %parallel_loop3A_185 = tpu.vector_load %arg11[%parallel_loop3A_183, %parallel_loop3A_184] {strides = array<i32>} : memref<64x128xf32, #tpu.memory_space<vmem>>, vector<16xf32>,
          tpu.vector_store %arg11[%parallel_loop3A_183, %parallel_loop3A_184], %parallel_loop3A_181 {strides = array<i32>} : memref<64x128xf32, #tpu.memory_space<vmem>>, vector<16xf32>,
          %parallel_loop3A_186 = arith.index_cast %parallel_loop3A_160 : i32 to index
          %parallel_loop3A_187 = arith.constant 80 : index
          %parallel_loop3A_188 = tpu.vector_load %arg11[%parallel_loop3A_186, %parallel_loop3A_187] {strides = array<i32>} : memref<64x128xf32, #tpu.memory_space<vmem>>, vector<16xf32>,
          tpu.vector_store %arg11[%parallel_loop3A_186, %parallel_loop3A_187], %parallel_loop3A_182 {strides = array<i32>} : memref<64x128xf32, #tpu.memory_space<vmem>>, vector<16xf32>,
          %parallel_loop3A_189 = arith.constant 0 : i32
          %parallel_loop3A_190 = arith.addi %parallel_loop3A_189, %parallel_loop3A_160 : i32
          %parallel_loop3A_191 = arith.index_cast %parallel_loop3A_190 : i32 to index
          %parallel_loop3A_192 = arith.constant 32 : index
          %parallel_loop3A_193 = tpu.vector_load %arg10[%parallel_loop3A_191, %parallel_loop3A_192] {strides = array<i32>} : memref<128x64xi32, #tpu.memory_space<vmem>>, vector<16xi32>,
          %parallel_loop3A_194 = vector.bitcast %parallel_loop3A_193 : vector<16xi32> to vector<32xbf16>
          %parallel_loop3A_195 = tpu.unpack_subelements %parallel_loop3A_194, 0 {pack_format = #tpu.pack_format<interleaved>} : vector<32xbf16> -> vector<16xf32>
          %parallel_loop3A_196 = tpu.unpack_subelements %parallel_loop3A_194, 1 {pack_format = #tpu.pack_format<interleaved>} : vector<32xbf16> -> vector<16xf32>
          %parallel_loop3A_197 = arith.index_cast %parallel_loop3A_160 : i32 to index
          %parallel_loop3A_198 = arith.constant 32 : index
          %parallel_loop3A_199 = tpu.vector_load %arg11[%parallel_loop3A_197, %parallel_loop3A_198] {strides = array<i32>} : memref<64x128xf32, #tpu.memory_space<vmem>>, vector<16xf32>,
          tpu.vector_store %arg11[%parallel_loop3A_197, %parallel_loop3A_198], %parallel_loop3A_195 {strides = array<i32>} : memref<64x128xf32, #tpu.memory_space<vmem>>, vector<16xf32>,
          %parallel_loop3A_200 = arith.index_cast %parallel_loop3A_160 : i32 to index
          %parallel_loop3A_201 = arith.constant 96 : index
          %parallel_loop3A_202 = tpu.vector_load %arg11[%parallel_loop3A_200, %parallel_loop3A_201] {strides = array<i32>} : memref<64x128xf32, #tpu.memory_space<vmem>>, vector<16xf32>,
          tpu.vector_store %arg11[%parallel_loop3A_200, %parallel_loop3A_201], %parallel_loop3A_196 {strides = array<i32>} : memref<64x128xf32, #tpu.memory_space<vmem>>, vector<16xf32>,
          %parallel_loop3A_203 = arith.constant 0 : i32
          %parallel_loop3A_204 = arith.addi %parallel_loop3A_203, %parallel_loop3A_160 : i32
          %parallel_loop3A_205 = arith.index_cast %parallel_loop3A_204 : i32 to index
          %parallel_loop3A_206 = arith.constant 48 : index
          %parallel_loop3A_207 = tpu.vector_load %arg10[%parallel_loop3A_205, %parallel_loop3A_206] {strides = array<i32>} : memref<128x64xi32, #tpu.memory_space<vmem>>, vector<16xi32>,
          %parallel_loop3A_208 = vector.bitcast %parallel_loop3A_207 : vector<16xi32> to vector<32xbf16>
          %parallel_loop3A_209 = tpu.unpack_subelements %parallel_loop3A_208, 0 {pack_format = #tpu.pack_format<interleaved>} : vector<32xbf16> -> vector<16xf32>
          %parallel_loop3A_210 = tpu.unpack_subelements %parallel_loop3A_208, 1 {pack_format = #tpu.pack_format<interleaved>} : vector<32xbf16> -> vector<16xf32>
          %parallel_loop3A_211 = arith.index_cast %parallel_loop3A_160 : i32 to index
          %parallel_loop3A_212 = arith.constant 48 : index
          %parallel_loop3A_213 = tpu.vector_load %arg11[%parallel_loop3A_211, %parallel_loop3A_212] {strides = array<i32>} : memref<64x128xf32, #tpu.memory_space<vmem>>, vector<16xf32>,
          tpu.vector_store %arg11[%parallel_loop3A_211, %parallel_loop3A_212], %parallel_loop3A_209 {strides = array<i32>} : memref<64x128xf32, #tpu.memory_space<vmem>>, vector<16xf32>,
          %parallel_loop3A_214 = arith.index_cast %parallel_loop3A_160 : i32 to index
          %parallel_loop3A_215 = arith.constant 112 : index
          %parallel_loop3A_216 = tpu.vector_load %arg11[%parallel_loop3A_214, %parallel_loop3A_215] {strides = array<i32>} : memref<64x128xf32, #tpu.memory_space<vmem>>, vector<16xf32>,
          tpu.vector_store %arg11[%parallel_loop3A_214, %parallel_loop3A_215], %parallel_loop3A_210 {strides = array<i32>} : memref<64x128xf32, #tpu.memory_space<vmem>>, vector<16xf32>,
        } {sc.loop_unroll_factor = 2 : i64, sc.parallel_access}
        %dma_start3A_133 = arith.constant 0 : i32
        %dma_start3A_134 = tpu.memref_slice %arg8[%add3A_113, %dma_start3A_133] : memref<32x64xi32, #tpu.memory_space<vmem>> -> memref<1x64xi32, #tpu.memory_space<vmem>>
        %dma_start3A_135 = tpu.memref_squeeze %dma_start3A_134 : memref<1x64xi32, #tpu.memory_space<vmem>> -> memref<64xi32, #tpu.memory_space<vmem>>
        %dma_start3A_136 = arith.constant 0 : i32
        %dma_start3A_137 = arith.constant 0 : i32
        %dma_start3A_138 = tpu.memref_slice %arg13[%dma_start3A_136, %dma_start3A_137] : memref<10112x128xf32, #tpu.memory_space<vmem_shared>> -> memref<10112x128xf32, #tpu.memory_space<vmem_shared>>
        tpu.enqueue_indirect_dma source(%arg11 : memref<64x128xf32, #tpu.memory_space<vmem>>) target(%dma_start3A_138 : memref<10112x128xf32, #tpu.memory_space<vmem_shared>>) offsets(%dma_start3A_135 : memref<64xi32, #tpu.memory_space<vmem>>) semaphore(%arg16 : memref<!tpu.dma_semaphore, #tpu.memory_space<semaphore_mem>>) {add = true}
        %not3A_139 = arith.constant true
        %not3A_140 = arith.xori %and3A_109, %not3A_139 : i1
        %convert_element_type3A_141 = arith.extui %not3A_140 : i1 to i32
        %cond3A_142 = arith.constant 0 : i32
        %cond3A_143 = arith.cmpi ne, %convert_element_type3A_141, %cond3A_142 : i32
        scf.if %cond3A_143 {
          %dma_wait3A_160 = arith.constant 0 : i32
          %dma_wait3A_161 = arith.constant 0 : i32
          %dma_wait3A_162 = tpu.memref_slice %arg8[%dma_wait3A_160, %dma_wait3A_161] : memref<32x64xi32, #tpu.memory_space<vmem>> -> memref<1x64xi32, #tpu.memory_space<vmem>>
          %dma_wait3A_163 = tpu.memref_squeeze %dma_wait3A_162 : memref<1x64xi32, #tpu.memory_space<vmem>> -> memref<64xi32, #tpu.memory_space<vmem>>
          %dma_wait3A_164 = arith.constant 0 : i32
          %dma_wait3A_165 = arith.constant 0 : i32
          %dma_wait3A_166 = tpu.memref_slice %arg13[%dma_wait3A_164, %dma_wait3A_165] : memref<10112x128xf32, #tpu.memory_space<vmem_shared>> -> memref<10112x128xf32, #tpu.memory_space<vmem_shared>>
          tpu.wait_indirect_dma semaphore(%arg17 : memref<!tpu.dma_semaphore, #tpu.memory_space<semaphore_mem>>) src(%arg12 : memref<64x128xf32, #tpu.memory_space<vmem>>) dst(%dma_wait3A_166 : memref<10112x128xf32, #tpu.memory_space<vmem_shared>>)
        } else {
        }
        %parallel_loop3A_144 = arith.constant 0 : i32
        %parallel_loop3A_145 = arith.constant 64 : i32
        %parallel_loop3A_146 = arith.constant 1 : i32
        scf.for %parallel_loop3A_160 = %parallel_loop3A_144 to %parallel_loop3A_145 step %parallel_loop3A_146  : i32 {
          %parallel_loop3A_161 = arith.constant 64 : i32
          %parallel_loop3A_162 = arith.addi %parallel_loop3A_161, %parallel_loop3A_160 : i32
          %parallel_loop3A_163 = arith.index_cast %parallel_loop3A_162 : i32 to index
          %parallel_loop3A_164 = arith.constant 0 : index
          %parallel_loop3A_165 = tpu.vector_load %arg10[%parallel_loop3A_163, %parallel_loop3A_164] {strides = array<i32>} : memref<128x64xi32, #tpu.memory_space<vmem>>, vector<16xi32>,
          %parallel_loop3A_166 = vector.bitcast %parallel_loop3A_165 : vector<16xi32> to vector<32xbf16>
          %parallel_loop3A_167 = tpu.unpack_subelements %parallel_loop3A_166, 0 {pack_format = #tpu.pack_format<interleaved>} : vector<32xbf16> -> vector<16xf32>
          %parallel_loop3A_168 = tpu.unpack_subelements %parallel_loop3A_166, 1 {pack_format = #tpu.pack_format<interleaved>} : vector<32xbf16> -> vector<16xf32>
          %parallel_loop3A_169 = arith.index_cast %parallel_loop3A_160 : i32 to index
          %parallel_loop3A_170 = arith.constant 0 : index
          %parallel_loop3A_171 = tpu.vector_load %arg12[%parallel_loop3A_169, %parallel_loop3A_170] {strides = array<i32>} : memref<64x128xf32, #tpu.memory_space<vmem>>, vector<16xf32>,
          tpu.vector_store %arg12[%parallel_loop3A_169, %parallel_loop3A_170], %parallel_loop3A_167 {strides = array<i32>} : memref<64x128xf32, #tpu.memory_space<vmem>>, vector<16xf32>,
          %parallel_loop3A_172 = arith.index_cast %parallel_loop3A_160 : i32 to index
          %parallel_loop3A_173 = arith.constant 64 : index
          %parallel_loop3A_174 = tpu.vector_load %arg12[%parallel_loop3A_172, %parallel_loop3A_173] {strides = array<i32>} : memref<64x128xf32, #tpu.memory_space<vmem>>, vector<16xf32>,
          tpu.vector_store %arg12[%parallel_loop3A_172, %parallel_loop3A_173], %parallel_loop3A_168 {strides = array<i32>} : memref<64x128xf32, #tpu.memory_space<vmem>>, vector<16xf32>,
          %parallel_loop3A_175 = arith.constant 64 : i32
          %parallel_loop3A_176 = arith.addi %parallel_loop3A_175, %parallel_loop3A_160 : i32
          %parallel_loop3A_177 = arith.index_cast %parallel_loop3A_176 : i32 to index
          %parallel_loop3A_178 = arith.constant 16 : index
          %parallel_loop3A_179 = tpu.vector_load %arg10[%parallel_loop3A_177, %parallel_loop3A_178] {strides = array<i32>} : memref<128x64xi32, #tpu.memory_space<vmem>>, vector<16xi32>,
          %parallel_loop3A_180 = vector.bitcast %parallel_loop3A_179 : vector<16xi32> to vector<32xbf16>
          %parallel_loop3A_181 = tpu.unpack_subelements %parallel_loop3A_180, 0 {pack_format = #tpu.pack_format<interleaved>} : vector<32xbf16> -> vector<16xf32>
          %parallel_loop3A_182 = tpu.unpack_subelements %parallel_loop3A_180, 1 {pack_format = #tpu.pack_format<interleaved>} : vector<32xbf16> -> vector<16xf32>
          %parallel_loop3A_183 = arith.index_cast %parallel_loop3A_160 : i32 to index
          %parallel_loop3A_184 = arith.constant 16 : index
          %parallel_loop3A_185 = tpu.vector_load %arg12[%parallel_loop3A_183, %parallel_loop3A_184] {strides = array<i32>} : memref<64x128xf32, #tpu.memory_space<vmem>>, vector<16xf32>,
          tpu.vector_store %arg12[%parallel_loop3A_183, %parallel_loop3A_184], %parallel_loop3A_181 {strides = array<i32>} : memref<64x128xf32, #tpu.memory_space<vmem>>, vector<16xf32>,
          %parallel_loop3A_186 = arith.index_cast %parallel_loop3A_160 : i32 to index
          %parallel_loop3A_187 = arith.constant 80 : index
          %parallel_loop3A_188 = tpu.vector_load %arg12[%parallel_loop3A_186, %parallel_loop3A_187] {strides = array<i32>} : memref<64x128xf32, #tpu.memory_space<vmem>>, vector<16xf32>,
          tpu.vector_store %arg12[%parallel_loop3A_186, %parallel_loop3A_187], %parallel_loop3A_182 {strides = array<i32>} : memref<64x128xf32, #tpu.memory_space<vmem>>, vector<16xf32>,
          %parallel_loop3A_189 = arith.constant 64 : i32
          %parallel_loop3A_190 = arith.addi %parallel_loop3A_189, %parallel_loop3A_160 : i32
          %parallel_loop3A_191 = arith.index_cast %parallel_loop3A_190 : i32 to index
          %parallel_loop3A_192 = arith.constant 32 : index
          %parallel_loop3A_193 = tpu.vector_load %arg10[%parallel_loop3A_191, %parallel_loop3A_192] {strides = array<i32>} : memref<128x64xi32, #tpu.memory_space<vmem>>, vector<16xi32>,
          %parallel_loop3A_194 = vector.bitcast %parallel_loop3A_193 : vector<16xi32> to vector<32xbf16>
          %parallel_loop3A_195 = tpu.unpack_subelements %parallel_loop3A_194, 0 {pack_format = #tpu.pack_format<interleaved>} : vector<32xbf16> -> vector<16xf32>
          %parallel_loop3A_196 = tpu.unpack_subelements %parallel_loop3A_194, 1 {pack_format = #tpu.pack_format<interleaved>} : vector<32xbf16> -> vector<16xf32>
          %parallel_loop3A_197 = arith.index_cast %parallel_loop3A_160 : i32 to index
          %parallel_loop3A_198 = arith.constant 32 : index
          %parallel_loop3A_199 = tpu.vector_load %arg12[%parallel_loop3A_197, %parallel_loop3A_198] {strides = array<i32>} : memref<64x128xf32, #tpu.memory_space<vmem>>, vector<16xf32>,
          tpu.vector_store %arg12[%parallel_loop3A_197, %parallel_loop3A_198], %parallel_loop3A_195 {strides = array<i32>} : memref<64x128xf32, #tpu.memory_space<vmem>>, vector<16xf32>,
          %parallel_loop3A_200 = arith.index_cast %parallel_loop3A_160 : i32 to index
          %parallel_loop3A_201 = arith.constant 96 : index
          %parallel_loop3A_202 = tpu.vector_load %arg12[%parallel_loop3A_200, %parallel_loop3A_201] {strides = array<i32>} : memref<64x128xf32, #tpu.memory_space<vmem>>, vector<16xf32>,
          tpu.vector_store %arg12[%parallel_loop3A_200, %parallel_loop3A_201], %parallel_loop3A_196 {strides = array<i32>} : memref<64x128xf32, #tpu.memory_space<vmem>>, vector<16xf32>,
          %parallel_loop3A_203 = arith.constant 64 : i32
          %parallel_loop3A_204 = arith.addi %parallel_loop3A_203, %parallel_loop3A_160 : i32
          %parallel_loop3A_205 = arith.index_cast %parallel_loop3A_204 : i32 to index
          %parallel_loop3A_206 = arith.constant 48 : index
          %parallel_loop3A_207 = tpu.vector_load %arg10[%parallel_loop3A_205, %parallel_loop3A_206] {strides = array<i32>} : memref<128x64xi32, #tpu.memory_space<vmem>>, vector<16xi32>,
          %parallel_loop3A_208 = vector.bitcast %parallel_loop3A_207 : vector<16xi32> to vector<32xbf16>
          %parallel_loop3A_209 = tpu.unpack_subelements %parallel_loop3A_208, 0 {pack_format = #tpu.pack_format<interleaved>} : vector<32xbf16> -> vector<16xf32>
          %parallel_loop3A_210 = tpu.unpack_subelements %parallel_loop3A_208, 1 {pack_format = #tpu.pack_format<interleaved>} : vector<32xbf16> -> vector<16xf32>
          %parallel_loop3A_211 = arith.index_cast %parallel_loop3A_160 : i32 to index
          %parallel_loop3A_212 = arith.constant 48 : index
          %parallel_loop3A_213 = tpu.vector_load %arg12[%parallel_loop3A_211, %parallel_loop3A_212] {strides = array<i32>} : memref<64x128xf32, #tpu.memory_space<vmem>>, vector<16xf32>,
          tpu.vector_store %arg12[%parallel_loop3A_211, %parallel_loop3A_212], %parallel_loop3A_209 {strides = array<i32>} : memref<64x128xf32, #tpu.memory_space<vmem>>, vector<16xf32>,
          %parallel_loop3A_214 = arith.index_cast %parallel_loop3A_160 : i32 to index
          %parallel_loop3A_215 = arith.constant 112 : index
          %parallel_loop3A_216 = tpu.vector_load %arg12[%parallel_loop3A_214, %parallel_loop3A_215] {strides = array<i32>} : memref<64x128xf32, #tpu.memory_space<vmem>>, vector<16xf32>,
          tpu.vector_store %arg12[%parallel_loop3A_214, %parallel_loop3A_215], %parallel_loop3A_210 {strides = array<i32>} : memref<64x128xf32, #tpu.memory_space<vmem>>, vector<16xf32>,
        } {sc.loop_unroll_factor = 2 : i64, sc.parallel_access}
        %add3A_147 = arith.constant 3 : i32
        %add3A_148 = arith.addi %add3A_61, %add3A_147 : i32
        %lt3A_149 = arith.constant 16 : i32
        %lt3A_150 = arith.cmpi slt, %add3A_148, %lt3A_149 : i32
        %convert_element_type3A_151 = arith.extui %lt3A_150 : i1 to i32
        %cond3A_152 = arith.constant 0 : i32
        %cond3A_153 = arith.cmpi ne, %convert_element_type3A_151, %cond3A_152 : i32
        scf.if %cond3A_153 {
          %add3A_160 = arith.constant 3 : i32
          %add3A_161 = arith.addi %add3A_61, %add3A_160 : i32
          %dma_start3A_162 = arith.constant 0 : i32
          %dma_start3A_163 = tpu.memref_slice %arg7[%add3A_161, %dma_start3A_162] : memref<16x128xi32, #tpu.memory_space<vmem>> -> memref<1x128xi32, #tpu.memory_space<vmem>>
          %dma_start3A_164 = tpu.memref_squeeze %dma_start3A_163 : memref<1x128xi32, #tpu.memory_space<vmem>> -> memref<128xi32, #tpu.memory_space<vmem>>
          %dma_start3A_165 = arith.constant 0 : i32
          %dma_start3A_166 = arith.constant 0 : i32
          %dma_start3A_167 = tpu.memref_slice %arg2[%dma_start3A_165, %dma_start3A_166] : memref<10000x64xi32, #tpu.memory_space<hbm>> -> memref<10000x64xi32, #tpu.memory_space<hbm>>
          tpu.enqueue_indirect_dma source(%dma_start3A_167 : memref<10000x64xi32, #tpu.memory_space<hbm>>) target(%arg10 : memref<128x64xi32, #tpu.memory_space<vmem>>) offsets(%dma_start3A_164 : memref<128xi32, #tpu.memory_space<vmem>>) semaphore(%arg15 : memref<!tpu.dma_semaphore, #tpu.memory_space<semaphore_mem>>)
        } else {
        }
        %dma_start3A_154 = arith.constant 0 : i32
        %dma_start3A_155 = tpu.memref_slice %arg8[%add3A_117, %dma_start3A_154] : memref<32x64xi32, #tpu.memory_space<vmem>> -> memref<1x64xi32, #tpu.memory_space<vmem>>
        %dma_start3A_156 = tpu.memref_squeeze %dma_start3A_155 : memref<1x64xi32, #tpu.memory_space<vmem>> -> memref<64xi32, #tpu.memory_space<vmem>>
        %dma_start3A_157 = arith.constant 0 : i32
        %dma_start3A_158 = arith.constant 0 : i32
        %dma_start3A_159 = tpu.memref_slice %arg13[%dma_start3A_157, %dma_start3A_158] : memref<10112x128xf32, #tpu.memory_space<vmem_shared>> -> memref<10112x128xf32, #tpu.memory_space<vmem_shared>>
        tpu.enqueue_indirect_dma source(%arg12 : memref<64x128xf32, #tpu.memory_space<vmem>>) target(%dma_start3A_159 : memref<10112x128xf32, #tpu.memory_space<vmem_shared>>) offsets(%dma_start3A_156 : memref<64xi32, #tpu.memory_space<vmem>>) semaphore(%arg17 : memref<!tpu.dma_semaphore, #tpu.memory_space<semaphore_mem>>) {add = true}
      }
      %scan3A_56 = arith.constant 8 : i32
    }
    %scan3A_8 = arith.constant 5 : i32
    %dma_wait3A = arith.constant 0 : i32
    %dma_wait3A_9 = arith.constant 0 : i32
    %dma_wait3A_10 = tpu.memref_slice %arg8[%dma_wait3A, %dma_wait3A_9] : memref<32x64xi32, #tpu.memory_space<vmem>> -> memref<1x64xi32, #tpu.memory_space<vmem>>
    %dma_wait3A_11 = tpu.memref_squeeze %dma_wait3A_10 : memref<1x64xi32, #tpu.memory_space<vmem>> -> memref<64xi32, #tpu.memory_space<vmem>>
    %dma_wait3A_12 = arith.constant 0 : i32
    %dma_wait3A_13 = arith.constant 0 : i32
    %dma_wait3A_14 = tpu.memref_slice %arg13[%dma_wait3A_12, %dma_wait3A_13] : memref<10112x128xf32, #tpu.memory_space<vmem_shared>> -> memref<10112x128xf32, #tpu.memory_space<vmem_shared>>
    tpu.wait_indirect_dma semaphore(%arg16 : memref<!tpu.dma_semaphore, #tpu.memory_space<semaphore_mem>>) src(%arg11 : memref<64x128xf32, #tpu.memory_space<vmem>>) dst(%dma_wait3A_14 : memref<10112x128xf32, #tpu.memory_space<vmem_shared>>)
    %dma_wait3A_15 = arith.constant 0 : i32
    %dma_wait3A_16 = arith.constant 0 : i32
    %dma_wait3A_17 = tpu.memref_slice %arg8[%dma_wait3A_15, %dma_wait3A_16] : memref<32x64xi32, #tpu.memory_space<vmem>> -> memref<1x64xi32, #tpu.memory_space<vmem>>
    %dma_wait3A_18 = tpu.memref_squeeze %dma_wait3A_17 : memref<1x64xi32, #tpu.memory_space<vmem>> -> memref<64xi32, #tpu.memory_space<vmem>>
    %dma_wait3A_19 = arith.constant 0 : i32
    %dma_wait3A_20 = arith.constant 0 : i32
    %dma_wait3A_21 = tpu.memref_slice %arg13[%dma_wait3A_19, %dma_wait3A_20] : memref<10112x128xf32, #tpu.memory_space<vmem_shared>> -> memref<10112x128xf32, #tpu.memory_space<vmem_shared>>
    tpu.wait_indirect_dma semaphore(%arg17 : memref<!tpu.dma_semaphore, #tpu.memory_space<semaphore_mem>>) src(%arg12 : memref<64x128xf32, #tpu.memory_space<vmem>>) dst(%dma_wait3A_21 : memref<10112x128xf32, #tpu.memory_space<vmem_shared>>)
    %barrier3A_22 = arith.constant 0 : index
    tpu.barrier barrier_id(%barrier3A_22)
    %mul3A_23 = arith.constant 632 : i32
    %mul3A_24 = arith.muli %arg1, %mul3A_23 : i32
    %mul3A_25 = arith.constant 632 : i32
    %mul3A_26 = arith.muli %arg1, %mul3A_25 : i32
    "tpu.region"() ({
      %run_scoped3A = tpu.sem_alloc : memref<!tpu.dma_semaphore, #tpu.memory_space<semaphore_mem>>
      %dma_start3A = arith.constant 0 : i32
      %dma_start3A_27 = tpu.memref_slice %arg6[%arg0, %mul3A_26, %dma_start3A] : memref<2x10112x128xf32, #tpu.memory_space<hbm>> -> memref<1x632x128xf32, #tpu.memory_space<hbm>>
      %dma_start3A_28 = tpu.memref_squeeze %dma_start3A_27 : memref<1x632x128xf32, #tpu.memory_space<hbm>> -> memref<632x128xf32, #tpu.memory_space<hbm>>
      %dma_start3A_29 = arith.constant 0 : i32
      %dma_start3A_30 = tpu.memref_slice %arg13[%mul3A_24, %dma_start3A_29] : memref<10112x128xf32, #tpu.memory_space<vmem_shared>> -> memref<632x128xf32, #tpu.memory_space<vmem_shared>>
      tpu.enqueue_dma source(%dma_start3A_30 : memref<632x128xf32, #tpu.memory_space<vmem_shared>>) target(%dma_start3A_28 : memref<632x128xf32, #tpu.memory_space<hbm>>) target_semaphore(%run_scoped3A : memref<!tpu.dma_semaphore, #tpu.memory_space<semaphore_mem>>)
      %dma_wait3A_31 = arith.constant 0 : i32
      %dma_wait3A_32 = tpu.memref_slice %arg6[%arg0, %mul3A_26, %dma_wait3A_31] : memref<2x10112x128xf32, #tpu.memory_space<hbm>> -> memref<1x632x128xf32, #tpu.memory_space<hbm>>
      %dma_wait3A_33 = tpu.memref_squeeze %dma_wait3A_32 : memref<1x632x128xf32, #tpu.memory_space<hbm>> -> memref<632x128xf32, #tpu.memory_space<hbm>>
      %dma_wait3A_34 = arith.constant 0 : i32
      %dma_wait3A_35 = tpu.memref_slice %arg13[%mul3A_24, %dma_wait3A_34] : memref<10112x128xf32, #tpu.memory_space<vmem_shared>> -> memref<632x128xf32, #tpu.memory_space<vmem_shared>>
      tpu.wait_dma2 semaphore(%run_scoped3A : memref<!tpu.dma_semaphore, #tpu.memory_space<semaphore_mem>>) src(%dma_wait3A_35 : memref<632x128xf32, #tpu.memory_space<vmem_shared>>) dst(%dma_wait3A_33 : memref<632x128xf32, #tpu.memory_space<hbm>>)
      tpu.yield
    }) : () -> ()
    return
  }
}

module attributes {stable_mosaic.version = 14 : i64} {
  func.func @body(%arg0: i32, %arg1: memref<1000x128xf32, #tpu.memory_space<vmem>>, %arg2: memref<128x128xf32, #tpu.memory_space<vmem>>, %arg3: memref<1x128xf32, #tpu.memory_space<vmem>>, %arg4: memref<1000x128xf32, #tpu.memory_space<vmem>>, %arg5: memref<1000x64xi32, #tpu.memory_space<vmem>>) attributes {dimension_semantics = [#tpu.dimension_semantics<arbitrary>], iteration_bounds = array<i64: 10>, scalar_prefetch = 0 : i64, scratch_operands = 0 : i64, tpu.core_type = #tpu.core_type<tc>, window_params = [{transform_indices = @transform_0, window_bounds = array<i64: 1000, 128>}, {pipeline_mode = #tpu.pipeline_mode<synchronous>, transform_indices = @transform_1, window_bounds = array<i64: 128, 128>}, {pipeline_mode = #tpu.pipeline_mode<synchronous>, transform_indices = @transform_2, window_bounds = array<i64: 1, 128>}, {transform_indices = @transform_3, window_bounds = array<i64: 1000, 128>}, {transform_indices = @transform_4, window_bounds = array<i64: 1000, 64>}]} {
    %get3A = arith.constant 0 : index
    %get3A_0 = arith.constant 0 : index
    %get3A_1 = vector.load %arg1[%get3A, %get3A_0] : memref<1000x128xf32, #tpu.memory_space<vmem>>, vector<1000x128xf32>
    %get3A_2 = arith.constant 0 : index
    %get3A_3 = arith.constant 0 : index
    %get3A_4 = vector.load %arg2[%get3A_2, %get3A_3] : memref<128x128xf32, #tpu.memory_space<vmem>>, vector<128x128xf32>
    %dot_general3A = arith.constant dense<0.000000e+00> : vector<1000x128xf32>
    %dot_general3A_5 = tpu.matmul %get3A_1, %get3A_4, %dot_general3A {dimension_numbers = #tpu.dot_dimension_numbers<[1], [0], [0], [1], [0, 0, 1, 1], [], []>, transpose_lhs_hint = false} : vector<1000x128xf32>, vector<128x128xf32>, vector<1000x128xf32> -> vector<1000x128xf32>
    %get3A_6 = arith.constant 0 : index
    %get3A_7 = arith.constant 0 : index
    %get3A_8 = vector.load %arg3[%get3A_6, %get3A_7] : memref<1x128xf32, #tpu.memory_space<vmem>>, vector<1x128xf32>
    %add3A = vector.broadcast %get3A_8 : vector<1x128xf32> to vector<1000x128xf32>
    %add3A_9 = arith.addf %dot_general3A_5, %add3A : vector<1000x128xf32>
    %max3A = arith.constant 0.000000e+00 : f32
    %max3A_10 = vector.broadcast %max3A : f32 to vector<1000x128xf32>
    %max3A_11 = arith.maximumf %add3A_9, %max3A_10 : vector<1000x128xf32>
    %swap3A = arith.constant 0 : index
    %swap3A_12 = arith.constant 0 : index
    %swap3A_13 = vector.load %arg4[%swap3A, %swap3A_12] : memref<1000x128xf32, #tpu.memory_space<vmem>>, vector<1000x128xf32>
    tpu.vector_store %arg4[%swap3A, %swap3A_12], %max3A_11 {strides = array<i32>} : memref<1000x128xf32, #tpu.memory_space<vmem>>, vector<1000x128xf32>,
    %slice3A = vector.extract_strided_slice %max3A_11 {offsets = [0, 0], sizes = [1000, 64], strides = [1, 1]} : vector<1000x128xf32> to vector<1000x64xf32>
    %bitcast_convert_type3A = tpu.bitcast %slice3A : vector<1000x64xf32> -> vector<1000x64xi32>
    %slice3A_14 = vector.extract_strided_slice %max3A_11 {offsets = [0, 64], sizes = [1000, 64], strides = [1, 1]} : vector<1000x128xf32> to vector<1000x64xf32>
    %bitcast_convert_type3A_15 = tpu.bitcast %slice3A_14 : vector<1000x64xf32> -> vector<1000x64xi32>
    %add3A_16 = arith.constant 32767 : i32
    %add3A_17 = vector.broadcast %add3A_16 : i32 to vector<1000x64xi32>
    %add3A_18 = arith.addi %bitcast_convert_type3A, %add3A_17 : vector<1000x64xi32>
    %shift_right_logical3A = arith.constant 16 : i32
    %shift_right_logical3A_19 = vector.broadcast %shift_right_logical3A : i32 to vector<1000x64xi32>
    %shift_right_logical3A_20 = arith.shrui %bitcast_convert_type3A, %shift_right_logical3A_19 : vector<1000x64xi32>
    %and3A = arith.constant 1 : i32
    %and3A_21 = vector.broadcast %and3A : i32 to vector<1000x64xi32>
    %and3A_22 = arith.andi %shift_right_logical3A_20, %and3A_21 : vector<1000x64xi32>
    %add3A_23 = arith.addi %add3A_18, %and3A_22 : vector<1000x64xi32>
    %add3A_24 = arith.constant 32767 : i32
    %add3A_25 = vector.broadcast %add3A_24 : i32 to vector<1000x64xi32>
    %add3A_26 = arith.addi %bitcast_convert_type3A_15, %add3A_25 : vector<1000x64xi32>
    %shift_right_logical3A_27 = arith.constant 16 : i32
    %shift_right_logical3A_28 = vector.broadcast %shift_right_logical3A_27 : i32 to vector<1000x64xi32>
    %shift_right_logical3A_29 = arith.shrui %bitcast_convert_type3A_15, %shift_right_logical3A_28 : vector<1000x64xi32>
    %and3A_30 = arith.constant 1 : i32
    %and3A_31 = vector.broadcast %and3A_30 : i32 to vector<1000x64xi32>
    %and3A_32 = arith.andi %shift_right_logical3A_29, %and3A_31 : vector<1000x64xi32>
    %add3A_33 = arith.addi %add3A_26, %and3A_32 : vector<1000x64xi32>
    %shift_right_logical3A_34 = arith.constant 16 : i32
    %shift_right_logical3A_35 = vector.broadcast %shift_right_logical3A_34 : i32 to vector<1000x64xi32>
    %shift_right_logical3A_36 = arith.shrui %add3A_23, %shift_right_logical3A_35 : vector<1000x64xi32>
    %and3A_37 = arith.constant -65536 : i32
    %and3A_38 = vector.broadcast %and3A_37 : i32 to vector<1000x64xi32>
    %and3A_39 = arith.andi %add3A_33, %and3A_38 : vector<1000x64xi32>
    %or3A = arith.ori %shift_right_logical3A_36, %and3A_39 : vector<1000x64xi32>
    %bitcast_convert_type3A_40 = tpu.bitcast %or3A : vector<1000x64xi32> -> vector<1000x64xi32>
    %swap3A_41 = arith.constant 0 : index
    %swap3A_42 = arith.constant 0 : index
    %swap3A_43 = vector.load %arg5[%swap3A_41, %swap3A_42] : memref<1000x64xi32, #tpu.memory_space<vmem>>, vector<1000x64xi32>
    tpu.vector_store %arg5[%swap3A_41, %swap3A_42], %bitcast_convert_type3A_40 {strides = array<i32>} : memref<1000x64xi32, #tpu.memory_space<vmem>>, vector<1000x64xi32>,
    return
  }
  func.func @transform_0(%arg0: i32) -> (i32, i32) {
    %c0_i32 = arith.constant 0 : i32
    %c0_i32_0 = arith.constant 0 : i32
    return %arg0, %c0_i32 : i32, i32
  }
  func.func @transform_1(%arg0: i32) -> (i32, i32) {
    %c0_i32 = arith.constant 0 : i32
    %c0_i32_0 = arith.constant 0 : i32
    %c0_i32_1 = arith.constant 0 : i32
    return %c0_i32, %c0_i32_0 : i32, i32
  }
  func.func @transform_2(%arg0: i32) -> (i32, i32) {
    %c0_i32 = arith.constant 0 : i32
    %c0_i32_0 = arith.constant 0 : i32
    %c0_i32_1 = arith.constant 0 : i32
    return %c0_i32, %c0_i32_0 : i32, i32
  }
  func.func @transform_3(%arg0: i32) -> (i32, i32) {
    %c0_i32 = arith.constant 0 : i32
    %c0_i32_0 = arith.constant 0 : i32
    return %arg0, %c0_i32 : i32, i32
  }
  func.func @transform_4(%arg0: i32) -> (i32, i32) {
    %c0_i32 = arith.constant 0 : i32
    %c0_i32_0 = arith.constant 0 : i32
    return %arg0, %c0_i32 : i32, i32
  }
}

module attributes {stable_mosaic.version = 14 : i64} {
  func.func @body(%arg0: i32, %arg1: memref<1000x128xf32, #tpu.memory_space<vmem>>, %arg2: memref<2x1000x128xf32, #tpu.memory_space<vmem>>, %arg3: memref<2x1000x128xf32, #tpu.memory_space<vmem>>, %arg4: memref<128x128xf32, #tpu.memory_space<vmem>>, %arg5: memref<1x128xf32, #tpu.memory_space<vmem>>, %arg6: memref<128x128xf32, #tpu.memory_space<vmem>>, %arg7: memref<1x128xf32, #tpu.memory_space<vmem>>, %arg8: memref<1x128xf32, #tpu.memory_space<vmem>>, %arg9: memref<1000x128xf32, #tpu.memory_space<vmem>>, %arg10: memref<1000x64xi32, #tpu.memory_space<vmem>>) attributes {dimension_semantics = [#tpu.dimension_semantics<arbitrary>], iteration_bounds = array<i64: 10>, scalar_prefetch = 0 : i64, scratch_operands = 0 : i64, tpu.core_type = #tpu.core_type<tc>, window_params = [{transform_indices = @transform_0, window_bounds = array<i64: 1000, 128>}, {transform_indices = @transform_1, window_bounds = array<i64: 2, 1000, 128>}, {transform_indices = @transform_2, window_bounds = array<i64: 2, 1000, 128>}, {pipeline_mode = #tpu.pipeline_mode<synchronous>, transform_indices = @transform_3, window_bounds = array<i64: 128, 128>}, {pipeline_mode = #tpu.pipeline_mode<synchronous>, transform_indices = @transform_4, window_bounds = array<i64: 1, 128>}, {pipeline_mode = #tpu.pipeline_mode<synchronous>, transform_indices = @transform_5, window_bounds = array<i64: 128, 128>}, {pipeline_mode = #tpu.pipeline_mode<synchronous>, transform_indices = @transform_6, window_bounds = array<i64: 1, 128>}, {pipeline_mode = #tpu.pipeline_mode<synchronous>, transform_indices = @transform_7, window_bounds = array<i64: 1, 128>}, {transform_indices = @transform_8, window_bounds = array<i64: 1000, 128>}, {transform_indices = @transform_9, window_bounds = array<i64: 1000, 64>}]} {
    %get3A = arith.constant 0 : index
    %get3A_0 = arith.constant 0 : index
    %get3A_1 = vector.load %arg1[%get3A, %get3A_0] : memref<1000x128xf32, #tpu.memory_space<vmem>>, vector<1000x128xf32>
    %get3A_2 = arith.constant 0 : index
    %get3A_3 = arith.constant 0 : index
    %get3A_4 = arith.constant 0 : index
    %get3A_5 = vector.load %arg2[%get3A_2, %get3A_3, %get3A_4] : memref<2x1000x128xf32, #tpu.memory_space<vmem>>, vector<1x1000x128xf32>
    %get3A_6 = vector.shape_cast %get3A_5 : vector<1x1000x128xf32> to vector<1000x128xf32>
    %get3A_7 = arith.constant 1 : index
    %get3A_8 = arith.constant 0 : index
    %get3A_9 = arith.constant 0 : index
    %get3A_10 = vector.load %arg2[%get3A_7, %get3A_8, %get3A_9] : memref<2x1000x128xf32, #tpu.memory_space<vmem>>, vector<1x1000x128xf32>
    %get3A_11 = vector.shape_cast %get3A_10 : vector<1x1000x128xf32> to vector<1000x128xf32>
    %add3A = arith.addf %get3A_6, %get3A_11 : vector<1000x128xf32>
    %get3A_12 = arith.constant 0 : index
    %get3A_13 = arith.constant 0 : index
    %get3A_14 = arith.constant 0 : index
    %get3A_15 = vector.load %arg3[%get3A_12, %get3A_13, %get3A_14] : memref<2x1000x128xf32, #tpu.memory_space<vmem>>, vector<1x1000x128xf32>
    %get3A_16 = vector.shape_cast %get3A_15 : vector<1x1000x128xf32> to vector<1000x128xf32>
    %get3A_17 = arith.constant 1 : index
    %get3A_18 = arith.constant 0 : index
    %get3A_19 = arith.constant 0 : index
    %get3A_20 = vector.load %arg3[%get3A_17, %get3A_18, %get3A_19] : memref<2x1000x128xf32, #tpu.memory_space<vmem>>, vector<1x1000x128xf32>
    %get3A_21 = vector.shape_cast %get3A_20 : vector<1x1000x128xf32> to vector<1000x128xf32>
    %add3A_22 = arith.addf %get3A_16, %get3A_21 : vector<1000x128xf32>
    %reduce_sum3A = arith.constant dense<0.000000e+00> : vector<1000xf32>
    %reduce_sum3A_23 = vector.multi_reduction <add>, %add3A_22, %reduce_sum3A [1] : vector<1000x128xf32> to vector<1000xf32>
    %broadcast_in_dim3A = vector.shape_cast %reduce_sum3A_23 : vector<1000xf32> to vector<1000x1xf32>
    %mul3A = arith.constant 7.812500e-03 : f32
    %mul3A_24 = vector.broadcast %mul3A : f32 to vector<1000x1xf32>
    %mul3A_25 = arith.mulf %broadcast_in_dim3A, %mul3A_24 : vector<1000x1xf32>
    %max3A = arith.constant 1.000000e+00 : f32
    %max3A_26 = vector.broadcast %max3A : f32 to vector<1000x1xf32>
    %max3A_27 = arith.maximumf %mul3A_25, %max3A_26 : vector<1000x1xf32>
    %div3A = vector.broadcast %max3A_27 : vector<1000x1xf32> to vector<1000x128xf32>
    %div3A_28 = arith.divf %add3A, %div3A : vector<1000x128xf32>
    %get3A_29 = arith.constant 0 : index
    %get3A_30 = arith.constant 0 : index
    %get3A_31 = vector.load %arg4[%get3A_29, %get3A_30] : memref<128x128xf32, #tpu.memory_space<vmem>>, vector<128x128xf32>
    %dot_general3A = arith.constant dense<0.000000e+00> : vector<1000x128xf32>
    %dot_general3A_32 = tpu.matmul %div3A_28, %get3A_31, %dot_general3A {dimension_numbers = #tpu.dot_dimension_numbers<[1], [0], [0], [1], [0, 0, 1, 1], [], []>, transpose_lhs_hint = false} : vector<1000x128xf32>, vector<128x128xf32>, vector<1000x128xf32> -> vector<1000x128xf32>
    %get3A_33 = arith.constant 0 : index
    %get3A_34 = arith.constant 0 : index
    %get3A_35 = vector.load %arg6[%get3A_33, %get3A_34] : memref<128x128xf32, #tpu.memory_space<vmem>>, vector<128x128xf32>
    %dot_general3A_36 = arith.constant dense<0.000000e+00> : vector<1000x128xf32>
    %dot_general3A_37 = tpu.matmul %get3A_1, %get3A_35, %dot_general3A_36 {dimension_numbers = #tpu.dot_dimension_numbers<[1], [0], [0], [1], [0, 0, 1, 1], [], []>, transpose_lhs_hint = false} : vector<1000x128xf32>, vector<128x128xf32>, vector<1000x128xf32> -> vector<1000x128xf32>
    %add3A_38 = arith.addf %dot_general3A_32, %dot_general3A_37 : vector<1000x128xf32>
    %get3A_39 = arith.constant 0 : index
    %get3A_40 = arith.constant 0 : index
    %get3A_41 = vector.load %arg5[%get3A_39, %get3A_40] : memref<1x128xf32, #tpu.memory_space<vmem>>, vector<1x128xf32>
    %add3A_42 = vector.broadcast %get3A_41 : vector<1x128xf32> to vector<1000x128xf32>
    %add3A_43 = arith.addf %add3A_38, %add3A_42 : vector<1000x128xf32>
    %reduce_sum3A_44 = arith.constant dense<0.000000e+00> : vector<1000xf32>
    %reduce_sum3A_45 = vector.multi_reduction <add>, %add3A_43, %reduce_sum3A_44 [1] : vector<1000x128xf32> to vector<1000xf32>
    %broadcast_in_dim3A_46 = vector.shape_cast %reduce_sum3A_45 : vector<1000xf32> to vector<1000x1xf32>
    %div3A_47 = arith.constant 1.280000e+02 : f32
    %div3A_48 = vector.broadcast %div3A_47 : f32 to vector<1000x1xf32>
    %div3A_49 = arith.divf %broadcast_in_dim3A_46, %div3A_48 : vector<1000x1xf32>
    %sub3A = vector.broadcast %div3A_49 : vector<1000x1xf32> to vector<1000x128xf32>
    %sub3A_50 = arith.subf %add3A_43, %sub3A : vector<1000x128xf32>
    %mul3A_51 = arith.mulf %sub3A_50, %sub3A_50 : vector<1000x128xf32>
    %reduce_sum3A_52 = arith.constant dense<0.000000e+00> : vector<1000xf32>
    %reduce_sum3A_53 = vector.multi_reduction <add>, %mul3A_51, %reduce_sum3A_52 [1] : vector<1000x128xf32> to vector<1000xf32>
    %broadcast_in_dim3A_54 = vector.shape_cast %reduce_sum3A_53 : vector<1000xf32> to vector<1000x1xf32>
    %div3A_55 = arith.constant 1.280000e+02 : f32
    %div3A_56 = vector.broadcast %div3A_55 : f32 to vector<1000x1xf32>
    %div3A_57 = arith.divf %broadcast_in_dim3A_54, %div3A_56 : vector<1000x1xf32>
    %get3A_58 = arith.constant 0 : index
    %get3A_59 = arith.constant 0 : index
    %get3A_60 = vector.load %arg7[%get3A_58, %get3A_59] : memref<1x128xf32, #tpu.memory_space<vmem>>, vector<1x128xf32>
    %mul3A_61 = vector.broadcast %get3A_60 : vector<1x128xf32> to vector<1000x128xf32>
    %mul3A_62 = arith.mulf %mul3A_61, %sub3A_50 : vector<1000x128xf32>
    %add3A_63 = arith.constant 9.99999974E-6 : f32
    %add3A_64 = vector.broadcast %add3A_63 : f32 to vector<1000x1xf32>
    %add3A_65 = arith.addf %div3A_57, %add3A_64 : vector<1000x1xf32>
    %rsqrt3A = math.rsqrt %add3A_65 : vector<1000x1xf32>
    %mul3A_66 = vector.broadcast %rsqrt3A : vector<1000x1xf32> to vector<1000x128xf32>
    %mul3A_67 = arith.mulf %mul3A_62, %mul3A_66 : vector<1000x128xf32>
    %get3A_68 = arith.constant 0 : index
    %get3A_69 = arith.constant 0 : index
    %get3A_70 = vector.load %arg8[%get3A_68, %get3A_69] : memref<1x128xf32, #tpu.memory_space<vmem>>, vector<1x128xf32>
    %add3A_71 = vector.broadcast %get3A_70 : vector<1x128xf32> to vector<1000x128xf32>
    %add3A_72 = arith.addf %mul3A_67, %add3A_71 : vector<1000x128xf32>
    %max3A_73 = arith.constant 0.000000e+00 : f32
    %max3A_74 = vector.broadcast %max3A_73 : f32 to vector<1000x128xf32>
    %max3A_75 = arith.maximumf %add3A_72, %max3A_74 : vector<1000x128xf32>
    %add3A_76 = arith.addf %max3A_75, %get3A_1 : vector<1000x128xf32>
    %swap3A = arith.constant 0 : index
    %swap3A_77 = arith.constant 0 : index
    %swap3A_78 = vector.load %arg9[%swap3A, %swap3A_77] : memref<1000x128xf32, #tpu.memory_space<vmem>>, vector<1000x128xf32>
    tpu.vector_store %arg9[%swap3A, %swap3A_77], %add3A_76 {strides = array<i32>} : memref<1000x128xf32, #tpu.memory_space<vmem>>, vector<1000x128xf32>,
    %slice3A = vector.extract_strided_slice %add3A_76 {offsets = [0, 0], sizes = [1000, 64], strides = [1, 1]} : vector<1000x128xf32> to vector<1000x64xf32>
    %bitcast_convert_type3A = tpu.bitcast %slice3A : vector<1000x64xf32> -> vector<1000x64xi32>
    %slice3A_79 = vector.extract_strided_slice %add3A_76 {offsets = [0, 64], sizes = [1000, 64], strides = [1, 1]} : vector<1000x128xf32> to vector<1000x64xf32>
    %bitcast_convert_type3A_80 = tpu.bitcast %slice3A_79 : vector<1000x64xf32> -> vector<1000x64xi32>
    %add3A_81 = arith.constant 32767 : i32
    %add3A_82 = vector.broadcast %add3A_81 : i32 to vector<1000x64xi32>
    %add3A_83 = arith.addi %bitcast_convert_type3A, %add3A_82 : vector<1000x64xi32>
    %shift_right_logical3A = arith.constant 16 : i32
    %shift_right_logical3A_84 = vector.broadcast %shift_right_logical3A : i32 to vector<1000x64xi32>
    %shift_right_logical3A_85 = arith.shrui %bitcast_convert_type3A, %shift_right_logical3A_84 : vector<1000x64xi32>
    %and3A = arith.constant 1 : i32
    %and3A_86 = vector.broadcast %and3A : i32 to vector<1000x64xi32>
    %and3A_87 = arith.andi %shift_right_logical3A_85, %and3A_86 : vector<1000x64xi32>
    %add3A_88 = arith.addi %add3A_83, %and3A_87 : vector<1000x64xi32>
    %add3A_89 = arith.constant 32767 : i32
    %add3A_90 = vector.broadcast %add3A_89 : i32 to vector<1000x64xi32>
    %add3A_91 = arith.addi %bitcast_convert_type3A_80, %add3A_90 : vector<1000x64xi32>
    %shift_right_logical3A_92 = arith.constant 16 : i32
    %shift_right_logical3A_93 = vector.broadcast %shift_right_logical3A_92 : i32 to vector<1000x64xi32>
    %shift_right_logical3A_94 = arith.shrui %bitcast_convert_type3A_80, %shift_right_logical3A_93 : vector<1000x64xi32>
    %and3A_95 = arith.constant 1 : i32
    %and3A_96 = vector.broadcast %and3A_95 : i32 to vector<1000x64xi32>
    %and3A_97 = arith.andi %shift_right_logical3A_94, %and3A_96 : vector<1000x64xi32>
    %add3A_98 = arith.addi %add3A_91, %and3A_97 : vector<1000x64xi32>
    %shift_right_logical3A_99 = arith.constant 16 : i32
    %shift_right_logical3A_100 = vector.broadcast %shift_right_logical3A_99 : i32 to vector<1000x64xi32>
    %shift_right_logical3A_101 = arith.shrui %add3A_88, %shift_right_logical3A_100 : vector<1000x64xi32>
    %and3A_102 = arith.constant -65536 : i32
    %and3A_103 = vector.broadcast %and3A_102 : i32 to vector<1000x64xi32>
    %and3A_104 = arith.andi %add3A_98, %and3A_103 : vector<1000x64xi32>
    %or3A = arith.ori %shift_right_logical3A_101, %and3A_104 : vector<1000x64xi32>
    %bitcast_convert_type3A_105 = tpu.bitcast %or3A : vector<1000x64xi32> -> vector<1000x64xi32>
    %swap3A_106 = arith.constant 0 : index
    %swap3A_107 = arith.constant 0 : index
    %swap3A_108 = vector.load %arg10[%swap3A_106, %swap3A_107] : memref<1000x64xi32, #tpu.memory_space<vmem>>, vector<1000x64xi32>
    tpu.vector_store %arg10[%swap3A_106, %swap3A_107], %bitcast_convert_type3A_105 {strides = array<i32>} : memref<1000x64xi32, #tpu.memory_space<vmem>>, vector<1000x64xi32>,
    return
  }
  func.func @transform_0(%arg0: i32) -> (i32, i32) {
    %c0_i32 = arith.constant 0 : i32
    %c0_i32_0 = arith.constant 0 : i32
    return %arg0, %c0_i32 : i32, i32
  }
  func.func @transform_1(%arg0: i32) -> (i32, i32, i32) {
    %c0_i32 = arith.constant 0 : i32
    %c0_i32_0 = arith.constant 0 : i32
    %c0_i32_1 = arith.constant 0 : i32
    return %c0_i32, %arg0, %c0_i32_0 : i32, i32, i32
  }
  func.func @transform_2(%arg0: i32) -> (i32, i32, i32) {
    %c0_i32 = arith.constant 0 : i32
    %c0_i32_0 = arith.constant 0 : i32
    %c0_i32_1 = arith.constant 0 : i32
    return %c0_i32, %arg0, %c0_i32_0 : i32, i32, i32
  }
  func.func @transform_3(%arg0: i32) -> (i32, i32) {
    %c0_i32 = arith.constant 0 : i32
    %c0_i32_0 = arith.constant 0 : i32
    %c0_i32_1 = arith.constant 0 : i32
    return %c0_i32, %c0_i32_0 : i32, i32
  }
  func.func @transform_4(%arg0: i32) -> (i32, i32) {
    %c0_i32 = arith.constant 0 : i32
    %c0_i32_0 = arith.constant 0 : i32
    %c0_i32_1 = arith.constant 0 : i32
    return %c0_i32, %c0_i32_0 : i32, i32
  }
  func.func @transform_5(%arg0: i32) -> (i32, i32) {
    %c0_i32 = arith.constant 0 : i32
    %c0_i32_0 = arith.constant 0 : i32
    %c0_i32_1 = arith.constant 0 : i32
    return %c0_i32, %c0_i32_0 : i32, i32
  }
  func.func @transform_6(%arg0: i32) -> (i32, i32) {
    %c0_i32 = arith.constant 0 : i32
    %c0_i32_0 = arith.constant 0 : i32
    %c0_i32_1 = arith.constant 0 : i32
    return %c0_i32, %c0_i32_0 : i32, i32
  }
  func.func @transform_7(%arg0: i32) -> (i32, i32) {
    %c0_i32 = arith.constant 0 : i32
    %c0_i32_0 = arith.constant 0 : i32
    %c0_i32_1 = arith.constant 0 : i32
    return %c0_i32, %c0_i32_0 : i32, i32
  }
  func.func @transform_8(%arg0: i32) -> (i32, i32) {
    %c0_i32 = arith.constant 0 : i32
    %c0_i32_0 = arith.constant 0 : i32
    return %arg0, %c0_i32 : i32, i32
  }
  func.func @transform_9(%arg0: i32) -> (i32, i32) {
    %c0_i32 = arith.constant 0 : i32
    %c0_i32_0 = arith.constant 0 : i32
    return %arg0, %c0_i32 : i32, i32
  }
}

module attributes {stable_mosaic.version = 14 : i64} {
  func.func @body(%arg0: i32, %arg1: memref<1000x128xf32, #tpu.memory_space<vmem>>, %arg2: memref<2x1000x128xf32, #tpu.memory_space<vmem>>, %arg3: memref<2x1000x128xf32, #tpu.memory_space<vmem>>, %arg4: memref<128x128xf32, #tpu.memory_space<vmem>>, %arg5: memref<1x128xf32, #tpu.memory_space<vmem>>, %arg6: memref<128x128xf32, #tpu.memory_space<vmem>>, %arg7: memref<1x128xf32, #tpu.memory_space<vmem>>, %arg8: memref<1x128xf32, #tpu.memory_space<vmem>>, %arg9: memref<1000x128xf32, #tpu.memory_space<vmem>>) attributes {dimension_semantics = [#tpu.dimension_semantics<arbitrary>], iteration_bounds = array<i64: 10>, scalar_prefetch = 0 : i64, scratch_operands = 0 : i64, tpu.core_type = #tpu.core_type<tc>, window_params = [{transform_indices = @transform_0, window_bounds = array<i64: 1000, 128>}, {transform_indices = @transform_1, window_bounds = array<i64: 2, 1000, 128>}, {transform_indices = @transform_2, window_bounds = array<i64: 2, 1000, 128>}, {pipeline_mode = #tpu.pipeline_mode<synchronous>, transform_indices = @transform_3, window_bounds = array<i64: 128, 128>}, {pipeline_mode = #tpu.pipeline_mode<synchronous>, transform_indices = @transform_4, window_bounds = array<i64: 1, 128>}, {pipeline_mode = #tpu.pipeline_mode<synchronous>, transform_indices = @transform_5, window_bounds = array<i64: 128, 128>}, {pipeline_mode = #tpu.pipeline_mode<synchronous>, transform_indices = @transform_6, window_bounds = array<i64: 1, 128>}, {pipeline_mode = #tpu.pipeline_mode<synchronous>, transform_indices = @transform_7, window_bounds = array<i64: 1, 128>}, {transform_indices = @transform_8, window_bounds = array<i64: 1000, 128>}]} {
    %get3A = arith.constant 0 : index
    %get3A_0 = arith.constant 0 : index
    %get3A_1 = vector.load %arg1[%get3A, %get3A_0] : memref<1000x128xf32, #tpu.memory_space<vmem>>, vector<1000x128xf32>
    %get3A_2 = arith.constant 0 : index
    %get3A_3 = arith.constant 0 : index
    %get3A_4 = arith.constant 0 : index
    %get3A_5 = vector.load %arg2[%get3A_2, %get3A_3, %get3A_4] : memref<2x1000x128xf32, #tpu.memory_space<vmem>>, vector<1x1000x128xf32>
    %get3A_6 = vector.shape_cast %get3A_5 : vector<1x1000x128xf32> to vector<1000x128xf32>
    %get3A_7 = arith.constant 1 : index
    %get3A_8 = arith.constant 0 : index
    %get3A_9 = arith.constant 0 : index
    %get3A_10 = vector.load %arg2[%get3A_7, %get3A_8, %get3A_9] : memref<2x1000x128xf32, #tpu.memory_space<vmem>>, vector<1x1000x128xf32>
    %get3A_11 = vector.shape_cast %get3A_10 : vector<1x1000x128xf32> to vector<1000x128xf32>
    %add3A = arith.addf %get3A_6, %get3A_11 : vector<1000x128xf32>
    %get3A_12 = arith.constant 0 : index
    %get3A_13 = arith.constant 0 : index
    %get3A_14 = arith.constant 0 : index
    %get3A_15 = vector.load %arg3[%get3A_12, %get3A_13, %get3A_14] : memref<2x1000x128xf32, #tpu.memory_space<vmem>>, vector<1x1000x128xf32>
    %get3A_16 = vector.shape_cast %get3A_15 : vector<1x1000x128xf32> to vector<1000x128xf32>
    %get3A_17 = arith.constant 1 : index
    %get3A_18 = arith.constant 0 : index
    %get3A_19 = arith.constant 0 : index
    %get3A_20 = vector.load %arg3[%get3A_17, %get3A_18, %get3A_19] : memref<2x1000x128xf32, #tpu.memory_space<vmem>>, vector<1x1000x128xf32>
    %get3A_21 = vector.shape_cast %get3A_20 : vector<1x1000x128xf32> to vector<1000x128xf32>
    %add3A_22 = arith.addf %get3A_16, %get3A_21 : vector<1000x128xf32>
    %reduce_sum3A = arith.constant dense<0.000000e+00> : vector<1000xf32>
    %reduce_sum3A_23 = vector.multi_reduction <add>, %add3A_22, %reduce_sum3A [1] : vector<1000x128xf32> to vector<1000xf32>
    %broadcast_in_dim3A = vector.shape_cast %reduce_sum3A_23 : vector<1000xf32> to vector<1000x1xf32>
    %mul3A = arith.constant 7.812500e-03 : f32
    %mul3A_24 = vector.broadcast %mul3A : f32 to vector<1000x1xf32>
    %mul3A_25 = arith.mulf %broadcast_in_dim3A, %mul3A_24 : vector<1000x1xf32>
    %max3A = arith.constant 1.000000e+00 : f32
    %max3A_26 = vector.broadcast %max3A : f32 to vector<1000x1xf32>
    %max3A_27 = arith.maximumf %mul3A_25, %max3A_26 : vector<1000x1xf32>
    %div3A = vector.broadcast %max3A_27 : vector<1000x1xf32> to vector<1000x128xf32>
    %div3A_28 = arith.divf %add3A, %div3A : vector<1000x128xf32>
    %get3A_29 = arith.constant 0 : index
    %get3A_30 = arith.constant 0 : index
    %get3A_31 = vector.load %arg4[%get3A_29, %get3A_30] : memref<128x128xf32, #tpu.memory_space<vmem>>, vector<128x128xf32>
    %dot_general3A = arith.constant dense<0.000000e+00> : vector<1000x128xf32>
    %dot_general3A_32 = tpu.matmul %div3A_28, %get3A_31, %dot_general3A {dimension_numbers = #tpu.dot_dimension_numbers<[1], [0], [0], [1], [0, 0, 1, 1], [], []>, transpose_lhs_hint = false} : vector<1000x128xf32>, vector<128x128xf32>, vector<1000x128xf32> -> vector<1000x128xf32>
    %get3A_33 = arith.constant 0 : index
    %get3A_34 = arith.constant 0 : index
    %get3A_35 = vector.load %arg6[%get3A_33, %get3A_34] : memref<128x128xf32, #tpu.memory_space<vmem>>, vector<128x128xf32>
    %dot_general3A_36 = arith.constant dense<0.000000e+00> : vector<1000x128xf32>
    %dot_general3A_37 = tpu.matmul %get3A_1, %get3A_35, %dot_general3A_36 {dimension_numbers = #tpu.dot_dimension_numbers<[1], [0], [0], [1], [0, 0, 1, 1], [], []>, transpose_lhs_hint = false} : vector<1000x128xf32>, vector<128x128xf32>, vector<1000x128xf32> -> vector<1000x128xf32>
    %add3A_38 = arith.addf %dot_general3A_32, %dot_general3A_37 : vector<1000x128xf32>
    %get3A_39 = arith.constant 0 : index
    %get3A_40 = arith.constant 0 : index
    %get3A_41 = vector.load %arg5[%get3A_39, %get3A_40] : memref<1x128xf32, #tpu.memory_space<vmem>>, vector<1x128xf32>
    %add3A_42 = vector.broadcast %get3A_41 : vector<1x128xf32> to vector<1000x128xf32>
    %add3A_43 = arith.addf %add3A_38, %add3A_42 : vector<1000x128xf32>
    %reduce_sum3A_44 = arith.constant dense<0.000000e+00> : vector<1000xf32>
    %reduce_sum3A_45 = vector.multi_reduction <add>, %add3A_43, %reduce_sum3A_44 [1] : vector<1000x128xf32> to vector<1000xf32>
    %broadcast_in_dim3A_46 = vector.shape_cast %reduce_sum3A_45 : vector<1000xf32> to vector<1000x1xf32>
    %div3A_47 = arith.constant 1.280000e+02 : f32
    %div3A_48 = vector.broadcast %div3A_47 : f32 to vector<1000x1xf32>
    %div3A_49 = arith.divf %broadcast_in_dim3A_46, %div3A_48 : vector<1000x1xf32>
    %sub3A = vector.broadcast %div3A_49 : vector<1000x1xf32> to vector<1000x128xf32>
    %sub3A_50 = arith.subf %add3A_43, %sub3A : vector<1000x128xf32>
    %mul3A_51 = arith.mulf %sub3A_50, %sub3A_50 : vector<1000x128xf32>
    %reduce_sum3A_52 = arith.constant dense<0.000000e+00> : vector<1000xf32>
    %reduce_sum3A_53 = vector.multi_reduction <add>, %mul3A_51, %reduce_sum3A_52 [1] : vector<1000x128xf32> to vector<1000xf32>
    %broadcast_in_dim3A_54 = vector.shape_cast %reduce_sum3A_53 : vector<1000xf32> to vector<1000x1xf32>
    %div3A_55 = arith.constant 1.280000e+02 : f32
    %div3A_56 = vector.broadcast %div3A_55 : f32 to vector<1000x1xf32>
    %div3A_57 = arith.divf %broadcast_in_dim3A_54, %div3A_56 : vector<1000x1xf32>
    %get3A_58 = arith.constant 0 : index
    %get3A_59 = arith.constant 0 : index
    %get3A_60 = vector.load %arg7[%get3A_58, %get3A_59] : memref<1x128xf32, #tpu.memory_space<vmem>>, vector<1x128xf32>
    %mul3A_61 = vector.broadcast %get3A_60 : vector<1x128xf32> to vector<1000x128xf32>
    %mul3A_62 = arith.mulf %mul3A_61, %sub3A_50 : vector<1000x128xf32>
    %add3A_63 = arith.constant 9.99999974E-6 : f32
    %add3A_64 = vector.broadcast %add3A_63 : f32 to vector<1000x1xf32>
    %add3A_65 = arith.addf %div3A_57, %add3A_64 : vector<1000x1xf32>
    %rsqrt3A = math.rsqrt %add3A_65 : vector<1000x1xf32>
    %mul3A_66 = vector.broadcast %rsqrt3A : vector<1000x1xf32> to vector<1000x128xf32>
    %mul3A_67 = arith.mulf %mul3A_62, %mul3A_66 : vector<1000x128xf32>
    %get3A_68 = arith.constant 0 : index
    %get3A_69 = arith.constant 0 : index
    %get3A_70 = vector.load %arg8[%get3A_68, %get3A_69] : memref<1x128xf32, #tpu.memory_space<vmem>>, vector<1x128xf32>
    %add3A_71 = vector.broadcast %get3A_70 : vector<1x128xf32> to vector<1000x128xf32>
    %add3A_72 = arith.addf %mul3A_67, %add3A_71 : vector<1000x128xf32>
    %max3A_73 = arith.constant 0.000000e+00 : f32
    %max3A_74 = vector.broadcast %max3A_73 : f32 to vector<1000x128xf32>
    %max3A_75 = arith.maximumf %add3A_72, %max3A_74 : vector<1000x128xf32>
    %add3A_76 = arith.addf %max3A_75, %get3A_1 : vector<1000x128xf32>
    %swap3A = arith.constant 0 : index
    %swap3A_77 = arith.constant 0 : index
    %swap3A_78 = vector.load %arg9[%swap3A, %swap3A_77] : memref<1000x128xf32, #tpu.memory_space<vmem>>, vector<1000x128xf32>
    tpu.vector_store %arg9[%swap3A, %swap3A_77], %add3A_76 {strides = array<i32>} : memref<1000x128xf32, #tpu.memory_space<vmem>>, vector<1000x128xf32>,
    return
  }
  func.func @transform_0(%arg0: i32) -> (i32, i32) {
    %c0_i32 = arith.constant 0 : i32
    %c0_i32_0 = arith.constant 0 : i32
    return %arg0, %c0_i32 : i32, i32
  }
  func.func @transform_1(%arg0: i32) -> (i32, i32, i32) {
    %c0_i32 = arith.constant 0 : i32
    %c0_i32_0 = arith.constant 0 : i32
    %c0_i32_1 = arith.constant 0 : i32
    return %c0_i32, %arg0, %c0_i32_0 : i32, i32, i32
  }
  func.func @transform_2(%arg0: i32) -> (i32, i32, i32) {
    %c0_i32 = arith.constant 0 : i32
    %c0_i32_0 = arith.constant 0 : i32
    %c0_i32_1 = arith.constant 0 : i32
    return %c0_i32, %arg0, %c0_i32_0 : i32, i32, i32
  }
  func.func @transform_3(%arg0: i32) -> (i32, i32) {
    %c0_i32 = arith.constant 0 : i32
    %c0_i32_0 = arith.constant 0 : i32
    %c0_i32_1 = arith.constant 0 : i32
    return %c0_i32, %c0_i32_0 : i32, i32
  }
  func.func @transform_4(%arg0: i32) -> (i32, i32) {
    %c0_i32 = arith.constant 0 : i32
    %c0_i32_0 = arith.constant 0 : i32
    %c0_i32_1 = arith.constant 0 : i32
    return %c0_i32, %c0_i32_0 : i32, i32
  }
  func.func @transform_5(%arg0: i32) -> (i32, i32) {
    %c0_i32 = arith.constant 0 : i32
    %c0_i32_0 = arith.constant 0 : i32
    %c0_i32_1 = arith.constant 0 : i32
    return %c0_i32, %c0_i32_0 : i32, i32
  }
  func.func @transform_6(%arg0: i32) -> (i32, i32) {
    %c0_i32 = arith.constant 0 : i32
    %c0_i32_0 = arith.constant 0 : i32
    %c0_i32_1 = arith.constant 0 : i32
    return %c0_i32, %c0_i32_0 : i32, i32
  }
  func.func @transform_7(%arg0: i32) -> (i32, i32) {
    %c0_i32 = arith.constant 0 : i32
    %c0_i32_0 = arith.constant 0 : i32
    %c0_i32_1 = arith.constant 0 : i32
    return %c0_i32, %c0_i32_0 : i32, i32
  }
  func.func @transform_8(%arg0: i32) -> (i32, i32) {
    %c0_i32 = arith.constant 0 : i32
    %c0_i32_0 = arith.constant 0 : i32
    return %arg0, %c0_i32 : i32, i32
  }
}

module attributes {stable_mosaic.version = 14 : i64} {
  func.func @body(%arg0: i32, %arg1: memref<1000x128xf32, #tpu.memory_space<vmem>>, %arg2: memref<1000x128xf32, #tpu.memory_space<vmem>>, %arg3: memref<1000x128xf32, #tpu.memory_space<vmem>>, %arg4: memref<128x64xf32, #tpu.memory_space<vmem>>, %arg5: memref<128x64xf32, #tpu.memory_space<vmem>>, %arg6: memref<128x64xf32, #tpu.memory_space<vmem>>, %arg7: memref<1x64xf32, #tpu.memory_space<vmem>>, %arg8: memref<1000x64xf32, #tpu.memory_space<vmem>>) attributes {dimension_semantics = [#tpu.dimension_semantics<arbitrary>], iteration_bounds = array<i64: 10>, scalar_prefetch = 0 : i64, scratch_operands = 0 : i64, tpu.core_type = #tpu.core_type<tc>, window_params = [{transform_indices = @transform_0, window_bounds = array<i64: 1000, 128>}, {transform_indices = @transform_1, window_bounds = array<i64: 1000, 128>}, {transform_indices = @transform_2, window_bounds = array<i64: 1000, 128>}, {pipeline_mode = #tpu.pipeline_mode<synchronous>, transform_indices = @transform_3, window_bounds = array<i64: 128, 64>}, {pipeline_mode = #tpu.pipeline_mode<synchronous>, transform_indices = @transform_4, window_bounds = array<i64: 128, 64>}, {pipeline_mode = #tpu.pipeline_mode<synchronous>, transform_indices = @transform_5, window_bounds = array<i64: 128, 64>}, {pipeline_mode = #tpu.pipeline_mode<synchronous>, transform_indices = @transform_6, window_bounds = array<i64: 1, 64>}, {transform_indices = @transform_7, window_bounds = array<i64: 1000, 64>}]} {
    %get3A = arith.constant 0 : index
    %get3A_0 = arith.constant 0 : index
    %get3A_1 = vector.load %arg7[%get3A, %get3A_0] : memref<1x64xf32, #tpu.memory_space<vmem>>, vector<1x64xf32>
    %get3A_2 = arith.constant 0 : index
    %get3A_3 = arith.constant 0 : index
    %get3A_4 = vector.load %arg1[%get3A_2, %get3A_3] : memref<1000x128xf32, #tpu.memory_space<vmem>>, vector<1000x128xf32>
    %get3A_5 = arith.constant 0 : index
    %get3A_6 = arith.constant 0 : index
    %get3A_7 = vector.load %arg4[%get3A_5, %get3A_6] : memref<128x64xf32, #tpu.memory_space<vmem>>, vector<128x64xf32>
    %dot_general3A = arith.constant dense<0.000000e+00> : vector<1000x64xf32>
    %dot_general3A_8 = tpu.matmul %get3A_4, %get3A_7, %dot_general3A {dimension_numbers = #tpu.dot_dimension_numbers<[1], [0], [0], [1], [0, 0, 1, 1], [], []>, transpose_lhs_hint = false} : vector<1000x128xf32>, vector<128x64xf32>, vector<1000x64xf32> -> vector<1000x64xf32>
    %add3A = vector.broadcast %get3A_1 : vector<1x64xf32> to vector<1000x64xf32>
    %add3A_9 = arith.addf %add3A, %dot_general3A_8 : vector<1000x64xf32>
    %get3A_10 = arith.constant 0 : index
    %get3A_11 = arith.constant 0 : index
    %get3A_12 = vector.load %arg2[%get3A_10, %get3A_11] : memref<1000x128xf32, #tpu.memory_space<vmem>>, vector<1000x128xf32>
    %get3A_13 = arith.constant 0 : index
    %get3A_14 = arith.constant 0 : index
    %get3A_15 = vector.load %arg5[%get3A_13, %get3A_14] : memref<128x64xf32, #tpu.memory_space<vmem>>, vector<128x64xf32>
    %dot_general3A_16 = arith.constant dense<0.000000e+00> : vector<1000x64xf32>
    %dot_general3A_17 = tpu.matmul %get3A_12, %get3A_15, %dot_general3A_16 {dimension_numbers = #tpu.dot_dimension_numbers<[1], [0], [0], [1], [0, 0, 1, 1], [], []>, transpose_lhs_hint = false} : vector<1000x128xf32>, vector<128x64xf32>, vector<1000x64xf32> -> vector<1000x64xf32>
    %add3A_18 = arith.addf %add3A_9, %dot_general3A_17 : vector<1000x64xf32>
    %get3A_19 = arith.constant 0 : index
    %get3A_20 = arith.constant 0 : index
    %get3A_21 = vector.load %arg3[%get3A_19, %get3A_20] : memref<1000x128xf32, #tpu.memory_space<vmem>>, vector<1000x128xf32>
    %get3A_22 = arith.constant 0 : index
    %get3A_23 = arith.constant 0 : index
    %get3A_24 = vector.load %arg6[%get3A_22, %get3A_23] : memref<128x64xf32, #tpu.memory_space<vmem>>, vector<128x64xf32>
    %dot_general3A_25 = arith.constant dense<0.000000e+00> : vector<1000x64xf32>
    %dot_general3A_26 = tpu.matmul %get3A_21, %get3A_24, %dot_general3A_25 {dimension_numbers = #tpu.dot_dimension_numbers<[1], [0], [0], [1], [0, 0, 1, 1], [], []>, transpose_lhs_hint = false} : vector<1000x128xf32>, vector<128x64xf32>, vector<1000x64xf32> -> vector<1000x64xf32>
    %add3A_27 = arith.addf %add3A_18, %dot_general3A_26 : vector<1000x64xf32>
    %swap3A = arith.constant 0 : index
    %swap3A_28 = arith.constant 0 : index
    %swap3A_29 = vector.load %arg8[%swap3A, %swap3A_28] : memref<1000x64xf32, #tpu.memory_space<vmem>>, vector<1000x64xf32>
    tpu.vector_store %arg8[%swap3A, %swap3A_28], %add3A_27 {strides = array<i32>} : memref<1000x64xf32, #tpu.memory_space<vmem>>, vector<1000x64xf32>,
    return
  }
  func.func @transform_0(%arg0: i32) -> (i32, i32) {
    %c0_i32 = arith.constant 0 : i32
    %c0_i32_0 = arith.constant 0 : i32
    return %arg0, %c0_i32 : i32, i32
  }
  func.func @transform_1(%arg0: i32) -> (i32, i32) {
    %c0_i32 = arith.constant 0 : i32
    %c0_i32_0 = arith.constant 0 : i32
    return %arg0, %c0_i32 : i32, i32
  }
  func.func @transform_2(%arg0: i32) -> (i32, i32) {
    %c0_i32 = arith.constant 0 : i32
    %c0_i32_0 = arith.constant 0 : i32
    return %arg0, %c0_i32 : i32, i32
  }
  func.func @transform_3(%arg0: i32) -> (i32, i32) {
    %c0_i32 = arith.constant 0 : i32
    %c0_i32_0 = arith.constant 0 : i32
    %c0_i32_1 = arith.constant 0 : i32
    return %c0_i32, %c0_i32_0 : i32, i32
  }
  func.func @transform_4(%arg0: i32) -> (i32, i32) {
    %c0_i32 = arith.constant 0 : i32
    %c0_i32_0 = arith.constant 0 : i32
    %c0_i32_1 = arith.constant 0 : i32
    return %c0_i32, %c0_i32_0 : i32, i32
  }
  func.func @transform_5(%arg0: i32) -> (i32, i32) {
    %c0_i32 = arith.constant 0 : i32
    %c0_i32_0 = arith.constant 0 : i32
    %c0_i32_1 = arith.constant 0 : i32
    return %c0_i32, %c0_i32_0 : i32, i32
  }
  func.func @transform_6(%arg0: i32) -> (i32, i32) {
    %c0_i32 = arith.constant 0 : i32
    %c0_i32_0 = arith.constant 0 : i32
    %c0_i32_1 = arith.constant 0 : i32
    return %c0_i32, %c0_i32_0 : i32, i32
  }
  func.func @transform_7(%arg0: i32) -> (i32, i32) {
    %c0_i32 = arith.constant 0 : i32
    %c0_i32_0 = arith.constant 0 : i32
    return %arg0, %c0_i32 : i32, i32
  }
}

module attributes {stable_mosaic.version = 14 : i64} {
  func.func @body(%arg0: i32, %arg1: memref<1000x64xf32, #tpu.memory_space<vmem>>, %arg2: memref<1000x128xf32, #tpu.memory_space<vmem>>, %arg3: memref<128x64xf32, #tpu.memory_space<vmem>>, %arg4: memref<1000x64xf32, #tpu.memory_space<vmem>>) attributes {dimension_semantics = [#tpu.dimension_semantics<arbitrary>], iteration_bounds = array<i64: 10>, scalar_prefetch = 0 : i64, scratch_operands = 0 : i64, tpu.core_type = #tpu.core_type<tc>, window_params = [{transform_indices = @transform_0, window_bounds = array<i64: 1000, 64>}, {transform_indices = @transform_1, window_bounds = array<i64: 1000, 128>}, {pipeline_mode = #tpu.pipeline_mode<synchronous>, transform_indices = @transform_2, window_bounds = array<i64: 128, 64>}, {transform_indices = @transform_3, window_bounds = array<i64: 1000, 64>}]} {
    %get3A = arith.constant 0 : index
    %get3A_0 = arith.constant 0 : index
    %get3A_1 = vector.load %arg1[%get3A, %get3A_0] : memref<1000x64xf32, #tpu.memory_space<vmem>>, vector<1000x64xf32>
    %get3A_2 = arith.constant 0 : index
    %get3A_3 = arith.constant 0 : index
    %get3A_4 = vector.load %arg2[%get3A_2, %get3A_3] : memref<1000x128xf32, #tpu.memory_space<vmem>>, vector<1000x128xf32>
    %get3A_5 = arith.constant 0 : index
    %get3A_6 = arith.constant 0 : index
    %get3A_7 = vector.load %arg3[%get3A_5, %get3A_6] : memref<128x64xf32, #tpu.memory_space<vmem>>, vector<128x64xf32>
    %dot_general3A = arith.constant dense<0.000000e+00> : vector<1000x64xf32>
    %dot_general3A_8 = tpu.matmul %get3A_4, %get3A_7, %dot_general3A {dimension_numbers = #tpu.dot_dimension_numbers<[1], [0], [0], [1], [0, 0, 1, 1], [], []>, transpose_lhs_hint = false} : vector<1000x128xf32>, vector<128x64xf32>, vector<1000x64xf32> -> vector<1000x64xf32>
    %add3A = arith.addf %get3A_1, %dot_general3A_8 : vector<1000x64xf32>
    %swap3A = arith.constant 0 : index
    %swap3A_9 = arith.constant 0 : index
    %swap3A_10 = vector.load %arg4[%swap3A, %swap3A_9] : memref<1000x64xf32, #tpu.memory_space<vmem>>, vector<1000x64xf32>
    tpu.vector_store %arg4[%swap3A, %swap3A_9], %add3A {strides = array<i32>} : memref<1000x64xf32, #tpu.memory_space<vmem>>, vector<1000x64xf32>,
    return
  }
  func.func @transform_0(%arg0: i32) -> (i32, i32) {
    %c0_i32 = arith.constant 0 : i32
    %c0_i32_0 = arith.constant 0 : i32
    return %arg0, %c0_i32 : i32, i32
  }
  func.func @transform_1(%arg0: i32) -> (i32, i32) {
    %c0_i32 = arith.constant 0 : i32
    %c0_i32_0 = arith.constant 0 : i32
    return %arg0, %c0_i32 : i32, i32
  }
  func.func @transform_2(%arg0: i32) -> (i32, i32) {
    %c0_i32 = arith.constant 0 : i32
    %c0_i32_0 = arith.constant 0 : i32
    %c0_i32_1 = arith.constant 0 : i32
    return %c0_i32, %c0_i32_0 : i32, i32
  }
  func.func @transform_3(%arg0: i32) -> (i32, i32) {
    %c0_i32 = arith.constant 0 : i32
    %c0_i32_0 = arith.constant 0 : i32
    return %arg0, %c0_i32 : i32, i32
  }
}

</mosaic_0001>

<sc_bundles>
// kernel: kernel.12.cloned.1.call-start
scs
__scs_entry_jumppad:
0x0: {  	(pc) =	sbr.rel $0x88, $3  }
0x1: {  	(tag) =	ssettag $0x0;
	lr =	simm.s32 $0x1  }
0x2: {  	[smem:$0x3F96] =	sst lr;
	_ =	strace $0xD0000000  }
0x3: {  	_ = 	snop  }
0x4: {  	_ = 	snop  }
0x5: {  	_ = 	snop  }
0x6: {  	_ = 	snop  }
0x7: {  	_ = 	snop  }
__scs_overlays_trampoline_lowered:
0x8: {  	[smem:$0x3FA5] =	sst s0  }
0x9: {  	[smem:$0x3FA6] =	sst s1  }
0xa: {  	[smem:$0x3FA7] =	sst s2  }
0xb: {  	[smem:$0x3FA8] =	sst s3  }
0xc: {  	[smem:$0x3FA9] =	sst s4  }
0xd: {  	[smem:$0x3FAA] =	sst s5  }
0xe: {  	[smem:$0x3FAB] =	sst s6  }
0xf: {  	[smem:$0x3FAC] =	sst s7  }
0x10: {  	[smem:$0x3FAD] =	sst s8  }
0x11: {  	[smem:$0x3FAE] =	sst s9;
	s0 =	simm.s32 @!p0 $0x0  }
0x12: {  	s1 =	sld [smem:$0x3F94];
	s0 =	simm.s32 @p0 $0x1  }
0x13: {  	[smem:$0x3FAF] =	sst s0;
	s0 =	simm.s32 @!p1 $0x0  }
0x14: {  	s2 =	sld [smem:$0x3F93];
	s0 =	simm.s32 @p1 $0x1  }
0x15: {  	[smem:$0x3FB0] =	sst s0;
	s0 =	simm.s32 @!p2 $0x0  }
0x16: {  	s3 =	sld [smem:$0x3FDB];
	s0 =	simm.s32 @p2 $0x1  }
0x17: {  	s4 =	simm.s32 $0x1BF5;
	[smem:$0x3FB2] =	sst s0  }
0x18: {  	s0 =	sld [smem:$0x3F95];
	_ =	swait.ge [sflag:s4], $0x0  }
0x19: {  	s7 =	sld [smem:$0x3F96]  }
0x1a: {  	s8 =	sadd.s32 $0xFFFFE003, lr  }
0x1b: {  	s9 =	sadd.s32 $0xFFFFFEF7, lr;
	s5 =	simm.s32 $0xFFFFFFFF;
	p2 =	slt.u32 s8, $0xFFFFF086  }
0x1c: {  	p1 =	slt.u32 s9, $0xF7A;
	s5 =	simm.s32 @!p2 $0x0  }
0x1d: {  	s5 =	simm.s32 @p1 $0x1;
	p0 =	seq.s32 s7, s2  }
0x1e: {  	s7 =	smul.u32 @!p0 $0xF7A, s2;
	p2 =	seq.s32 @!p0 s5, $0x0  }
0x1f: {  	s9 =	smul.u32 $0xF7A, s1;
	s8 =	simm.s32 @!p0 $0x1BF5;
	p2 =	por !p2, p0  }
0x20: {  	[sflag:s8] =	ssyncset.s32 @!p0 $0xFFFFF086;
	s6 =	sadd.s32 @!p0 s3, s7;
	s7 =	simm.s32 @!p0 $0x108  }
0x21: {  	s3 =	sadd.s32 s3, s9;
	s6 =	sadd.s32 @!p0 $0x88, s6;
	s7 =	simm.s32 @p2 $0x1082  }
0x22: {  	[simem:s7], [sflag:s8] =	dma.local @!p0 [hbm:s6], $0xF7A  }
0x23: {  	s9 =	sor.u32 $0xD0000000, s2;
	s6 =	simm.s32 $0x108;
	_ =	swait.ge @!p0 [sflag:s8], $0x0  }
0x24: {  	s3 =	sadd.s32 $0x88, s3;
	s6 =	simm.s32 @!p1 $0x1082;
	[sflag:s4] =	ssyncset.s32 $0xFFFFF086  }
0x25: {  	[simem:s6], [sflag:s4] =	dma.local [hbm:s3], $0xF7A  }
0x26: {  	[smem:$0x3F96] =	sst s1;
	(tag) =	ssettag s2;
	_ =	strace s9  }
0x27: {  	s1 =	sld [smem:$0x3FA6]  }
0x28: {  	s2 =	sld [smem:$0x3FA7]  }
0x29: {  	s4 =	sld [smem:$0x3FA9]  }
0x2a: {  	p0 =	seq.s32 s5, $0x0;
	s5 =	sld [smem:$0x3FAA]  }
0x2b: {  	s6 =	sld [smem:$0x3FAB]  }
0x2c: {  	s7 =	sld [smem:$0x3FAC]  }
0x2d: {  	s3 =	simm.s32 $0x108;
	s8 =	sld [smem:$0x3FAD]  }
0x2e: {  	s3 =	simm.s32 @!p0 $0x1082;
	s9 =	sld [smem:$0x3FAE]  }
0x2f: {  	lr =	sadd.s32 s0, s3;
	s0 =	sld [smem:$0x3FA5]  }
0x30: {  	s3 =	sld [smem:$0x3FA8]  }
0x31: {  	[smem:$0x3FB1] =	sst s10  }
0x32: {  	s10 =	sld [smem:$0x3FAF];
	_ =	sdelay $0x3  }
0x33: {  	p0 =	seq.s32 s10, $0x1;
	s10 =	sld [smem:$0x3FB1];
	_ =	sdelay $0x3  }
0x34: {  	[smem:$0x3FB1] =	sst s10  }
0x35: {  	s10 =	sld [smem:$0x3FB0];
	_ =	sdelay $0x3  }
0x36: {  	p1 =	seq.s32 s10, $0x1;
	s10 =	sld [smem:$0x3FB1];
	_ =	sdelay $0x3  }
0x37: {  	[smem:$0x3FB1] =	sst s10  }
0x38: {  	s10 =	sld [smem:$0x3FB2]  }
0x39: {  	_ = 	snop;
	(pc) =	sbr.ind lr, $3  }
0x3a: {  	_ = 	snop  }
0x3b: {  	_ = 	snop  }
0x3c: {  	p2 =	seq.s32 s10, $0x1;
	s10 =	sld [smem:$0x3FB1]  }
0x3d: {  	_ =	shalt  }
0x3e: {  	_ =	shalt  }
0x3f: {  	_ =	shalt  }
0x40: {  	_ =	shalt  }
0x41: {  	_ =	shalt  }
0x42: {  	_ =	shalt  }
0x43: {  	_ =	shalt  }
0x44: {  	_ =	shalt  }
0x45: {  	_ =	shalt  }
0x46: {  	_ =	shalt  }
0x47: {  	_ =	shalt  }
0x48: {  	_ =	shalt  }
0x49: {  	_ =	shalt  }
0x4a: {  	_ =	shalt  }
0x4b: {  	_ =	shalt  }
0x4c: {  	_ =	shalt  }
0x4d: {  	_ =	shalt  }
0x4e: {  	_ =	shalt  }
0x4f: {  	_ =	shalt  }
0x50: {  	_ =	shalt  }
0x51: {  	_ =	shalt  }
0x52: {  	_ =	shalt  }
0x53: {  	_ =	shalt  }
0x54: {  	_ =	shalt  }
0x55: {  	_ =	shalt  }
0x56: {  	_ =	shalt  }
0x57: {  	_ =	shalt  }
0x58: {  	_ =	shalt  }
0x59: {  	_ =	shalt  }
0x5a: {  	_ =	shalt  }
0x5b: {  	_ =	shalt  }
0x5c: {  	_ =	shalt  }
0x5d: {  	_ =	shalt  }
0x5e: {  	_ =	shalt  }
0x5f: {  	_ =	shalt  }
0x60: {  	_ =	shalt  }
0x61: {  	_ =	shalt  }
0x62: {  	_ =	shalt  }
0x63: {  	_ =	shalt  }
0x64: {  	_ =	shalt  }
0x65: {  	_ =	shalt  }
0x66: {  	_ =	shalt  }
0x67: {  	_ =	shalt  }
0x68: {  	_ =	shalt  }
0x69: {  	_ =	shalt  }
0x6a: {  	_ =	shalt  }
0x6b: {  	_ =	shalt  }
0x6c: {  	_ =	shalt  }
0x6d: {  	_ =	shalt  }
0x6e: {  	_ =	shalt  }
0x6f: {  	_ =	shalt  }
0x70: {  	_ =	shalt  }
0x71: {  	_ =	shalt  }
0x72: {  	_ =	shalt  }
0x73: {  	_ =	shalt  }
0x74: {  	_ =	shalt  }
0x75: {  	_ =	shalt  }
0x76: {  	_ =	shalt  }
0x77: {  	_ =	shalt  }
0x78: {  	_ =	shalt  }
0x79: {  	_ =	shalt  }
0x7a: {  	_ =	shalt  }
0x7b: {  	_ =	shalt  }
0x7c: {  	_ =	shalt  }
0x7d: {  	_ =	shalt  }
0x7e: {  	_ =	shalt  }
0x7f: {  	_ =	shalt  }
0x80: {  	_ =	shalt  }
0x81: {  	_ =	shalt  }
0x82: {  	_ =	shalt  }
0x83: {  	_ =	shalt  }
0x84: {  	_ =	shalt  }
0x85: {  	_ =	shalt  }
0x86: {  	_ =	shalt  }
0x87: {  	_ =	shalt  }
.Lfunc_end0:
.L_simem_size_0:
called_computation_lowered:
.L_overlay_start_0:
0x88: {  	s2 =	sld [smem:$0x3FD9]  }
0x89: {  	s3 =	sld [smem:$0x3FFE];
	_ =	sdelay $0x1  }
0x8a: {  	s1 =	srdreg.scid  }
0x8b: {  	s0 =	sand.u32 $0x1, s1  }
0x8c: {  	s17 =	sshll.u32 s0, $0xA;
	s2 =	sadd.s32 s3, s2  }
0x8d: {  	s2 =	sadd.s32 s2, s17  }
0x8e: {  	[smem:$0x3FBD] =	sst s2  }
0x8f: {  	_ = 	snop  }
0x90: {  	(tm) =	ssettm $0x1  }
0x91: {  	s18 =	sld [smem:$0x3FFB];
	_ =	sdelay $0x3  }
0x92: {  	_ =	strace s18  }
0x93: {  	s2 =	sld [smem:$0x3FFC];
	_ =	sdelay $0x3  }
0x94: {  	_ =	strace s2  }
0x95: {  	s2 =	sld [smem:$0x3FFD];
	_ =	sdelay $0x3  }
0x96: {  	_ =	strace s2  }
0x97: {  	_ =	strace $0x8FFFFFFF  }
0x98: {  	s19 =	sld [smem:$0x3FDB];
	_ =	sdelay $0x1  }
0x99: {  	s20 =	simm.s32 $_scs_section_size  }
0x9a: {  	s4 =	simm.s32 $_size__tile_overlayer_lowered;
	s5 =	simm.s32 $_tile_overlayer_lowered  }
0x9b: {  	s6 =	simm.s32 $0x1BFF;
	s21 =	sshll.u32 s5, $0x1;
	s3 =	sadd.s32 s20, s19  }
0x9c: {  	s22 =	simm.s32 $0x0;
	s4 =	sshll.u32 s4, $0x1;
	s5 =	sadd.s32 s21, s3  }
0x9d: {  	[timem:s22], [sflag:s6] =	dma.local [hbm:s5], s4  }
0x9e: {  	_ =	swait.ge [sflag:s6], s4  }
0x9f: {  	s4 =	ssub.s32 $0x0, s4;
	[sflag:s6] =	ssyncset.done $0x0  }
0xa0: {  	[sflag:s6] =	ssyncadd.s32 s4;
	_ =	sdelay $0x1  }
0xa1: {  	s23 =	simm.s32 $0x1B8B  }
0xa2: {  	_ =	swait.ge [sflag:s23], $0x1  }
0xa3: {  	[sflag:s23] =	ssyncset.done $0x0  }
0xa4: {  	[sflag:s23] =	ssyncadd.s32 $0xFFFFFFFF  }
0xa5: {  	s4 =	sld [smem:$0x0]  }
0xa6: {  	s5 =	sand.u32 $0xFFFFFFFE, s1  }
0xa7: {  	p0 =	sne.s32 s1, s5  }
0xa8: {  	s5 =	sshll.u32 @p0 s5, $0xE  }
0xa9: {  	s5 =	sadd.s32 @p0 $0x11B8D, s5;
	s6 =	sshll.u32 @p0 s4, $0x11  }
0xaa: {  	s5 =	sor.u32 @p0 s6, s5  }
0xab: {  	[sflag:s5] =	ssyncadd.remote.s32 @p0 $0x1;
	_ =	sdelay $0x1  }
0xac: {  	s5 =	simm.s32 @p0 $0x1B8D  }
0xad: {  	_ =	swait.eq @p0 [sflag:s5], $0x1  }
0xae: {  	[sflag:s5] =	ssyncadd.s32 @p0 $0xFFFFFFFF  }
0xaf: {  	s6 =	sshll.u32 @!p0 s1, $0xE  }
0xb0: {  	s6 =	sor.u32 @!p0 $0x4000, s6;
	s5 =	simm.s32 @!p0 $0x1B8D  }
0xb1: {  	s4 =	sshll.u32 @!p0 s4, $0x11;
	s6 =	sadd.s32 @!p0 $0x11B8D, s6;
	_ =	swait.eq @!p0 [sflag:s5], $0x1  }
0xb2: {  	s4 =	sor.u32 @!p0 s4, s6;
	[sflag:s5] =	ssyncadd.s32 @!p0 $0xFFFFFFFF  }
0xb3: {  	s25 =	simm.s32 $0x1B8E;
	s24 =	sld [smem:$0x3FFE];
	[sflag:s4] =	ssyncadd.remote.s32 @!p0 $0x1  }
0xb4: {  	s26 =	simm.s32 $execute0_lowered;
	[smem:$0x3FD2] =	sst s25  }
0xb5: {  	s5 =	sshll.u32 s26, $0x1;
	_ =	strace $0x80000049;
	[dreg:$0x1] =	wrdreg $0xFFFFFFFF  }
0xb6: {  	s28 =	simm.s32 $_size_execute0_lowered;
	s3 =	sadd.s32 s3, s5;
	[dreg:$0x0] =	wrdreg $0x0  }
0xb7: {  	s5 =	sshll.u32 s28, $0x1;
	[dreg:$0x2] =	wrdreg s3  }
0xb8: {  	[dreg:$0x3] =	wrdreg s5  }
0xb9: {  	[dreg:$0x4] =	wrdreg $0xC0  }
0xba: {  	_ =	task [dreg:s22], $0x5FFFF  }
0xbb: {  	[dreg:$0x1] =	wrdreg $0xFFFFFFFF  }
0xbc: {  	[dreg:$0x0] =	wrdreg $0x60  }
0xbd: {  	[dreg:$0x2] =	wrdreg s24  }
0xbe: {  	[dreg:$0x3] =	wrdreg $0x48000  }
0xbf: {  	[dreg:$0x4] =	wrdreg $0x9  }
0xc0: {  	_ =	task.clear_ibuf [dreg:s22], $0x5FFFF;
	_ =	strace $0x90000049  }
0xc1: {  	s29 =	simm.s32 $0x9;
	_ =	strace $0x8000004B  }
0xc2: {  	_ =	swait.ge [sflag:s29], $0x1  }
0xc3: {  	[sflag:s29] =	ssyncadd.s32 $0xFFFFFFFF  }
0xc4: {  	_ =	strace $0x9000004B  }
0xc5: {  	_ =	sfence  }
0xc6: {  	s30 =	sld [smem:$0x0];
	_ =	sdelay $0x2  }
0xc7: {  	s31 =	sshll.u32 s1, $0xD;
	s1 =	sshrl.u32 s1, $0x2  }
0xc8: {  	s4 =	sand.u32 $0x4000, s31;
	s1 =	sadd.s32 s1, s30  }
0xc9: {  	s0 =	sor.u32 s4, s0;
	s1 =	sshll.u32 s1, $0x11  }
0xca: {  	s0 =	sor.u32 s1, s0  }
0xcb: {  	s0 =	sadd.s32 $0x8F2B, s0  }
0xcc: {  	[sflag:s0] =	ssyncadd.remote.s32 $0x1  }
0xcd: {  	_ =	sfence.sel $0xFFFF  }
0xce: {  	[dreg:$0x0] =	wrdreg $0xFFFFFFFF;
	(pc) =	sbr.abs _section_cstart, $3  }
0xcf: {  	[dreg:$0x1] =	wrdreg $0xFFFFFFFF  }
0xd0: {  	_ =	task.clear_ibuf [dreg:s22], $0x2FFFF;
	_ =	strace $0x9FFFFFFF  }
0xd1: {  	(tm) =	ssettm $0x7FFFFFFF  }
tec
execute0_lowered:
.L_overlay_start_1:
0x0: {  	(tag) =	ssettag $0x1  }
0x1: {  	s0 =	srdreg.scid  }
0x2: {  	s9 =	stileid.u32;
	s1 =	rddreg [dreg:$0x0]  }
0x3: {  	s2 =	rddreg [dreg:$0x1];
	s3 =	simm.s32 $0x0;
	s11 =	simm.s32 $0x3  }
0x4: {  	s12 =	simm.s32 $0x800;
	s13 =	simm.s32 $0x80;
	s14 =	simm.s32 $0x1  }
0x5: {  	s15 =	simm.s32 $0x100;
	s16 =	simm.s32 $0x2;
	s17 =	simm.s32 $0x180  }
0x6: {  	s18 =	simm.s32 $0x200;
	s19 =	simm.s32 $0x280;
	s20 =	simm.s32 $0x300  }
0x7: {  	s21 =	simm.s32 $0x380;
	s22 =	simm.s32 $0x400;
	s28 =	simm.s32 $0x680  }
0x8: {  	s29 =	simm.s32 $0x700;
	s30 =	simm.s32 $0x780;
	s4 =	smul.u32 $0x5000, s9  }
0x9: {  	s31 =	simm.s32 $0x0;
	s0 =	sand.u32 $0x1, s0;
	s23 =	smul.u32 $0x13C00, s9  }
0xa: {  	[smem:$0x7FF] =	sst s3;
	s8 =	sadd.s32 $0x8DC00, s1;
	s5 =	smul.u32 $0x2800, s0  }
0xb: {  	s25 =	sshll.u32 s9, $0x6;
	s6 =	smul.u32 $0x13C000, s0;
	_ =	strace $0x8000004A  }
0xc: {  	s0 =	ssub.s32 $0x2, s0;
	[dreg:$0x3] =	wrdreg s8;
	s7 =	sshrl.u32 s23, $0x3  }
0xd: {  	s24 =	sshrl.u32 s0, $0x1;
	s10 =	sadd.s32 s23, s2;
	s4 =	sadd.s32 s5, s4  }
0xe: {  	s7 =	sadd.s32 s7, s1;
	s6 =	sadd.s32 s23, s6;
	s0 =	ssub.s32 s0, s24  }
0xf: {  	s10 =	sshrl.u32 s10, $0x3;
	s23 =	simm.s32 $0x480;
	s24 =	simm.s32 $0x500  }
0x10: {  	s4 =	sshrl.u32 s4, $0x3;
	s6 =	sshrl.u32 s6, $0x3;
	s26 =	sadd.s32 $0x17400, s7  }
0x11: {  	s8 =	smax.u32 s0, $0x1;
	s4 =	sadd.s32 s4, s1;
	s1 =	sadd.s32 s6, s1  }
0x12: {  	[dreg:$0x4] =	wrdreg s26;
	s6 =	sor.u32 $0x1C03, s25;
	s25 =	simm.s32 $0x580  }
0x13: {  	s26 =	simm.s32 $0x600;
	s7 =	sadd.s32 $0x8E400, s1;
	s9 =	sadd.s32 $0xD400, s4  }
.LBB2_1:
0x14: {  	s0 =	rddreg [dreg:$0x4]  }
0x15: {  	[spmem:s10], [sflag:s6] =	dma.local [hbm:s0], $0x2780  }
0x16: {  	_ =	swait.ge [sflag:s11], $0x2780  }
0x17: {  	[sflag:s11] =	ssyncset.done $0x0  }
0x18: {  	s4 =	rddreg [dreg:$0x3];
	[sflag:s11] =	ssyncadd.s32 $0xFFFFD880  }
0x19: {  	[tilespmem:s12], [sflag:$0x3] =	stream.linear.gather [hbm4b:s4+s3], $0x4000, $0x38;
	[tilespmem:$0x18400] =	vst v63  }
0x1a: {  	_ =	swait.ge [sflag:s11], $0x4000  }
0x1b: {  	[sflag:s11] =	ssyncset.done $0x0  }
0x1c: {  	[sflag:s11] =	ssyncadd.s32 $0xFFFFC000  }
0x1d: {  	s5 =	sadd.s32 $0x0, s9;
	[bflag:$0x0] =	sbarrier.arrive $0xFFFF  }
0x1e: {  	[tilespmem:s3], [sflag:$0x3] =	stream.linear.gather [hbm4b:s5+s3], $0x800, $0x38;
	[tilespmem:$0x18400] =	vst v63  }
0x1f: {  	_ =	swait.ge [sflag:s11], $0x800  }
0x20: {  	[sflag:s11] =	ssyncset.done $0x0  }
0x21: {  	[sflag:s11] =	ssyncadd.s32 $0xFFFFF800  }
0x22: {  	[spmem:s2] =	stream.indirect.scatter.add.f32 [tilespmem:s12], [sflag:$0x1], $0x80, s3, s13, $0xb8;
	[tilespmem:$0x18400] =	vst v63  }
0x23: {  	_ = 	snop  }
0x24: {  	[spmem:s2] =	stream.indirect.scatter.add.f32 [tilespmem:s12], [sflag:$0x2], $0x80, s13, s13, $0xb8;
	[tilespmem:$0x18400] =	vst v63  }
0x25: {  	_ =	swait.ge [sflag:s14], $0x4000  }
0x26: {  	[sflag:s14] =	ssyncset.done $0x0  }
0x27: {  	[sflag:s14] =	ssyncadd.s32 $0xFFFFC000  }
0x28: {  	[spmem:s2] =	stream.indirect.scatter.add.f32 [tilespmem:s12], [sflag:$0x1], $0x80, s15, s13, $0xb8;
	[tilespmem:$0x18400] =	vst v63  }
0x29: {  	_ =	swait.ge [sflag:s16], $0x4000  }
0x2a: {  	[sflag:s16] =	ssyncset.done $0x0  }
0x2b: {  	[sflag:s16] =	ssyncadd.s32 $0xFFFFC000  }
0x2c: {  	[spmem:s2] =	stream.indirect.scatter.add.f32 [tilespmem:s12], [sflag:$0x2], $0x80, s17, s13, $0xb8;
	[tilespmem:$0x18400] =	vst v63  }
0x2d: {  	_ =	swait.ge [sflag:s14], $0x4000  }
0x2e: {  	[sflag:s14] =	ssyncset.done $0x0  }
0x2f: {  	[sflag:s14] =	ssyncadd.s32 $0xFFFFC000  }
0x30: {  	[spmem:s2] =	stream.indirect.scatter.add.f32 [tilespmem:s12], [sflag:$0x1], $0x80, s18, s13, $0xb8;
	[tilespmem:$0x18400] =	vst v63  }
0x31: {  	_ =	swait.ge [sflag:s16], $0x4000  }
0x32: {  	[sflag:s16] =	ssyncset.done $0x0  }
0x33: {  	[sflag:s16] =	ssyncadd.s32 $0xFFFFC000  }
0x34: {  	[spmem:s2] =	stream.indirect.scatter.add.f32 [tilespmem:s12], [sflag:$0x2], $0x80, s19, s13, $0xb8;
	[tilespmem:$0x18400] =	vst v63  }
0x35: {  	_ =	swait.ge [sflag:s14], $0x4000  }
0x36: {  	[sflag:s14] =	ssyncset.done $0x0  }
0x37: {  	[sflag:s14] =	ssyncadd.s32 $0xFFFFC000  }
0x38: {  	[spmem:s2] =	stream.indirect.scatter.add.f32 [tilespmem:s12], [sflag:$0x1], $0x80, s20, s13, $0xb8;
	[tilespmem:$0x18400] =	vst v63  }
0x39: {  	_ =	swait.ge [sflag:s16], $0x4000  }
0x3a: {  	[sflag:s16] =	ssyncset.done $0x0  }
0x3b: {  	[sflag:s16] =	ssyncadd.s32 $0xFFFFC000  }
0x3c: {  	[spmem:s2] =	stream.indirect.scatter.add.f32 [tilespmem:s12], [sflag:$0x2], $0x80, s21, s13, $0xb8;
	[tilespmem:$0x18400] =	vst v63  }
0x3d: {  	_ =	swait.ge [sflag:s14], $0x4000  }
0x3e: {  	[sflag:s14] =	ssyncset.done $0x0  }
0x3f: {  	[sflag:s14] =	ssyncadd.s32 $0xFFFFC000  }
0x40: {  	[spmem:s2] =	stream.indirect.scatter.add.f32 [tilespmem:s12], [sflag:$0x1], $0x80, s22, s13, $0xb8;
	[tilespmem:$0x18400] =	vst v63  }
0x41: {  	_ =	swait.ge [sflag:s16], $0x4000  }
0x42: {  	[sflag:s16] =	ssyncset.done $0x0  }
0x43: {  	[sflag:s16] =	ssyncadd.s32 $0xFFFFC000  }
0x44: {  	[spmem:s2] =	stream.indirect.scatter.add.f32 [tilespmem:s12], [sflag:$0x2], $0x80, s23, s13, $0xb8;
	[tilespmem:$0x18400] =	vst v63  }
0x45: {  	_ =	swait.ge [sflag:s14], $0x4000  }
0x46: {  	[sflag:s14] =	ssyncset.done $0x0  }
0x47: {  	[sflag:s14] =	ssyncadd.s32 $0xFFFFC000  }
0x48: {  	[spmem:s2] =	stream.indirect.scatter.add.f32 [tilespmem:s12], [sflag:$0x1], $0x80, s24, s13, $0xb8;
	[tilespmem:$0x18400] =	vst v63  }
0x49: {  	_ =	swait.ge [sflag:s16], $0x4000  }
0x4a: {  	[sflag:s16] =	ssyncset.done $0x0  }
0x4b: {  	[sflag:s16] =	ssyncadd.s32 $0xFFFFC000  }
0x4c: {  	[spmem:s2] =	stream.indirect.scatter.add.f32 [tilespmem:s12], [sflag:$0x2], $0x80, s25, s13, $0xb8;
	[tilespmem:$0x18400] =	vst v63  }
0x4d: {  	_ =	swait.ge [sflag:s14], $0x4000  }
0x4e: {  	[sflag:s14] =	ssyncset.done $0x0  }
0x4f: {  	[sflag:s14] =	ssyncadd.s32 $0xFFFFC000  }
0x50: {  	[spmem:s2] =	stream.indirect.scatter.add.f32 [tilespmem:s12], [sflag:$0x1], $0x80, s26, s13, $0xb8;
	[tilespmem:$0x18400] =	vst v63  }
0x51: {  	_ =	swait.ge [sflag:s16], $0x4000  }
0x52: {  	[sflag:s16] =	ssyncset.done $0x0  }
0x53: {  	[sflag:s16] =	ssyncadd.s32 $0xFFFFC000  }
0x54: {  	[spmem:s2] =	stream.indirect.scatter.add.f32 [tilespmem:s12], [sflag:$0x2], $0x80, s28, s13, $0xb8;
	[tilespmem:$0x18400] =	vst v63  }
0x55: {  	_ =	swait.ge [sflag:s14], $0x4000  }
0x56: {  	[sflag:s14] =	ssyncset.done $0x0  }
0x57: {  	[sflag:s14] =	ssyncadd.s32 $0xFFFFC000  }
0x58: {  	[spmem:s2] =	stream.indirect.scatter.add.f32 [tilespmem:s12], [sflag:$0x1], $0x80, s29, s13, $0xb8;
	[tilespmem:$0x18400] =	vst v63  }
0x59: {  	_ =	swait.ge [sflag:s16], $0x4000  }
0x5a: {  	[sflag:s16] =	ssyncset.done $0x0  }
0x5b: {  	[sflag:s16] =	ssyncadd.s32 $0xFFFFC000  }
0x5c: {  	[spmem:s2] =	stream.indirect.scatter.add.f32 [tilespmem:s12], [sflag:$0x2], $0x80, s30, s13, $0xb8;
	[tilespmem:$0x18400] =	vst v63  }
0x5d: {  	_ =	swait.ge [sflag:s14], $0x4000  }
0x5e: {  	[sflag:s14] =	ssyncset.done $0x0  }
0x5f: {  	[sflag:s14] =	ssyncadd.s32 $0xFFFFC000  }
0x60: {  	_ =	swait.ge [sflag:s16], $0x4000  }
0x61: {  	s1 =	simm.s32 $0x100;
	s0 =	simm.s32 $0x200;
	[sflag:s16] =	ssyncset.done $0x0  }
.LBB2_2:
0x62: {  	s5 =	sadd.s32 s1, s9  }
0x63: {  	[sflag:s16] =	ssyncadd.s32 $0xFFFFC000;
	s1 =	smov.u32 s0;
	s4 =	sadd.s32 $0x100, s0  }
0x64: {  	[tilespmem:s3], [sflag:$0x3] =	stream.linear.gather [hbm4b:s5+s3], $0x800, $0x38;
	[tilespmem:$0x18400] =	vst v63  }
0x65: {  	p0 =	sne.s32 s0, $0x400;
	_ =	swait.ge [sflag:s11], $0x800  }
0x66: {  	[sflag:s11] =	ssyncset.done $0x0  }
0x67: {  	[sflag:s11] =	ssyncadd.s32 $0xFFFFF800  }
0x68: {  	[spmem:s2] =	stream.indirect.scatter.add.f32 [tilespmem:s12], [sflag:$0x1], $0x80, s3, s13, $0xb8;
	[tilespmem:$0x18400] =	vst v63  }
0x69: {  	_ = 	snop  }
0x6a: {  	[spmem:s2] =	stream.indirect.scatter.add.f32 [tilespmem:s12], [sflag:$0x2], $0x80, s13, s13, $0xb8;
	[tilespmem:$0x18400] =	vst v63  }
0x6b: {  	_ =	swait.ge [sflag:s14], $0x4000  }
0x6c: {  	[sflag:s14] =	ssyncset.done $0x0  }
0x6d: {  	[sflag:s14] =	ssyncadd.s32 $0xFFFFC000  }
0x6e: {  	[spmem:s2] =	stream.indirect.scatter.add.f32 [tilespmem:s12], [sflag:$0x1], $0x80, s15, s13, $0xb8;
	[tilespmem:$0x18400] =	vst v63  }
0x6f: {  	_ =	swait.ge [sflag:s16], $0x4000  }
0x70: {  	[sflag:s16] =	ssyncset.done $0x0  }
0x71: {  	[sflag:s16] =	ssyncadd.s32 $0xFFFFC000  }
0x72: {  	[spmem:s2] =	stream.indirect.scatter.add.f32 [tilespmem:s12], [sflag:$0x2], $0x80, s17, s13, $0xb8;
	[tilespmem:$0x18400] =	vst v63  }
0x73: {  	_ =	swait.ge [sflag:s14], $0x4000  }
0x74: {  	[sflag:s14] =	ssyncset.done $0x0  }
0x75: {  	[sflag:s14] =	ssyncadd.s32 $0xFFFFC000  }
0x76: {  	[spmem:s2] =	stream.indirect.scatter.add.f32 [tilespmem:s12], [sflag:$0x1], $0x80, s18, s13, $0xb8;
	[tilespmem:$0x18400] =	vst v63  }
0x77: {  	_ =	swait.ge [sflag:s16], $0x4000  }
0x78: {  	[sflag:s16] =	ssyncset.done $0x0  }
0x79: {  	[sflag:s16] =	ssyncadd.s32 $0xFFFFC000  }
0x7a: {  	[spmem:s2] =	stream.indirect.scatter.add.f32 [tilespmem:s12], [sflag:$0x2], $0x80, s19, s13, $0xb8;
	[tilespmem:$0x18400] =	vst v63  }
0x7b: {  	_ =	swait.ge [sflag:s14], $0x4000  }
0x7c: {  	[sflag:s14] =	ssyncset.done $0x0  }
0x7d: {  	[sflag:s14] =	ssyncadd.s32 $0xFFFFC000  }
0x7e: {  	[spmem:s2] =	stream.indirect.scatter.add.f32 [tilespmem:s12], [sflag:$0x1], $0x80, s20, s13, $0xb8;
	[tilespmem:$0x18400] =	vst v63  }
0x7f: {  	_ =	swait.ge [sflag:s16], $0x4000  }
0x80: {  	[sflag:s16] =	ssyncset.done $0x0  }
0x81: {  	[sflag:s16] =	ssyncadd.s32 $0xFFFFC000  }
0x82: {  	[spmem:s2] =	stream.indirect.scatter.add.f32 [tilespmem:s12], [sflag:$0x2], $0x80, s21, s13, $0xb8;
	[tilespmem:$0x18400] =	vst v63  }
0x83: {  	_ =	swait.ge [sflag:s14], $0x4000  }
0x84: {  	[sflag:s14] =	ssyncset.done $0x0  }
0x85: {  	[sflag:s14] =	ssyncadd.s32 $0xFFFFC000  }
0x86: {  	[spmem:s2] =	stream.indirect.scatter.add.f32 [tilespmem:s12], [sflag:$0x1], $0x80, s22, s13, $0xb8;
	[tilespmem:$0x18400] =	vst v63  }
0x87: {  	_ =	swait.ge [sflag:s16], $0x4000  }
0x88: {  	[sflag:s16] =	ssyncset.done $0x0  }
0x89: {  	[sflag:s16] =	ssyncadd.s32 $0xFFFFC000  }
0x8a: {  	[spmem:s2] =	stream.indirect.scatter.add.f32 [tilespmem:s12], [sflag:$0x2], $0x80, s23, s13, $0xb8;
	[tilespmem:$0x18400] =	vst v63  }
0x8b: {  	_ =	swait.ge [sflag:s14], $0x4000  }
0x8c: {  	[sflag:s14] =	ssyncset.done $0x0  }
0x8d: {  	[sflag:s14] =	ssyncadd.s32 $0xFFFFC000  }
0x8e: {  	[spmem:s2] =	stream.indirect.scatter.add.f32 [tilespmem:s12], [sflag:$0x1], $0x80, s24, s13, $0xb8;
	[tilespmem:$0x18400] =	vst v63  }
0x8f: {  	_ =	swait.ge [sflag:s16], $0x4000  }
0x90: {  	[sflag:s16] =	ssyncset.done $0x0  }
0x91: {  	[sflag:s16] =	ssyncadd.s32 $0xFFFFC000  }
0x92: {  	[spmem:s2] =	stream.indirect.scatter.add.f32 [tilespmem:s12], [sflag:$0x2], $0x80, s25, s13, $0xb8;
	[tilespmem:$0x18400] =	vst v63  }
0x93: {  	_ =	swait.ge [sflag:s14], $0x4000  }
0x94: {  	[sflag:s14] =	ssyncset.done $0x0  }
0x95: {  	[sflag:s14] =	ssyncadd.s32 $0xFFFFC000  }
0x96: {  	[spmem:s2] =	stream.indirect.scatter.add.f32 [tilespmem:s12], [sflag:$0x1], $0x80, s26, s13, $0xb8;
	[tilespmem:$0x18400] =	vst v63  }
0x97: {  	_ =	swait.ge [sflag:s16], $0x4000  }
0x98: {  	[sflag:s16] =	ssyncset.done $0x0  }
0x99: {  	[sflag:s16] =	ssyncadd.s32 $0xFFFFC000  }
0x9a: {  	[spmem:s2] =	stream.indirect.scatter.add.f32 [tilespmem:s12], [sflag:$0x2], $0x80, s28, s13, $0xb8;
	[tilespmem:$0x18400] =	vst v63  }
0x9b: {  	_ =	swait.ge [sflag:s14], $0x4000  }
0x9c: {  	[sflag:s14] =	ssyncset.done $0x0  }
0x9d: {  	[sflag:s14] =	ssyncadd.s32 $0xFFFFC000  }
0x9e: {  	[spmem:s2] =	stream.indirect.scatter.add.f32 [tilespmem:s12], [sflag:$0x1], $0x80, s29, s13, $0xb8;
	[tilespmem:$0x18400] =	vst v63  }
0x9f: {  	_ =	swait.ge [sflag:s16], $0x4000  }
0xa0: {  	[sflag:s16] =	ssyncset.done $0x0  }
0xa1: {  	[sflag:s16] =	ssyncadd.s32 $0xFFFFC000  }
0xa2: {  	[spmem:s2] =	stream.indirect.scatter.add.f32 [tilespmem:s12], [sflag:$0x2], $0x80, s30, s13, $0xb8;
	[tilespmem:$0x18400] =	vst v63  }
.Ltmp0:
0xa3: {  	_ =	swait.ge [sflag:s14], $0x4000;
	(pc) =	sbr.rel @p0 .LBB2_2-.Ltmp0, $4  }
0xa4: {  	[sflag:s14] =	ssyncset.done $0x0  }
0xa5: {  	[sflag:s14] =	ssyncadd.s32 $0xFFFFC000  }
0xa6: {  	_ =	swait.ge [sflag:s16], $0x4000  }
0xa7: {  	s0 =	smov.u32 s4;
	[sflag:s16] =	ssyncset.done $0x0  }
0xa8: {  	s0 =	sadd.s32 s1, s9;
	[sflag:s16] =	ssyncadd.s32 $0xFFFFC000  }
0xa9: {  	[tilespmem:s3], [sflag:$0x3] =	stream.linear.gather [hbm4b:s0+s3], $0x800, $0x38;
	[tilespmem:$0x18400] =	vst v63  }
0xaa: {  	_ =	swait.ge [sflag:s11], $0x800  }
0xab: {  	[sflag:s11] =	ssyncset.done $0x0  }
0xac: {  	[sflag:s11] =	ssyncadd.s32 $0xFFFFF800  }
0xad: {  	[spmem:s2] =	stream.indirect.scatter.add.f32 [tilespmem:s12], [sflag:$0x1], $0x80, s3, s13, $0xb8;
	[tilespmem:$0x18400] =	vst v63  }
0xae: {  	_ = 	snop  }
0xaf: {  	[spmem:s2] =	stream.indirect.scatter.add.f32 [tilespmem:s12], [sflag:$0x2], $0x80, s13, s13, $0xb8;
	[tilespmem:$0x18400] =	vst v63  }
0xb0: {  	_ =	swait.ge [sflag:s14], $0x4000  }
0xb1: {  	[sflag:s14] =	ssyncset.done $0x0  }
0xb2: {  	[sflag:s14] =	ssyncadd.s32 $0xFFFFC000  }
0xb3: {  	[spmem:s2] =	stream.indirect.scatter.add.f32 [tilespmem:s12], [sflag:$0x1], $0x80, s15, s13, $0xb8;
	[tilespmem:$0x18400] =	vst v63  }
0xb4: {  	_ =	swait.ge [sflag:s16], $0x4000  }
0xb5: {  	[sflag:s16] =	ssyncset.done $0x0  }
0xb6: {  	[sflag:s16] =	ssyncadd.s32 $0xFFFFC000  }
0xb7: {  	[spmem:s2] =	stream.indirect.scatter.add.f32 [tilespmem:s12], [sflag:$0x2], $0x80, s17, s13, $0xb8;
	[tilespmem:$0x18400] =	vst v63  }
0xb8: {  	_ =	swait.ge [sflag:s14], $0x4000  }
0xb9: {  	[sflag:s14] =	ssyncset.done $0x0  }
0xba: {  	[sflag:s14] =	ssyncadd.s32 $0xFFFFC000  }
0xbb: {  	[spmem:s2] =	stream.indirect.scatter.add.f32 [tilespmem:s12], [sflag:$0x1], $0x80, s18, s13, $0xb8;
	[tilespmem:$0x18400] =	vst v63  }
0xbc: {  	_ =	swait.ge [sflag:s16], $0x4000  }
0xbd: {  	[sflag:s16] =	ssyncset.done $0x0  }
0xbe: {  	[sflag:s16] =	ssyncadd.s32 $0xFFFFC000  }
0xbf: {  	[spmem:s2] =	stream.indirect.scatter.add.f32 [tilespmem:s12], [sflag:$0x2], $0x80, s19, s13, $0xb8;
	[tilespmem:$0x18400] =	vst v63  }
0xc0: {  	_ =	swait.ge [sflag:s14], $0x4000  }
0xc1: {  	[sflag:s14] =	ssyncset.done $0x0  }
0xc2: {  	[sflag:s14] =	ssyncadd.s32 $0xFFFFC000  }
0xc3: {  	[spmem:s2] =	stream.indirect.scatter.add.f32 [tilespmem:s12], [sflag:$0x1], $0x80, s20, s13, $0xb8;
	[tilespmem:$0x18400] =	vst v63  }
0xc4: {  	_ =	swait.ge [sflag:s16], $0x4000  }
0xc5: {  	[sflag:s16] =	ssyncset.done $0x0  }
0xc6: {  	[sflag:s16] =	ssyncadd.s32 $0xFFFFC000  }
0xc7: {  	[spmem:s2] =	stream.indirect.scatter.add.f32 [tilespmem:s12], [sflag:$0x2], $0x80, s21, s13, $0xb8;
	[tilespmem:$0x18400] =	vst v63  }
0xc8: {  	_ =	swait.ge [sflag:s14], $0x4000  }
0xc9: {  	[sflag:s14] =	ssyncset.done $0x0  }
0xca: {  	[sflag:s14] =	ssyncadd.s32 $0xFFFFC000  }
0xcb: {  	[spmem:s2] =	stream.indirect.scatter.add.f32 [tilespmem:s12], [sflag:$0x1], $0x80, s22, s13, $0xb8;
	[tilespmem:$0x18400] =	vst v63  }
0xcc: {  	_ =	swait.ge [sflag:s16], $0x4000  }
0xcd: {  	[sflag:s16] =	ssyncset.done $0x0  }
0xce: {  	[sflag:s16] =	ssyncadd.s32 $0xFFFFC000  }
0xcf: {  	[spmem:s2] =	stream.indirect.scatter.add.f32 [tilespmem:s12], [sflag:$0x2], $0x80, s23, s13, $0xb8;
	[tilespmem:$0x18400] =	vst v63  }
0xd0: {  	_ =	swait.ge [sflag:s14], $0x4000  }
0xd1: {  	[sflag:s14] =	ssyncset.done $0x0  }
0xd2: {  	[sflag:s14] =	ssyncadd.s32 $0xFFFFC000  }
0xd3: {  	[spmem:s2] =	stream.indirect.scatter.add.f32 [tilespmem:s12], [sflag:$0x1], $0x80, s24, s13, $0xb8;
	[tilespmem:$0x18400] =	vst v63  }
0xd4: {  	_ =	swait.ge [sflag:s16], $0x4000  }
0xd5: {  	[sflag:s16] =	ssyncset.done $0x0  }
0xd6: {  	[sflag:s16] =	ssyncadd.s32 $0xFFFFC000  }
0xd7: {  	[spmem:s2] =	stream.indirect.scatter.add.f32 [tilespmem:s12], [sflag:$0x2], $0x80, s25, s13, $0xb8;
	[tilespmem:$0x18400] =	vst v63  }
0xd8: {  	_ =	swait.ge [sflag:s14], $0x4000  }
0xd9: {  	[sflag:s14] =	ssyncset.done $0x0  }
0xda: {  	[sflag:s14] =	ssyncadd.s32 $0xFFFFC000  }
0xdb: {  	[spmem:s2] =	stream.indirect.scatter.add.f32 [tilespmem:s12], [sflag:$0x1], $0x80, s26, s13, $0xb8;
	[tilespmem:$0x18400] =	vst v63  }
0xdc: {  	_ =	swait.ge [sflag:s16], $0x4000  }
0xdd: {  	[sflag:s16] =	ssyncset.done $0x0  }
0xde: {  	[sflag:s16] =	ssyncadd.s32 $0xFFFFC000  }
0xdf: {  	[spmem:s2] =	stream.indirect.scatter.add.f32 [tilespmem:s12], [sflag:$0x2], $0x80, s28, s13, $0xb8;
	[tilespmem:$0x18400] =	vst v63  }
0xe0: {  	_ =	swait.ge [sflag:s14], $0x4000  }
0xe1: {  	[sflag:s14] =	ssyncset.done $0x0  }
0xe2: {  	[sflag:s14] =	ssyncadd.s32 $0xFFFFC000  }
0xe3: {  	[spmem:s2] =	stream.indirect.scatter.add.f32 [tilespmem:s12], [sflag:$0x1], $0x80, s29, s13, $0xb8;
	[tilespmem:$0x18400] =	vst v63  }
0xe4: {  	_ =	swait.ge [sflag:s16], $0x4000  }
0xe5: {  	[sflag:s16] =	ssyncset.done $0x0  }
0xe6: {  	[sflag:s16] =	ssyncadd.s32 $0xFFFFC000  }
0xe7: {  	[spmem:s2] =	stream.indirect.scatter.add.f32 [tilespmem:s12], [sflag:$0x2], $0x80, s30, s13, $0xb8;
	[tilespmem:$0x18400] =	vst v63  }
0xe8: {  	_ =	swait.ge [sflag:s14], $0x4000  }
0xe9: {  	[sflag:s14] =	ssyncset.done $0x0  }
0xea: {  	[sflag:s14] =	ssyncadd.s32 $0xFFFFC000  }
0xeb: {  	_ =	swait.ge [sflag:s16], $0x4000  }
0xec: {  	s31 =	sadd.s32 $0x1, s31;
	[sflag:s16] =	ssyncset.done $0x0  }
0xed: {  	p0 =	sne.s32 s31, s8;
	[sflag:s16] =	ssyncadd.s32 $0xFFFFC000  }
.Ltmp1:
0xee: {  	[bflag:$0x0] =	sbarrier.arrive $0xFFFF;
	(pc) =	sbr.rel @p0 .LBB2_1-.Ltmp1, $4  }
0xef: {  	[hbm:s7], [sflag:s6] =	dma.local [spmem:s10], $0x2780  }
0xf0: {  	_ =	swait.ge [sflag:s11], $0x2780  }
0xf1: {  	[sflag:s11] =	ssyncset.done $0x0  }
0xf2: {  	[sflag:s11] =	ssyncadd.s32 $0xFFFFD880  }
0xf3: {  	_ =	sfence.sel $0x180000  }
0xf4: {  	[bflag:$0x0] =	sbarrier.arrive $0xFFFF  }
0xf5: {  	_ =	strace $0x9000004A  }
0xf6: {  	s0 =	stileid.u32;
	[bflag:$0x2] =	sbarrier.arrive $0xFFFF  }
0xf7: {  	p0 =	sne.s32 s0, $0x0;
	s0 =	rddreg [dreg:$0x2]  }
0xf8: {  	s0 =	sadd.s32 @!p0 $0x100000, s0  }
0xf9: {  	[sflag:s0] =	ssyncadd.tile.s32 @!p0 $0x1;
	_ =	shalt  }
.Lfunc_end2:
_tile_overlayer_lowered:
.L_overlay_start_2:
0xfa: {  	(tag) =	ssettag $0x2  }
0xfb: {  	s0 =	rddreg [dreg:$0x0];
	s2 =	stileid.u32  }
0xfc: {  	s1 =	rddreg [dreg:$0x1];
	p0 =	sne.s32 s2, $0x0  }
0xfd: {  	s3 =	rddreg [dreg:$0x2];
	[bflag:$0x3] =	sbarrier.arrive $0xFFFF;
	s2 =	simm.s32 @!p0 $0x1C03  }
0xfe: {  	[timem:s3], [sflag:s2] =	dma.local @!p0 [hbm:s0], s1  }
0xff: {  	s0 =	simm.s32 @!p0 $0x3  }
0x100: {  	_ =	swait.ge @!p0 [sflag:s0], s1  }
0x101: {  	s1 =	ssub.s32 @!p0 $0x0, s1;
	[sflag:s0] =	ssyncset.done @!p0 $0x0  }
0x102: {  	[sflag:s0] =	ssyncadd.s32 @!p0 s1  }
0x103: {  	[bflag:$0x3] =	sbarrier.arrive $0xFFFF  }
0x104: {  	_ =	shalt  }

// kernel: kernel.15.cloned.1.call-start
scs
__scs_entry_jumppad:
0x0: {  	(pc) =	sbr.rel $0x88, $3  }
0x1: {  	(tag) =	ssettag $0x0;
	lr =	simm.s32 $0x1  }
0x2: {  	[smem:$0x3F96] =	sst lr;
	_ =	strace $0xD0000000  }
0x3: {  	_ = 	snop  }
0x4: {  	_ = 	snop  }
0x5: {  	_ = 	snop  }
0x6: {  	_ = 	snop  }
0x7: {  	_ = 	snop  }
__scs_overlays_trampoline_lowered:
0x8: {  	[smem:$0x3FA5] =	sst s0  }
0x9: {  	[smem:$0x3FA6] =	sst s1  }
0xa: {  	[smem:$0x3FA7] =	sst s2  }
0xb: {  	[smem:$0x3FA8] =	sst s3  }
0xc: {  	[smem:$0x3FA9] =	sst s4  }
0xd: {  	[smem:$0x3FAA] =	sst s5  }
0xe: {  	[smem:$0x3FAB] =	sst s6  }
0xf: {  	[smem:$0x3FAC] =	sst s7  }
0x10: {  	[smem:$0x3FAD] =	sst s8  }
0x11: {  	[smem:$0x3FAE] =	sst s9;
	s0 =	simm.s32 @!p0 $0x0  }
0x12: {  	s1 =	sld [smem:$0x3F94];
	s0 =	simm.s32 @p0 $0x1  }
0x13: {  	[smem:$0x3FAF] =	sst s0;
	s0 =	simm.s32 @!p1 $0x0  }
0x14: {  	s2 =	sld [smem:$0x3F93];
	s0 =	simm.s32 @p1 $0x1  }
0x15: {  	[smem:$0x3FB0] =	sst s0;
	s0 =	simm.s32 @!p2 $0x0  }
0x16: {  	s3 =	sld [smem:$0x3FDB];
	s0 =	simm.s32 @p2 $0x1  }
0x17: {  	s4 =	simm.s32 $0x1BF5;
	[smem:$0x3FB2] =	sst s0  }
0x18: {  	s0 =	sld [smem:$0x3F95];
	_ =	swait.ge [sflag:s4], $0x0  }
0x19: {  	s7 =	sld [smem:$0x3F96]  }
0x1a: {  	s8 =	sadd.s32 $0xFFFFE003, lr  }
0x1b: {  	s9 =	sadd.s32 $0xFFFFFEF7, lr;
	s5 =	simm.s32 $0xFFFFFFFF;
	p2 =	slt.u32 s8, $0xFFFFF086  }
0x1c: {  	p1 =	slt.u32 s9, $0xF7A;
	s5 =	simm.s32 @!p2 $0x0  }
0x1d: {  	s5 =	simm.s32 @p1 $0x1;
	p0 =	seq.s32 s7, s2  }
0x1e: {  	s7 =	smul.u32 @!p0 $0xF7A, s2;
	p2 =	seq.s32 @!p0 s5, $0x0  }
0x1f: {  	s9 =	smul.u32 $0xF7A, s1;
	s8 =	simm.s32 @!p0 $0x1BF5;
	p2 =	por !p2, p0  }
0x20: {  	[sflag:s8] =	ssyncset.s32 @!p0 $0xFFFFF086;
	s6 =	sadd.s32 @!p0 s3, s7;
	s7 =	simm.s32 @!p0 $0x108  }
0x21: {  	s3 =	sadd.s32 s3, s9;
	s6 =	sadd.s32 @!p0 $0x88, s6;
	s7 =	simm.s32 @p2 $0x1082  }
0x22: {  	[simem:s7], [sflag:s8] =	dma.local @!p0 [hbm:s6], $0xF7A  }
0x23: {  	s9 =	sor.u32 $0xD0000000, s2;
	s6 =	simm.s32 $0x108;
	_ =	swait.ge @!p0 [sflag:s8], $0x0  }
0x24: {  	s3 =	sadd.s32 $0x88, s3;
	s6 =	simm.s32 @!p1 $0x1082;
	[sflag:s4] =	ssyncset.s32 $0xFFFFF086  }
0x25: {  	[simem:s6], [sflag:s4] =	dma.local [hbm:s3], $0xF7A  }
0x26: {  	[smem:$0x3F96] =	sst s1;
	(tag) =	ssettag s2;
	_ =	strace s9  }
0x27: {  	s1 =	sld [smem:$0x3FA6]  }
0x28: {  	s2 =	sld [smem:$0x3FA7]  }
0x29: {  	s4 =	sld [smem:$0x3FA9]  }
0x2a: {  	p0 =	seq.s32 s5, $0x0;
	s5 =	sld [smem:$0x3FAA]  }
0x2b: {  	s6 =	sld [smem:$0x3FAB]  }
0x2c: {  	s7 =	sld [smem:$0x3FAC]  }
0x2d: {  	s3 =	simm.s32 $0x108;
	s8 =	sld [smem:$0x3FAD]  }
0x2e: {  	s3 =	simm.s32 @!p0 $0x1082;
	s9 =	sld [smem:$0x3FAE]  }
0x2f: {  	lr =	sadd.s32 s0, s3;
	s0 =	sld [smem:$0x3FA5]  }
0x30: {  	s3 =	sld [smem:$0x3FA8]  }
0x31: {  	[smem:$0x3FB1] =	sst s10  }
0x32: {  	s10 =	sld [smem:$0x3FAF];
	_ =	sdelay $0x3  }
0x33: {  	p0 =	seq.s32 s10, $0x1;
	s10 =	sld [smem:$0x3FB1];
	_ =	sdelay $0x3  }
0x34: {  	[smem:$0x3FB1] =	sst s10  }
0x35: {  	s10 =	sld [smem:$0x3FB0];
	_ =	sdelay $0x3  }
0x36: {  	p1 =	seq.s32 s10, $0x1;
	s10 =	sld [smem:$0x3FB1];
	_ =	sdelay $0x3  }
0x37: {  	[smem:$0x3FB1] =	sst s10  }
0x38: {  	s10 =	sld [smem:$0x3FB2]  }
0x39: {  	_ = 	snop;
	(pc) =	sbr.ind lr, $3  }
0x3a: {  	_ = 	snop  }
0x3b: {  	_ = 	snop  }
0x3c: {  	p2 =	seq.s32 s10, $0x1;
	s10 =	sld [smem:$0x3FB1]  }
0x3d: {  	_ =	shalt  }
0x3e: {  	_ =	shalt  }
0x3f: {  	_ =	shalt  }
0x40: {  	_ =	shalt  }
0x41: {  	_ =	shalt  }
0x42: {  	_ =	shalt  }
0x43: {  	_ =	shalt  }
0x44: {  	_ =	shalt  }
0x45: {  	_ =	shalt  }
0x46: {  	_ =	shalt  }
0x47: {  	_ =	shalt  }
0x48: {  	_ =	shalt  }
0x49: {  	_ =	shalt  }
0x4a: {  	_ =	shalt  }
0x4b: {  	_ =	shalt  }
0x4c: {  	_ =	shalt  }
0x4d: {  	_ =	shalt  }
0x4e: {  	_ =	shalt  }
0x4f: {  	_ =	shalt  }
0x50: {  	_ =	shalt  }
0x51: {  	_ =	shalt  }
0x52: {  	_ =	shalt  }
0x53: {  	_ =	shalt  }
0x54: {  	_ =	shalt  }
0x55: {  	_ =	shalt  }
0x56: {  	_ =	shalt  }
0x57: {  	_ =	shalt  }
0x58: {  	_ =	shalt  }
0x59: {  	_ =	shalt  }
0x5a: {  	_ =	shalt  }
0x5b: {  	_ =	shalt  }
0x5c: {  	_ =	shalt  }
0x5d: {  	_ =	shalt  }
0x5e: {  	_ =	shalt  }
0x5f: {  	_ =	shalt  }
0x60: {  	_ =	shalt  }
0x61: {  	_ =	shalt  }
0x62: {  	_ =	shalt  }
0x63: {  	_ =	shalt  }
0x64: {  	_ =	shalt  }
0x65: {  	_ =	shalt  }
0x66: {  	_ =	shalt  }
0x67: {  	_ =	shalt  }
0x68: {  	_ =	shalt  }
0x69: {  	_ =	shalt  }
0x6a: {  	_ =	shalt  }
0x6b: {  	_ =	shalt  }
0x6c: {  	_ =	shalt  }
0x6d: {  	_ =	shalt  }
0x6e: {  	_ =	shalt  }
0x6f: {  	_ =	shalt  }
0x70: {  	_ =	shalt  }
0x71: {  	_ =	shalt  }
0x72: {  	_ =	shalt  }
0x73: {  	_ =	shalt  }
0x74: {  	_ =	shalt  }
0x75: {  	_ =	shalt  }
0x76: {  	_ =	shalt  }
0x77: {  	_ =	shalt  }
0x78: {  	_ =	shalt  }
0x79: {  	_ =	shalt  }
0x7a: {  	_ =	shalt  }
0x7b: {  	_ =	shalt  }
0x7c: {  	_ =	shalt  }
0x7d: {  	_ =	shalt  }
0x7e: {  	_ =	shalt  }
0x7f: {  	_ =	shalt  }
0x80: {  	_ =	shalt  }
0x81: {  	_ =	shalt  }
0x82: {  	_ =	shalt  }
0x83: {  	_ =	shalt  }
0x84: {  	_ =	shalt  }
0x85: {  	_ =	shalt  }
0x86: {  	_ =	shalt  }
0x87: {  	_ =	shalt  }
.Lfunc_end0:
.L_simem_size_0:
called_computation.1_lowered:
.L_overlay_start_0:
0x88: {  	s2 =	sld [smem:$0x3FD9]  }
0x89: {  	s3 =	sld [smem:$0x3FFE];
	_ =	sdelay $0x1  }
0x8a: {  	s1 =	srdreg.scid  }
0x8b: {  	s0 =	sand.u32 $0x1, s1  }
0x8c: {  	s17 =	sshll.u32 s0, $0xA;
	s2 =	sadd.s32 s3, s2  }
0x8d: {  	s2 =	sadd.s32 s2, s17  }
0x8e: {  	[smem:$0x3FBD] =	sst s2  }
0x8f: {  	_ = 	snop  }
0x90: {  	s2 =	sld [smem:$0x3FD0];
	(tm) =	ssettm $0x1  }
0x91: {  	s18 =	sld [smem:$0x3FFB];
	_ =	sdelay $0x3  }
0x92: {  	_ =	strace s18  }
0x93: {  	s3 =	sld [smem:$0x3FFC];
	_ =	sdelay $0x3  }
0x94: {  	_ =	strace s3  }
0x95: {  	s3 =	sld [smem:$0x3FFD];
	_ =	sdelay $0x3  }
0x96: {  	_ =	strace s3  }
0x97: {  	_ =	strace $0x8FFFFFFF  }
0x98: {  	s19 =	sld [smem:$0x3FDB];
	_ =	sdelay $0x1  }
0x99: {  	s4 =	simm.s32 $_scs_section_size  }
0x9a: {  	s5 =	simm.s32 $_size__tile_overlayer_lowered;
	s6 =	simm.s32 $_tile_overlayer_lowered  }
0x9b: {  	s22 =	simm.s32 $0x1BFF;
	s21 =	sshll.u32 s6, $0x1;
	s3 =	sadd.s32 s4, s19  }
0x9c: {  	s7 =	simm.s32 $0x0;
	s20 =	sshll.u32 s5, $0x1;
	s5 =	sadd.s32 s21, s3  }
0x9d: {  	[timem:s7], [sflag:s22] =	dma.local [hbm:s5], s20  }
0x9e: {  	_ =	swait.ge [sflag:s22], s20  }
0x9f: {  	s4 =	ssub.s32 $0x0, s20;
	[sflag:s22] =	ssyncset.done $0x0  }
0xa0: {  	[sflag:s22] =	ssyncadd.s32 s4;
	_ =	sdelay $0x1  }
0xa1: {  	s23 =	simm.s32 $0x1B8B  }
0xa2: {  	_ =	swait.ge [sflag:s23], $0x1  }
0xa3: {  	[sflag:s23] =	ssyncset.done $0x0  }
0xa4: {  	s25 =	simm.s32 $0x1B8E;
	s24 =	sld [smem:$0x3FFE];
	[sflag:s23] =	ssyncadd.s32 $0xFFFFFFFF  }
0xa5: {  	s26 =	simm.s32 $execute0_lowered;
	[smem:$0x3FD2] =	sst s25  }
0xa6: {  	s5 =	sshll.u32 s26, $0x1;
	_ =	strace $0x80000046;
	[dreg:$0x1] =	wrdreg $0xFFFFFFFF  }
0xa7: {  	s28 =	simm.s32 $_size_execute0_lowered;
	s3 =	sadd.s32 s3, s5;
	[dreg:$0x0] =	wrdreg $0x0  }
0xa8: {  	s5 =	sshll.u32 s28, $0x1;
	[dreg:$0x2] =	wrdreg s3  }
0xa9: {  	[dreg:$0x3] =	wrdreg s5  }
0xaa: {  	[dreg:$0x4] =	wrdreg $0xC0  }
0xab: {  	_ =	task [dreg:s7], $0x5FFFF  }
0xac: {  	[dreg:$0x1] =	wrdreg $0xFFFFFFFF  }
0xad: {  	[dreg:$0x0] =	wrdreg $0x60  }
0xae: {  	[dreg:$0x2] =	wrdreg s2  }
0xaf: {  	[dreg:$0x3] =	wrdreg s24  }
0xb0: {  	[dreg:$0x4] =	wrdreg $0x90000  }
0xb1: {  	[dreg:$0x5] =	wrdreg $0xA  }
0xb2: {  	_ =	task.clear_ibuf [dreg:s7], $0x6FFFF;
	_ =	strace $0x90000046  }
0xb3: {  	s29 =	simm.s32 $0xA;
	_ =	strace $0x80000048  }
0xb4: {  	_ =	swait.ge [sflag:s29], $0x1  }
0xb5: {  	[sflag:s29] =	ssyncadd.s32 $0xFFFFFFFF  }
0xb6: {  	_ =	strace $0x90000048  }
0xb7: {  	_ =	sfence  }
0xb8: {  	s30 =	sld [smem:$0x0];
	_ =	sdelay $0x2  }
0xb9: {  	s31 =	sshll.u32 s1, $0xD;
	s1 =	sshrl.u32 s1, $0x2  }
0xba: {  	s3 =	sand.u32 $0x4000, s31;
	s1 =	sadd.s32 s1, s30  }
0xbb: {  	s0 =	sor.u32 s3, s0;
	s1 =	sshll.u32 s1, $0x11  }
0xbc: {  	s0 =	sor.u32 s1, s0  }
0xbd: {  	s0 =	sadd.s32 $0x8F2B, s0  }
0xbe: {  	[sflag:s0] =	ssyncadd.remote.s32 $0x1  }
0xbf: {  	_ =	sfence.sel $0xFFFF  }
0xc0: {  	[dreg:$0x0] =	wrdreg $0xFFFFFFFF;
	(pc) =	sbr.abs _section_cstart, $3  }
0xc1: {  	[dreg:$0x1] =	wrdreg $0xFFFFFFFF  }
0xc2: {  	_ =	task.clear_ibuf [dreg:s7], $0x2FFFF;
	_ =	strace $0x9FFFFFFF  }
0xc3: {  	(tm) =	ssettm $0x7FFFFFFF  }
tec
execute0_lowered:
.L_overlay_start_1:
0x0: {  	(tag) =	ssettag $0x1  }
0x1: {  	s2 =	rddreg [dreg:$0x0]  }
0x2: {  	s0 =	rddreg [dreg:$0x1]  }
0x3: {  	s3 =	rddreg [dreg:$0x2];
	s12 =	stileid.u32  }
0x4: {  	s1 =	srdreg.scid;
	s4 =	simm.s32 $0x0;
	s13 =	simm.s32 $0x5  }
0x5: {  	s14 =	simm.s32 $0x800;
	s15 =	simm.s32 $0x80;
	s16 =	simm.s32 $0x1000  }
0x6: {  	s17 =	simm.s32 $0x3000;
	s18 =	simm.s32 $0x1;
	s19 =	simm.s32 $0x40  }
0x7: {  	s20 =	simm.s32 $0x5000;
	s21 =	simm.s32 $0x7000;
	s22 =	simm.s32 $0x2  }
0x8: {  	s23 =	simm.s32 $0x3;
	s24 =	simm.s32 $0x4;
	s7 =	smul.u32 $0x13C00, s12  }
0x9: {  	s1 =	sand.u32 $0x1, s1;
	[smem:$0x7FF] =	sst s4;
	s5 =	sadd.s32 $0x3400, s0  }
0xa: {  	s6 =	sadd.s32 $0xD400, s0;
	s30 =	sshll.u32 s12, $0x1;
	s31 =	sshll.u32 s12, $0x6  }
0xb: {  	s8 =	smul.u32 $0x13C000, s1;
	_ =	strace $0x80000047;
	s10 =	ssub.s32 $0x2, s1  }
0xc: {  	s1 =	sor.u32 s1, s30;
	s9 =	sshrl.u32 s7, $0x3;
	s11 =	sshrl.u32 s10, $0x1  }
.Ltmp0:
0xd: {  	s8 =	sadd.s32 s7, s8;
	s9 =	sadd.s32 s9, s0;
	(pc) =	sbr.rel .LBB2_1-.Ltmp0, $4  }
0xe: {  	s10 =	ssub.s32 s10, s11;
	s7 =	sadd.s32 s7, s3;
	s8 =	sshrl.u32 s8, $0x3  }
0xf: {  	s9 =	sadd.s32 $0x17400, s9;
	s11 =	smax.u32 s10, $0x1;
	s0 =	sadd.s32 s8, s0  }
0x10: {  	s12 =	sshrl.u32 s7, $0x3;
	[dreg:$0x4] =	wrdreg s9;
	s0 =	sadd.s32 $0x3EC00, s0  }
0x11: {  	s8 =	sor.u32 $0x1C05, s31;
	s9 =	smul.u32 $0x500, s1;
	[dreg:$0x5] =	wrdreg s0  }
.LBB2_14:
0x12: {  	_ =	swait.ge [sflag:s23], $0x2000  }
0x13: {  	[sflag:s23] =	ssyncset.done $0x0  }
0x14: {  	[sflag:s23] =	ssyncadd.s32 $0xFFFFE000  }
0x15: {  	_ =	swait.ge [sflag:s24], $0x2000  }
0x16: {  	[sflag:s24] =	ssyncset.done $0x0  }
0x17: {  	s4 =	sadd.s32 $0x1, s4;
	[sflag:s24] =	ssyncadd.s32 $0xFFFFE000  }
0x18: {  	p0 =	sne.s32 s4, s11;
	[bflag:$0x0] =	sbarrier.arrive $0xFFFF  }
.Ltmp1:
0x19: {  	s0 =	rddreg [dreg:$0x5];
	(pc) =	sbr.rel @!p0 .LBB2_15-.Ltmp1, $4  }
0x1a: {  	[hbm:s0], [sflag:s8] =	dma.local [spmem:s12], $0x2780  }
0x1b: {  	_ =	swait.ge [sflag:s13], $0x2780  }
0x1c: {  	[sflag:s13] =	ssyncset.done $0x0  }
0x1d: {  	[sflag:s13] =	ssyncadd.s32 $0xFFFFD880  }
.LBB2_1:
0x1e: {  	s0 =	rddreg [dreg:$0x4]  }
0x1f: {  	[spmem:s12], [sflag:s8] =	dma.local [hbm:s0], $0x2780  }
.Ltmp2:
0x20: {  	_ =	swait.ge [sflag:s13], $0x2780;
	(pc) =	sbr.rel .LBB2_2-.Ltmp2, $4  }
0x21: {  	[sflag:s13] =	ssyncset.done $0x0  }
0x22: {  	[sflag:s13] =	ssyncadd.s32 $0xFFFFD880  }
0x23: {  	[bflag:$0x0] =	sbarrier.arrive $0xFFFF  }
0x24: {  	s25 =	simm.s32 $0x0  }
.LBB2_13:
0x25: {  	s25 =	sadd.s32 $0x1, s25  }
0x26: {  	p0 =	sne.s32 s25, $0x5  }
.Ltmp3:
0x27: {  	_ = 	snop;
	(pc) =	sbr.rel @!p0 .LBB2_14-.Ltmp3, $2  }
0x28: {  	_ =	sdelay $0x2  }
0x29: {  	[spmem:s3] =	stream.indirect.scatter.add.f32 [tilespmem:s21], [sflag:$0x4], $0x80, s0, s19, $0xb8;
	[tilespmem:$0x1CC00] =	vst v63  }
.LBB2_2:
0x2a: {  	s0 =	sshll.u32 s25, $0x8  }
0x2b: {  	s0 =	sadd.s32 s9, s0  }
0x2c: {  	s26 =	simm.s32 $0x0;
	s1 =	sadd.s32 s5, s0  }
0x2d: {  	[tilespmem:s26], [sflag:$0x5] =	stream.linear.gather [hbm4b:s1+s26], $0x800, $0x38;
	[tilespmem:$0x1CC00] =	vst v63  }
0x2e: {  	_ =	swait.ge [sflag:s13], $0x800  }
0x2f: {  	[sflag:s13] =	ssyncset.done $0x0  }
0x30: {  	s0 =	sadd.s32 s6, s0;
	[sflag:s13] =	ssyncadd.s32 $0xFFFFF800  }
0x31: {  	[tilespmem:s14], [sflag:$0x5] =	stream.linear.gather [hbm4b:s0+s26], $0x800, $0x38;
	[tilespmem:$0x1CC00] =	vst v63  }
0x32: {  	_ =	swait.ge [sflag:s13], $0x800  }
0x33: {  	[sflag:s13] =	ssyncset.done $0x0  }
0x34: {  	[sflag:s13] =	ssyncadd.s32 $0xFFFFF800  }
0x35: {  	[tilespmem:s16], [sflag:$0x1] =	stream.indirect.gather [hbm4b:s2+s15], $0x40, s26, s15, $0xb8;
	[tilespmem:$0x1CC00] =	vst v63  }
0x36: {  	_ = 	snop  }
0x37: {  	[tilespmem:s17], [sflag:$0x2] =	stream.indirect.gather [hbm4b:s2+s15], $0x40, s15, s15, $0xb8;
	[tilespmem:$0x1CC00] =	vst v63  }
.LBB2_3:
0x38: {  	s0 =	sor.u32 s25, s26;
	_ =	swait.ge [sflag:s18], $0x2000  }
0x39: {  	p0 =	seq.s32 s0, $0x0;
	[sflag:s18] =	ssyncset.done $0x0  }
0x3a: {  	[sflag:s18] =	ssyncadd.s32 $0xFFFFE000;
	s0 =	simm.s32 @!p0 $0x3  }
0x3b: {  	_ =	swait.ge @!p0 [sflag:s0], $0x2000  }
0x3c: {  	[sflag:s0] =	ssyncset.done @!p0 $0x0  }
0x3d: {  	s31 =	simm.s32 $0x1040;
	[sflag:s0] =	ssyncadd.s32 @!p0 $0xFFFFE000  }
0x3e: {  	v0 =	vld [tilespmem:s31+$0x0];
	_ =	sdelay $0x3  }
0x3f: {  	v1 =	vld [tilespmem:s31+$0xFFFFFFC0]  }
0x40: {  	s28 =	simm.s32 $0x5080;
	v2 =	vunpack.i.l.bf16.f32 v0  }
0x41: {  	v0 =	vunpack.i.u.bf16.f32 v0;
	[tilespmem:s28+$0x0] =	vst v2  }
0x42: {  	[tilespmem:s28+$0x40] =	vst v0  }
0x43: {  	v0 =	vld [tilespmem:s31+$0x10]  }
0x44: {  	v2 =	vunpack.i.l.bf16.f32 v1  }
0x45: {  	v1 =	vunpack.i.u.bf16.f32 v1;
	[tilespmem:s28+$0xFFFFFF80] =	vst v2  }
0x46: {  	[tilespmem:s28+$0xFFFFFFC0] =	vst v1  }
0x47: {  	v1 =	vld [tilespmem:s31+$0xFFFFFFD0]  }
0x48: {  	s29 =	simm.s32 $0x10C0;
	v2 =	vunpack.i.l.bf16.f32 v0  }
0x49: {  	v0 =	vunpack.i.u.bf16.f32 v0;
	[tilespmem:s28+$0x10] =	vst v2;
	v2 =	vld [tilespmem:s29+$0x0]  }
0x4a: {  	[tilespmem:s28+$0x50] =	vst v0  }
0x4b: {  	v0 =	vld [tilespmem:s31+$0x20]  }
0x4c: {  	v3 =	vunpack.i.l.bf16.f32 v1  }
0x4d: {  	v1 =	vunpack.i.u.bf16.f32 v1;
	[tilespmem:s28+$0xFFFFFF90] =	vst v3;
	v3 =	vld [tilespmem:s29+$0xFFFFFFC0]  }
0x4e: {  	s30 =	simm.s32 $0x5180;
	[tilespmem:s28+$0xFFFFFFD0] =	vst v1;
	v1 =	vunpack.i.l.bf16.f32 v2  }
0x4f: {  	v2 =	vunpack.i.u.bf16.f32 v2;
	[tilespmem:s30+$0x0] =	vst v1;
	v1 =	vld [tilespmem:s31+$0xFFFFFFE0]  }
0x50: {  	[tilespmem:s30+$0x40] =	vst v2;
	v2 =	vunpack.i.l.bf16.f32 v0  }
0x51: {  	v0 =	vunpack.i.u.bf16.f32 v0;
	[tilespmem:s28+$0x20] =	vst v2  }
0x52: {  	v2 =	vld [tilespmem:s29+$0x10];
	[tilespmem:s28+$0x60] =	vst v0;
	v0 =	vunpack.i.l.bf16.f32 v3  }
0x53: {  	v3 =	vunpack.i.u.bf16.f32 v3;
	v5 =	vld [tilespmem:s31+$0x30];
	[tilespmem:s30+$0xFFFFFF80] =	vst v0  }
0x54: {  	[tilespmem:s30+$0xFFFFFFC0] =	vst v3;
	v0 =	vunpack.i.l.bf16.f32 v1  }
0x55: {  	v3 =	vld [tilespmem:s29+$0xFFFFFFD0];
	v1 =	vunpack.i.u.bf16.f32 v1;
	[tilespmem:s28+$0xFFFFFFA0] =	vst v0  }
0x56: {  	[tilespmem:s28+$0xFFFFFFE0] =	vst v1  }
0x57: {  	v0 =	vunpack.i.l.bf16.f32 v2;
	v1 =	vld [tilespmem:s31+$0xFFFFFFF0]  }
0x58: {  	s1 =	simm.s32 $0x2;
	s7 =	simm.s32 $0x1140;
	s0 =	simm.s32 $0x5180;
	[tilespmem:s30+$0x10] =	vst v0;
	v4 =	vunpack.i.u.bf16.f32 v5;
	v0 =	vunpack.i.l.bf16.f32 v5  }
.LBB2_4:
0x59: {  	v5 =	vld [tilespmem:s7+$0x0];
	v2 =	vunpack.i.u.bf16.f32 v2;
	[tilespmem:s28+$0x70] =	vst v4  }
0x5a: {  	v4 =	vld [tilespmem:s7+$0xFFFFFFC0];
	v6 =	vunpack.i.u.bf16.f32 v3;
	v3 =	vunpack.i.l.bf16.f32 v3;
	[tilespmem:s30+$0x50] =	vst v2  }
0x5b: {  	[tilespmem:s30+$0xFFFFFF90] =	vst v3;
	v2 =	vld [tilespmem:s29+$0x20]  }
0x5c: {  	[tilespmem:s30+$0xFFFFFFD0] =	vst v6;
	v3 =	vunpack.i.u.bf16.f32 v1;
	v1 =	vunpack.i.l.bf16.f32 v1  }
0x5d: {  	v6 =	vld [tilespmem:s29+$0xFFFFFFE0];
	[tilespmem:s28+$0xFFFFFFB0] =	vst v1  }
0x5e: {  	s1 =	sadd.s32 $0x2, s1;
	s30 =	sadd.s32 $0x100, s30;
	v1 =	vunpack.i.l.bf16.f32 v5;
	[tilespmem:s28+$0xFFFFFFF0] =	vst v3  }
0x5f: {  	p1 =	slt.u32 s1, $0x3E;
	v5 =	vunpack.i.u.bf16.f32 v5;
	v3 =	vunpack.i.u.bf16.f32 v4;
	v4 =	vunpack.i.l.bf16.f32 v4;
	[tilespmem:s30+$0x0] =	vst v1  }
0x60: {  	[tilespmem:s30+$0x40] =	vst v5;
	v1 =	vunpack.i.l.bf16.f32 v2  }
0x61: {  	v5 =	vunpack.i.u.bf16.f32 v2;
	[tilespmem:s0+$0x20] =	vst v1  }
0x62: {  	v2 =	vld [tilespmem:s7+$0x10];
	v1 =	vunpack.i.u.bf16.f32 v6;
	v6 =	vunpack.i.l.bf16.f32 v6;
	[tilespmem:s0+$0x60] =	vst v5  }
0x63: {  	[tilespmem:s30+$0xFFFFFF80] =	vst v4;
	v5 =	vld [tilespmem:s29+$0x30]  }
.Ltmp4:
0x64: {  	[tilespmem:s30+$0xFFFFFFC0] =	vst v3;
	(pc) =	sbr.rel @p1 .LBB2_4-.Ltmp4, $4  }
0x65: {  	v3 =	vld [tilespmem:s7+$0xFFFFFFD0];
	[tilespmem:s0+$0xFFFFFFA0] =	vst v6  }
0x66: {  	[tilespmem:s0+$0xFFFFFFE0] =	vst v1  }
0x67: {  	v4 =	vunpack.i.l.bf16.f32 v2;
	v1 =	vld [tilespmem:s29+$0xFFFFFFF0];
	[tilespmem:s28+$0x30] =	vst v0;
	s28 =	smov.u32 s0;
	s0 =	smov.u32 s30;
	s29 =	smov.u32 s7  }
0x68: {  	s7 =	sadd.s32 $0x80, s7;
	[tilespmem:s30+$0x10] =	vst v4;
	v4 =	vunpack.i.u.bf16.f32 v5;
	v0 =	vunpack.i.l.bf16.f32 v5  }
0x69: {  	v2 =	vunpack.i.u.bf16.f32 v2  }
0x6a: {  	v5 =	vunpack.i.l.bf16.f32 v3;
	[tilespmem:s30+$0x50] =	vst v2  }
0x6b: {  	v2 =	vunpack.i.u.bf16.f32 v3;
	[tilespmem:s30+$0xFFFFFF90] =	vst v5;
	v3 =	vld [tilespmem:s29+$0x20]  }
0x6c: {  	[tilespmem:s30+$0xFFFFFFD0] =	vst v2  }
0x6d: {  	v2 =	vld [tilespmem:s29+$0xFFFFFFE0];
	_ =	sdelay $0x2  }
0x6e: {  	v5 =	vunpack.i.l.bf16.f32 v3  }
0x6f: {  	v3 =	vunpack.i.u.bf16.f32 v3;
	[tilespmem:s0+$0x20] =	vst v5  }
0x70: {  	v5 =	vunpack.i.l.bf16.f32 v2;
	[tilespmem:s0+$0x60] =	vst v3  }
0x71: {  	v2 =	vunpack.i.u.bf16.f32 v2;
	[tilespmem:s0+$0xFFFFFFA0] =	vst v5  }
0x72: {  	v3 =	vld [tilespmem:s29+$0x30];
	[tilespmem:s0+$0xFFFFFFE0] =	vst v2  }
0x73: {  	v2 =	vld [tilespmem:s29+$0xFFFFFFF0]  }
0x74: {  	[tilespmem:s28+$0x70] =	vst v4  }
0x75: {  	[tilespmem:s28+$0x30] =	vst v0;
	v4 =	vunpack.i.l.bf16.f32 v1  }
0x76: {  	v1 =	vunpack.i.u.bf16.f32 v1;
	[tilespmem:s28+$0xFFFFFFB0] =	vst v4  }
0x77: {  	[tilespmem:s28+$0xFFFFFFF0] =	vst v1;
	v0 =	vunpack.i.u.bf16.f32 v3  }
0x78: {  	[tilespmem:s0+$0x70] =	vst v0;
	v0 =	vunpack.i.l.bf16.f32 v2  }
0x79: {  	s29 =	sshll.u32 s26, $0xA;
	v1 =	vunpack.i.u.bf16.f32 v2;
	[tilespmem:s0+$0xFFFFFFB0] =	vst v0  }
0x7a: {  	s28 =	sshrl.u32 s29, $0x2;
	v0 =	vunpack.i.l.bf16.f32 v3;
	[tilespmem:s0+$0xFFFFFFF0] =	vst v1  }
0x7b: {  	s10 =	sadd.s32 $0x800, s28;
	[tilespmem:s0+$0x30] =	vst v0;
	s0 =	simm.s32 @!p0 $0x4  }
0x7c: {  	[spmem:s3] =	stream.indirect.scatter.add.f32 [tilespmem:s20], [sflag:$0x3], $0x80, s10, s19, $0xb8;
	[tilespmem:$0x1CC00] =	vst v63  }
0x7d: {  	_ =	swait.ge @!p0 [sflag:s0], $0x2000  }
0x7e: {  	[sflag:s0] =	ssyncset.done @!p0 $0x0  }
0x7f: {  	s1 =	simm.s32 $0x2070;
	[sflag:s0] =	ssyncadd.s32 @!p0 $0xFFFFE000  }
0x80: {  	v0 =	vld [tilespmem:s1+$0xFFFFFFD0];
	_ =	sdelay $0x3  }
0x81: {  	v1 =	vld [tilespmem:s1+$0xFFFFFF90]  }
0x82: {  	s30 =	simm.s32 $0x7080;
	v2 =	vunpack.i.l.bf16.f32 v0  }
0x83: {  	v0 =	vunpack.i.u.bf16.f32 v0;
	[tilespmem:s30+$0x0] =	vst v2  }
0x84: {  	[tilespmem:s30+$0x40] =	vst v0  }
0x85: {  	v0 =	vld [tilespmem:s1+$0xFFFFFFE0]  }
0x86: {  	v2 =	vunpack.i.l.bf16.f32 v1  }
0x87: {  	v1 =	vunpack.i.u.bf16.f32 v1;
	[tilespmem:s30+$0xFFFFFF80] =	vst v2  }
0x88: {  	[tilespmem:s30+$0xFFFFFFC0] =	vst v1  }
0x89: {  	v1 =	vld [tilespmem:s1+$0xFFFFFFA0]  }
0x8a: {  	s31 =	simm.s32 $0x20F0;
	v2 =	vunpack.i.l.bf16.f32 v0  }
0x8b: {  	v0 =	vunpack.i.u.bf16.f32 v0;
	[tilespmem:s30+$0x10] =	vst v2;
	v2 =	vld [tilespmem:s31+$0xFFFFFFD0]  }
0x8c: {  	[tilespmem:s30+$0x50] =	vst v0  }
0x8d: {  	v0 =	vld [tilespmem:s1+$0xFFFFFFF0]  }
0x8e: {  	v3 =	vunpack.i.l.bf16.f32 v1  }
0x8f: {  	v1 =	vunpack.i.u.bf16.f32 v1;
	[tilespmem:s30+$0xFFFFFF90] =	vst v3;
	v3 =	vld [tilespmem:s31+$0xFFFFFF90]  }
0x90: {  	s0 =	simm.s32 $0x7180;
	[tilespmem:s30+$0xFFFFFFD0] =	vst v1;
	v1 =	vunpack.i.l.bf16.f32 v2  }
0x91: {  	v2 =	vunpack.i.u.bf16.f32 v2;
	[tilespmem:s0+$0x0] =	vst v1;
	v1 =	vld [tilespmem:s1+$0xFFFFFFB0]  }
0x92: {  	[tilespmem:s0+$0x40] =	vst v2;
	v2 =	vunpack.i.l.bf16.f32 v0  }
0x93: {  	v0 =	vunpack.i.u.bf16.f32 v0;
	[tilespmem:s30+$0x20] =	vst v2  }
0x94: {  	v2 =	vld [tilespmem:s31+$0xFFFFFFE0];
	[tilespmem:s30+$0x60] =	vst v0;
	v0 =	vunpack.i.l.bf16.f32 v3  }
0x95: {  	v3 =	vunpack.i.u.bf16.f32 v3;
	v5 =	vld [tilespmem:s1+$0x0];
	[tilespmem:s0+$0xFFFFFF80] =	vst v0  }
0x96: {  	[tilespmem:s0+$0xFFFFFFC0] =	vst v3;
	v0 =	vunpack.i.l.bf16.f32 v1  }
0x97: {  	v3 =	vld [tilespmem:s31+$0xFFFFFFA0];
	v1 =	vunpack.i.u.bf16.f32 v1;
	[tilespmem:s30+$0xFFFFFFA0] =	vst v0  }
0x98: {  	[tilespmem:s30+$0xFFFFFFE0] =	vst v1  }
0x99: {  	v0 =	vunpack.i.l.bf16.f32 v2;
	v1 =	vld [tilespmem:s1+$0xFFFFFFC0]  }
0x9a: {  	s7 =	simm.s32 $0x2;
	s10 =	simm.s32 $0x2170;
	[tilespmem:s0+$0x10] =	vst v0;
	v4 =	vunpack.i.u.bf16.f32 v5;
	v0 =	vunpack.i.l.bf16.f32 v5;
	s1 =	simm.s32 $0x7180  }
.LBB2_6:
0x9b: {  	v5 =	vld [tilespmem:s10+$0xFFFFFFD0];
	v2 =	vunpack.i.u.bf16.f32 v2;
	[tilespmem:s30+$0x70] =	vst v4  }
0x9c: {  	v4 =	vld [tilespmem:s10+$0xFFFFFF90];
	v6 =	vunpack.i.u.bf16.f32 v3;
	v3 =	vunpack.i.l.bf16.f32 v3;
	[tilespmem:s0+$0x50] =	vst v2  }
0x9d: {  	[tilespmem:s0+$0xFFFFFF90] =	vst v3;
	v2 =	vld [tilespmem:s31+$0xFFFFFFF0]  }
0x9e: {  	[tilespmem:s0+$0xFFFFFFD0] =	vst v6;
	v3 =	vunpack.i.u.bf16.f32 v1;
	v1 =	vunpack.i.l.bf16.f32 v1  }
0x9f: {  	v6 =	vld [tilespmem:s31+$0xFFFFFFB0];
	[tilespmem:s30+$0xFFFFFFB0] =	vst v1  }
0xa0: {  	s7 =	sadd.s32 $0x2, s7;
	s0 =	sadd.s32 $0x100, s0;
	v1 =	vunpack.i.l.bf16.f32 v5;
	[tilespmem:s30+$0xFFFFFFF0] =	vst v3  }
0xa1: {  	p0 =	slt.u32 s7, $0x3E;
	v5 =	vunpack.i.u.bf16.f32 v5;
	v3 =	vunpack.i.u.bf16.f32 v4;
	v4 =	vunpack.i.l.bf16.f32 v4;
	[tilespmem:s0+$0x0] =	vst v1  }
0xa2: {  	[tilespmem:s0+$0x40] =	vst v5;
	v1 =	vunpack.i.l.bf16.f32 v2  }
0xa3: {  	v5 =	vunpack.i.u.bf16.f32 v2;
	[tilespmem:s1+$0x20] =	vst v1  }
0xa4: {  	v2 =	vld [tilespmem:s10+$0xFFFFFFE0];
	v1 =	vunpack.i.u.bf16.f32 v6;
	v6 =	vunpack.i.l.bf16.f32 v6;
	[tilespmem:s1+$0x60] =	vst v5  }
0xa5: {  	[tilespmem:s0+$0xFFFFFF80] =	vst v4;
	v5 =	vld [tilespmem:s31+$0x0]  }
.Ltmp5:
0xa6: {  	[tilespmem:s0+$0xFFFFFFC0] =	vst v3;
	(pc) =	sbr.rel @p0 .LBB2_6-.Ltmp5, $4  }
0xa7: {  	v3 =	vld [tilespmem:s10+$0xFFFFFFA0];
	[tilespmem:s1+$0xFFFFFFA0] =	vst v6  }
0xa8: {  	[tilespmem:s1+$0xFFFFFFE0] =	vst v1  }
0xa9: {  	v4 =	vunpack.i.l.bf16.f32 v2;
	v1 =	vld [tilespmem:s31+$0xFFFFFFC0];
	[tilespmem:s30+$0x30] =	vst v0;
	s30 =	smov.u32 s1;
	s1 =	smov.u32 s0;
	s31 =	smov.u32 s10  }
0xaa: {  	s10 =	sadd.s32 $0x80, s10;
	[tilespmem:s0+$0x10] =	vst v4;
	v4 =	vunpack.i.u.bf16.f32 v5;
	v0 =	vunpack.i.l.bf16.f32 v5  }
0xab: {  	v2 =	vunpack.i.u.bf16.f32 v2  }
0xac: {  	v5 =	vunpack.i.l.bf16.f32 v3;
	[tilespmem:s0+$0x50] =	vst v2  }
0xad: {  	v2 =	vunpack.i.u.bf16.f32 v3;
	[tilespmem:s0+$0xFFFFFF90] =	vst v5;
	v3 =	vld [tilespmem:s31+$0xFFFFFFF0]  }
0xae: {  	[tilespmem:s0+$0xFFFFFFD0] =	vst v2  }
0xaf: {  	v2 =	vld [tilespmem:s31+$0xFFFFFFB0];
	_ =	sdelay $0x2  }
0xb0: {  	v5 =	vunpack.i.l.bf16.f32 v3  }
0xb1: {  	v3 =	vunpack.i.u.bf16.f32 v3;
	[tilespmem:s1+$0x20] =	vst v5  }
0xb2: {  	v5 =	vunpack.i.l.bf16.f32 v2;
	[tilespmem:s1+$0x60] =	vst v3  }
0xb3: {  	v2 =	vunpack.i.u.bf16.f32 v2;
	[tilespmem:s1+$0xFFFFFFA0] =	vst v5  }
0xb4: {  	v3 =	vld [tilespmem:s31+$0x0];
	[tilespmem:s1+$0xFFFFFFE0] =	vst v2  }
0xb5: {  	v2 =	vld [tilespmem:s31+$0xFFFFFFC0]  }
0xb6: {  	[tilespmem:s30+$0x70] =	vst v4  }
0xb7: {  	[tilespmem:s30+$0x30] =	vst v0;
	v4 =	vunpack.i.l.bf16.f32 v1  }
0xb8: {  	v1 =	vunpack.i.u.bf16.f32 v1;
	[tilespmem:s30+$0xFFFFFFB0] =	vst v4  }
0xb9: {  	[tilespmem:s30+$0xFFFFFFF0] =	vst v1;
	v0 =	vunpack.i.u.bf16.f32 v3  }
0xba: {  	[tilespmem:s1+$0x70] =	vst v0;
	v0 =	vunpack.i.l.bf16.f32 v2  }
0xbb: {  	p0 =	seq.s32 s26, $0x7;
	v1 =	vunpack.i.u.bf16.f32 v2;
	[tilespmem:s1+$0xFFFFFFB0] =	vst v0  }
0xbc: {  	s0 =	sshrl.u32 @!p0 s29, $0x2;
	v0 =	vunpack.i.l.bf16.f32 v3;
	[tilespmem:s1+$0xFFFFFFF0] =	vst v1  }
0xbd: {  	s7 =	simm.s32 @!p0 $0x1000;
	s0 =	sadd.s32 @!p0 $0x100, s0;
	[tilespmem:s1+$0x30] =	vst v0;
	s1 =	simm.s32 @!p0 $0x80  }
0xbe: {  	[tilespmem:s7], [sflag:$0x1] =	stream.indirect.gather @!p0 [hbm4b:s2+s1], $0x40, s0, s1, $0xb8;
	[tilespmem:$0x1CC00] =	vst v63  }
0xbf: {  	s10 =	sadd.s32 $0x840, s28  }
0xc0: {  	[spmem:s3] =	stream.indirect.scatter.add.f32 [tilespmem:s21], [sflag:$0x4], $0x80, s10, s19, $0xb8;
	[tilespmem:$0x1CC00] =	vst v63  }
0xc1: {  	_ =	swait.ge [sflag:s22], $0x2000  }
0xc2: {  	[sflag:s22] =	ssyncset.done $0x0  }
0xc3: {  	[sflag:s22] =	ssyncadd.s32 $0xFFFFE000  }
0xc4: {  	_ =	swait.ge [sflag:s23], $0x2000  }
0xc5: {  	[sflag:s23] =	ssyncset.done $0x0  }
0xc6: {  	s31 =	simm.s32 $0x3040;
	[sflag:s23] =	ssyncadd.s32 $0xFFFFE000  }
0xc7: {  	v0 =	vld [tilespmem:s31+$0x0];
	_ =	sdelay $0x3  }
0xc8: {  	v1 =	vld [tilespmem:s31+$0xFFFFFFC0]  }
0xc9: {  	s29 =	simm.s32 $0x5080;
	v2 =	vunpack.i.l.bf16.f32 v0  }
0xca: {  	v0 =	vunpack.i.u.bf16.f32 v0;
	[tilespmem:s29+$0x0] =	vst v2  }
0xcb: {  	[tilespmem:s29+$0x40] =	vst v0  }
0xcc: {  	v0 =	vld [tilespmem:s31+$0x10]  }
0xcd: {  	v2 =	vunpack.i.l.bf16.f32 v1  }
0xce: {  	v1 =	vunpack.i.u.bf16.f32 v1;
	[tilespmem:s29+$0xFFFFFF80] =	vst v2  }
0xcf: {  	[tilespmem:s29+$0xFFFFFFC0] =	vst v1  }
0xd0: {  	v1 =	vld [tilespmem:s31+$0xFFFFFFD0]  }
0xd1: {  	s30 =	simm.s32 $0x30C0;
	v2 =	vunpack.i.l.bf16.f32 v0  }
0xd2: {  	v0 =	vunpack.i.u.bf16.f32 v0;
	[tilespmem:s29+$0x10] =	vst v2;
	v2 =	vld [tilespmem:s30+$0x0]  }
0xd3: {  	[tilespmem:s29+$0x50] =	vst v0  }
0xd4: {  	v0 =	vld [tilespmem:s31+$0x20]  }
0xd5: {  	v3 =	vunpack.i.l.bf16.f32 v1  }
0xd6: {  	v1 =	vunpack.i.u.bf16.f32 v1;
	[tilespmem:s29+$0xFFFFFF90] =	vst v3;
	v3 =	vld [tilespmem:s30+$0xFFFFFFC0]  }
0xd7: {  	s0 =	simm.s32 $0x5180;
	[tilespmem:s29+$0xFFFFFFD0] =	vst v1;
	v1 =	vunpack.i.l.bf16.f32 v2  }
0xd8: {  	v2 =	vunpack.i.u.bf16.f32 v2;
	[tilespmem:s0+$0x0] =	vst v1;
	v1 =	vld [tilespmem:s31+$0xFFFFFFE0]  }
0xd9: {  	[tilespmem:s0+$0x40] =	vst v2;
	v2 =	vunpack.i.l.bf16.f32 v0  }
0xda: {  	v0 =	vunpack.i.u.bf16.f32 v0;
	[tilespmem:s29+$0x20] =	vst v2  }
0xdb: {  	v2 =	vld [tilespmem:s30+$0x10];
	[tilespmem:s29+$0x60] =	vst v0;
	v0 =	vunpack.i.l.bf16.f32 v3  }
0xdc: {  	v3 =	vunpack.i.u.bf16.f32 v3;
	v5 =	vld [tilespmem:s31+$0x30];
	[tilespmem:s0+$0xFFFFFF80] =	vst v0  }
0xdd: {  	[tilespmem:s0+$0xFFFFFFC0] =	vst v3;
	v0 =	vunpack.i.l.bf16.f32 v1  }
0xde: {  	v3 =	vld [tilespmem:s30+$0xFFFFFFD0];
	v1 =	vunpack.i.u.bf16.f32 v1;
	[tilespmem:s29+$0xFFFFFFA0] =	vst v0  }
0xdf: {  	[tilespmem:s29+$0xFFFFFFE0] =	vst v1  }
0xe0: {  	v0 =	vunpack.i.l.bf16.f32 v2;
	v1 =	vld [tilespmem:s31+$0xFFFFFFF0]  }
0xe1: {  	s7 =	simm.s32 $0x2;
	s1 =	simm.s32 $0x5180;
	s10 =	simm.s32 $0x3140;
	[tilespmem:s0+$0x10] =	vst v0;
	v4 =	vunpack.i.u.bf16.f32 v5;
	v0 =	vunpack.i.l.bf16.f32 v5  }
.LBB2_8:
0xe2: {  	v5 =	vld [tilespmem:s10+$0x0];
	v2 =	vunpack.i.u.bf16.f32 v2;
	[tilespmem:s29+$0x70] =	vst v4  }
0xe3: {  	v4 =	vld [tilespmem:s10+$0xFFFFFFC0];
	v6 =	vunpack.i.u.bf16.f32 v3;
	v3 =	vunpack.i.l.bf16.f32 v3;
	[tilespmem:s0+$0x50] =	vst v2  }
0xe4: {  	[tilespmem:s0+$0xFFFFFF90] =	vst v3;
	v2 =	vld [tilespmem:s30+$0x20]  }
0xe5: {  	[tilespmem:s0+$0xFFFFFFD0] =	vst v6;
	v3 =	vunpack.i.u.bf16.f32 v1;
	v1 =	vunpack.i.l.bf16.f32 v1  }
0xe6: {  	v6 =	vld [tilespmem:s30+$0xFFFFFFE0];
	[tilespmem:s29+$0xFFFFFFB0] =	vst v1  }
0xe7: {  	s7 =	sadd.s32 $0x2, s7;
	s0 =	sadd.s32 $0x100, s0;
	v1 =	vunpack.i.l.bf16.f32 v5;
	[tilespmem:s29+$0xFFFFFFF0] =	vst v3  }
0xe8: {  	p1 =	slt.u32 s7, $0x3E;
	v5 =	vunpack.i.u.bf16.f32 v5;
	v3 =	vunpack.i.u.bf16.f32 v4;
	v4 =	vunpack.i.l.bf16.f32 v4;
	[tilespmem:s0+$0x0] =	vst v1  }
0xe9: {  	[tilespmem:s0+$0x40] =	vst v5;
	v1 =	vunpack.i.l.bf16.f32 v2  }
0xea: {  	v5 =	vunpack.i.u.bf16.f32 v2;
	[tilespmem:s1+$0x20] =	vst v1  }
0xeb: {  	v2 =	vld [tilespmem:s10+$0x10];
	v1 =	vunpack.i.u.bf16.f32 v6;
	v6 =	vunpack.i.l.bf16.f32 v6;
	[tilespmem:s1+$0x60] =	vst v5  }
0xec: {  	[tilespmem:s0+$0xFFFFFF80] =	vst v4;
	v5 =	vld [tilespmem:s30+$0x30]  }
.Ltmp6:
0xed: {  	[tilespmem:s0+$0xFFFFFFC0] =	vst v3;
	(pc) =	sbr.rel @p1 .LBB2_8-.Ltmp6, $4  }
0xee: {  	v3 =	vld [tilespmem:s10+$0xFFFFFFD0];
	[tilespmem:s1+$0xFFFFFFA0] =	vst v6  }
0xef: {  	[tilespmem:s1+$0xFFFFFFE0] =	vst v1  }
0xf0: {  	v4 =	vunpack.i.l.bf16.f32 v2;
	v1 =	vld [tilespmem:s30+$0xFFFFFFF0];
	[tilespmem:s29+$0x30] =	vst v0;
	s29 =	smov.u32 s1;
	s1 =	smov.u32 s0;
	s30 =	smov.u32 s10  }
0xf1: {  	s10 =	sadd.s32 $0x80, s10;
	[tilespmem:s0+$0x10] =	vst v4;
	v4 =	vunpack.i.u.bf16.f32 v5;
	v0 =	vunpack.i.l.bf16.f32 v5  }
0xf2: {  	v2 =	vunpack.i.u.bf16.f32 v2  }
0xf3: {  	v5 =	vunpack.i.l.bf16.f32 v3;
	[tilespmem:s0+$0x50] =	vst v2  }
0xf4: {  	v2 =	vunpack.i.u.bf16.f32 v3;
	[tilespmem:s0+$0xFFFFFF90] =	vst v5;
	v3 =	vld [tilespmem:s30+$0x20]  }
0xf5: {  	[tilespmem:s0+$0xFFFFFFD0] =	vst v2  }
0xf6: {  	v2 =	vld [tilespmem:s30+$0xFFFFFFE0];
	_ =	sdelay $0x2  }
0xf7: {  	v5 =	vunpack.i.l.bf16.f32 v3  }
0xf8: {  	v3 =	vunpack.i.u.bf16.f32 v3;
	[tilespmem:s1+$0x20] =	vst v5  }
0xf9: {  	v5 =	vunpack.i.l.bf16.f32 v2;
	[tilespmem:s1+$0x60] =	vst v3  }
0xfa: {  	v2 =	vunpack.i.u.bf16.f32 v2;
	[tilespmem:s1+$0xFFFFFFA0] =	vst v5  }
0xfb: {  	v3 =	vld [tilespmem:s30+$0x30];
	[tilespmem:s1+$0xFFFFFFE0] =	vst v2  }
0xfc: {  	v2 =	vld [tilespmem:s30+$0xFFFFFFF0]  }
0xfd: {  	[tilespmem:s29+$0x70] =	vst v4  }
0xfe: {  	[tilespmem:s29+$0x30] =	vst v0;
	v4 =	vunpack.i.l.bf16.f32 v1  }
0xff: {  	v1 =	vunpack.i.u.bf16.f32 v1;
	[tilespmem:s29+$0xFFFFFFB0] =	vst v4  }
0x100: {  	[tilespmem:s29+$0xFFFFFFF0] =	vst v1;
	v0 =	vunpack.i.u.bf16.f32 v3  }
0x101: {  	[tilespmem:s1+$0x70] =	vst v0;
	v0 =	vunpack.i.l.bf16.f32 v2  }
0x102: {  	v1 =	vunpack.i.u.bf16.f32 v2;
	[tilespmem:s1+$0xFFFFFFB0] =	vst v0  }
0x103: {  	v0 =	vunpack.i.l.bf16.f32 v3;
	[tilespmem:s1+$0xFFFFFFF0] =	vst v1  }
0x104: {  	s10 =	sadd.s32 $0x880, s28;
	[tilespmem:s1+$0x30] =	vst v0  }
0x105: {  	[spmem:s3] =	stream.indirect.scatter.add.f32 [tilespmem:s20], [sflag:$0x3], $0x80, s10, s19, $0xb8;
	[tilespmem:$0x1CC00] =	vst v63  }
0x106: {  	_ =	swait.ge [sflag:s24], $0x2000  }
0x107: {  	[sflag:s24] =	ssyncset.done $0x0  }
0x108: {  	s31 =	simm.s32 $0x4070;
	[sflag:s24] =	ssyncadd.s32 $0xFFFFE000  }
0x109: {  	v0 =	vld [tilespmem:s31+$0xFFFFFFD0];
	_ =	sdelay $0x3  }
0x10a: {  	v1 =	vld [tilespmem:s31+$0xFFFFFF90]  }
0x10b: {  	s29 =	simm.s32 $0x7080;
	v2 =	vunpack.i.l.bf16.f32 v0  }
0x10c: {  	v0 =	vunpack.i.u.bf16.f32 v0;
	[tilespmem:s29+$0x0] =	vst v2  }
0x10d: {  	[tilespmem:s29+$0x40] =	vst v0  }
0x10e: {  	v0 =	vld [tilespmem:s31+$0xFFFFFFE0]  }
0x10f: {  	v2 =	vunpack.i.l.bf16.f32 v1  }
0x110: {  	v1 =	vunpack.i.u.bf16.f32 v1;
	[tilespmem:s29+$0xFFFFFF80] =	vst v2  }
0x111: {  	[tilespmem:s29+$0xFFFFFFC0] =	vst v1  }
0x112: {  	v1 =	vld [tilespmem:s31+$0xFFFFFFA0]  }
0x113: {  	s30 =	simm.s32 $0x40F0;
	v2 =	vunpack.i.l.bf16.f32 v0  }
0x114: {  	v0 =	vunpack.i.u.bf16.f32 v0;
	[tilespmem:s29+$0x10] =	vst v2;
	v2 =	vld [tilespmem:s30+$0xFFFFFFD0]  }
0x115: {  	[tilespmem:s29+$0x50] =	vst v0  }
0x116: {  	v0 =	vld [tilespmem:s31+$0xFFFFFFF0]  }
0x117: {  	v3 =	vunpack.i.l.bf16.f32 v1  }
0x118: {  	v1 =	vunpack.i.u.bf16.f32 v1;
	[tilespmem:s29+$0xFFFFFF90] =	vst v3;
	v3 =	vld [tilespmem:s30+$0xFFFFFF90]  }
0x119: {  	s0 =	simm.s32 $0x7180;
	[tilespmem:s29+$0xFFFFFFD0] =	vst v1;
	v1 =	vunpack.i.l.bf16.f32 v2  }
0x11a: {  	v2 =	vunpack.i.u.bf16.f32 v2;
	[tilespmem:s0+$0x0] =	vst v1;
	v1 =	vld [tilespmem:s31+$0xFFFFFFB0]  }
0x11b: {  	[tilespmem:s0+$0x40] =	vst v2;
	v2 =	vunpack.i.l.bf16.f32 v0  }
0x11c: {  	v0 =	vunpack.i.u.bf16.f32 v0;
	[tilespmem:s29+$0x20] =	vst v2  }
0x11d: {  	v2 =	vld [tilespmem:s30+$0xFFFFFFE0];
	[tilespmem:s29+$0x60] =	vst v0;
	v0 =	vunpack.i.l.bf16.f32 v3  }
0x11e: {  	v3 =	vunpack.i.u.bf16.f32 v3;
	v5 =	vld [tilespmem:s31+$0x0];
	[tilespmem:s0+$0xFFFFFF80] =	vst v0  }
0x11f: {  	[tilespmem:s0+$0xFFFFFFC0] =	vst v3;
	v0 =	vunpack.i.l.bf16.f32 v1  }
0x120: {  	v3 =	vld [tilespmem:s30+$0xFFFFFFA0];
	v1 =	vunpack.i.u.bf16.f32 v1;
	[tilespmem:s29+$0xFFFFFFA0] =	vst v0  }
0x121: {  	[tilespmem:s29+$0xFFFFFFE0] =	vst v1  }
0x122: {  	v0 =	vunpack.i.l.bf16.f32 v2;
	v1 =	vld [tilespmem:s31+$0xFFFFFFC0]  }
0x123: {  	s7 =	simm.s32 $0x2;
	s1 =	simm.s32 $0x7180;
	s10 =	simm.s32 $0x4170;
	[tilespmem:s0+$0x10] =	vst v0;
	v4 =	vunpack.i.u.bf16.f32 v5;
	v0 =	vunpack.i.l.bf16.f32 v5  }
.LBB2_10:
0x124: {  	v5 =	vld [tilespmem:s10+$0xFFFFFFD0];
	v2 =	vunpack.i.u.bf16.f32 v2;
	[tilespmem:s29+$0x70] =	vst v4  }
0x125: {  	v4 =	vld [tilespmem:s10+$0xFFFFFF90];
	v6 =	vunpack.i.u.bf16.f32 v3;
	v3 =	vunpack.i.l.bf16.f32 v3;
	[tilespmem:s0+$0x50] =	vst v2  }
0x126: {  	[tilespmem:s0+$0xFFFFFF90] =	vst v3;
	v2 =	vld [tilespmem:s30+$0xFFFFFFF0]  }
0x127: {  	[tilespmem:s0+$0xFFFFFFD0] =	vst v6;
	v3 =	vunpack.i.u.bf16.f32 v1;
	v1 =	vunpack.i.l.bf16.f32 v1  }
0x128: {  	v6 =	vld [tilespmem:s30+$0xFFFFFFB0];
	[tilespmem:s29+$0xFFFFFFB0] =	vst v1  }
0x129: {  	s7 =	sadd.s32 $0x2, s7;
	s0 =	sadd.s32 $0x100, s0;
	v1 =	vunpack.i.l.bf16.f32 v5;
	[tilespmem:s29+$0xFFFFFFF0] =	vst v3  }
0x12a: {  	p1 =	slt.u32 s7, $0x3E;
	v5 =	vunpack.i.u.bf16.f32 v5;
	v3 =	vunpack.i.u.bf16.f32 v4;
	v4 =	vunpack.i.l.bf16.f32 v4;
	[tilespmem:s0+$0x0] =	vst v1  }
0x12b: {  	[tilespmem:s0+$0x40] =	vst v5;
	v1 =	vunpack.i.l.bf16.f32 v2  }
0x12c: {  	v5 =	vunpack.i.u.bf16.f32 v2;
	[tilespmem:s1+$0x20] =	vst v1  }
0x12d: {  	v2 =	vld [tilespmem:s10+$0xFFFFFFE0];
	v1 =	vunpack.i.u.bf16.f32 v6;
	v6 =	vunpack.i.l.bf16.f32 v6;
	[tilespmem:s1+$0x60] =	vst v5  }
0x12e: {  	[tilespmem:s0+$0xFFFFFF80] =	vst v4;
	v5 =	vld [tilespmem:s30+$0x0]  }
.Ltmp7:
0x12f: {  	[tilespmem:s0+$0xFFFFFFC0] =	vst v3;
	(pc) =	sbr.rel @p1 .LBB2_10-.Ltmp7, $4  }
0x130: {  	v3 =	vld [tilespmem:s10+$0xFFFFFFA0];
	[tilespmem:s1+$0xFFFFFFA0] =	vst v6  }
0x131: {  	[tilespmem:s1+$0xFFFFFFE0] =	vst v1  }
0x132: {  	v4 =	vunpack.i.l.bf16.f32 v2;
	v1 =	vld [tilespmem:s30+$0xFFFFFFC0];
	[tilespmem:s29+$0x30] =	vst v0;
	s29 =	smov.u32 s1;
	s1 =	smov.u32 s0;
	s30 =	smov.u32 s10  }
0x133: {  	s10 =	sadd.s32 $0x80, s10;
	[tilespmem:s0+$0x10] =	vst v4;
	v4 =	vunpack.i.u.bf16.f32 v5;
	v0 =	vunpack.i.l.bf16.f32 v5  }
0x134: {  	v2 =	vunpack.i.u.bf16.f32 v2  }
0x135: {  	v5 =	vunpack.i.l.bf16.f32 v3;
	[tilespmem:s0+$0x50] =	vst v2  }
0x136: {  	v53 =	vunpack.i.u.bf16.f32 v3;
	[tilespmem:s0+$0xFFFFFF90] =	vst v5;
	v54 =	vld [tilespmem:s30+$0xFFFFFFF0]  }
0x137: {  	[tilespmem:s0+$0xFFFFFFD0] =	vst v53  }
0x138: {  	v2 =	vld [tilespmem:s30+$0xFFFFFFB0];
	_ =	sdelay $0x2  }
0x139: {  	v55 =	vunpack.i.l.bf16.f32 v54  }
0x13a: {  	v3 =	vunpack.i.u.bf16.f32 v54;
	[tilespmem:s1+$0x20] =	vst v55  }
0x13b: {  	[tilespmem:s1+$0x60] =	vst v3;
	v56 =	vunpack.i.l.bf16.f32 v2  }
0x13c: {  	v2 =	vunpack.i.u.bf16.f32 v2;
	[tilespmem:s1+$0xFFFFFFA0] =	vst v56;
	v57 =	vld [tilespmem:s30+$0x0]  }
0x13d: {  	[tilespmem:s1+$0xFFFFFFE0] =	vst v2  }
0x13e: {  	[tilespmem:s29+$0x70] =	vst v4;
	v2 =	vld [tilespmem:s30+$0xFFFFFFC0]  }
0x13f: {  	[tilespmem:s29+$0x30] =	vst v0;
	v58 =	vunpack.i.l.bf16.f32 v1  }
0x140: {  	v59 =	vunpack.i.u.bf16.f32 v1;
	[tilespmem:s29+$0xFFFFFFB0] =	vst v58  }
.Ltmp8:
0x141: {  	[tilespmem:s29+$0xFFFFFFF0] =	vst v59;
	v60 =	vunpack.i.u.bf16.f32 v57;
	(pc) =	sbr.rel @p0 .LBB2_13-.Ltmp8, $4  }
0x142: {  	v63 =	vunpack.i.l.bf16.f32 v57;
	[tilespmem:s1+$0x70] =	vst v60  }
0x143: {  	v61 =	vunpack.i.l.bf16.f32 v2;
	[tilespmem:s1+$0x30] =	vst v63  }
0x144: {  	v62 =	vunpack.i.u.bf16.f32 v2;
	[tilespmem:s1+$0xFFFFFFB0] =	vst v61  }
0x145: {  	s0 =	sadd.s32 $0x8C0, s28;
	[tilespmem:s1+$0xFFFFFFF0] =	vst v62  }
.Ltmp9:
0x146: {  	(pc) =	sbr.rel .LBB2_3-.Ltmp9, $4  }
0x147: {  	s1 =	sadd.s32 $0x180, s28  }
0x148: {  	[tilespmem:s17], [sflag:$0x2] =	stream.indirect.gather [hbm4b:s2+s15], $0x40, s1, s15, $0xb8;
	[tilespmem:$0x1CC00] =	vst v63  }
0x149: {  	s26 =	sadd.s32 $0x1, s26  }
0x14a: {  	[spmem:s3] =	stream.indirect.scatter.add.f32 [tilespmem:s21], [sflag:$0x4], $0x80, s0, s19, $0xb8;
	[tilespmem:$0x1CC00] =	vst v63  }
.LBB2_15:
0x14b: {  	_ =	sfence.sel $0x180000  }
0x14c: {  	[bflag:$0x0] =	sbarrier.arrive $0xFFFF  }
0x14d: {  	_ =	strace $0x90000047  }
0x14e: {  	s0 =	stileid.u32;
	[bflag:$0x2] =	sbarrier.arrive $0xFFFF  }
0x14f: {  	p0 =	sne.s32 s0, $0x0;
	s0 =	rddreg [dreg:$0x3]  }
0x150: {  	s0 =	sadd.s32 @!p0 $0x100000, s0  }
0x151: {  	[sflag:s0] =	ssyncadd.tile.s32 @!p0 $0x1;
	_ =	shalt  }
.Lfunc_end2:
_tile_overlayer_lowered:
.L_overlay_start_2:
0x152: {  	(tag) =	ssettag $0x2  }
0x153: {  	s0 =	rddreg [dreg:$0x0];
	s2 =	stileid.u32  }
0x154: {  	s1 =	rddreg [dreg:$0x1];
	p0 =	sne.s32 s2, $0x0  }
0x155: {  	s3 =	rddreg [dreg:$0x2];
	[bflag:$0x3] =	sbarrier.arrive $0xFFFF;
	s2 =	simm.s32 @!p0 $0x1C05  }
0x156: {  	[timem:s3], [sflag:s2] =	dma.local @!p0 [hbm:s0], s1  }
0x157: {  	s0 =	simm.s32 @!p0 $0x5  }
0x158: {  	_ =	swait.ge @!p0 [sflag:s0], s1  }
0x159: {  	s1 =	ssub.s32 @!p0 $0x0, s1;
	[sflag:s0] =	ssyncset.done @!p0 $0x0  }
0x15a: {  	[sflag:s0] =	ssyncadd.s32 @!p0 s1  }
0x15b: {  	[bflag:$0x3] =	sbarrier.arrive $0xFFFF  }
0x15c: {  	_ =	shalt  }

// kernel: kernel.18.cloned.1.call-start
scs
__scs_entry_jumppad:
0x0: {  	(pc) =	sbr.rel $0x88, $3  }
0x1: {  	(tag) =	ssettag $0x0;
	lr =	simm.s32 $0x1  }
0x2: {  	[smem:$0x3F96] =	sst lr;
	_ =	strace $0xD0000000  }
0x3: {  	_ = 	snop  }
0x4: {  	_ = 	snop  }
0x5: {  	_ = 	snop  }
0x6: {  	_ = 	snop  }
0x7: {  	_ = 	snop  }
__scs_overlays_trampoline_lowered:
0x8: {  	[smem:$0x3FA5] =	sst s0  }
0x9: {  	[smem:$0x3FA6] =	sst s1  }
0xa: {  	[smem:$0x3FA7] =	sst s2  }
0xb: {  	[smem:$0x3FA8] =	sst s3  }
0xc: {  	[smem:$0x3FA9] =	sst s4  }
0xd: {  	[smem:$0x3FAA] =	sst s5  }
0xe: {  	[smem:$0x3FAB] =	sst s6  }
0xf: {  	[smem:$0x3FAC] =	sst s7  }
0x10: {  	[smem:$0x3FAD] =	sst s8  }
0x11: {  	[smem:$0x3FAE] =	sst s9;
	s0 =	simm.s32 @!p0 $0x0  }
0x12: {  	s1 =	sld [smem:$0x3F94];
	s0 =	simm.s32 @p0 $0x1  }
0x13: {  	[smem:$0x3FAF] =	sst s0;
	s0 =	simm.s32 @!p1 $0x0  }
0x14: {  	s2 =	sld [smem:$0x3F93];
	s0 =	simm.s32 @p1 $0x1  }
0x15: {  	[smem:$0x3FB0] =	sst s0;
	s0 =	simm.s32 @!p2 $0x0  }
0x16: {  	s3 =	sld [smem:$0x3FDB];
	s0 =	simm.s32 @p2 $0x1  }
0x17: {  	s4 =	simm.s32 $0x1BF5;
	[smem:$0x3FB2] =	sst s0  }
0x18: {  	s0 =	sld [smem:$0x3F95];
	_ =	swait.ge [sflag:s4], $0x0  }
0x19: {  	s7 =	sld [smem:$0x3F96]  }
0x1a: {  	s8 =	sadd.s32 $0xFFFFE003, lr  }
0x1b: {  	s9 =	sadd.s32 $0xFFFFFEF7, lr;
	s5 =	simm.s32 $0xFFFFFFFF;
	p2 =	slt.u32 s8, $0xFFFFF086  }
0x1c: {  	p1 =	slt.u32 s9, $0xF7A;
	s5 =	simm.s32 @!p2 $0x0  }
0x1d: {  	s5 =	simm.s32 @p1 $0x1;
	p0 =	seq.s32 s7, s2  }
0x1e: {  	s7 =	smul.u32 @!p0 $0xF7A, s2;
	p2 =	seq.s32 @!p0 s5, $0x0  }
0x1f: {  	s9 =	smul.u32 $0xF7A, s1;
	s8 =	simm.s32 @!p0 $0x1BF5;
	p2 =	por !p2, p0  }
0x20: {  	[sflag:s8] =	ssyncset.s32 @!p0 $0xFFFFF086;
	s6 =	sadd.s32 @!p0 s3, s7;
	s7 =	simm.s32 @!p0 $0x108  }
0x21: {  	s3 =	sadd.s32 s3, s9;
	s6 =	sadd.s32 @!p0 $0x88, s6;
	s7 =	simm.s32 @p2 $0x1082  }
0x22: {  	[simem:s7], [sflag:s8] =	dma.local @!p0 [hbm:s6], $0xF7A  }
0x23: {  	s9 =	sor.u32 $0xD0000000, s2;
	s6 =	simm.s32 $0x108;
	_ =	swait.ge @!p0 [sflag:s8], $0x0  }
0x24: {  	s3 =	sadd.s32 $0x88, s3;
	s6 =	simm.s32 @!p1 $0x1082;
	[sflag:s4] =	ssyncset.s32 $0xFFFFF086  }
0x25: {  	[simem:s6], [sflag:s4] =	dma.local [hbm:s3], $0xF7A  }
0x26: {  	[smem:$0x3F96] =	sst s1;
	(tag) =	ssettag s2;
	_ =	strace s9  }
0x27: {  	s1 =	sld [smem:$0x3FA6]  }
0x28: {  	s2 =	sld [smem:$0x3FA7]  }
0x29: {  	s4 =	sld [smem:$0x3FA9]  }
0x2a: {  	p0 =	seq.s32 s5, $0x0;
	s5 =	sld [smem:$0x3FAA]  }
0x2b: {  	s6 =	sld [smem:$0x3FAB]  }
0x2c: {  	s7 =	sld [smem:$0x3FAC]  }
0x2d: {  	s3 =	simm.s32 $0x108;
	s8 =	sld [smem:$0x3FAD]  }
0x2e: {  	s3 =	simm.s32 @!p0 $0x1082;
	s9 =	sld [smem:$0x3FAE]  }
0x2f: {  	lr =	sadd.s32 s0, s3;
	s0 =	sld [smem:$0x3FA5]  }
0x30: {  	s3 =	sld [smem:$0x3FA8]  }
0x31: {  	[smem:$0x3FB1] =	sst s10  }
0x32: {  	s10 =	sld [smem:$0x3FAF];
	_ =	sdelay $0x3  }
0x33: {  	p0 =	seq.s32 s10, $0x1;
	s10 =	sld [smem:$0x3FB1];
	_ =	sdelay $0x3  }
0x34: {  	[smem:$0x3FB1] =	sst s10  }
0x35: {  	s10 =	sld [smem:$0x3FB0];
	_ =	sdelay $0x3  }
0x36: {  	p1 =	seq.s32 s10, $0x1;
	s10 =	sld [smem:$0x3FB1];
	_ =	sdelay $0x3  }
0x37: {  	[smem:$0x3FB1] =	sst s10  }
0x38: {  	s10 =	sld [smem:$0x3FB2]  }
0x39: {  	_ = 	snop;
	(pc) =	sbr.ind lr, $3  }
0x3a: {  	_ = 	snop  }
0x3b: {  	_ = 	snop  }
0x3c: {  	p2 =	seq.s32 s10, $0x1;
	s10 =	sld [smem:$0x3FB1]  }
0x3d: {  	_ =	shalt  }
0x3e: {  	_ =	shalt  }
0x3f: {  	_ =	shalt  }
0x40: {  	_ =	shalt  }
0x41: {  	_ =	shalt  }
0x42: {  	_ =	shalt  }
0x43: {  	_ =	shalt  }
0x44: {  	_ =	shalt  }
0x45: {  	_ =	shalt  }
0x46: {  	_ =	shalt  }
0x47: {  	_ =	shalt  }
0x48: {  	_ =	shalt  }
0x49: {  	_ =	shalt  }
0x4a: {  	_ =	shalt  }
0x4b: {  	_ =	shalt  }
0x4c: {  	_ =	shalt  }
0x4d: {  	_ =	shalt  }
0x4e: {  	_ =	shalt  }
0x4f: {  	_ =	shalt  }
0x50: {  	_ =	shalt  }
0x51: {  	_ =	shalt  }
0x52: {  	_ =	shalt  }
0x53: {  	_ =	shalt  }
0x54: {  	_ =	shalt  }
0x55: {  	_ =	shalt  }
0x56: {  	_ =	shalt  }
0x57: {  	_ =	shalt  }
0x58: {  	_ =	shalt  }
0x59: {  	_ =	shalt  }
0x5a: {  	_ =	shalt  }
0x5b: {  	_ =	shalt  }
0x5c: {  	_ =	shalt  }
0x5d: {  	_ =	shalt  }
0x5e: {  	_ =	shalt  }
0x5f: {  	_ =	shalt  }
0x60: {  	_ =	shalt  }
0x61: {  	_ =	shalt  }
0x62: {  	_ =	shalt  }
0x63: {  	_ =	shalt  }
0x64: {  	_ =	shalt  }
0x65: {  	_ =	shalt  }
0x66: {  	_ =	shalt  }
0x67: {  	_ =	shalt  }
0x68: {  	_ =	shalt  }
0x69: {  	_ =	shalt  }
0x6a: {  	_ =	shalt  }
0x6b: {  	_ =	shalt  }
0x6c: {  	_ =	shalt  }
0x6d: {  	_ =	shalt  }
0x6e: {  	_ =	shalt  }
0x6f: {  	_ =	shalt  }
0x70: {  	_ =	shalt  }
0x71: {  	_ =	shalt  }
0x72: {  	_ =	shalt  }
0x73: {  	_ =	shalt  }
0x74: {  	_ =	shalt  }
0x75: {  	_ =	shalt  }
0x76: {  	_ =	shalt  }
0x77: {  	_ =	shalt  }
0x78: {  	_ =	shalt  }
0x79: {  	_ =	shalt  }
0x7a: {  	_ =	shalt  }
0x7b: {  	_ =	shalt  }
0x7c: {  	_ =	shalt  }
0x7d: {  	_ =	shalt  }
0x7e: {  	_ =	shalt  }
0x7f: {  	_ =	shalt  }
0x80: {  	_ =	shalt  }
0x81: {  	_ =	shalt  }
0x82: {  	_ =	shalt  }
0x83: {  	_ =	shalt  }
0x84: {  	_ =	shalt  }
0x85: {  	_ =	shalt  }
0x86: {  	_ =	shalt  }
0x87: {  	_ =	shalt  }
.Lfunc_end0:
.L_simem_size_0:
called_computation.2_lowered:
.L_overlay_start_0:
0x88: {  	s2 =	sld [smem:$0x3FD9]  }
0x89: {  	s3 =	sld [smem:$0x3FFE];
	_ =	sdelay $0x1  }
0x8a: {  	s1 =	srdreg.scid  }
0x8b: {  	s0 =	sand.u32 $0x1, s1  }
0x8c: {  	s17 =	sshll.u32 s0, $0xA;
	s2 =	sadd.s32 s3, s2  }
0x8d: {  	s2 =	sadd.s32 s2, s17  }
0x8e: {  	[smem:$0x3FBD] =	sst s2  }
0x8f: {  	_ = 	snop  }
0x90: {  	s2 =	sld [smem:$0x3FD0];
	(tm) =	ssettm $0x1  }
0x91: {  	s18 =	sld [smem:$0x3FFB];
	_ =	sdelay $0x3  }
0x92: {  	_ =	strace s18  }
0x93: {  	s3 =	sld [smem:$0x3FFC];
	_ =	sdelay $0x3  }
0x94: {  	_ =	strace s3  }
0x95: {  	s3 =	sld [smem:$0x3FFD];
	_ =	sdelay $0x3  }
0x96: {  	_ =	strace s3  }
0x97: {  	_ =	strace $0x8FFFFFFF  }
0x98: {  	s19 =	sld [smem:$0x3FDB];
	_ =	sdelay $0x1  }
0x99: {  	s4 =	simm.s32 $_scs_section_size  }
0x9a: {  	s5 =	simm.s32 $_size__tile_overlayer_lowered;
	s6 =	simm.s32 $_tile_overlayer_lowered  }
0x9b: {  	s22 =	simm.s32 $0x1BFF;
	s21 =	sshll.u32 s6, $0x1;
	s3 =	sadd.s32 s4, s19  }
0x9c: {  	s7 =	simm.s32 $0x0;
	s20 =	sshll.u32 s5, $0x1;
	s5 =	sadd.s32 s21, s3  }
0x9d: {  	[timem:s7], [sflag:s22] =	dma.local [hbm:s5], s20  }
0x9e: {  	_ =	swait.ge [sflag:s22], s20  }
0x9f: {  	s4 =	ssub.s32 $0x0, s20;
	[sflag:s22] =	ssyncset.done $0x0  }
0xa0: {  	[sflag:s22] =	ssyncadd.s32 s4;
	_ =	sdelay $0x1  }
0xa1: {  	s23 =	simm.s32 $0x1B8B  }
0xa2: {  	_ =	swait.ge [sflag:s23], $0x1  }
0xa3: {  	[sflag:s23] =	ssyncset.done $0x0  }
0xa4: {  	s25 =	simm.s32 $0x1B8E;
	s24 =	sld [smem:$0x3FFE];
	[sflag:s23] =	ssyncadd.s32 $0xFFFFFFFF  }
0xa5: {  	s26 =	simm.s32 $execute0_lowered;
	[smem:$0x3FD2] =	sst s25  }
0xa6: {  	s5 =	sshll.u32 s26, $0x1;
	_ =	strace $0x8000004C;
	[dreg:$0x1] =	wrdreg $0xFFFFFFFF  }
0xa7: {  	s28 =	simm.s32 $_size_execute0_lowered;
	s3 =	sadd.s32 s3, s5;
	[dreg:$0x0] =	wrdreg $0x0  }
0xa8: {  	s5 =	sshll.u32 s28, $0x1;
	[dreg:$0x2] =	wrdreg s3  }
0xa9: {  	[dreg:$0x3] =	wrdreg s5  }
0xaa: {  	[dreg:$0x4] =	wrdreg $0xC0  }
0xab: {  	_ =	task [dreg:s7], $0x5FFFF  }
0xac: {  	[dreg:$0x1] =	wrdreg $0xFFFFFFFF  }
0xad: {  	[dreg:$0x0] =	wrdreg $0x60  }
0xae: {  	[dreg:$0x2] =	wrdreg s2  }
0xaf: {  	[dreg:$0x3] =	wrdreg s24  }
0xb0: {  	[dreg:$0x4] =	wrdreg $0x90000  }
0xb1: {  	[dreg:$0x5] =	wrdreg $0x9  }
0xb2: {  	_ =	task.clear_ibuf [dreg:s7], $0x6FFFF;
	_ =	strace $0x9000004C  }
0xb3: {  	s29 =	simm.s32 $0x9;
	_ =	strace $0x8000004E  }
0xb4: {  	_ =	swait.ge [sflag:s29], $0x1  }
0xb5: {  	[sflag:s29] =	ssyncadd.s32 $0xFFFFFFFF  }
0xb6: {  	_ =	strace $0x9000004E  }
0xb7: {  	_ =	sfence  }
0xb8: {  	s30 =	sld [smem:$0x0];
	_ =	sdelay $0x2  }
0xb9: {  	s31 =	sshll.u32 s1, $0xD;
	s1 =	sshrl.u32 s1, $0x2  }
0xba: {  	s3 =	sand.u32 $0x4000, s31;
	s1 =	sadd.s32 s1, s30  }
0xbb: {  	s0 =	sor.u32 s3, s0;
	s1 =	sshll.u32 s1, $0x11  }
0xbc: {  	s0 =	sor.u32 s1, s0  }
0xbd: {  	s0 =	sadd.s32 $0x8F2B, s0  }
0xbe: {  	[sflag:s0] =	ssyncadd.remote.s32 $0x1  }
0xbf: {  	_ =	sfence.sel $0xFFFF  }
0xc0: {  	[dreg:$0x0] =	wrdreg $0xFFFFFFFF;
	(pc) =	sbr.abs _section_cstart, $3  }
0xc1: {  	[dreg:$0x1] =	wrdreg $0xFFFFFFFF  }
0xc2: {  	_ =	task.clear_ibuf [dreg:s7], $0x2FFFF;
	_ =	strace $0x9FFFFFFF  }
0xc3: {  	(tm) =	ssettm $0x7FFFFFFF  }
tec
execute0_lowered:
.L_overlay_start_1:
0x0: {  	(tag) =	ssettag $0x1  }
0x1: {  	s2 =	rddreg [dreg:$0x0]  }
0x2: {  	s0 =	rddreg [dreg:$0x1]  }
0x3: {  	s3 =	rddreg [dreg:$0x2];
	s12 =	stileid.u32  }
0x4: {  	s1 =	srdreg.scid;
	s4 =	simm.s32 $0x0;
	s13 =	simm.s32 $0x5  }
0x5: {  	s14 =	simm.s32 $0x800;
	s15 =	simm.s32 $0x80;
	s16 =	simm.s32 $0x1000  }
0x6: {  	s17 =	simm.s32 $0x3000;
	s18 =	simm.s32 $0x1;
	s19 =	simm.s32 $0x40  }
0x7: {  	s20 =	simm.s32 $0x5000;
	s21 =	simm.s32 $0x7000;
	s22 =	simm.s32 $0x2  }
0x8: {  	s23 =	simm.s32 $0x3;
	s24 =	simm.s32 $0x4;
	s7 =	smul.u32 $0x13C00, s12  }
0x9: {  	s1 =	sand.u32 $0x1, s1;
	[smem:$0x7FF] =	sst s4;
	s5 =	sadd.s32 $0x3400, s0  }
0xa: {  	s6 =	sadd.s32 $0xD400, s0;
	s30 =	sshll.u32 s12, $0x1;
	s31 =	sshll.u32 s12, $0x6  }
0xb: {  	s8 =	smul.u32 $0x13C000, s1;
	_ =	strace $0x8000004D;
	s10 =	ssub.s32 $0x2, s1  }
0xc: {  	s1 =	sor.u32 s1, s30;
	s9 =	sshrl.u32 s7, $0x3;
	s11 =	sshrl.u32 s10, $0x1  }
.Ltmp0:
0xd: {  	s8 =	sadd.s32 s7, s8;
	s9 =	sadd.s32 s9, s0;
	(pc) =	sbr.rel .LBB2_1-.Ltmp0, $4  }
0xe: {  	s10 =	ssub.s32 s10, s11;
	s7 =	sadd.s32 s7, s3;
	s8 =	sshrl.u32 s8, $0x3  }
0xf: {  	s9 =	sadd.s32 $0x17400, s9;
	s11 =	smax.u32 s10, $0x1;
	s0 =	sadd.s32 s8, s0  }
0x10: {  	s12 =	sshrl.u32 s7, $0x3;
	[dreg:$0x4] =	wrdreg s9;
	s0 =	sadd.s32 $0x3EC00, s0  }
0x11: {  	s8 =	sor.u32 $0x1C05, s31;
	s9 =	smul.u32 $0x500, s1;
	[dreg:$0x5] =	wrdreg s0  }
.LBB2_14:
0x12: {  	_ =	swait.ge [sflag:s23], $0x2000  }
0x13: {  	[sflag:s23] =	ssyncset.done $0x0  }
0x14: {  	[sflag:s23] =	ssyncadd.s32 $0xFFFFE000  }
0x15: {  	_ =	swait.ge [sflag:s24], $0x2000  }
0x16: {  	[sflag:s24] =	ssyncset.done $0x0  }
0x17: {  	s4 =	sadd.s32 $0x1, s4;
	[sflag:s24] =	ssyncadd.s32 $0xFFFFE000  }
0x18: {  	p0 =	sne.s32 s4, s11;
	[bflag:$0x0] =	sbarrier.arrive $0xFFFF  }
.Ltmp1:
0x19: {  	s0 =	rddreg [dreg:$0x5];
	(pc) =	sbr.rel @!p0 .LBB2_15-.Ltmp1, $4  }
0x1a: {  	[hbm:s0], [sflag:s8] =	dma.local [spmem:s12], $0x2780  }
0x1b: {  	_ =	swait.ge [sflag:s13], $0x2780  }
0x1c: {  	[sflag:s13] =	ssyncset.done $0x0  }
0x1d: {  	[sflag:s13] =	ssyncadd.s32 $0xFFFFD880  }
.LBB2_1:
0x1e: {  	s0 =	rddreg [dreg:$0x4]  }
0x1f: {  	[spmem:s12], [sflag:s8] =	dma.local [hbm:s0], $0x2780  }
.Ltmp2:
0x20: {  	_ =	swait.ge [sflag:s13], $0x2780;
	(pc) =	sbr.rel .LBB2_2-.Ltmp2, $4  }
0x21: {  	[sflag:s13] =	ssyncset.done $0x0  }
0x22: {  	[sflag:s13] =	ssyncadd.s32 $0xFFFFD880  }
0x23: {  	[bflag:$0x0] =	sbarrier.arrive $0xFFFF  }
0x24: {  	s25 =	simm.s32 $0x0  }
.LBB2_13:
0x25: {  	s25 =	sadd.s32 $0x1, s25  }
0x26: {  	p0 =	sne.s32 s25, $0x5  }
.Ltmp3:
0x27: {  	_ = 	snop;
	(pc) =	sbr.rel @!p0 .LBB2_14-.Ltmp3, $2  }
0x28: {  	_ =	sdelay $0x2  }
0x29: {  	[spmem:s3] =	stream.indirect.scatter.add.f32 [tilespmem:s21], [sflag:$0x4], $0x80, s0, s19, $0xb8;
	[tilespmem:$0x1CC00] =	vst v63  }
.LBB2_2:
0x2a: {  	s0 =	sshll.u32 s25, $0x8  }
0x2b: {  	s0 =	sadd.s32 s9, s0  }
0x2c: {  	s26 =	simm.s32 $0x0;
	s1 =	sadd.s32 s5, s0  }
0x2d: {  	[tilespmem:s26], [sflag:$0x5] =	stream.linear.gather [hbm4b:s1+s26], $0x800, $0x38;
	[tilespmem:$0x1CC00] =	vst v63  }
0x2e: {  	_ =	swait.ge [sflag:s13], $0x800  }
0x2f: {  	[sflag:s13] =	ssyncset.done $0x0  }
0x30: {  	s0 =	sadd.s32 s6, s0;
	[sflag:s13] =	ssyncadd.s32 $0xFFFFF800  }
0x31: {  	[tilespmem:s14], [sflag:$0x5] =	stream.linear.gather [hbm4b:s0+s26], $0x800, $0x38;
	[tilespmem:$0x1CC00] =	vst v63  }
0x32: {  	_ =	swait.ge [sflag:s13], $0x800  }
0x33: {  	[sflag:s13] =	ssyncset.done $0x0  }
0x34: {  	[sflag:s13] =	ssyncadd.s32 $0xFFFFF800  }
0x35: {  	[tilespmem:s16], [sflag:$0x1] =	stream.indirect.gather [hbm4b:s2+s15], $0x40, s26, s15, $0xb8;
	[tilespmem:$0x1CC00] =	vst v63  }
0x36: {  	_ = 	snop  }
0x37: {  	[tilespmem:s17], [sflag:$0x2] =	stream.indirect.gather [hbm4b:s2+s15], $0x40, s15, s15, $0xb8;
	[tilespmem:$0x1CC00] =	vst v63  }
.LBB2_3:
0x38: {  	s0 =	sor.u32 s25, s26;
	_ =	swait.ge [sflag:s18], $0x2000  }
0x39: {  	p0 =	seq.s32 s0, $0x0;
	[sflag:s18] =	ssyncset.done $0x0  }
0x3a: {  	[sflag:s18] =	ssyncadd.s32 $0xFFFFE000;
	s0 =	simm.s32 @!p0 $0x3  }
0x3b: {  	_ =	swait.ge @!p0 [sflag:s0], $0x2000  }
0x3c: {  	[sflag:s0] =	ssyncset.done @!p0 $0x0  }
0x3d: {  	s31 =	simm.s32 $0x1040;
	[sflag:s0] =	ssyncadd.s32 @!p0 $0xFFFFE000  }
0x3e: {  	v0 =	vld [tilespmem:s31+$0x0];
	_ =	sdelay $0x3  }
0x3f: {  	v1 =	vld [tilespmem:s31+$0xFFFFFFC0]  }
0x40: {  	s28 =	simm.s32 $0x5080;
	v2 =	vunpack.i.l.bf16.f32 v0  }
0x41: {  	v0 =	vunpack.i.u.bf16.f32 v0;
	[tilespmem:s28+$0x0] =	vst v2  }
0x42: {  	[tilespmem:s28+$0x40] =	vst v0  }
0x43: {  	v0 =	vld [tilespmem:s31+$0x10]  }
0x44: {  	v2 =	vunpack.i.l.bf16.f32 v1  }
0x45: {  	v1 =	vunpack.i.u.bf16.f32 v1;
	[tilespmem:s28+$0xFFFFFF80] =	vst v2  }
0x46: {  	[tilespmem:s28+$0xFFFFFFC0] =	vst v1  }
0x47: {  	v1 =	vld [tilespmem:s31+$0xFFFFFFD0]  }
0x48: {  	s29 =	simm.s32 $0x10C0;
	v2 =	vunpack.i.l.bf16.f32 v0  }
0x49: {  	v0 =	vunpack.i.u.bf16.f32 v0;
	[tilespmem:s28+$0x10] =	vst v2;
	v2 =	vld [tilespmem:s29+$0x0]  }
0x4a: {  	[tilespmem:s28+$0x50] =	vst v0  }
0x4b: {  	v0 =	vld [tilespmem:s31+$0x20]  }
0x4c: {  	v3 =	vunpack.i.l.bf16.f32 v1  }
0x4d: {  	v1 =	vunpack.i.u.bf16.f32 v1;
	[tilespmem:s28+$0xFFFFFF90] =	vst v3;
	v3 =	vld [tilespmem:s29+$0xFFFFFFC0]  }
0x4e: {  	s30 =	simm.s32 $0x5180;
	[tilespmem:s28+$0xFFFFFFD0] =	vst v1;
	v1 =	vunpack.i.l.bf16.f32 v2  }
0x4f: {  	v2 =	vunpack.i.u.bf16.f32 v2;
	[tilespmem:s30+$0x0] =	vst v1;
	v1 =	vld [tilespmem:s31+$0xFFFFFFE0]  }
0x50: {  	[tilespmem:s30+$0x40] =	vst v2;
	v2 =	vunpack.i.l.bf16.f32 v0  }
0x51: {  	v0 =	vunpack.i.u.bf16.f32 v0;
	[tilespmem:s28+$0x20] =	vst v2  }
0x52: {  	v2 =	vld [tilespmem:s29+$0x10];
	[tilespmem:s28+$0x60] =	vst v0;
	v0 =	vunpack.i.l.bf16.f32 v3  }
0x53: {  	v3 =	vunpack.i.u.bf16.f32 v3;
	v5 =	vld [tilespmem:s31+$0x30];
	[tilespmem:s30+$0xFFFFFF80] =	vst v0  }
0x54: {  	[tilespmem:s30+$0xFFFFFFC0] =	vst v3;
	v0 =	vunpack.i.l.bf16.f32 v1  }
0x55: {  	v3 =	vld [tilespmem:s29+$0xFFFFFFD0];
	v1 =	vunpack.i.u.bf16.f32 v1;
	[tilespmem:s28+$0xFFFFFFA0] =	vst v0  }
0x56: {  	[tilespmem:s28+$0xFFFFFFE0] =	vst v1  }
0x57: {  	v0 =	vunpack.i.l.bf16.f32 v2;
	v1 =	vld [tilespmem:s31+$0xFFFFFFF0]  }
0x58: {  	s1 =	simm.s32 $0x2;
	s7 =	simm.s32 $0x1140;
	s0 =	simm.s32 $0x5180;
	[tilespmem:s30+$0x10] =	vst v0;
	v4 =	vunpack.i.u.bf16.f32 v5;
	v0 =	vunpack.i.l.bf16.f32 v5  }
.LBB2_4:
0x59: {  	v5 =	vld [tilespmem:s7+$0x0];
	v2 =	vunpack.i.u.bf16.f32 v2;
	[tilespmem:s28+$0x70] =	vst v4  }
0x5a: {  	v4 =	vld [tilespmem:s7+$0xFFFFFFC0];
	v6 =	vunpack.i.u.bf16.f32 v3;
	v3 =	vunpack.i.l.bf16.f32 v3;
	[tilespmem:s30+$0x50] =	vst v2  }
0x5b: {  	[tilespmem:s30+$0xFFFFFF90] =	vst v3;
	v2 =	vld [tilespmem:s29+$0x20]  }
0x5c: {  	[tilespmem:s30+$0xFFFFFFD0] =	vst v6;
	v3 =	vunpack.i.u.bf16.f32 v1;
	v1 =	vunpack.i.l.bf16.f32 v1  }
0x5d: {  	v6 =	vld [tilespmem:s29+$0xFFFFFFE0];
	[tilespmem:s28+$0xFFFFFFB0] =	vst v1  }
0x5e: {  	s1 =	sadd.s32 $0x2, s1;
	s30 =	sadd.s32 $0x100, s30;
	v1 =	vunpack.i.l.bf16.f32 v5;
	[tilespmem:s28+$0xFFFFFFF0] =	vst v3  }
0x5f: {  	p1 =	slt.u32 s1, $0x3E;
	v5 =	vunpack.i.u.bf16.f32 v5;
	v3 =	vunpack.i.u.bf16.f32 v4;
	v4 =	vunpack.i.l.bf16.f32 v4;
	[tilespmem:s30+$0x0] =	vst v1  }
0x60: {  	[tilespmem:s30+$0x40] =	vst v5;
	v1 =	vunpack.i.l.bf16.f32 v2  }
0x61: {  	v5 =	vunpack.i.u.bf16.f32 v2;
	[tilespmem:s0+$0x20] =	vst v1  }
0x62: {  	v2 =	vld [tilespmem:s7+$0x10];
	v1 =	vunpack.i.u.bf16.f32 v6;
	v6 =	vunpack.i.l.bf16.f32 v6;
	[tilespmem:s0+$0x60] =	vst v5  }
0x63: {  	[tilespmem:s30+$0xFFFFFF80] =	vst v4;
	v5 =	vld [tilespmem:s29+$0x30]  }
.Ltmp4:
0x64: {  	[tilespmem:s30+$0xFFFFFFC0] =	vst v3;
	(pc) =	sbr.rel @p1 .LBB2_4-.Ltmp4, $4  }
0x65: {  	v3 =	vld [tilespmem:s7+$0xFFFFFFD0];
	[tilespmem:s0+$0xFFFFFFA0] =	vst v6  }
0x66: {  	[tilespmem:s0+$0xFFFFFFE0] =	vst v1  }
0x67: {  	v4 =	vunpack.i.l.bf16.f32 v2;
	v1 =	vld [tilespmem:s29+$0xFFFFFFF0];
	[tilespmem:s28+$0x30] =	vst v0;
	s28 =	smov.u32 s0;
	s0 =	smov.u32 s30;
	s29 =	smov.u32 s7  }
0x68: {  	s7 =	sadd.s32 $0x80, s7;
	[tilespmem:s30+$0x10] =	vst v4;
	v4 =	vunpack.i.u.bf16.f32 v5;
	v0 =	vunpack.i.l.bf16.f32 v5  }
0x69: {  	v2 =	vunpack.i.u.bf16.f32 v2  }
0x6a: {  	v5 =	vunpack.i.l.bf16.f32 v3;
	[tilespmem:s30+$0x50] =	vst v2  }
0x6b: {  	v2 =	vunpack.i.u.bf16.f32 v3;
	[tilespmem:s30+$0xFFFFFF90] =	vst v5;
	v3 =	vld [tilespmem:s29+$0x20]  }
0x6c: {  	[tilespmem:s30+$0xFFFFFFD0] =	vst v2  }
0x6d: {  	v2 =	vld [tilespmem:s29+$0xFFFFFFE0];
	_ =	sdelay $0x2  }
0x6e: {  	v5 =	vunpack.i.l.bf16.f32 v3  }
0x6f: {  	v3 =	vunpack.i.u.bf16.f32 v3;
	[tilespmem:s0+$0x20] =	vst v5  }
0x70: {  	v5 =	vunpack.i.l.bf16.f32 v2;
	[tilespmem:s0+$0x60] =	vst v3  }
0x71: {  	v2 =	vunpack.i.u.bf16.f32 v2;
	[tilespmem:s0+$0xFFFFFFA0] =	vst v5  }
0x72: {  	v3 =	vld [tilespmem:s29+$0x30];
	[tilespmem:s0+$0xFFFFFFE0] =	vst v2  }
0x73: {  	v2 =	vld [tilespmem:s29+$0xFFFFFFF0]  }
0x74: {  	[tilespmem:s28+$0x70] =	vst v4  }
0x75: {  	[tilespmem:s28+$0x30] =	vst v0;
	v4 =	vunpack.i.l.bf16.f32 v1  }
0x76: {  	v1 =	vunpack.i.u.bf16.f32 v1;
	[tilespmem:s28+$0xFFFFFFB0] =	vst v4  }
0x77: {  	[tilespmem:s28+$0xFFFFFFF0] =	vst v1;
	v0 =	vunpack.i.u.bf16.f32 v3  }
0x78: {  	[tilespmem:s0+$0x70] =	vst v0;
	v0 =	vunpack.i.l.bf16.f32 v2  }
0x79: {  	s29 =	sshll.u32 s26, $0xA;
	v1 =	vunpack.i.u.bf16.f32 v2;
	[tilespmem:s0+$0xFFFFFFB0] =	vst v0  }
0x7a: {  	s28 =	sshrl.u32 s29, $0x2;
	v0 =	vunpack.i.l.bf16.f32 v3;
	[tilespmem:s0+$0xFFFFFFF0] =	vst v1  }
0x7b: {  	s10 =	sadd.s32 $0x800, s28;
	[tilespmem:s0+$0x30] =	vst v0;
	s0 =	simm.s32 @!p0 $0x4  }
0x7c: {  	[spmem:s3] =	stream.indirect.scatter.add.f32 [tilespmem:s20], [sflag:$0x3], $0x80, s10, s19, $0xb8;
	[tilespmem:$0x1CC00] =	vst v63  }
0x7d: {  	_ =	swait.ge @!p0 [sflag:s0], $0x2000  }
0x7e: {  	[sflag:s0] =	ssyncset.done @!p0 $0x0  }
0x7f: {  	s1 =	simm.s32 $0x2070;
	[sflag:s0] =	ssyncadd.s32 @!p0 $0xFFFFE000  }
0x80: {  	v0 =	vld [tilespmem:s1+$0xFFFFFFD0];
	_ =	sdelay $0x3  }
0x81: {  	v1 =	vld [tilespmem:s1+$0xFFFFFF90]  }
0x82: {  	s30 =	simm.s32 $0x7080;
	v2 =	vunpack.i.l.bf16.f32 v0  }
0x83: {  	v0 =	vunpack.i.u.bf16.f32 v0;
	[tilespmem:s30+$0x0] =	vst v2  }
0x84: {  	[tilespmem:s30+$0x40] =	vst v0  }
0x85: {  	v0 =	vld [tilespmem:s1+$0xFFFFFFE0]  }
0x86: {  	v2 =	vunpack.i.l.bf16.f32 v1  }
0x87: {  	v1 =	vunpack.i.u.bf16.f32 v1;
	[tilespmem:s30+$0xFFFFFF80] =	vst v2  }
0x88: {  	[tilespmem:s30+$0xFFFFFFC0] =	vst v1  }
0x89: {  	v1 =	vld [tilespmem:s1+$0xFFFFFFA0]  }
0x8a: {  	s31 =	simm.s32 $0x20F0;
	v2 =	vunpack.i.l.bf16.f32 v0  }
0x8b: {  	v0 =	vunpack.i.u.bf16.f32 v0;
	[tilespmem:s30+$0x10] =	vst v2;
	v2 =	vld [tilespmem:s31+$0xFFFFFFD0]  }
0x8c: {  	[tilespmem:s30+$0x50] =	vst v0  }
0x8d: {  	v0 =	vld [tilespmem:s1+$0xFFFFFFF0]  }
0x8e: {  	v3 =	vunpack.i.l.bf16.f32 v1  }
0x8f: {  	v1 =	vunpack.i.u.bf16.f32 v1;
	[tilespmem:s30+$0xFFFFFF90] =	vst v3;
	v3 =	vld [tilespmem:s31+$0xFFFFFF90]  }
0x90: {  	s0 =	simm.s32 $0x7180;
	[tilespmem:s30+$0xFFFFFFD0] =	vst v1;
	v1 =	vunpack.i.l.bf16.f32 v2  }
0x91: {  	v2 =	vunpack.i.u.bf16.f32 v2;
	[tilespmem:s0+$0x0] =	vst v1;
	v1 =	vld [tilespmem:s1+$0xFFFFFFB0]  }
0x92: {  	[tilespmem:s0+$0x40] =	vst v2;
	v2 =	vunpack.i.l.bf16.f32 v0  }
0x93: {  	v0 =	vunpack.i.u.bf16.f32 v0;
	[tilespmem:s30+$0x20] =	vst v2  }
0x94: {  	v2 =	vld [tilespmem:s31+$0xFFFFFFE0];
	[tilespmem:s30+$0x60] =	vst v0;
	v0 =	vunpack.i.l.bf16.f32 v3  }
0x95: {  	v3 =	vunpack.i.u.bf16.f32 v3;
	v5 =	vld [tilespmem:s1+$0x0];
	[tilespmem:s0+$0xFFFFFF80] =	vst v0  }
0x96: {  	[tilespmem:s0+$0xFFFFFFC0] =	vst v3;
	v0 =	vunpack.i.l.bf16.f32 v1  }
0x97: {  	v3 =	vld [tilespmem:s31+$0xFFFFFFA0];
	v1 =	vunpack.i.u.bf16.f32 v1;
	[tilespmem:s30+$0xFFFFFFA0] =	vst v0  }
0x98: {  	[tilespmem:s30+$0xFFFFFFE0] =	vst v1  }
0x99: {  	v0 =	vunpack.i.l.bf16.f32 v2;
	v1 =	vld [tilespmem:s1+$0xFFFFFFC0]  }
0x9a: {  	s7 =	simm.s32 $0x2;
	s10 =	simm.s32 $0x2170;
	[tilespmem:s0+$0x10] =	vst v0;
	v4 =	vunpack.i.u.bf16.f32 v5;
	v0 =	vunpack.i.l.bf16.f32 v5;
	s1 =	simm.s32 $0x7180  }
.LBB2_6:
0x9b: {  	v5 =	vld [tilespmem:s10+$0xFFFFFFD0];
	v2 =	vunpack.i.u.bf16.f32 v2;
	[tilespmem:s30+$0x70] =	vst v4  }
0x9c: {  	v4 =	vld [tilespmem:s10+$0xFFFFFF90];
	v6 =	vunpack.i.u.bf16.f32 v3;
	v3 =	vunpack.i.l.bf16.f32 v3;
	[tilespmem:s0+$0x50] =	vst v2  }
0x9d: {  	[tilespmem:s0+$0xFFFFFF90] =	vst v3;
	v2 =	vld [tilespmem:s31+$0xFFFFFFF0]  }
0x9e: {  	[tilespmem:s0+$0xFFFFFFD0] =	vst v6;
	v3 =	vunpack.i.u.bf16.f32 v1;
	v1 =	vunpack.i.l.bf16.f32 v1  }
0x9f: {  	v6 =	vld [tilespmem:s31+$0xFFFFFFB0];
	[tilespmem:s30+$0xFFFFFFB0] =	vst v1  }
0xa0: {  	s7 =	sadd.s32 $0x2, s7;
	s0 =	sadd.s32 $0x100, s0;
	v1 =	vunpack.i.l.bf16.f32 v5;
	[tilespmem:s30+$0xFFFFFFF0] =	vst v3  }
0xa1: {  	p0 =	slt.u32 s7, $0x3E;
	v5 =	vunpack.i.u.bf16.f32 v5;
	v3 =	vunpack.i.u.bf16.f32 v4;
	v4 =	vunpack.i.l.bf16.f32 v4;
	[tilespmem:s0+$0x0] =	vst v1  }
0xa2: {  	[tilespmem:s0+$0x40] =	vst v5;
	v1 =	vunpack.i.l.bf16.f32 v2  }
0xa3: {  	v5 =	vunpack.i.u.bf16.f32 v2;
	[tilespmem:s1+$0x20] =	vst v1  }
0xa4: {  	v2 =	vld [tilespmem:s10+$0xFFFFFFE0];
	v1 =	vunpack.i.u.bf16.f32 v6;
	v6 =	vunpack.i.l.bf16.f32 v6;
	[tilespmem:s1+$0x60] =	vst v5  }
0xa5: {  	[tilespmem:s0+$0xFFFFFF80] =	vst v4;
	v5 =	vld [tilespmem:s31+$0x0]  }
.Ltmp5:
0xa6: {  	[tilespmem:s0+$0xFFFFFFC0] =	vst v3;
	(pc) =	sbr.rel @p0 .LBB2_6-.Ltmp5, $4  }
0xa7: {  	v3 =	vld [tilespmem:s10+$0xFFFFFFA0];
	[tilespmem:s1+$0xFFFFFFA0] =	vst v6  }
0xa8: {  	[tilespmem:s1+$0xFFFFFFE0] =	vst v1  }
0xa9: {  	v4 =	vunpack.i.l.bf16.f32 v2;
	v1 =	vld [tilespmem:s31+$0xFFFFFFC0];
	[tilespmem:s30+$0x30] =	vst v0;
	s30 =	smov.u32 s1;
	s1 =	smov.u32 s0;
	s31 =	smov.u32 s10  }
0xaa: {  	s10 =	sadd.s32 $0x80, s10;
	[tilespmem:s0+$0x10] =	vst v4;
	v4 =	vunpack.i.u.bf16.f32 v5;
	v0 =	vunpack.i.l.bf16.f32 v5  }
0xab: {  	v2 =	vunpack.i.u.bf16.f32 v2  }
0xac: {  	v5 =	vunpack.i.l.bf16.f32 v3;
	[tilespmem:s0+$0x50] =	vst v2  }
0xad: {  	v2 =	vunpack.i.u.bf16.f32 v3;
	[tilespmem:s0+$0xFFFFFF90] =	vst v5;
	v3 =	vld [tilespmem:s31+$0xFFFFFFF0]  }
0xae: {  	[tilespmem:s0+$0xFFFFFFD0] =	vst v2  }
0xaf: {  	v2 =	vld [tilespmem:s31+$0xFFFFFFB0];
	_ =	sdelay $0x2  }
0xb0: {  	v5 =	vunpack.i.l.bf16.f32 v3  }
0xb1: {  	v3 =	vunpack.i.u.bf16.f32 v3;
	[tilespmem:s1+$0x20] =	vst v5  }
0xb2: {  	v5 =	vunpack.i.l.bf16.f32 v2;
	[tilespmem:s1+$0x60] =	vst v3  }
0xb3: {  	v2 =	vunpack.i.u.bf16.f32 v2;
	[tilespmem:s1+$0xFFFFFFA0] =	vst v5  }
0xb4: {  	v3 =	vld [tilespmem:s31+$0x0];
	[tilespmem:s1+$0xFFFFFFE0] =	vst v2  }
0xb5: {  	v2 =	vld [tilespmem:s31+$0xFFFFFFC0]  }
0xb6: {  	[tilespmem:s30+$0x70] =	vst v4  }
0xb7: {  	[tilespmem:s30+$0x30] =	vst v0;
	v4 =	vunpack.i.l.bf16.f32 v1  }
0xb8: {  	v1 =	vunpack.i.u.bf16.f32 v1;
	[tilespmem:s30+$0xFFFFFFB0] =	vst v4  }
0xb9: {  	[tilespmem:s30+$0xFFFFFFF0] =	vst v1;
	v0 =	vunpack.i.u.bf16.f32 v3  }
0xba: {  	[tilespmem:s1+$0x70] =	vst v0;
	v0 =	vunpack.i.l.bf16.f32 v2  }
0xbb: {  	p0 =	seq.s32 s26, $0x7;
	v1 =	vunpack.i.u.bf16.f32 v2;
	[tilespmem:s1+$0xFFFFFFB0] =	vst v0  }
0xbc: {  	s0 =	sshrl.u32 @!p0 s29, $0x2;
	v0 =	vunpack.i.l.bf16.f32 v3;
	[tilespmem:s1+$0xFFFFFFF0] =	vst v1  }
0xbd: {  	s7 =	simm.s32 @!p0 $0x1000;
	s0 =	sadd.s32 @!p0 $0x100, s0;
	[tilespmem:s1+$0x30] =	vst v0;
	s1 =	simm.s32 @!p0 $0x80  }
0xbe: {  	[tilespmem:s7], [sflag:$0x1] =	stream.indirect.gather @!p0 [hbm4b:s2+s1], $0x40, s0, s1, $0xb8;
	[tilespmem:$0x1CC00] =	vst v63  }
0xbf: {  	s10 =	sadd.s32 $0x840, s28  }
0xc0: {  	[spmem:s3] =	stream.indirect.scatter.add.f32 [tilespmem:s21], [sflag:$0x4], $0x80, s10, s19, $0xb8;
	[tilespmem:$0x1CC00] =	vst v63  }
0xc1: {  	_ =	swait.ge [sflag:s22], $0x2000  }
0xc2: {  	[sflag:s22] =	ssyncset.done $0x0  }
0xc3: {  	[sflag:s22] =	ssyncadd.s32 $0xFFFFE000  }
0xc4: {  	_ =	swait.ge [sflag:s23], $0x2000  }
0xc5: {  	[sflag:s23] =	ssyncset.done $0x0  }
0xc6: {  	s31 =	simm.s32 $0x3040;
	[sflag:s23] =	ssyncadd.s32 $0xFFFFE000  }
0xc7: {  	v0 =	vld [tilespmem:s31+$0x0];
	_ =	sdelay $0x3  }
0xc8: {  	v1 =	vld [tilespmem:s31+$0xFFFFFFC0]  }
0xc9: {  	s29 =	simm.s32 $0x5080;
	v2 =	vunpack.i.l.bf16.f32 v0  }
0xca: {  	v0 =	vunpack.i.u.bf16.f32 v0;
	[tilespmem:s29+$0x0] =	vst v2  }
0xcb: {  	[tilespmem:s29+$0x40] =	vst v0  }
0xcc: {  	v0 =	vld [tilespmem:s31+$0x10]  }
0xcd: {  	v2 =	vunpack.i.l.bf16.f32 v1  }
0xce: {  	v1 =	vunpack.i.u.bf16.f32 v1;
	[tilespmem:s29+$0xFFFFFF80] =	vst v2  }
0xcf: {  	[tilespmem:s29+$0xFFFFFFC0] =	vst v1  }
0xd0: {  	v1 =	vld [tilespmem:s31+$0xFFFFFFD0]  }
0xd1: {  	s30 =	simm.s32 $0x30C0;
	v2 =	vunpack.i.l.bf16.f32 v0  }
0xd2: {  	v0 =	vunpack.i.u.bf16.f32 v0;
	[tilespmem:s29+$0x10] =	vst v2;
	v2 =	vld [tilespmem:s30+$0x0]  }
0xd3: {  	[tilespmem:s29+$0x50] =	vst v0  }
0xd4: {  	v0 =	vld [tilespmem:s31+$0x20]  }
0xd5: {  	v3 =	vunpack.i.l.bf16.f32 v1  }
0xd6: {  	v1 =	vunpack.i.u.bf16.f32 v1;
	[tilespmem:s29+$0xFFFFFF90] =	vst v3;
	v3 =	vld [tilespmem:s30+$0xFFFFFFC0]  }
0xd7: {  	s0 =	simm.s32 $0x5180;
	[tilespmem:s29+$0xFFFFFFD0] =	vst v1;
	v1 =	vunpack.i.l.bf16.f32 v2  }
0xd8: {  	v2 =	vunpack.i.u.bf16.f32 v2;
	[tilespmem:s0+$0x0] =	vst v1;
	v1 =	vld [tilespmem:s31+$0xFFFFFFE0]  }
0xd9: {  	[tilespmem:s0+$0x40] =	vst v2;
	v2 =	vunpack.i.l.bf16.f32 v0  }
0xda: {  	v0 =	vunpack.i.u.bf16.f32 v0;
	[tilespmem:s29+$0x20] =	vst v2  }
0xdb: {  	v2 =	vld [tilespmem:s30+$0x10];
	[tilespmem:s29+$0x60] =	vst v0;
	v0 =	vunpack.i.l.bf16.f32 v3  }
0xdc: {  	v3 =	vunpack.i.u.bf16.f32 v3;
	v5 =	vld [tilespmem:s31+$0x30];
	[tilespmem:s0+$0xFFFFFF80] =	vst v0  }
0xdd: {  	[tilespmem:s0+$0xFFFFFFC0] =	vst v3;
	v0 =	vunpack.i.l.bf16.f32 v1  }
0xde: {  	v3 =	vld [tilespmem:s30+$0xFFFFFFD0];
	v1 =	vunpack.i.u.bf16.f32 v1;
	[tilespmem:s29+$0xFFFFFFA0] =	vst v0  }
0xdf: {  	[tilespmem:s29+$0xFFFFFFE0] =	vst v1  }
0xe0: {  	v0 =	vunpack.i.l.bf16.f32 v2;
	v1 =	vld [tilespmem:s31+$0xFFFFFFF0]  }
0xe1: {  	s7 =	simm.s32 $0x2;
	s1 =	simm.s32 $0x5180;
	s10 =	simm.s32 $0x3140;
	[tilespmem:s0+$0x10] =	vst v0;
	v4 =	vunpack.i.u.bf16.f32 v5;
	v0 =	vunpack.i.l.bf16.f32 v5  }
.LBB2_8:
0xe2: {  	v5 =	vld [tilespmem:s10+$0x0];
	v2 =	vunpack.i.u.bf16.f32 v2;
	[tilespmem:s29+$0x70] =	vst v4  }
0xe3: {  	v4 =	vld [tilespmem:s10+$0xFFFFFFC0];
	v6 =	vunpack.i.u.bf16.f32 v3;
	v3 =	vunpack.i.l.bf16.f32 v3;
	[tilespmem:s0+$0x50] =	vst v2  }
0xe4: {  	[tilespmem:s0+$0xFFFFFF90] =	vst v3;
	v2 =	vld [tilespmem:s30+$0x20]  }
0xe5: {  	[tilespmem:s0+$0xFFFFFFD0] =	vst v6;
	v3 =	vunpack.i.u.bf16.f32 v1;
	v1 =	vunpack.i.l.bf16.f32 v1  }
0xe6: {  	v6 =	vld [tilespmem:s30+$0xFFFFFFE0];
	[tilespmem:s29+$0xFFFFFFB0] =	vst v1  }
0xe7: {  	s7 =	sadd.s32 $0x2, s7;
	s0 =	sadd.s32 $0x100, s0;
	v1 =	vunpack.i.l.bf16.f32 v5;
	[tilespmem:s29+$0xFFFFFFF0] =	vst v3  }
0xe8: {  	p1 =	slt.u32 s7, $0x3E;
	v5 =	vunpack.i.u.bf16.f32 v5;
	v3 =	vunpack.i.u.bf16.f32 v4;
	v4 =	vunpack.i.l.bf16.f32 v4;
	[tilespmem:s0+$0x0] =	vst v1  }
0xe9: {  	[tilespmem:s0+$0x40] =	vst v5;
	v1 =	vunpack.i.l.bf16.f32 v2  }
0xea: {  	v5 =	vunpack.i.u.bf16.f32 v2;
	[tilespmem:s1+$0x20] =	vst v1  }
0xeb: {  	v2 =	vld [tilespmem:s10+$0x10];
	v1 =	vunpack.i.u.bf16.f32 v6;
	v6 =	vunpack.i.l.bf16.f32 v6;
	[tilespmem:s1+$0x60] =	vst v5  }
0xec: {  	[tilespmem:s0+$0xFFFFFF80] =	vst v4;
	v5 =	vld [tilespmem:s30+$0x30]  }
.Ltmp6:
0xed: {  	[tilespmem:s0+$0xFFFFFFC0] =	vst v3;
	(pc) =	sbr.rel @p1 .LBB2_8-.Ltmp6, $4  }
0xee: {  	v3 =	vld [tilespmem:s10+$0xFFFFFFD0];
	[tilespmem:s1+$0xFFFFFFA0] =	vst v6  }
0xef: {  	[tilespmem:s1+$0xFFFFFFE0] =	vst v1  }
0xf0: {  	v4 =	vunpack.i.l.bf16.f32 v2;
	v1 =	vld [tilespmem:s30+$0xFFFFFFF0];
	[tilespmem:s29+$0x30] =	vst v0;
	s29 =	smov.u32 s1;
	s1 =	smov.u32 s0;
	s30 =	smov.u32 s10  }
0xf1: {  	s10 =	sadd.s32 $0x80, s10;
	[tilespmem:s0+$0x10] =	vst v4;
	v4 =	vunpack.i.u.bf16.f32 v5;
	v0 =	vunpack.i.l.bf16.f32 v5  }
0xf2: {  	v2 =	vunpack.i.u.bf16.f32 v2  }
0xf3: {  	v5 =	vunpack.i.l.bf16.f32 v3;
	[tilespmem:s0+$0x50] =	vst v2  }
0xf4: {  	v2 =	vunpack.i.u.bf16.f32 v3;
	[tilespmem:s0+$0xFFFFFF90] =	vst v5;
	v3 =	vld [tilespmem:s30+$0x20]  }
0xf5: {  	[tilespmem:s0+$0xFFFFFFD0] =	vst v2  }
0xf6: {  	v2 =	vld [tilespmem:s30+$0xFFFFFFE0];
	_ =	sdelay $0x2  }
0xf7: {  	v5 =	vunpack.i.l.bf16.f32 v3  }
0xf8: {  	v3 =	vunpack.i.u.bf16.f32 v3;
	[tilespmem:s1+$0x20] =	vst v5  }
0xf9: {  	v5 =	vunpack.i.l.bf16.f32 v2;
	[tilespmem:s1+$0x60] =	vst v3  }
0xfa: {  	v2 =	vunpack.i.u.bf16.f32 v2;
	[tilespmem:s1+$0xFFFFFFA0] =	vst v5  }
0xfb: {  	v3 =	vld [tilespmem:s30+$0x30];
	[tilespmem:s1+$0xFFFFFFE0] =	vst v2  }
0xfc: {  	v2 =	vld [tilespmem:s30+$0xFFFFFFF0]  }
0xfd: {  	[tilespmem:s29+$0x70] =	vst v4  }
0xfe: {  	[tilespmem:s29+$0x30] =	vst v0;
	v4 =	vunpack.i.l.bf16.f32 v1  }
0xff: {  	v1 =	vunpack.i.u.bf16.f32 v1;
	[tilespmem:s29+$0xFFFFFFB0] =	vst v4  }
0x100: {  	[tilespmem:s29+$0xFFFFFFF0] =	vst v1;
	v0 =	vunpack.i.u.bf16.f32 v3  }
0x101: {  	[tilespmem:s1+$0x70] =	vst v0;
	v0 =	vunpack.i.l.bf16.f32 v2  }
0x102: {  	v1 =	vunpack.i.u.bf16.f32 v2;
	[tilespmem:s1+$0xFFFFFFB0] =	vst v0  }
0x103: {  	v0 =	vunpack.i.l.bf16.f32 v3;
	[tilespmem:s1+$0xFFFFFFF0] =	vst v1  }
0x104: {  	s10 =	sadd.s32 $0x880, s28;
	[tilespmem:s1+$0x30] =	vst v0  }
0x105: {  	[spmem:s3] =	stream.indirect.scatter.add.f32 [tilespmem:s20], [sflag:$0x3], $0x80, s10, s19, $0xb8;
	[tilespmem:$0x1CC00] =	vst v63  }
0x106: {  	_ =	swait.ge [sflag:s24], $0x2000  }
0x107: {  	[sflag:s24] =	ssyncset.done $0x0  }
0x108: {  	s31 =	simm.s32 $0x4070;
	[sflag:s24] =	ssyncadd.s32 $0xFFFFE000  }
0x109: {  	v0 =	vld [tilespmem:s31+$0xFFFFFFD0];
	_ =	sdelay $0x3  }
0x10a: {  	v1 =	vld [tilespmem:s31+$0xFFFFFF90]  }
0x10b: {  	s29 =	simm.s32 $0x7080;
	v2 =	vunpack.i.l.bf16.f32 v0  }
0x10c: {  	v0 =	vunpack.i.u.bf16.f32 v0;
	[tilespmem:s29+$0x0] =	vst v2  }
0x10d: {  	[tilespmem:s29+$0x40] =	vst v0  }
0x10e: {  	v0 =	vld [tilespmem:s31+$0xFFFFFFE0]  }
0x10f: {  	v2 =	vunpack.i.l.bf16.f32 v1  }
0x110: {  	v1 =	vunpack.i.u.bf16.f32 v1;
	[tilespmem:s29+$0xFFFFFF80] =	vst v2  }
0x111: {  	[tilespmem:s29+$0xFFFFFFC0] =	vst v1  }
0x112: {  	v1 =	vld [tilespmem:s31+$0xFFFFFFA0]  }
0x113: {  	s30 =	simm.s32 $0x40F0;
	v2 =	vunpack.i.l.bf16.f32 v0  }
0x114: {  	v0 =	vunpack.i.u.bf16.f32 v0;
	[tilespmem:s29+$0x10] =	vst v2;
	v2 =	vld [tilespmem:s30+$0xFFFFFFD0]  }
0x115: {  	[tilespmem:s29+$0x50] =	vst v0  }
0x116: {  	v0 =	vld [tilespmem:s31+$0xFFFFFFF0]  }
0x117: {  	v3 =	vunpack.i.l.bf16.f32 v1  }
0x118: {  	v1 =	vunpack.i.u.bf16.f32 v1;
	[tilespmem:s29+$0xFFFFFF90] =	vst v3;
	v3 =	vld [tilespmem:s30+$0xFFFFFF90]  }
0x119: {  	s0 =	simm.s32 $0x7180;
	[tilespmem:s29+$0xFFFFFFD0] =	vst v1;
	v1 =	vunpack.i.l.bf16.f32 v2  }
0x11a: {  	v2 =	vunpack.i.u.bf16.f32 v2;
	[tilespmem:s0+$0x0] =	vst v1;
	v1 =	vld [tilespmem:s31+$0xFFFFFFB0]  }
0x11b: {  	[tilespmem:s0+$0x40] =	vst v2;
	v2 =	vunpack.i.l.bf16.f32 v0  }
0x11c: {  	v0 =	vunpack.i.u.bf16.f32 v0;
	[tilespmem:s29+$0x20] =	vst v2  }
0x11d: {  	v2 =	vld [tilespmem:s30+$0xFFFFFFE0];
	[tilespmem:s29+$0x60] =	vst v0;
	v0 =	vunpack.i.l.bf16.f32 v3  }
0x11e: {  	v3 =	vunpack.i.u.bf16.f32 v3;
	v5 =	vld [tilespmem:s31+$0x0];
	[tilespmem:s0+$0xFFFFFF80] =	vst v0  }
0x11f: {  	[tilespmem:s0+$0xFFFFFFC0] =	vst v3;
	v0 =	vunpack.i.l.bf16.f32 v1  }
0x120: {  	v3 =	vld [tilespmem:s30+$0xFFFFFFA0];
	v1 =	vunpack.i.u.bf16.f32 v1;
	[tilespmem:s29+$0xFFFFFFA0] =	vst v0  }
0x121: {  	[tilespmem:s29+$0xFFFFFFE0] =	vst v1  }
0x122: {  	v0 =	vunpack.i.l.bf16.f32 v2;
	v1 =	vld [tilespmem:s31+$0xFFFFFFC0]  }
0x123: {  	s7 =	simm.s32 $0x2;
	s1 =	simm.s32 $0x7180;
	s10 =	simm.s32 $0x4170;
	[tilespmem:s0+$0x10] =	vst v0;
	v4 =	vunpack.i.u.bf16.f32 v5;
	v0 =	vunpack.i.l.bf16.f32 v5  }
.LBB2_10:
0x124: {  	v5 =	vld [tilespmem:s10+$0xFFFFFFD0];
	v2 =	vunpack.i.u.bf16.f32 v2;
	[tilespmem:s29+$0x70] =	vst v4  }
0x125: {  	v4 =	vld [tilespmem:s10+$0xFFFFFF90];
	v6 =	vunpack.i.u.bf16.f32 v3;
	v3 =	vunpack.i.l.bf16.f32 v3;
	[tilespmem:s0+$0x50] =	vst v2  }
0x126: {  	[tilespmem:s0+$0xFFFFFF90] =	vst v3;
	v2 =	vld [tilespmem:s30+$0xFFFFFFF0]  }
0x127: {  	[tilespmem:s0+$0xFFFFFFD0] =	vst v6;
	v3 =	vunpack.i.u.bf16.f32 v1;
	v1 =	vunpack.i.l.bf16.f32 v1  }
0x128: {  	v6 =	vld [tilespmem:s30+$0xFFFFFFB0];
	[tilespmem:s29+$0xFFFFFFB0] =	vst v1  }
0x129: {  	s7 =	sadd.s32 $0x2, s7;
	s0 =	sadd.s32 $0x100, s0;
	v1 =	vunpack.i.l.bf16.f32 v5;
	[tilespmem:s29+$0xFFFFFFF0] =	vst v3  }
0x12a: {  	p1 =	slt.u32 s7, $0x3E;
	v5 =	vunpack.i.u.bf16.f32 v5;
	v3 =	vunpack.i.u.bf16.f32 v4;
	v4 =	vunpack.i.l.bf16.f32 v4;
	[tilespmem:s0+$0x0] =	vst v1  }
0x12b: {  	[tilespmem:s0+$0x40] =	vst v5;
	v1 =	vunpack.i.l.bf16.f32 v2  }
0x12c: {  	v5 =	vunpack.i.u.bf16.f32 v2;
	[tilespmem:s1+$0x20] =	vst v1  }
0x12d: {  	v2 =	vld [tilespmem:s10+$0xFFFFFFE0];
	v1 =	vunpack.i.u.bf16.f32 v6;
	v6 =	vunpack.i.l.bf16.f32 v6;
	[tilespmem:s1+$0x60] =	vst v5  }
0x12e: {  	[tilespmem:s0+$0xFFFFFF80] =	vst v4;
	v5 =	vld [tilespmem:s30+$0x0]  }
.Ltmp7:
0x12f: {  	[tilespmem:s0+$0xFFFFFFC0] =	vst v3;
	(pc) =	sbr.rel @p1 .LBB2_10-.Ltmp7, $4  }
0x130: {  	v3 =	vld [tilespmem:s10+$0xFFFFFFA0];
	[tilespmem:s1+$0xFFFFFFA0] =	vst v6  }
0x131: {  	[tilespmem:s1+$0xFFFFFFE0] =	vst v1  }
0x132: {  	v4 =	vunpack.i.l.bf16.f32 v2;
	v1 =	vld [tilespmem:s30+$0xFFFFFFC0];
	[tilespmem:s29+$0x30] =	vst v0;
	s29 =	smov.u32 s1;
	s1 =	smov.u32 s0;
	s30 =	smov.u32 s10  }
0x133: {  	s10 =	sadd.s32 $0x80, s10;
	[tilespmem:s0+$0x10] =	vst v4;
	v4 =	vunpack.i.u.bf16.f32 v5;
	v0 =	vunpack.i.l.bf16.f32 v5  }
0x134: {  	v2 =	vunpack.i.u.bf16.f32 v2  }
0x135: {  	v5 =	vunpack.i.l.bf16.f32 v3;
	[tilespmem:s0+$0x50] =	vst v2  }
0x136: {  	v53 =	vunpack.i.u.bf16.f32 v3;
	[tilespmem:s0+$0xFFFFFF90] =	vst v5;
	v54 =	vld [tilespmem:s30+$0xFFFFFFF0]  }
0x137: {  	[tilespmem:s0+$0xFFFFFFD0] =	vst v53  }
0x138: {  	v2 =	vld [tilespmem:s30+$0xFFFFFFB0];
	_ =	sdelay $0x2  }
0x139: {  	v55 =	vunpack.i.l.bf16.f32 v54  }
0x13a: {  	v3 =	vunpack.i.u.bf16.f32 v54;
	[tilespmem:s1+$0x20] =	vst v55  }
0x13b: {  	[tilespmem:s1+$0x60] =	vst v3;
	v56 =	vunpack.i.l.bf16.f32 v2  }
0x13c: {  	v2 =	vunpack.i.u.bf16.f32 v2;
	[tilespmem:s1+$0xFFFFFFA0] =	vst v56;
	v57 =	vld [tilespmem:s30+$0x0]  }
0x13d: {  	[tilespmem:s1+$0xFFFFFFE0] =	vst v2  }
0x13e: {  	[tilespmem:s29+$0x70] =	vst v4;
	v2 =	vld [tilespmem:s30+$0xFFFFFFC0]  }
0x13f: {  	[tilespmem:s29+$0x30] =	vst v0;
	v58 =	vunpack.i.l.bf16.f32 v1  }
0x140: {  	v59 =	vunpack.i.u.bf16.f32 v1;
	[tilespmem:s29+$0xFFFFFFB0] =	vst v58  }
.Ltmp8:
0x141: {  	[tilespmem:s29+$0xFFFFFFF0] =	vst v59;
	v60 =	vunpack.i.u.bf16.f32 v57;
	(pc) =	sbr.rel @p0 .LBB2_13-.Ltmp8, $4  }
0x142: {  	v63 =	vunpack.i.l.bf16.f32 v57;
	[tilespmem:s1+$0x70] =	vst v60  }
0x143: {  	v61 =	vunpack.i.l.bf16.f32 v2;
	[tilespmem:s1+$0x30] =	vst v63  }
0x144: {  	v62 =	vunpack.i.u.bf16.f32 v2;
	[tilespmem:s1+$0xFFFFFFB0] =	vst v61  }
0x145: {  	s0 =	sadd.s32 $0x8C0, s28;
	[tilespmem:s1+$0xFFFFFFF0] =	vst v62  }
.Ltmp9:
0x146: {  	(pc) =	sbr.rel .LBB2_3-.Ltmp9, $4  }
0x147: {  	s1 =	sadd.s32 $0x180, s28  }
0x148: {  	[tilespmem:s17], [sflag:$0x2] =	stream.indirect.gather [hbm4b:s2+s15], $0x40, s1, s15, $0xb8;
	[tilespmem:$0x1CC00] =	vst v63  }
0x149: {  	s26 =	sadd.s32 $0x1, s26  }
0x14a: {  	[spmem:s3] =	stream.indirect.scatter.add.f32 [tilespmem:s21], [sflag:$0x4], $0x80, s0, s19, $0xb8;
	[tilespmem:$0x1CC00] =	vst v63  }
.LBB2_15:
0x14b: {  	_ =	sfence.sel $0x180000  }
0x14c: {  	[bflag:$0x0] =	sbarrier.arrive $0xFFFF  }
0x14d: {  	_ =	strace $0x9000004D  }
0x14e: {  	s0 =	stileid.u32;
	[bflag:$0x2] =	sbarrier.arrive $0xFFFF  }
0x14f: {  	p0 =	sne.s32 s0, $0x0;
	s0 =	rddreg [dreg:$0x3]  }
0x150: {  	s0 =	sadd.s32 @!p0 $0x100000, s0  }
0x151: {  	[sflag:s0] =	ssyncadd.tile.s32 @!p0 $0x1;
	_ =	shalt  }
.Lfunc_end2:
_tile_overlayer_lowered:
.L_overlay_start_2:
0x152: {  	(tag) =	ssettag $0x2  }
0x153: {  	s0 =	rddreg [dreg:$0x0];
	s2 =	stileid.u32  }
0x154: {  	s1 =	rddreg [dreg:$0x1];
	p0 =	sne.s32 s2, $0x0  }
0x155: {  	s3 =	rddreg [dreg:$0x2];
	[bflag:$0x3] =	sbarrier.arrive $0xFFFF;
	s2 =	simm.s32 @!p0 $0x1C05  }
0x156: {  	[timem:s3], [sflag:s2] =	dma.local @!p0 [hbm:s0], s1  }
0x157: {  	s0 =	simm.s32 @!p0 $0x5  }
0x158: {  	_ =	swait.ge @!p0 [sflag:s0], s1  }
0x159: {  	s1 =	ssub.s32 @!p0 $0x0, s1;
	[sflag:s0] =	ssyncset.done @!p0 $0x0  }
0x15a: {  	[sflag:s0] =	ssyncadd.s32 @!p0 s1  }
0x15b: {  	[bflag:$0x3] =	sbarrier.arrive $0xFFFF  }
0x15c: {  	_ =	shalt  }

// kernel: kernel.21.cloned.1.call-start
scs
__scs_entry_jumppad:
0x0: {  	(pc) =	sbr.rel $0x88, $3  }
0x1: {  	(tag) =	ssettag $0x0;
	lr =	simm.s32 $0x1  }
0x2: {  	[smem:$0x3F96] =	sst lr;
	_ =	strace $0xD0000000  }
0x3: {  	_ = 	snop  }
0x4: {  	_ = 	snop  }
0x5: {  	_ = 	snop  }
0x6: {  	_ = 	snop  }
0x7: {  	_ = 	snop  }
__scs_overlays_trampoline_lowered:
0x8: {  	[smem:$0x3FA5] =	sst s0  }
0x9: {  	[smem:$0x3FA6] =	sst s1  }
0xa: {  	[smem:$0x3FA7] =	sst s2  }
0xb: {  	[smem:$0x3FA8] =	sst s3  }
0xc: {  	[smem:$0x3FA9] =	sst s4  }
0xd: {  	[smem:$0x3FAA] =	sst s5  }
0xe: {  	[smem:$0x3FAB] =	sst s6  }
0xf: {  	[smem:$0x3FAC] =	sst s7  }
0x10: {  	[smem:$0x3FAD] =	sst s8  }
0x11: {  	[smem:$0x3FAE] =	sst s9;
	s0 =	simm.s32 @!p0 $0x0  }
0x12: {  	s1 =	sld [smem:$0x3F94];
	s0 =	simm.s32 @p0 $0x1  }
0x13: {  	[smem:$0x3FAF] =	sst s0;
	s0 =	simm.s32 @!p1 $0x0  }
0x14: {  	s2 =	sld [smem:$0x3F93];
	s0 =	simm.s32 @p1 $0x1  }
0x15: {  	[smem:$0x3FB0] =	sst s0;
	s0 =	simm.s32 @!p2 $0x0  }
0x16: {  	s3 =	sld [smem:$0x3FDB];
	s0 =	simm.s32 @p2 $0x1  }
0x17: {  	s4 =	simm.s32 $0x1BF5;
	[smem:$0x3FB2] =	sst s0  }
0x18: {  	s0 =	sld [smem:$0x3F95];
	_ =	swait.ge [sflag:s4], $0x0  }
0x19: {  	s7 =	sld [smem:$0x3F96]  }
0x1a: {  	s8 =	sadd.s32 $0xFFFFE003, lr  }
0x1b: {  	s9 =	sadd.s32 $0xFFFFFEF7, lr;
	s5 =	simm.s32 $0xFFFFFFFF;
	p2 =	slt.u32 s8, $0xFFFFF086  }
0x1c: {  	p1 =	slt.u32 s9, $0xF7A;
	s5 =	simm.s32 @!p2 $0x0  }
0x1d: {  	s5 =	simm.s32 @p1 $0x1;
	p0 =	seq.s32 s7, s2  }
0x1e: {  	s7 =	smul.u32 @!p0 $0xF7A, s2;
	p2 =	seq.s32 @!p0 s5, $0x0  }
0x1f: {  	s9 =	smul.u32 $0xF7A, s1;
	s8 =	simm.s32 @!p0 $0x1BF5;
	p2 =	por !p2, p0  }
0x20: {  	[sflag:s8] =	ssyncset.s32 @!p0 $0xFFFFF086;
	s6 =	sadd.s32 @!p0 s3, s7;
	s7 =	simm.s32 @!p0 $0x108  }
0x21: {  	s3 =	sadd.s32 s3, s9;
	s6 =	sadd.s32 @!p0 $0x88, s6;
	s7 =	simm.s32 @p2 $0x1082  }
0x22: {  	[simem:s7], [sflag:s8] =	dma.local @!p0 [hbm:s6], $0xF7A  }
0x23: {  	s9 =	sor.u32 $0xD0000000, s2;
	s6 =	simm.s32 $0x108;
	_ =	swait.ge @!p0 [sflag:s8], $0x0  }
0x24: {  	s3 =	sadd.s32 $0x88, s3;
	s6 =	simm.s32 @!p1 $0x1082;
	[sflag:s4] =	ssyncset.s32 $0xFFFFF086  }
0x25: {  	[simem:s6], [sflag:s4] =	dma.local [hbm:s3], $0xF7A  }
0x26: {  	[smem:$0x3F96] =	sst s1;
	(tag) =	ssettag s2;
	_ =	strace s9  }
0x27: {  	s1 =	sld [smem:$0x3FA6]  }
0x28: {  	s2 =	sld [smem:$0x3FA7]  }
0x29: {  	s4 =	sld [smem:$0x3FA9]  }
0x2a: {  	p0 =	seq.s32 s5, $0x0;
	s5 =	sld [smem:$0x3FAA]  }
0x2b: {  	s6 =	sld [smem:$0x3FAB]  }
0x2c: {  	s7 =	sld [smem:$0x3FAC]  }
0x2d: {  	s3 =	simm.s32 $0x108;
	s8 =	sld [smem:$0x3FAD]  }
0x2e: {  	s3 =	simm.s32 @!p0 $0x1082;
	s9 =	sld [smem:$0x3FAE]  }
0x2f: {  	lr =	sadd.s32 s0, s3;
	s0 =	sld [smem:$0x3FA5]  }
0x30: {  	s3 =	sld [smem:$0x3FA8]  }
0x31: {  	[smem:$0x3FB1] =	sst s10  }
0x32: {  	s10 =	sld [smem:$0x3FAF];
	_ =	sdelay $0x3  }
0x33: {  	p0 =	seq.s32 s10, $0x1;
	s10 =	sld [smem:$0x3FB1];
	_ =	sdelay $0x3  }
0x34: {  	[smem:$0x3FB1] =	sst s10  }
0x35: {  	s10 =	sld [smem:$0x3FB0];
	_ =	sdelay $0x3  }
0x36: {  	p1 =	seq.s32 s10, $0x1;
	s10 =	sld [smem:$0x3FB1];
	_ =	sdelay $0x3  }
0x37: {  	[smem:$0x3FB1] =	sst s10  }
0x38: {  	s10 =	sld [smem:$0x3FB2]  }
0x39: {  	_ = 	snop;
	(pc) =	sbr.ind lr, $3  }
0x3a: {  	_ = 	snop  }
0x3b: {  	_ = 	snop  }
0x3c: {  	p2 =	seq.s32 s10, $0x1;
	s10 =	sld [smem:$0x3FB1]  }
0x3d: {  	_ =	shalt  }
0x3e: {  	_ =	shalt  }
0x3f: {  	_ =	shalt  }
0x40: {  	_ =	shalt  }
0x41: {  	_ =	shalt  }
0x42: {  	_ =	shalt  }
0x43: {  	_ =	shalt  }
0x44: {  	_ =	shalt  }
0x45: {  	_ =	shalt  }
0x46: {  	_ =	shalt  }
0x47: {  	_ =	shalt  }
0x48: {  	_ =	shalt  }
0x49: {  	_ =	shalt  }
0x4a: {  	_ =	shalt  }
0x4b: {  	_ =	shalt  }
0x4c: {  	_ =	shalt  }
0x4d: {  	_ =	shalt  }
0x4e: {  	_ =	shalt  }
0x4f: {  	_ =	shalt  }
0x50: {  	_ =	shalt  }
0x51: {  	_ =	shalt  }
0x52: {  	_ =	shalt  }
0x53: {  	_ =	shalt  }
0x54: {  	_ =	shalt  }
0x55: {  	_ =	shalt  }
0x56: {  	_ =	shalt  }
0x57: {  	_ =	shalt  }
0x58: {  	_ =	shalt  }
0x59: {  	_ =	shalt  }
0x5a: {  	_ =	shalt  }
0x5b: {  	_ =	shalt  }
0x5c: {  	_ =	shalt  }
0x5d: {  	_ =	shalt  }
0x5e: {  	_ =	shalt  }
0x5f: {  	_ =	shalt  }
0x60: {  	_ =	shalt  }
0x61: {  	_ =	shalt  }
0x62: {  	_ =	shalt  }
0x63: {  	_ =	shalt  }
0x64: {  	_ =	shalt  }
0x65: {  	_ =	shalt  }
0x66: {  	_ =	shalt  }
0x67: {  	_ =	shalt  }
0x68: {  	_ =	shalt  }
0x69: {  	_ =	shalt  }
0x6a: {  	_ =	shalt  }
0x6b: {  	_ =	shalt  }
0x6c: {  	_ =	shalt  }
0x6d: {  	_ =	shalt  }
0x6e: {  	_ =	shalt  }
0x6f: {  	_ =	shalt  }
0x70: {  	_ =	shalt  }
0x71: {  	_ =	shalt  }
0x72: {  	_ =	shalt  }
0x73: {  	_ =	shalt  }
0x74: {  	_ =	shalt  }
0x75: {  	_ =	shalt  }
0x76: {  	_ =	shalt  }
0x77: {  	_ =	shalt  }
0x78: {  	_ =	shalt  }
0x79: {  	_ =	shalt  }
0x7a: {  	_ =	shalt  }
0x7b: {  	_ =	shalt  }
0x7c: {  	_ =	shalt  }
0x7d: {  	_ =	shalt  }
0x7e: {  	_ =	shalt  }
0x7f: {  	_ =	shalt  }
0x80: {  	_ =	shalt  }
0x81: {  	_ =	shalt  }
0x82: {  	_ =	shalt  }
0x83: {  	_ =	shalt  }
0x84: {  	_ =	shalt  }
0x85: {  	_ =	shalt  }
0x86: {  	_ =	shalt  }
0x87: {  	_ =	shalt  }
.Lfunc_end0:
.L_simem_size_0:
called_computation.3_lowered:
.L_overlay_start_0:
0x88: {  	s2 =	sld [smem:$0x3FD9]  }
0x89: {  	s3 =	sld [smem:$0x3FFE];
	_ =	sdelay $0x1  }
0x8a: {  	s1 =	srdreg.scid  }
0x8b: {  	s0 =	sand.u32 $0x1, s1  }
0x8c: {  	s17 =	sshll.u32 s0, $0xA;
	s2 =	sadd.s32 s3, s2  }
0x8d: {  	s2 =	sadd.s32 s2, s17  }
0x8e: {  	[smem:$0x3FBD] =	sst s2  }
0x8f: {  	_ = 	snop  }
0x90: {  	s2 =	sld [smem:$0x3FD0];
	(tm) =	ssettm $0x1  }
0x91: {  	s18 =	sld [smem:$0x3FFB];
	_ =	sdelay $0x3  }
0x92: {  	_ =	strace s18  }
0x93: {  	s3 =	sld [smem:$0x3FFC];
	_ =	sdelay $0x3  }
0x94: {  	_ =	strace s3  }
0x95: {  	s3 =	sld [smem:$0x3FFD];
	_ =	sdelay $0x3  }
0x96: {  	_ =	strace s3  }
0x97: {  	_ =	strace $0x8FFFFFFF  }
0x98: {  	s19 =	sld [smem:$0x3FDB];
	_ =	sdelay $0x1  }
0x99: {  	s4 =	simm.s32 $_scs_section_size  }
0x9a: {  	s5 =	simm.s32 $_size__tile_overlayer_lowered;
	s6 =	simm.s32 $_tile_overlayer_lowered  }
0x9b: {  	s22 =	simm.s32 $0x1BFF;
	s21 =	sshll.u32 s6, $0x1;
	s3 =	sadd.s32 s4, s19  }
0x9c: {  	s7 =	simm.s32 $0x0;
	s20 =	sshll.u32 s5, $0x1;
	s5 =	sadd.s32 s21, s3  }
0x9d: {  	[timem:s7], [sflag:s22] =	dma.local [hbm:s5], s20  }
0x9e: {  	_ =	swait.ge [sflag:s22], s20  }
0x9f: {  	s4 =	ssub.s32 $0x0, s20;
	[sflag:s22] =	ssyncset.done $0x0  }
0xa0: {  	[sflag:s22] =	ssyncadd.s32 s4;
	_ =	sdelay $0x1  }
0xa1: {  	s23 =	simm.s32 $0x1B8B  }
0xa2: {  	_ =	swait.ge [sflag:s23], $0x1  }
0xa3: {  	[sflag:s23] =	ssyncset.done $0x0  }
0xa4: {  	s25 =	simm.s32 $0x1B8E;
	s24 =	sld [smem:$0x3FFE];
	[sflag:s23] =	ssyncadd.s32 $0xFFFFFFFF  }
0xa5: {  	s26 =	simm.s32 $execute0_lowered;
	[smem:$0x3FD2] =	sst s25  }
0xa6: {  	s5 =	sshll.u32 s26, $0x1;
	_ =	strace $0x8000004F;
	[dreg:$0x1] =	wrdreg $0xFFFFFFFF  }
0xa7: {  	s28 =	simm.s32 $_size_execute0_lowered;
	s3 =	sadd.s32 s3, s5;
	[dreg:$0x0] =	wrdreg $0x0  }
0xa8: {  	s5 =	sshll.u32 s28, $0x1;
	[dreg:$0x2] =	wrdreg s3  }
0xa9: {  	[dreg:$0x3] =	wrdreg s5  }
0xaa: {  	[dreg:$0x4] =	wrdreg $0xC0  }
0xab: {  	_ =	task [dreg:s7], $0x5FFFF  }
0xac: {  	[dreg:$0x1] =	wrdreg $0xFFFFFFFF  }
0xad: {  	[dreg:$0x0] =	wrdreg $0x60  }
0xae: {  	[dreg:$0x2] =	wrdreg s2  }
0xaf: {  	[dreg:$0x3] =	wrdreg s24  }
0xb0: {  	[dreg:$0x4] =	wrdreg $0x90000  }
0xb1: {  	[dreg:$0x5] =	wrdreg $0x9  }
0xb2: {  	_ =	task.clear_ibuf [dreg:s7], $0x6FFFF;
	_ =	strace $0x9000004F  }
0xb3: {  	s29 =	simm.s32 $0x9;
	_ =	strace $0x80000051  }
0xb4: {  	_ =	swait.ge [sflag:s29], $0x1  }
0xb5: {  	[sflag:s29] =	ssyncadd.s32 $0xFFFFFFFF  }
0xb6: {  	_ =	strace $0x90000051  }
0xb7: {  	_ =	sfence  }
0xb8: {  	s30 =	sld [smem:$0x0];
	_ =	sdelay $0x2  }
0xb9: {  	s31 =	sshll.u32 s1, $0xD;
	s1 =	sshrl.u32 s1, $0x2  }
0xba: {  	s3 =	sand.u32 $0x4000, s31;
	s1 =	sadd.s32 s1, s30  }
0xbb: {  	s0 =	sor.u32 s3, s0;
	s1 =	sshll.u32 s1, $0x11  }
0xbc: {  	s0 =	sor.u32 s1, s0  }
0xbd: {  	s0 =	sadd.s32 $0x8F2B, s0  }
0xbe: {  	[sflag:s0] =	ssyncadd.remote.s32 $0x1  }
0xbf: {  	_ =	sfence.sel $0xFFFF  }
0xc0: {  	[dreg:$0x0] =	wrdreg $0xFFFFFFFF;
	(pc) =	sbr.abs _section_cstart, $3  }
0xc1: {  	[dreg:$0x1] =	wrdreg $0xFFFFFFFF  }
0xc2: {  	_ =	task.clear_ibuf [dreg:s7], $0x2FFFF;
	_ =	strace $0x9FFFFFFF  }
0xc3: {  	(tm) =	ssettm $0x7FFFFFFF  }
tec
execute0_lowered:
.L_overlay_start_1:
0x0: {  	(tag) =	ssettag $0x1  }
0x1: {  	s2 =	rddreg [dreg:$0x0]  }
0x2: {  	s0 =	rddreg [dreg:$0x1]  }
0x3: {  	s3 =	rddreg [dreg:$0x2];
	s12 =	stileid.u32  }
0x4: {  	s1 =	srdreg.scid;
	s4 =	simm.s32 $0x0;
	s13 =	simm.s32 $0x5  }
0x5: {  	s14 =	simm.s32 $0x800;
	s15 =	simm.s32 $0x80;
	s16 =	simm.s32 $0x1000  }
0x6: {  	s17 =	simm.s32 $0x3000;
	s18 =	simm.s32 $0x1;
	s19 =	simm.s32 $0x40  }
0x7: {  	s20 =	simm.s32 $0x5000;
	s21 =	simm.s32 $0x7000;
	s22 =	simm.s32 $0x2  }
0x8: {  	s23 =	simm.s32 $0x3;
	s24 =	simm.s32 $0x4;
	s7 =	smul.u32 $0x13C00, s12  }
0x9: {  	s1 =	sand.u32 $0x1, s1;
	[smem:$0x7FF] =	sst s4;
	s5 =	sadd.s32 $0x3400, s0  }
0xa: {  	s6 =	sadd.s32 $0xD400, s0;
	s30 =	sshll.u32 s12, $0x1;
	s31 =	sshll.u32 s12, $0x6  }
0xb: {  	s8 =	smul.u32 $0x13C000, s1;
	_ =	strace $0x80000050;
	s10 =	ssub.s32 $0x2, s1  }
0xc: {  	s1 =	sor.u32 s1, s30;
	s9 =	sshrl.u32 s7, $0x3;
	s11 =	sshrl.u32 s10, $0x1  }
.Ltmp0:
0xd: {  	s8 =	sadd.s32 s7, s8;
	s9 =	sadd.s32 s9, s0;
	(pc) =	sbr.rel .LBB2_1-.Ltmp0, $4  }
0xe: {  	s10 =	ssub.s32 s10, s11;
	s7 =	sadd.s32 s7, s3;
	s8 =	sshrl.u32 s8, $0x3  }
0xf: {  	s9 =	sadd.s32 $0x17400, s9;
	s11 =	smax.u32 s10, $0x1;
	s0 =	sadd.s32 s8, s0  }
0x10: {  	s12 =	sshrl.u32 s7, $0x3;
	[dreg:$0x4] =	wrdreg s9;
	s0 =	sadd.s32 $0x3EC00, s0  }
0x11: {  	s8 =	sor.u32 $0x1C05, s31;
	s9 =	smul.u32 $0x500, s1;
	[dreg:$0x5] =	wrdreg s0  }
.LBB2_14:
0x12: {  	_ =	swait.ge [sflag:s23], $0x2000  }
0x13: {  	[sflag:s23] =	ssyncset.done $0x0  }
0x14: {  	[sflag:s23] =	ssyncadd.s32 $0xFFFFE000  }
0x15: {  	_ =	swait.ge [sflag:s24], $0x2000  }
0x16: {  	[sflag:s24] =	ssyncset.done $0x0  }
0x17: {  	s4 =	sadd.s32 $0x1, s4;
	[sflag:s24] =	ssyncadd.s32 $0xFFFFE000  }
0x18: {  	p0 =	sne.s32 s4, s11;
	[bflag:$0x0] =	sbarrier.arrive $0xFFFF  }
.Ltmp1:
0x19: {  	s0 =	rddreg [dreg:$0x5];
	(pc) =	sbr.rel @!p0 .LBB2_15-.Ltmp1, $4  }
0x1a: {  	[hbm:s0], [sflag:s8] =	dma.local [spmem:s12], $0x2780  }
0x1b: {  	_ =	swait.ge [sflag:s13], $0x2780  }
0x1c: {  	[sflag:s13] =	ssyncset.done $0x0  }
0x1d: {  	[sflag:s13] =	ssyncadd.s32 $0xFFFFD880  }
.LBB2_1:
0x1e: {  	s0 =	rddreg [dreg:$0x4]  }
0x1f: {  	[spmem:s12], [sflag:s8] =	dma.local [hbm:s0], $0x2780  }
.Ltmp2:
0x20: {  	_ =	swait.ge [sflag:s13], $0x2780;
	(pc) =	sbr.rel .LBB2_2-.Ltmp2, $4  }
0x21: {  	[sflag:s13] =	ssyncset.done $0x0  }
0x22: {  	[sflag:s13] =	ssyncadd.s32 $0xFFFFD880  }
0x23: {  	[bflag:$0x0] =	sbarrier.arrive $0xFFFF  }
0x24: {  	s25 =	simm.s32 $0x0  }
.LBB2_13:
0x25: {  	s25 =	sadd.s32 $0x1, s25  }
0x26: {  	p0 =	sne.s32 s25, $0x5  }
.Ltmp3:
0x27: {  	_ = 	snop;
	(pc) =	sbr.rel @!p0 .LBB2_14-.Ltmp3, $2  }
0x28: {  	_ =	sdelay $0x2  }
0x29: {  	[spmem:s3] =	stream.indirect.scatter.add.f32 [tilespmem:s21], [sflag:$0x4], $0x80, s0, s19, $0xb8;
	[tilespmem:$0x1CC00] =	vst v63  }
.LBB2_2:
0x2a: {  	s0 =	sshll.u32 s25, $0x8  }
0x2b: {  	s0 =	sadd.s32 s9, s0  }
0x2c: {  	s26 =	simm.s32 $0x0;
	s1 =	sadd.s32 s5, s0  }
0x2d: {  	[tilespmem:s26], [sflag:$0x5] =	stream.linear.gather [hbm4b:s1+s26], $0x800, $0x38;
	[tilespmem:$0x1CC00] =	vst v63  }
0x2e: {  	_ =	swait.ge [sflag:s13], $0x800  }
0x2f: {  	[sflag:s13] =	ssyncset.done $0x0  }
0x30: {  	s0 =	sadd.s32 s6, s0;
	[sflag:s13] =	ssyncadd.s32 $0xFFFFF800  }
0x31: {  	[tilespmem:s14], [sflag:$0x5] =	stream.linear.gather [hbm4b:s0+s26], $0x800, $0x38;
	[tilespmem:$0x1CC00] =	vst v63  }
0x32: {  	_ =	swait.ge [sflag:s13], $0x800  }
0x33: {  	[sflag:s13] =	ssyncset.done $0x0  }
0x34: {  	[sflag:s13] =	ssyncadd.s32 $0xFFFFF800  }
0x35: {  	[tilespmem:s16], [sflag:$0x1] =	stream.indirect.gather [hbm4b:s2+s15], $0x40, s26, s15, $0xb8;
	[tilespmem:$0x1CC00] =	vst v63  }
0x36: {  	_ = 	snop  }
0x37: {  	[tilespmem:s17], [sflag:$0x2] =	stream.indirect.gather [hbm4b:s2+s15], $0x40, s15, s15, $0xb8;
	[tilespmem:$0x1CC00] =	vst v63  }
.LBB2_3:
0x38: {  	s0 =	sor.u32 s25, s26;
	_ =	swait.ge [sflag:s18], $0x2000  }
0x39: {  	p0 =	seq.s32 s0, $0x0;
	[sflag:s18] =	ssyncset.done $0x0  }
0x3a: {  	[sflag:s18] =	ssyncadd.s32 $0xFFFFE000;
	s0 =	simm.s32 @!p0 $0x3  }
0x3b: {  	_ =	swait.ge @!p0 [sflag:s0], $0x2000  }
0x3c: {  	[sflag:s0] =	ssyncset.done @!p0 $0x0  }
0x3d: {  	s31 =	simm.s32 $0x1040;
	[sflag:s0] =	ssyncadd.s32 @!p0 $0xFFFFE000  }
0x3e: {  	v0 =	vld [tilespmem:s31+$0x0];
	_ =	sdelay $0x3  }
0x3f: {  	v1 =	vld [tilespmem:s31+$0xFFFFFFC0]  }
0x40: {  	s28 =	simm.s32 $0x5080;
	v2 =	vunpack.i.l.bf16.f32 v0  }
0x41: {  	v0 =	vunpack.i.u.bf16.f32 v0;
	[tilespmem:s28+$0x0] =	vst v2  }
0x42: {  	[tilespmem:s28+$0x40] =	vst v0  }
0x43: {  	v0 =	vld [tilespmem:s31+$0x10]  }
0x44: {  	v2 =	vunpack.i.l.bf16.f32 v1  }
0x45: {  	v1 =	vunpack.i.u.bf16.f32 v1;
	[tilespmem:s28+$0xFFFFFF80] =	vst v2  }
0x46: {  	[tilespmem:s28+$0xFFFFFFC0] =	vst v1  }
0x47: {  	v1 =	vld [tilespmem:s31+$0xFFFFFFD0]  }
0x48: {  	s29 =	simm.s32 $0x10C0;
	v2 =	vunpack.i.l.bf16.f32 v0  }
0x49: {  	v0 =	vunpack.i.u.bf16.f32 v0;
	[tilespmem:s28+$0x10] =	vst v2;
	v2 =	vld [tilespmem:s29+$0x0]  }
0x4a: {  	[tilespmem:s28+$0x50] =	vst v0  }
0x4b: {  	v0 =	vld [tilespmem:s31+$0x20]  }
0x4c: {  	v3 =	vunpack.i.l.bf16.f32 v1  }
0x4d: {  	v1 =	vunpack.i.u.bf16.f32 v1;
	[tilespmem:s28+$0xFFFFFF90] =	vst v3;
	v3 =	vld [tilespmem:s29+$0xFFFFFFC0]  }
0x4e: {  	s30 =	simm.s32 $0x5180;
	[tilespmem:s28+$0xFFFFFFD0] =	vst v1;
	v1 =	vunpack.i.l.bf16.f32 v2  }
0x4f: {  	v2 =	vunpack.i.u.bf16.f32 v2;
	[tilespmem:s30+$0x0] =	vst v1;
	v1 =	vld [tilespmem:s31+$0xFFFFFFE0]  }
0x50: {  	[tilespmem:s30+$0x40] =	vst v2;
	v2 =	vunpack.i.l.bf16.f32 v0  }
0x51: {  	v0 =	vunpack.i.u.bf16.f32 v0;
	[tilespmem:s28+$0x20] =	vst v2  }
0x52: {  	v2 =	vld [tilespmem:s29+$0x10];
	[tilespmem:s28+$0x60] =	vst v0;
	v0 =	vunpack.i.l.bf16.f32 v3  }
0x53: {  	v3 =	vunpack.i.u.bf16.f32 v3;
	v5 =	vld [tilespmem:s31+$0x30];
	[tilespmem:s30+$0xFFFFFF80] =	vst v0  }
0x54: {  	[tilespmem:s30+$0xFFFFFFC0] =	vst v3;
	v0 =	vunpack.i.l.bf16.f32 v1  }
0x55: {  	v3 =	vld [tilespmem:s29+$0xFFFFFFD0];
	v1 =	vunpack.i.u.bf16.f32 v1;
	[tilespmem:s28+$0xFFFFFFA0] =	vst v0  }
0x56: {  	[tilespmem:s28+$0xFFFFFFE0] =	vst v1  }
0x57: {  	v0 =	vunpack.i.l.bf16.f32 v2;
	v1 =	vld [tilespmem:s31+$0xFFFFFFF0]  }
0x58: {  	s1 =	simm.s32 $0x2;
	s7 =	simm.s32 $0x1140;
	s0 =	simm.s32 $0x5180;
	[tilespmem:s30+$0x10] =	vst v0;
	v4 =	vunpack.i.u.bf16.f32 v5;
	v0 =	vunpack.i.l.bf16.f32 v5  }
.LBB2_4:
0x59: {  	v5 =	vld [tilespmem:s7+$0x0];
	v2 =	vunpack.i.u.bf16.f32 v2;
	[tilespmem:s28+$0x70] =	vst v4  }
0x5a: {  	v4 =	vld [tilespmem:s7+$0xFFFFFFC0];
	v6 =	vunpack.i.u.bf16.f32 v3;
	v3 =	vunpack.i.l.bf16.f32 v3;
	[tilespmem:s30+$0x50] =	vst v2  }
0x5b: {  	[tilespmem:s30+$0xFFFFFF90] =	vst v3;
	v2 =	vld [tilespmem:s29+$0x20]  }
0x5c: {  	[tilespmem:s30+$0xFFFFFFD0] =	vst v6;
	v3 =	vunpack.i.u.bf16.f32 v1;
	v1 =	vunpack.i.l.bf16.f32 v1  }
0x5d: {  	v6 =	vld [tilespmem:s29+$0xFFFFFFE0];
	[tilespmem:s28+$0xFFFFFFB0] =	vst v1  }
0x5e: {  	s1 =	sadd.s32 $0x2, s1;
	s30 =	sadd.s32 $0x100, s30;
	v1 =	vunpack.i.l.bf16.f32 v5;
	[tilespmem:s28+$0xFFFFFFF0] =	vst v3  }
0x5f: {  	p1 =	slt.u32 s1, $0x3E;
	v5 =	vunpack.i.u.bf16.f32 v5;
	v3 =	vunpack.i.u.bf16.f32 v4;
	v4 =	vunpack.i.l.bf16.f32 v4;
	[tilespmem:s30+$0x0] =	vst v1  }
0x60: {  	[tilespmem:s30+$0x40] =	vst v5;
	v1 =	vunpack.i.l.bf16.f32 v2  }
0x61: {  	v5 =	vunpack.i.u.bf16.f32 v2;
	[tilespmem:s0+$0x20] =	vst v1  }
0x62: {  	v2 =	vld [tilespmem:s7+$0x10];
	v1 =	vunpack.i.u.bf16.f32 v6;
	v6 =	vunpack.i.l.bf16.f32 v6;
	[tilespmem:s0+$0x60] =	vst v5  }
0x63: {  	[tilespmem:s30+$0xFFFFFF80] =	vst v4;
	v5 =	vld [tilespmem:s29+$0x30]  }
.Ltmp4:
0x64: {  	[tilespmem:s30+$0xFFFFFFC0] =	vst v3;
	(pc) =	sbr.rel @p1 .LBB2_4-.Ltmp4, $4  }
0x65: {  	v3 =	vld [tilespmem:s7+$0xFFFFFFD0];
	[tilespmem:s0+$0xFFFFFFA0] =	vst v6  }
0x66: {  	[tilespmem:s0+$0xFFFFFFE0] =	vst v1  }
0x67: {  	v4 =	vunpack.i.l.bf16.f32 v2;
	v1 =	vld [tilespmem:s29+$0xFFFFFFF0];
	[tilespmem:s28+$0x30] =	vst v0;
	s28 =	smov.u32 s0;
	s0 =	smov.u32 s30;
	s29 =	smov.u32 s7  }
0x68: {  	s7 =	sadd.s32 $0x80, s7;
	[tilespmem:s30+$0x10] =	vst v4;
	v4 =	vunpack.i.u.bf16.f32 v5;
	v0 =	vunpack.i.l.bf16.f32 v5  }
0x69: {  	v2 =	vunpack.i.u.bf16.f32 v2  }
0x6a: {  	v5 =	vunpack.i.l.bf16.f32 v3;
	[tilespmem:s30+$0x50] =	vst v2  }
0x6b: {  	v2 =	vunpack.i.u.bf16.f32 v3;
	[tilespmem:s30+$0xFFFFFF90] =	vst v5;
	v3 =	vld [tilespmem:s29+$0x20]  }
0x6c: {  	[tilespmem:s30+$0xFFFFFFD0] =	vst v2  }
0x6d: {  	v2 =	vld [tilespmem:s29+$0xFFFFFFE0];
	_ =	sdelay $0x2  }
0x6e: {  	v5 =	vunpack.i.l.bf16.f32 v3  }
0x6f: {  	v3 =	vunpack.i.u.bf16.f32 v3;
	[tilespmem:s0+$0x20] =	vst v5  }
0x70: {  	v5 =	vunpack.i.l.bf16.f32 v2;
	[tilespmem:s0+$0x60] =	vst v3  }
0x71: {  	v2 =	vunpack.i.u.bf16.f32 v2;
	[tilespmem:s0+$0xFFFFFFA0] =	vst v5  }
0x72: {  	v3 =	vld [tilespmem:s29+$0x30];
	[tilespmem:s0+$0xFFFFFFE0] =	vst v2  }
0x73: {  	v2 =	vld [tilespmem:s29+$0xFFFFFFF0]  }
0x74: {  	[tilespmem:s28+$0x70] =	vst v4  }
0x75: {  	[tilespmem:s28+$0x30] =	vst v0;
	v4 =	vunpack.i.l.bf16.f32 v1  }
0x76: {  	v1 =	vunpack.i.u.bf16.f32 v1;
	[tilespmem:s28+$0xFFFFFFB0] =	vst v4  }
0x77: {  	[tilespmem:s28+$0xFFFFFFF0] =	vst v1;
	v0 =	vunpack.i.u.bf16.f32 v3  }
0x78: {  	[tilespmem:s0+$0x70] =	vst v0;
	v0 =	vunpack.i.l.bf16.f32 v2  }
0x79: {  	s29 =	sshll.u32 s26, $0xA;
	v1 =	vunpack.i.u.bf16.f32 v2;
	[tilespmem:s0+$0xFFFFFFB0] =	vst v0  }
0x7a: {  	s28 =	sshrl.u32 s29, $0x2;
	v0 =	vunpack.i.l.bf16.f32 v3;
	[tilespmem:s0+$0xFFFFFFF0] =	vst v1  }
0x7b: {  	s10 =	sadd.s32 $0x800, s28;
	[tilespmem:s0+$0x30] =	vst v0;
	s0 =	simm.s32 @!p0 $0x4  }
0x7c: {  	[spmem:s3] =	stream.indirect.scatter.add.f32 [tilespmem:s20], [sflag:$0x3], $0x80, s10, s19, $0xb8;
	[tilespmem:$0x1CC00] =	vst v63  }
0x7d: {  	_ =	swait.ge @!p0 [sflag:s0], $0x2000  }
0x7e: {  	[sflag:s0] =	ssyncset.done @!p0 $0x0  }
0x7f: {  	s1 =	simm.s32 $0x2070;
	[sflag:s0] =	ssyncadd.s32 @!p0 $0xFFFFE000  }
0x80: {  	v0 =	vld [tilespmem:s1+$0xFFFFFFD0];
	_ =	sdelay $0x3  }
0x81: {  	v1 =	vld [tilespmem:s1+$0xFFFFFF90]  }
0x82: {  	s30 =	simm.s32 $0x7080;
	v2 =	vunpack.i.l.bf16.f32 v0  }
0x83: {  	v0 =	vunpack.i.u.bf16.f32 v0;
	[tilespmem:s30+$0x0] =	vst v2  }
0x84: {  	[tilespmem:s30+$0x40] =	vst v0  }
0x85: {  	v0 =	vld [tilespmem:s1+$0xFFFFFFE0]  }
0x86: {  	v2 =	vunpack.i.l.bf16.f32 v1  }
0x87: {  	v1 =	vunpack.i.u.bf16.f32 v1;
	[tilespmem:s30+$0xFFFFFF80] =	vst v2  }
0x88: {  	[tilespmem:s30+$0xFFFFFFC0] =	vst v1  }
0x89: {  	v1 =	vld [tilespmem:s1+$0xFFFFFFA0]  }
0x8a: {  	s31 =	simm.s32 $0x20F0;
	v2 =	vunpack.i.l.bf16.f32 v0  }
0x8b: {  	v0 =	vunpack.i.u.bf16.f32 v0;
	[tilespmem:s30+$0x10] =	vst v2;
	v2 =	vld [tilespmem:s31+$0xFFFFFFD0]  }
0x8c: {  	[tilespmem:s30+$0x50] =	vst v0  }
0x8d: {  	v0 =	vld [tilespmem:s1+$0xFFFFFFF0]  }
0x8e: {  	v3 =	vunpack.i.l.bf16.f32 v1  }
0x8f: {  	v1 =	vunpack.i.u.bf16.f32 v1;
	[tilespmem:s30+$0xFFFFFF90] =	vst v3;
	v3 =	vld [tilespmem:s31+$0xFFFFFF90]  }
0x90: {  	s0 =	simm.s32 $0x7180;
	[tilespmem:s30+$0xFFFFFFD0] =	vst v1;
	v1 =	vunpack.i.l.bf16.f32 v2  }
0x91: {  	v2 =	vunpack.i.u.bf16.f32 v2;
	[tilespmem:s0+$0x0] =	vst v1;
	v1 =	vld [tilespmem:s1+$0xFFFFFFB0]  }
0x92: {  	[tilespmem:s0+$0x40] =	vst v2;
	v2 =	vunpack.i.l.bf16.f32 v0  }
0x93: {  	v0 =	vunpack.i.u.bf16.f32 v0;
	[tilespmem:s30+$0x20] =	vst v2  }
0x94: {  	v2 =	vld [tilespmem:s31+$0xFFFFFFE0];
	[tilespmem:s30+$0x60] =	vst v0;
	v0 =	vunpack.i.l.bf16.f32 v3  }
0x95: {  	v3 =	vunpack.i.u.bf16.f32 v3;
	v5 =	vld [tilespmem:s1+$0x0];
	[tilespmem:s0+$0xFFFFFF80] =	vst v0  }
0x96: {  	[tilespmem:s0+$0xFFFFFFC0] =	vst v3;
	v0 =	vunpack.i.l.bf16.f32 v1  }
0x97: {  	v3 =	vld [tilespmem:s31+$0xFFFFFFA0];
	v1 =	vunpack.i.u.bf16.f32 v1;
	[tilespmem:s30+$0xFFFFFFA0] =	vst v0  }
0x98: {  	[tilespmem:s30+$0xFFFFFFE0] =	vst v1  }
0x99: {  	v0 =	vunpack.i.l.bf16.f32 v2;
	v1 =	vld [tilespmem:s1+$0xFFFFFFC0]  }
0x9a: {  	s7 =	simm.s32 $0x2;
	s10 =	simm.s32 $0x2170;
	[tilespmem:s0+$0x10] =	vst v0;
	v4 =	vunpack.i.u.bf16.f32 v5;
	v0 =	vunpack.i.l.bf16.f32 v5;
	s1 =	simm.s32 $0x7180  }
.LBB2_6:
0x9b: {  	v5 =	vld [tilespmem:s10+$0xFFFFFFD0];
	v2 =	vunpack.i.u.bf16.f32 v2;
	[tilespmem:s30+$0x70] =	vst v4  }
0x9c: {  	v4 =	vld [tilespmem:s10+$0xFFFFFF90];
	v6 =	vunpack.i.u.bf16.f32 v3;
	v3 =	vunpack.i.l.bf16.f32 v3;
	[tilespmem:s0+$0x50] =	vst v2  }
0x9d: {  	[tilespmem:s0+$0xFFFFFF90] =	vst v3;
	v2 =	vld [tilespmem:s31+$0xFFFFFFF0]  }
0x9e: {  	[tilespmem:s0+$0xFFFFFFD0] =	vst v6;
	v3 =	vunpack.i.u.bf16.f32 v1;
	v1 =	vunpack.i.l.bf16.f32 v1  }
0x9f: {  	v6 =	vld [tilespmem:s31+$0xFFFFFFB0];
	[tilespmem:s30+$0xFFFFFFB0] =	vst v1  }
0xa0: {  	s7 =	sadd.s32 $0x2, s7;
	s0 =	sadd.s32 $0x100, s0;
	v1 =	vunpack.i.l.bf16.f32 v5;
	[tilespmem:s30+$0xFFFFFFF0] =	vst v3  }
0xa1: {  	p0 =	slt.u32 s7, $0x3E;
	v5 =	vunpack.i.u.bf16.f32 v5;
	v3 =	vunpack.i.u.bf16.f32 v4;
	v4 =	vunpack.i.l.bf16.f32 v4;
	[tilespmem:s0+$0x0] =	vst v1  }
0xa2: {  	[tilespmem:s0+$0x40] =	vst v5;
	v1 =	vunpack.i.l.bf16.f32 v2  }
0xa3: {  	v5 =	vunpack.i.u.bf16.f32 v2;
	[tilespmem:s1+$0x20] =	vst v1  }
0xa4: {  	v2 =	vld [tilespmem:s10+$0xFFFFFFE0];
	v1 =	vunpack.i.u.bf16.f32 v6;
	v6 =	vunpack.i.l.bf16.f32 v6;
	[tilespmem:s1+$0x60] =	vst v5  }
0xa5: {  	[tilespmem:s0+$0xFFFFFF80] =	vst v4;
	v5 =	vld [tilespmem:s31+$0x0]  }
.Ltmp5:
0xa6: {  	[tilespmem:s0+$0xFFFFFFC0] =	vst v3;
	(pc) =	sbr.rel @p0 .LBB2_6-.Ltmp5, $4  }
0xa7: {  	v3 =	vld [tilespmem:s10+$0xFFFFFFA0];
	[tilespmem:s1+$0xFFFFFFA0] =	vst v6  }
0xa8: {  	[tilespmem:s1+$0xFFFFFFE0] =	vst v1  }
0xa9: {  	v4 =	vunpack.i.l.bf16.f32 v2;
	v1 =	vld [tilespmem:s31+$0xFFFFFFC0];
	[tilespmem:s30+$0x30] =	vst v0;
	s30 =	smov.u32 s1;
	s1 =	smov.u32 s0;
	s31 =	smov.u32 s10  }
0xaa: {  	s10 =	sadd.s32 $0x80, s10;
	[tilespmem:s0+$0x10] =	vst v4;
	v4 =	vunpack.i.u.bf16.f32 v5;
	v0 =	vunpack.i.l.bf16.f32 v5  }
0xab: {  	v2 =	vunpack.i.u.bf16.f32 v2  }
0xac: {  	v5 =	vunpack.i.l.bf16.f32 v3;
	[tilespmem:s0+$0x50] =	vst v2  }
0xad: {  	v2 =	vunpack.i.u.bf16.f32 v3;
	[tilespmem:s0+$0xFFFFFF90] =	vst v5;
	v3 =	vld [tilespmem:s31+$0xFFFFFFF0]  }
0xae: {  	[tilespmem:s0+$0xFFFFFFD0] =	vst v2  }
0xaf: {  	v2 =	vld [tilespmem:s31+$0xFFFFFFB0];
	_ =	sdelay $0x2  }
0xb0: {  	v5 =	vunpack.i.l.bf16.f32 v3  }
0xb1: {  	v3 =	vunpack.i.u.bf16.f32 v3;
	[tilespmem:s1+$0x20] =	vst v5  }
0xb2: {  	v5 =	vunpack.i.l.bf16.f32 v2;
	[tilespmem:s1+$0x60] =	vst v3  }
0xb3: {  	v2 =	vunpack.i.u.bf16.f32 v2;
	[tilespmem:s1+$0xFFFFFFA0] =	vst v5  }
0xb4: {  	v3 =	vld [tilespmem:s31+$0x0];
	[tilespmem:s1+$0xFFFFFFE0] =	vst v2  }
0xb5: {  	v2 =	vld [tilespmem:s31+$0xFFFFFFC0]  }
0xb6: {  	[tilespmem:s30+$0x70] =	vst v4  }
0xb7: {  	[tilespmem:s30+$0x30] =	vst v0;
	v4 =	vunpack.i.l.bf16.f32 v1  }
0xb8: {  	v1 =	vunpack.i.u.bf16.f32 v1;
	[tilespmem:s30+$0xFFFFFFB0] =	vst v4  }
0xb9: {  	[tilespmem:s30+$0xFFFFFFF0] =	vst v1;
	v0 =	vunpack.i.u.bf16.f32 v3  }
0xba: {  	[tilespmem:s1+$0x70] =	vst v0;
	v0 =	vunpack.i.l.bf16.f32 v2  }
0xbb: {  	p0 =	seq.s32 s26, $0x7;
	v1 =	vunpack.i.u.bf16.f32 v2;
	[tilespmem:s1+$0xFFFFFFB0] =	vst v0  }
0xbc: {  	s0 =	sshrl.u32 @!p0 s29, $0x2;
	v0 =	vunpack.i.l.bf16.f32 v3;
	[tilespmem:s1+$0xFFFFFFF0] =	vst v1  }
0xbd: {  	s7 =	simm.s32 @!p0 $0x1000;
	s0 =	sadd.s32 @!p0 $0x100, s0;
	[tilespmem:s1+$0x30] =	vst v0;
	s1 =	simm.s32 @!p0 $0x80  }
0xbe: {  	[tilespmem:s7], [sflag:$0x1] =	stream.indirect.gather @!p0 [hbm4b:s2+s1], $0x40, s0, s1, $0xb8;
	[tilespmem:$0x1CC00] =	vst v63  }
0xbf: {  	s10 =	sadd.s32 $0x840, s28  }
0xc0: {  	[spmem:s3] =	stream.indirect.scatter.add.f32 [tilespmem:s21], [sflag:$0x4], $0x80, s10, s19, $0xb8;
	[tilespmem:$0x1CC00] =	vst v63  }
0xc1: {  	_ =	swait.ge [sflag:s22], $0x2000  }
0xc2: {  	[sflag:s22] =	ssyncset.done $0x0  }
0xc3: {  	[sflag:s22] =	ssyncadd.s32 $0xFFFFE000  }
0xc4: {  	_ =	swait.ge [sflag:s23], $0x2000  }
0xc5: {  	[sflag:s23] =	ssyncset.done $0x0  }
0xc6: {  	s31 =	simm.s32 $0x3040;
	[sflag:s23] =	ssyncadd.s32 $0xFFFFE000  }
0xc7: {  	v0 =	vld [tilespmem:s31+$0x0];
	_ =	sdelay $0x3  }
0xc8: {  	v1 =	vld [tilespmem:s31+$0xFFFFFFC0]  }
0xc9: {  	s29 =	simm.s32 $0x5080;
	v2 =	vunpack.i.l.bf16.f32 v0  }
0xca: {  	v0 =	vunpack.i.u.bf16.f32 v0;
	[tilespmem:s29+$0x0] =	vst v2  }
0xcb: {  	[tilespmem:s29+$0x40] =	vst v0  }
0xcc: {  	v0 =	vld [tilespmem:s31+$0x10]  }
0xcd: {  	v2 =	vunpack.i.l.bf16.f32 v1  }
0xce: {  	v1 =	vunpack.i.u.bf16.f32 v1;
	[tilespmem:s29+$0xFFFFFF80] =	vst v2  }
0xcf: {  	[tilespmem:s29+$0xFFFFFFC0] =	vst v1  }
0xd0: {  	v1 =	vld [tilespmem:s31+$0xFFFFFFD0]  }
0xd1: {  	s30 =	simm.s32 $0x30C0;
	v2 =	vunpack.i.l.bf16.f32 v0  }
0xd2: {  	v0 =	vunpack.i.u.bf16.f32 v0;
	[tilespmem:s29+$0x10] =	vst v2;
	v2 =	vld [tilespmem:s30+$0x0]  }
0xd3: {  	[tilespmem:s29+$0x50] =	vst v0  }
0xd4: {  	v0 =	vld [tilespmem:s31+$0x20]  }
0xd5: {  	v3 =	vunpack.i.l.bf16.f32 v1  }
0xd6: {  	v1 =	vunpack.i.u.bf16.f32 v1;
	[tilespmem:s29+$0xFFFFFF90] =	vst v3;
	v3 =	vld [tilespmem:s30+$0xFFFFFFC0]  }
0xd7: {  	s0 =	simm.s32 $0x5180;
	[tilespmem:s29+$0xFFFFFFD0] =	vst v1;
	v1 =	vunpack.i.l.bf16.f32 v2  }
0xd8: {  	v2 =	vunpack.i.u.bf16.f32 v2;
	[tilespmem:s0+$0x0] =	vst v1;
	v1 =	vld [tilespmem:s31+$0xFFFFFFE0]  }
0xd9: {  	[tilespmem:s0+$0x40] =	vst v2;
	v2 =	vunpack.i.l.bf16.f32 v0  }
0xda: {  	v0 =	vunpack.i.u.bf16.f32 v0;
	[tilespmem:s29+$0x20] =	vst v2  }
0xdb: {  	v2 =	vld [tilespmem:s30+$0x10];
	[tilespmem:s29+$0x60] =	vst v0;
	v0 =	vunpack.i.l.bf16.f32 v3  }
0xdc: {  	v3 =	vunpack.i.u.bf16.f32 v3;
	v5 =	vld [tilespmem:s31+$0x30];
	[tilespmem:s0+$0xFFFFFF80] =	vst v0  }
0xdd: {  	[tilespmem:s0+$0xFFFFFFC0] =	vst v3;
	v0 =	vunpack.i.l.bf16.f32 v1  }
0xde: {  	v3 =	vld [tilespmem:s30+$0xFFFFFFD0];
	v1 =	vunpack.i.u.bf16.f32 v1;
	[tilespmem:s29+$0xFFFFFFA0] =	vst v0  }
0xdf: {  	[tilespmem:s29+$0xFFFFFFE0] =	vst v1  }
0xe0: {  	v0 =	vunpack.i.l.bf16.f32 v2;
	v1 =	vld [tilespmem:s31+$0xFFFFFFF0]  }
0xe1: {  	s7 =	simm.s32 $0x2;
	s1 =	simm.s32 $0x5180;
	s10 =	simm.s32 $0x3140;
	[tilespmem:s0+$0x10] =	vst v0;
	v4 =	vunpack.i.u.bf16.f32 v5;
	v0 =	vunpack.i.l.bf16.f32 v5  }
.LBB2_8:
0xe2: {  	v5 =	vld [tilespmem:s10+$0x0];
	v2 =	vunpack.i.u.bf16.f32 v2;
	[tilespmem:s29+$0x70] =	vst v4  }
0xe3: {  	v4 =	vld [tilespmem:s10+$0xFFFFFFC0];
	v6 =	vunpack.i.u.bf16.f32 v3;
	v3 =	vunpack.i.l.bf16.f32 v3;
	[tilespmem:s0+$0x50] =	vst v2  }
0xe4: {  	[tilespmem:s0+$0xFFFFFF90] =	vst v3;
	v2 =	vld [tilespmem:s30+$0x20]  }
0xe5: {  	[tilespmem:s0+$0xFFFFFFD0] =	vst v6;
	v3 =	vunpack.i.u.bf16.f32 v1;
	v1 =	vunpack.i.l.bf16.f32 v1  }
0xe6: {  	v6 =	vld [tilespmem:s30+$0xFFFFFFE0];
	[tilespmem:s29+$0xFFFFFFB0] =	vst v1  }
0xe7: {  	s7 =	sadd.s32 $0x2, s7;
	s0 =	sadd.s32 $0x100, s0;
	v1 =	vunpack.i.l.bf16.f32 v5;
	[tilespmem:s29+$0xFFFFFFF0] =	vst v3  }
0xe8: {  	p1 =	slt.u32 s7, $0x3E;
	v5 =	vunpack.i.u.bf16.f32 v5;
	v3 =	vunpack.i.u.bf16.f32 v4;
	v4 =	vunpack.i.l.bf16.f32 v4;
	[tilespmem:s0+$0x0] =	vst v1  }
0xe9: {  	[tilespmem:s0+$0x40] =	vst v5;
	v1 =	vunpack.i.l.bf16.f32 v2  }
0xea: {  	v5 =	vunpack.i.u.bf16.f32 v2;
	[tilespmem:s1+$0x20] =	vst v1  }
0xeb: {  	v2 =	vld [tilespmem:s10+$0x10];
	v1 =	vunpack.i.u.bf16.f32 v6;
	v6 =	vunpack.i.l.bf16.f32 v6;
	[tilespmem:s1+$0x60] =	vst v5  }
0xec: {  	[tilespmem:s0+$0xFFFFFF80] =	vst v4;
	v5 =	vld [tilespmem:s30+$0x30]  }
.Ltmp6:
0xed: {  	[tilespmem:s0+$0xFFFFFFC0] =	vst v3;
	(pc) =	sbr.rel @p1 .LBB2_8-.Ltmp6, $4  }
0xee: {  	v3 =	vld [tilespmem:s10+$0xFFFFFFD0];
	[tilespmem:s1+$0xFFFFFFA0] =	vst v6  }
0xef: {  	[tilespmem:s1+$0xFFFFFFE0] =	vst v1  }
0xf0: {  	v4 =	vunpack.i.l.bf16.f32 v2;
	v1 =	vld [tilespmem:s30+$0xFFFFFFF0];
	[tilespmem:s29+$0x30] =	vst v0;
	s29 =	smov.u32 s1;
	s1 =	smov.u32 s0;
	s30 =	smov.u32 s10  }
0xf1: {  	s10 =	sadd.s32 $0x80, s10;
	[tilespmem:s0+$0x10] =	vst v4;
	v4 =	vunpack.i.u.bf16.f32 v5;
	v0 =	vunpack.i.l.bf16.f32 v5  }
0xf2: {  	v2 =	vunpack.i.u.bf16.f32 v2  }
0xf3: {  	v5 =	vunpack.i.l.bf16.f32 v3;
	[tilespmem:s0+$0x50] =	vst v2  }
0xf4: {  	v2 =	vunpack.i.u.bf16.f32 v3;
	[tilespmem:s0+$0xFFFFFF90] =	vst v5;
	v3 =	vld [tilespmem:s30+$0x20]  }
0xf5: {  	[tilespmem:s0+$0xFFFFFFD0] =	vst v2  }
0xf6: {  	v2 =	vld [tilespmem:s30+$0xFFFFFFE0];
	_ =	sdelay $0x2  }
0xf7: {  	v5 =	vunpack.i.l.bf16.f32 v3  }
0xf8: {  	v3 =	vunpack.i.u.bf16.f32 v3;
	[tilespmem:s1+$0x20] =	vst v5  }
0xf9: {  	v5 =	vunpack.i.l.bf16.f32 v2;
	[tilespmem:s1+$0x60] =	vst v3  }
0xfa: {  	v2 =	vunpack.i.u.bf16.f32 v2;
	[tilespmem:s1+$0xFFFFFFA0] =	vst v5  }
0xfb: {  	v3 =	vld [tilespmem:s30+$0x30];
	[tilespmem:s1+$0xFFFFFFE0] =	vst v2  }
0xfc: {  	v2 =	vld [tilespmem:s30+$0xFFFFFFF0]  }
0xfd: {  	[tilespmem:s29+$0x70] =	vst v4  }
0xfe: {  	[tilespmem:s29+$0x30] =	vst v0;
	v4 =	vunpack.i.l.bf16.f32 v1  }
0xff: {  	v1 =	vunpack.i.u.bf16.f32 v1;
	[tilespmem:s29+$0xFFFFFFB0] =	vst v4  }
0x100: {  	[tilespmem:s29+$0xFFFFFFF0] =	vst v1;
	v0 =	vunpack.i.u.bf16.f32 v3  }
0x101: {  	[tilespmem:s1+$0x70] =	vst v0;
	v0 =	vunpack.i.l.bf16.f32 v2  }
0x102: {  	v1 =	vunpack.i.u.bf16.f32 v2;
	[tilespmem:s1+$0xFFFFFFB0] =	vst v0  }
0x103: {  	v0 =	vunpack.i.l.bf16.f32 v3;
	[tilespmem:s1+$0xFFFFFFF0] =	vst v1  }
0x104: {  	s10 =	sadd.s32 $0x880, s28;
	[tilespmem:s1+$0x30] =	vst v0  }
0x105: {  	[spmem:s3] =	stream.indirect.scatter.add.f32 [tilespmem:s20], [sflag:$0x3], $0x80, s10, s19, $0xb8;
	[tilespmem:$0x1CC00] =	vst v63  }
0x106: {  	_ =	swait.ge [sflag:s24], $0x2000  }
0x107: {  	[sflag:s24] =	ssyncset.done $0x0  }
0x108: {  	s31 =	simm.s32 $0x4070;
	[sflag:s24] =	ssyncadd.s32 $0xFFFFE000  }
0x109: {  	v0 =	vld [tilespmem:s31+$0xFFFFFFD0];
	_ =	sdelay $0x3  }
0x10a: {  	v1 =	vld [tilespmem:s31+$0xFFFFFF90]  }
0x10b: {  	s29 =	simm.s32 $0x7080;
	v2 =	vunpack.i.l.bf16.f32 v0  }
0x10c: {  	v0 =	vunpack.i.u.bf16.f32 v0;
	[tilespmem:s29+$0x0] =	vst v2  }
0x10d: {  	[tilespmem:s29+$0x40] =	vst v0  }
0x10e: {  	v0 =	vld [tilespmem:s31+$0xFFFFFFE0]  }
0x10f: {  	v2 =	vunpack.i.l.bf16.f32 v1  }
0x110: {  	v1 =	vunpack.i.u.bf16.f32 v1;
	[tilespmem:s29+$0xFFFFFF80] =	vst v2  }
0x111: {  	[tilespmem:s29+$0xFFFFFFC0] =	vst v1  }
0x112: {  	v1 =	vld [tilespmem:s31+$0xFFFFFFA0]  }
0x113: {  	s30 =	simm.s32 $0x40F0;
	v2 =	vunpack.i.l.bf16.f32 v0  }
0x114: {  	v0 =	vunpack.i.u.bf16.f32 v0;
	[tilespmem:s29+$0x10] =	vst v2;
	v2 =	vld [tilespmem:s30+$0xFFFFFFD0]  }
0x115: {  	[tilespmem:s29+$0x50] =	vst v0  }
0x116: {  	v0 =	vld [tilespmem:s31+$0xFFFFFFF0]  }
0x117: {  	v3 =	vunpack.i.l.bf16.f32 v1  }
0x118: {  	v1 =	vunpack.i.u.bf16.f32 v1;
	[tilespmem:s29+$0xFFFFFF90] =	vst v3;
	v3 =	vld [tilespmem:s30+$0xFFFFFF90]  }
0x119: {  	s0 =	simm.s32 $0x7180;
	[tilespmem:s29+$0xFFFFFFD0] =	vst v1;
	v1 =	vunpack.i.l.bf16.f32 v2  }
0x11a: {  	v2 =	vunpack.i.u.bf16.f32 v2;
	[tilespmem:s0+$0x0] =	vst v1;
	v1 =	vld [tilespmem:s31+$0xFFFFFFB0]  }
0x11b: {  	[tilespmem:s0+$0x40] =	vst v2;
	v2 =	vunpack.i.l.bf16.f32 v0  }
0x11c: {  	v0 =	vunpack.i.u.bf16.f32 v0;
	[tilespmem:s29+$0x20] =	vst v2  }
0x11d: {  	v2 =	vld [tilespmem:s30+$0xFFFFFFE0];
	[tilespmem:s29+$0x60] =	vst v0;
	v0 =	vunpack.i.l.bf16.f32 v3  }
0x11e: {  	v3 =	vunpack.i.u.bf16.f32 v3;
	v5 =	vld [tilespmem:s31+$0x0];
	[tilespmem:s0+$0xFFFFFF80] =	vst v0  }
0x11f: {  	[tilespmem:s0+$0xFFFFFFC0] =	vst v3;
	v0 =	vunpack.i.l.bf16.f32 v1  }
0x120: {  	v3 =	vld [tilespmem:s30+$0xFFFFFFA0];
	v1 =	vunpack.i.u.bf16.f32 v1;
	[tilespmem:s29+$0xFFFFFFA0] =	vst v0  }
0x121: {  	[tilespmem:s29+$0xFFFFFFE0] =	vst v1  }
0x122: {  	v0 =	vunpack.i.l.bf16.f32 v2;
	v1 =	vld [tilespmem:s31+$0xFFFFFFC0]  }
0x123: {  	s7 =	simm.s32 $0x2;
	s1 =	simm.s32 $0x7180;
	s10 =	simm.s32 $0x4170;
	[tilespmem:s0+$0x10] =	vst v0;
	v4 =	vunpack.i.u.bf16.f32 v5;
	v0 =	vunpack.i.l.bf16.f32 v5  }
.LBB2_10:
0x124: {  	v5 =	vld [tilespmem:s10+$0xFFFFFFD0];
	v2 =	vunpack.i.u.bf16.f32 v2;
	[tilespmem:s29+$0x70] =	vst v4  }
0x125: {  	v4 =	vld [tilespmem:s10+$0xFFFFFF90];
	v6 =	vunpack.i.u.bf16.f32 v3;
	v3 =	vunpack.i.l.bf16.f32 v3;
	[tilespmem:s0+$0x50] =	vst v2  }
0x126: {  	[tilespmem:s0+$0xFFFFFF90] =	vst v3;
	v2 =	vld [tilespmem:s30+$0xFFFFFFF0]  }
0x127: {  	[tilespmem:s0+$0xFFFFFFD0] =	vst v6;
	v3 =	vunpack.i.u.bf16.f32 v1;
	v1 =	vunpack.i.l.bf16.f32 v1  }
0x128: {  	v6 =	vld [tilespmem:s30+$0xFFFFFFB0];
	[tilespmem:s29+$0xFFFFFFB0] =	vst v1  }
0x129: {  	s7 =	sadd.s32 $0x2, s7;
	s0 =	sadd.s32 $0x100, s0;
	v1 =	vunpack.i.l.bf16.f32 v5;
	[tilespmem:s29+$0xFFFFFFF0] =	vst v3  }
0x12a: {  	p1 =	slt.u32 s7, $0x3E;
	v5 =	vunpack.i.u.bf16.f32 v5;
	v3 =	vunpack.i.u.bf16.f32 v4;
	v4 =	vunpack.i.l.bf16.f32 v4;
	[tilespmem:s0+$0x0] =	vst v1  }
0x12b: {  	[tilespmem:s0+$0x40] =	vst v5;
	v1 =	vunpack.i.l.bf16.f32 v2  }
0x12c: {  	v5 =	vunpack.i.u.bf16.f32 v2;
	[tilespmem:s1+$0x20] =	vst v1  }
0x12d: {  	v2 =	vld [tilespmem:s10+$0xFFFFFFE0];
	v1 =	vunpack.i.u.bf16.f32 v6;
	v6 =	vunpack.i.l.bf16.f32 v6;
	[tilespmem:s1+$0x60] =	vst v5  }
0x12e: {  	[tilespmem:s0+$0xFFFFFF80] =	vst v4;
	v5 =	vld [tilespmem:s30+$0x0]  }
.Ltmp7:
0x12f: {  	[tilespmem:s0+$0xFFFFFFC0] =	vst v3;
	(pc) =	sbr.rel @p1 .LBB2_10-.Ltmp7, $4  }
0x130: {  	v3 =	vld [tilespmem:s10+$0xFFFFFFA0];
	[tilespmem:s1+$0xFFFFFFA0] =	vst v6  }
0x131: {  	[tilespmem:s1+$0xFFFFFFE0] =	vst v1  }
0x132: {  	v4 =	vunpack.i.l.bf16.f32 v2;
	v1 =	vld [tilespmem:s30+$0xFFFFFFC0];
	[tilespmem:s29+$0x30] =	vst v0;
	s29 =	smov.u32 s1;
	s1 =	smov.u32 s0;
	s30 =	smov.u32 s10  }
0x133: {  	s10 =	sadd.s32 $0x80, s10;
	[tilespmem:s0+$0x10] =	vst v4;
	v4 =	vunpack.i.u.bf16.f32 v5;
	v0 =	vunpack.i.l.bf16.f32 v5  }
0x134: {  	v2 =	vunpack.i.u.bf16.f32 v2  }
0x135: {  	v5 =	vunpack.i.l.bf16.f32 v3;
	[tilespmem:s0+$0x50] =	vst v2  }
0x136: {  	v53 =	vunpack.i.u.bf16.f32 v3;
	[tilespmem:s0+$0xFFFFFF90] =	vst v5;
	v54 =	vld [tilespmem:s30+$0xFFFFFFF0]  }
0x137: {  	[tilespmem:s0+$0xFFFFFFD0] =	vst v53  }
0x138: {  	v2 =	vld [tilespmem:s30+$0xFFFFFFB0];
	_ =	sdelay $0x2  }
0x139: {  	v55 =	vunpack.i.l.bf16.f32 v54  }
0x13a: {  	v3 =	vunpack.i.u.bf16.f32 v54;
	[tilespmem:s1+$0x20] =	vst v55  }
0x13b: {  	[tilespmem:s1+$0x60] =	vst v3;
	v56 =	vunpack.i.l.bf16.f32 v2  }
0x13c: {  	v2 =	vunpack.i.u.bf16.f32 v2;
	[tilespmem:s1+$0xFFFFFFA0] =	vst v56;
	v57 =	vld [tilespmem:s30+$0x0]  }
0x13d: {  	[tilespmem:s1+$0xFFFFFFE0] =	vst v2  }
0x13e: {  	[tilespmem:s29+$0x70] =	vst v4;
	v2 =	vld [tilespmem:s30+$0xFFFFFFC0]  }
0x13f: {  	[tilespmem:s29+$0x30] =	vst v0;
	v58 =	vunpack.i.l.bf16.f32 v1  }
0x140: {  	v59 =	vunpack.i.u.bf16.f32 v1;
	[tilespmem:s29+$0xFFFFFFB0] =	vst v58  }
.Ltmp8:
0x141: {  	[tilespmem:s29+$0xFFFFFFF0] =	vst v59;
	v60 =	vunpack.i.u.bf16.f32 v57;
	(pc) =	sbr.rel @p0 .LBB2_13-.Ltmp8, $4  }
0x142: {  	v63 =	vunpack.i.l.bf16.f32 v57;
	[tilespmem:s1+$0x70] =	vst v60  }
0x143: {  	v61 =	vunpack.i.l.bf16.f32 v2;
	[tilespmem:s1+$0x30] =	vst v63  }
0x144: {  	v62 =	vunpack.i.u.bf16.f32 v2;
	[tilespmem:s1+$0xFFFFFFB0] =	vst v61  }
0x145: {  	s0 =	sadd.s32 $0x8C0, s28;
	[tilespmem:s1+$0xFFFFFFF0] =	vst v62  }
.Ltmp9:
0x146: {  	(pc) =	sbr.rel .LBB2_3-.Ltmp9, $4  }
0x147: {  	s1 =	sadd.s32 $0x180, s28  }
0x148: {  	[tilespmem:s17], [sflag:$0x2] =	stream.indirect.gather [hbm4b:s2+s15], $0x40, s1, s15, $0xb8;
	[tilespmem:$0x1CC00] =	vst v63  }
0x149: {  	s26 =	sadd.s32 $0x1, s26  }
0x14a: {  	[spmem:s3] =	stream.indirect.scatter.add.f32 [tilespmem:s21], [sflag:$0x4], $0x80, s0, s19, $0xb8;
	[tilespmem:$0x1CC00] =	vst v63  }
.LBB2_15:
0x14b: {  	_ =	sfence.sel $0x180000  }
0x14c: {  	[bflag:$0x0] =	sbarrier.arrive $0xFFFF  }
0x14d: {  	_ =	strace $0x90000050  }
0x14e: {  	s0 =	stileid.u32;
	[bflag:$0x2] =	sbarrier.arrive $0xFFFF  }
0x14f: {  	p0 =	sne.s32 s0, $0x0;
	s0 =	rddreg [dreg:$0x3]  }
0x150: {  	s0 =	sadd.s32 @!p0 $0x100000, s0  }
0x151: {  	[sflag:s0] =	ssyncadd.tile.s32 @!p0 $0x1;
	_ =	shalt  }
.Lfunc_end2:
_tile_overlayer_lowered:
.L_overlay_start_2:
0x152: {  	(tag) =	ssettag $0x2  }
0x153: {  	s0 =	rddreg [dreg:$0x0];
	s2 =	stileid.u32  }
0x154: {  	s1 =	rddreg [dreg:$0x1];
	p0 =	sne.s32 s2, $0x0  }
0x155: {  	s3 =	rddreg [dreg:$0x2];
	[bflag:$0x3] =	sbarrier.arrive $0xFFFF;
	s2 =	simm.s32 @!p0 $0x1C05  }
0x156: {  	[timem:s3], [sflag:s2] =	dma.local @!p0 [hbm:s0], s1  }
0x157: {  	s0 =	simm.s32 @!p0 $0x5  }
0x158: {  	_ =	swait.ge @!p0 [sflag:s0], s1  }
0x159: {  	s1 =	ssub.s32 @!p0 $0x0, s1;
	[sflag:s0] =	ssyncset.done @!p0 $0x0  }
0x15a: {  	[sflag:s0] =	ssyncadd.s32 @!p0 s1  }
0x15b: {  	[bflag:$0x3] =	sbarrier.arrive $0xFFFF  }
0x15c: {  	_ =	shalt  }

</sc_bundles>
